<compile_context>
chip_gen: v7x
topology: tpu7x:2x2x1
jax: 0.10.2.dev20260603
libtpu: 0.0.44.dev20260713+nightly
codegen_flags: <defaults>
</compile_context>

<pallas_src>
import jax
import jax.numpy as jnp
from jax import lax
from jax.experimental import pallas as pl
from jax.experimental.pallas import tpu as pltpu
from jax.experimental.pallas import tpu_sc as plsc

NC = 2
NS = 16
CHUNK = 128
HALF = 128

_MESH = dict(core_axis_name="c", subcore_axis_name="s")


def _sc_degree_hist(dst3h, z128, ones128, n, n_pad, e_pad):
    nch = e_pad // (NC * NS) // CHUNK
    zrows = n_pad // NS

    def body(dst_hbm, z_hbm, ones_hbm, out_hbm, hist_sh, dstv, ones_v, sem,
             sems):
        c = lax.axis_index("c")
        s = lax.axis_index("s")
        pltpu.sync_copy(dst_hbm.at[c * NS + s], dstv)
        pltpu.sync_copy(ones_hbm, ones_v)
        pltpu.sync_copy(z_hbm.at[pl.ds(s * zrows, zrows), :],
                        hist_sh.at[pl.ds(s * zrows, zrows), :])
        plsc.subcore_barrier()

        for k in range(nch):
            pltpu.async_copy(ones_v, hist_sh.at[dstv.at[k]], sems, add=True)
        for k in range(nch):
            pltpu.make_async_copy(ones_v, hist_sh.at[dstv.at[k]], sems).wait()

        plsc.subcore_barrier()
        pltpu.sync_copy(hist_sh.at[pl.ds(s * zrows, zrows), :],
                        out_hbm.at[c, pl.ds(s * zrows, zrows), :])

    kern = pl.kernel(
        body,
        out_type=jax.ShapeDtypeStruct((NC, n_pad, HALF), jnp.float32),
        mesh=plsc.VectorSubcoreMesh(**_MESH),
        scratch_types=[
            pltpu.VMEM_SHARED((n_pad, HALF), jnp.float32),
            pltpu.VMEM((nch, CHUNK), jnp.int32),
            pltpu.VMEM((CHUNK, HALF), jnp.float32),
            pltpu.SemaphoreType.DMA,
            pltpu.SemaphoreType.DMA,
        ],
    )
    return kern(dst3h, z128, ones128)


def _sc_edge_scatter(glo, ghi, ed4, z128, n, n_pad, e_pad):
    nch = e_pad // NS // CHUNK
    zrows = n_pad // NS
    assert nch % 4 == 0

    def body(glo_hbm, ghi_hbm, ed_hbm, z_hbm, out_hbm,
             acc_sh, idxv, rows, si0, si1, si2, si3, sg0, sg1, ss0, ss1):
        sis = [si0, si1, si2, si3]
        sgs = [sg0, sg1]
        sss = [ss0, ss1]
        c = lax.axis_index("c")
        s = lax.axis_index("s")
        pltpu.sync_copy(z_hbm.at[pl.ds(s * zrows, zrows), :],
                        acc_sh.at[pl.ds(s * zrows, zrows), :])
        plsc.subcore_barrier()

        def run_half(g_hbm):
            def ii(k, ib):
                pltpu.async_copy(ed_hbm.at[s, k], idxv.at[ib], sis[ib])

            def iw(k, ib):
                pltpu.make_async_copy(ed_hbm.at[s, k], idxv.at[ib],
                                      sis[ib]).wait()

            def gi(k, rb, ib):
                pltpu.async_copy(g_hbm.at[idxv.at[ib, 0]], rows.at[rb],
                                 sgs[rb])

            def gw(k, rb, ib):
                pltpu.make_async_copy(g_hbm.at[idxv.at[ib, 0]], rows.at[rb],
                                      sgs[rb]).wait()

            def sci(k, rb, ib):
                pltpu.async_copy(rows.at[rb], acc_sh.at[idxv.at[ib, 1]],
                                 sss[rb], add=True)

            def scw(k, rb, ib):
                pltpu.make_async_copy(rows.at[rb], acc_sh.at[idxv.at[ib, 1]],
                                      sss[rb]).wait()

            for t in range(3):
                ii(t, t)
            iw(0, 0)
            gi(0, 0, 0)

            @pl.loop(0, nch, step=4)
            def _(g0):
                for j in range(4):
                    k = g0 + j

                    @pl.when(k >= 1)
                    def _():
                        scw(k - 1, (j + 1) % 2, (j + 3) % 4)

                    @pl.when(k + 1 < nch)
                    def _():
                        iw(k + 1, (j + 1) % 4)
                        gi(k + 1, (j + 1) % 2, (j + 1) % 4)

                    gw(k, j % 2, j)
                    sci(k, j % 2, j)

                    @pl.when(k + 3 < nch)
                    def _():
                        ii(k + 3, (j + 3) % 4)

            scw(nch - 1, (nch - 1) % 2, (nch - 1) % 4)

        @pl.when(c == 0)
        def _():
            run_half(glo_hbm)

        @pl.when(c == 1)
        def _():
            run_half(ghi_hbm)

        plsc.subcore_barrier()
        pltpu.sync_copy(acc_sh.at[pl.ds(s * zrows, zrows), :],
                        out_hbm.at[c, pl.ds(s * zrows, zrows), :])

    kern = pl.kernel(
        body,
        out_type=jax.ShapeDtypeStruct((NC, n_pad, HALF), jnp.float32),
        mesh=plsc.VectorSubcoreMesh(**_MESH),
        scratch_types=[
            pltpu.VMEM_SHARED((n_pad, HALF), jnp.float32),
            pltpu.VMEM((4, 2, CHUNK), jnp.int32),
            pltpu.VMEM((2, CHUNK, HALF), jnp.float32),
        ] + [pltpu.SemaphoreType.DMA] * 8,
    )
    return kern(glo, ghi, ed4, z128)


def _tc_matmul(x, w, bn):
    n, din = x.shape
    dout = w.shape[1]

    def body(x_ref, w_ref, h_ref):
        h_ref[...] = jnp.dot(x_ref[...], w_ref[...],
                             preferred_element_type=jnp.float32)

    return pl.pallas_call(
        body,
        grid=(n // bn,),
        in_specs=[pl.BlockSpec((bn, din), lambda i: (i, 0)),
                  pl.BlockSpec((din, dout), lambda i: (0, 0))],
        out_specs=pl.BlockSpec((bn, dout), lambda i: (i, 0)),
        out_shape=jax.ShapeDtypeStruct((n, dout), jnp.float32),
    )(x, w)


def _tc_scale(h, hist, bn):
    n, d = h.shape

    def body(h_ref, hist_ref, dis_ref, glo_ref, ghi_ref):
        deg = 1.0 + hist_ref[0, :, 0:1] + hist_ref[1, :, 0:1]
        dis = lax.rsqrt(deg)
        dis_ref[...] = dis
        g = h_ref[...] * dis
        glo_ref[...] = g[:, :HALF]
        ghi_ref[...] = g[:, HALF:]

    return pl.pallas_call(
        body,
        grid=(n // bn,),
        in_specs=[pl.BlockSpec((bn, d), lambda i: (i, 0)),
                  pl.BlockSpec((NC, bn, HALF), lambda i: (0, i, 0))],
        out_specs=[pl.BlockSpec((bn, 1), lambda i: (i, 0)),
                   pl.BlockSpec((bn, HALF), lambda i: (i, 0)),
                   pl.BlockSpec((bn, HALF), lambda i: (i, 0))],
        out_shape=[jax.ShapeDtypeStruct((n, 1), jnp.float32),
                   jax.ShapeDtypeStruct((n, HALF), jnp.float32),
                   jax.ShapeDtypeStruct((n, HALF), jnp.float32)],
    )(h, hist)


def _tc_layer2(s1, glo, ghi, dis, b1, w2, batch3, g_pool, bn):
    n = dis.shape[0]
    d = w2.shape[0]
    nblk = n // bn

    def body(s_ref, glo_ref, ghi_ref, dis_ref, b_ref, w_ref, batch_ref,
             p1_ref, g2lo_ref, g2hi_ref, acc):
        i = pl.program_id(0)

        @pl.when(i == 0)
        def _():
            acc[...] = jnp.zeros_like(acc)

        dis = dis_ref[...]
        lo = dis * (s_ref[0] + glo_ref[...]) + b_ref[:, :HALF]
        hi = dis * (s_ref[1] + ghi_ref[...]) + b_ref[:, HALF:]
        x1 = jax.nn.relu(jnp.concatenate([lo, hi], axis=1))
        mask = (lax.broadcasted_iota(jnp.int32, (g_pool, bn), 0)
                == batch_ref[0]).astype(jnp.float32)
        acc[...] += jnp.dot(mask, x1, preferred_element_type=jnp.float32)
        h2 = jnp.dot(x1, w_ref[...], preferred_element_type=jnp.float32)
        g2 = dis * h2
        g2lo_ref[...] = g2[:, :HALF]
        g2hi_ref[...] = g2[:, HALF:]

        @pl.when(i == nblk - 1)
        def _():
            p1_ref[...] = acc[...]

    return pl.pallas_call(
        body,
        grid=(nblk,),
        in_specs=[pl.BlockSpec((NC, bn, HALF), lambda i: (0, i, 0)),
                  pl.BlockSpec((bn, HALF), lambda i: (i, 0)),
                  pl.BlockSpec((bn, HALF), lambda i: (i, 0)),
                  pl.BlockSpec((bn, 1), lambda i: (i, 0)),
                  pl.BlockSpec((1, d), lambda i: (0, 0)),
                  pl.BlockSpec((d, d), lambda i: (0, 0)),
                  pl.BlockSpec((1, 1, bn), lambda i: (i, 0, 0))],
        out_specs=[pl.BlockSpec((g_pool, d), lambda i: (0, 0)),
                   pl.BlockSpec((bn, HALF), lambda i: (i, 0)),
                   pl.BlockSpec((bn, HALF), lambda i: (i, 0))],
        out_shape=[jax.ShapeDtypeStruct((g_pool, d), jnp.float32),
                   jax.ShapeDtypeStruct((n, HALF), jnp.float32),
                   jax.ShapeDtypeStruct((n, HALF), jnp.float32)],
        scratch_shapes=[pltpu.VMEM((g_pool, d), jnp.float32)],
    )(s1, glo, ghi, dis, b1, w2, batch3)


def _tc_final(s2, glo, ghi, dis, b2, batch3, p1, wl1, bl1, wl2, bl2,
              g_pool, bn):
    n = dis.shape[0]
    d = 2 * HALF
    nblk = n // bn
    hmid = wl1.shape[1]
    p_out = wl2.shape[1]

    def body(s_ref, glo_ref, ghi_ref, dis_ref, b_ref, batch_ref, p1_ref,
             wl1_ref, bl1_ref, wl2_ref, bl2_ref, out_ref, acc):
        i = pl.program_id(0)

        @pl.when(i == 0)
        def _():
            acc[...] = jnp.zeros_like(acc)

        dis = dis_ref[...]
        lo = dis * (s_ref[0] + glo_ref[...]) + b_ref[:, :HALF]
        hi = dis * (s_ref[1] + ghi_ref[...]) + b_ref[:, HALF:]
        x2 = jax.nn.relu(jnp.concatenate([lo, hi], axis=1))
        mask = (lax.broadcasted_iota(jnp.int32, (g_pool, bn), 0)
                == batch_ref[0]).astype(jnp.float32)
        acc[...] += jnp.dot(mask, x2, preferred_element_type=jnp.float32)

        @pl.when(i == nblk - 1)
        def _():
            pooled = jnp.concatenate([p1_ref[...], acc[...]], axis=1)
            h = jnp.dot(pooled, wl1_ref[...],
                        preferred_element_type=jnp.float32) + bl1_ref[...]
            out_ref[...] = jnp.dot(h, wl2_ref[...],
                                   preferred_element_type=jnp.float32) + bl2_ref[...]

    return pl.pallas_call(
        body,
        grid=(nblk,),
        in_specs=[pl.BlockSpec((NC, bn, HALF), lambda i: (0, i, 0)),
                  pl.BlockSpec((bn, HALF), lambda i: (i, 0)),
                  pl.BlockSpec((bn, HALF), lambda i: (i, 0)),
                  pl.BlockSpec((bn, 1), lambda i: (i, 0)),
                  pl.BlockSpec((1, d), lambda i: (0, 0)),
                  pl.BlockSpec((1, 1, bn), lambda i: (i, 0, 0)),
                  pl.BlockSpec((g_pool, d), lambda i: (0, 0)),
                  pl.BlockSpec((2 * d, hmid), lambda i: (0, 0)),
                  pl.BlockSpec((1, hmid), lambda i: (0, 0)),
                  pl.BlockSpec((hmid, p_out), lambda i: (0, 0)),
                  pl.BlockSpec((1, p_out), lambda i: (0, 0))],
        out_specs=pl.BlockSpec((g_pool, p_out), lambda i: (0, 0)),
        out_shape=jax.ShapeDtypeStruct((g_pool, p_out), jnp.float32),
        scratch_shapes=[pltpu.VMEM((g_pool, d), jnp.float32)],
    )(s2, glo, ghi, dis, b2, batch3, p1, wl1, bl1, wl2, bl2)


def kernel(x, edge_index, batch, W1g, b1g, W2g, b2g, Wl1, bl1, Wl2, bl2):
    n, din = x.shape
    e = edge_index.shape[1]
    g_pool = Wl2.shape[1]
    bn = 1000

    n_pad = ((n + NS * 8 - 1) // (NS * 8)) * (NS * 8)
    unit = NS * CHUNK * 8
    e_pad = ((e + unit - 1) // unit) * unit

    src = edge_index[0].astype(jnp.int32)
    dst = edge_index[1].astype(jnp.int32)
    srcp = jnp.concatenate([src, jnp.zeros((e_pad - e,), jnp.int32)])
    dstp = jnp.concatenate([dst, jnp.full((e_pad - e,), n, jnp.int32)])
    nch = e_pad // NS // CHUNK
    ed4 = jnp.stack([srcp.reshape(NS, nch, CHUNK),
                     dstp.reshape(NS, nch, CHUNK)], axis=2)
    dst3h = dstp.reshape(NC * NS, nch // NC, CHUNK)

    z128 = jnp.zeros((n_pad, HALF), jnp.float32)
    ones128 = jnp.ones((CHUNK, HALF), jnp.float32)
    batch3 = batch.astype(jnp.int32).reshape(n // bn, 1, bn)
    b1r = b1g.reshape(1, -1)
    b2r = b2g.reshape(1, -1)
    bl1r = bl1.reshape(1, -1)
    bl2r = bl2.reshape(1, -1)

    hist = _sc_degree_hist(dst3h, z128, ones128, n, n_pad, e_pad)
    h1 = _tc_matmul(x, W1g, bn)
    dis, g1lo, g1hi = _tc_scale(h1, hist, bn)
    s1 = _sc_edge_scatter(g1lo, g1hi, ed4, z128, n, n_pad, e_pad)
    p1, g2lo, g2hi = _tc_layer2(s1, g1lo, g1hi, dis, b1r, W2g, batch3,
                                g_pool, bn)
    s2 = _sc_edge_scatter(g2lo, g2hi, ed4, z128, n, n_pad, e_pad)
    out = _tc_final(s2, g2lo, g2hi, dis, b2r, batch3, p1,
                    Wl1, bl1r, Wl2, bl2r, g_pool, bn)
    return out

# --- scband reference (transcript-rebuilt; emitter-appended) ---
"""Pipeline reference for scband-mol2-spec-graph-36945308680690 (READ-ONLY COPY).

The authoritative reference and input builder live on the scoring server;
editing this copy changes nothing except your own understanding.
"""

import jax, jax.numpy as jnp
import numpy as np

N = 10000
E = 160000
DIN = 256
H = 256
P = 128
G = 128


def setup_inputs(seed: int = 0) -> dict:
    key = jax.random.key(seed)
    ks = jax.random.split(key, 12)
    x = jax.random.normal(ks[0], (N, DIN), dtype=jnp.float32)
    edge_index = jax.random.randint(ks[1], (2, E), 0, N)
    batch = jnp.sort(jax.random.randint(ks[2], (N,), 0, G))
    W1g = jax.random.normal(ks[3], (DIN, H), dtype=jnp.float32) * 0.05
    b1g = jax.random.normal(ks[4], (H,), dtype=jnp.float32) * 0.05
    W2g = jax.random.normal(ks[5], (H, H), dtype=jnp.float32) * 0.05
    b2g = jax.random.normal(ks[6], (H,), dtype=jnp.float32) * 0.05
    Wl1 = jax.random.normal(ks[7], (2 * H, H // 2), dtype=jnp.float32) * 0.05
    bl1 = jax.random.normal(ks[8], (H // 2,), dtype=jnp.float32) * 0.05
    Wl2 = jax.random.normal(ks[9], (H // 2, P), dtype=jnp.float32) * 0.05
    bl2 = jax.random.normal(ks[10], (P,), dtype=jnp.float32) * 0.05
    return {"x": x, "edge_index": edge_index, "batch": batch,
            "W1g": W1g, "b1g": b1g, "W2g": W2g, "b2g": b2g,
            "Wl1": Wl1, "bl1": bl1, "Wl2": Wl2, "bl2": bl2}


def _gcn_conv(x, edge_index, W, b):
    # PyG GCNConv with add_self_loops=True, normalize=True, flow source_to_target
    loop = jnp.arange(N)
    src = jnp.concatenate([edge_index[0], loop])
    dst = jnp.concatenate([edge_index[1], loop])
    deg = jnp.zeros((N,), jnp.float32).at[dst].add(1.0)
    deg_inv_sqrt = jnp.where(deg > 0, deg ** -0.5, 0.0)
    norm = deg_inv_sqrt[src] * deg_inv_sqrt[dst]
    h = x @ W
    msg = h[src] * norm[:, None]
    out = jnp.zeros((N, W.shape[1]), jnp.float32).at[dst].add(msg)
    return out + b


def reference(x, edge_index, batch, W1g, b1g, W2g, b2g, Wl1, bl1, Wl2, bl2):
    x1 = jax.nn.relu(_gcn_conv(x, edge_index, W1g, b1g))
    x2 = jax.nn.relu(_gcn_conv(x1, edge_index, W2g, b2g))
    xc = jnp.concatenate([x1, x2], axis=-1)  # JumpingKnowledge 'cat'
    pooled = jax.ops.segment_sum(xc, batch, num_segments=G)  # global_add_pool
    h = pooled @ Wl1 + bl1
    # Dropout(p=0.2) is identity in eval mode
    out = h @ Wl2 + bl2
    return out

if __name__ == "__main__":
    import jax
    _d = setup_inputs()
    print(jax.jit(kernel)(*tuple(_d.values())))

</pallas_src>

<mosaic_0001>
#map = affine_map<(d0, d1) -> (0, 0)>
#map1 = affine_map<(d0, d1) -> (0, 0, 0, 0)>
#map2 = affine_map<(d0, d1) -> (0, 0, 0)>
module attributes {stable_mosaic.version = 14 : i64} {
  func.func @body(%arg0: i32, %arg1: i32, %arg2: memref<10000x128xf32, #tpu.memory_space<hbm>>, %arg3: memref<10000x128xf32, #tpu.memory_space<hbm>>, %arg4: memref<16x80x2x128xi32, #tpu.memory_space<hbm>>, %arg5: memref<10112x128xf32, #tpu.memory_space<hbm>>, %arg6: memref<2x10112x128xf32, #tpu.memory_space<hbm>>, %arg7: memref<10112x128xf32, #tpu.memory_space<vmem_shared>>, %arg8: memref<4x2x128xi32, #tpu.memory_space<vmem>>, %arg9: memref<2x128x128xf32, #tpu.memory_space<vmem>>, %arg10: memref<!tpu.dma_semaphore, #tpu.memory_space<semaphore_mem>>, %arg11: memref<!tpu.dma_semaphore, #tpu.memory_space<semaphore_mem>>, %arg12: memref<!tpu.dma_semaphore, #tpu.memory_space<semaphore_mem>>, %arg13: memref<!tpu.dma_semaphore, #tpu.memory_space<semaphore_mem>>, %arg14: memref<!tpu.dma_semaphore, #tpu.memory_space<semaphore_mem>>, %arg15: memref<!tpu.dma_semaphore, #tpu.memory_space<semaphore_mem>>, %arg16: memref<!tpu.dma_semaphore, #tpu.memory_space<semaphore_mem>>, %arg17: memref<!tpu.dma_semaphore, #tpu.memory_space<semaphore_mem>>) attributes {dimension_semantics = [#tpu.dimension_semantics<core_parallel>, #tpu.dimension_semantics<subcore_parallel>], iteration_bounds = array<i64: 2, 16>, scalar_prefetch = 0 : i64, scratch_operands = 11 : i64, tpu.core_type = #tpu.core_type<sc_vector_subcore>, window_params = [{transform_indices = #map}, {transform_indices = #map}, {transform_indices = #map1}, {transform_indices = #map}, {transform_indices = #map2}]} {
    %mul3A = arith.constant 632 : i32
    %mul3A_0 = arith.muli %arg1, %mul3A : i32
    %mul3A_1 = arith.constant 632 : i32
    %mul3A_2 = arith.muli %arg1, %mul3A_1 : i32
    "tpu.region"() ({
      %run_scoped3A = tpu.sem_alloc : memref<!tpu.dma_semaphore, #tpu.memory_space<semaphore_mem>>
      %dma_start3A = arith.constant 0 : i32
      %dma_start3A_15 = tpu.memref_slice %arg7[%mul3A_2, %dma_start3A] : memref<10112x128xf32, #tpu.memory_space<vmem_shared>> -> memref<632x128xf32, #tpu.memory_space<vmem_shared>>
      %dma_start3A_16 = arith.constant 0 : i32
      %dma_start3A_17 = tpu.memref_slice %arg5[%mul3A_0, %dma_start3A_16] : memref<10112x128xf32, #tpu.memory_space<hbm>> -> memref<632x128xf32, #tpu.memory_space<hbm>>
      tpu.enqueue_dma source(%dma_start3A_17 : memref<632x128xf32, #tpu.memory_space<hbm>>) target(%dma_start3A_15 : memref<632x128xf32, #tpu.memory_space<vmem_shared>>) target_semaphore(%run_scoped3A : memref<!tpu.dma_semaphore, #tpu.memory_space<semaphore_mem>>)
      %dma_wait3A = arith.constant 0 : i32
      %dma_wait3A_18 = tpu.memref_slice %arg7[%mul3A_2, %dma_wait3A] : memref<10112x128xf32, #tpu.memory_space<vmem_shared>> -> memref<632x128xf32, #tpu.memory_space<vmem_shared>>
      %dma_wait3A_19 = arith.constant 0 : i32
      %dma_wait3A_20 = tpu.memref_slice %arg5[%mul3A_0, %dma_wait3A_19] : memref<10112x128xf32, #tpu.memory_space<hbm>> -> memref<632x128xf32, #tpu.memory_space<hbm>>
      tpu.wait_dma2 semaphore(%run_scoped3A : memref<!tpu.dma_semaphore, #tpu.memory_space<semaphore_mem>>) src(%dma_wait3A_20 : memref<632x128xf32, #tpu.memory_space<hbm>>) dst(%dma_wait3A_18 : memref<632x128xf32, #tpu.memory_space<vmem_shared>>)
      tpu.yield
    }) : () -> ()
    %barrier3A = arith.constant 0 : index
    tpu.barrier barrier_id(%barrier3A)
    %eq3A = arith.constant 0 : i32
    %eq3A_3 = arith.cmpi eq, %arg0, %eq3A : i32
    %convert_element_type3A = arith.extui %eq3A_3 : i1 to i32
    %cond3A = arith.constant 0 : i32
    %cond3A_4 = arith.cmpi ne, %convert_element_type3A, %cond3A : i32
    scf.if %cond3A_4 {
      %dma_start3A = arith.constant 0 : i32
      %dma_start3A_15 = arith.constant 0 : i32
      %dma_start3A_16 = arith.constant 0 : i32
      %dma_start3A_17 = arith.constant 0 : i32
      %dma_start3A_18 = tpu.memref_slice %arg8[%dma_start3A_15, %dma_start3A_16, %dma_start3A_17] : memref<4x2x128xi32, #tpu.memory_space<vmem>> -> memref<1x2x128xi32, #tpu.memory_space<vmem>>
      %dma_start3A_19 = tpu.memref_squeeze %dma_start3A_18 : memref<1x2x128xi32, #tpu.memory_space<vmem>> -> memref<2x128xi32, #tpu.memory_space<vmem>>
      %dma_start3A_20 = arith.constant 0 : i32
      %dma_start3A_21 = arith.constant 0 : i32
      %dma_start3A_22 = tpu.memref_slice %arg4[%arg1, %dma_start3A, %dma_start3A_20, %dma_start3A_21] : memref<16x80x2x128xi32, #tpu.memory_space<hbm>> -> memref<1x1x2x128xi32, #tpu.memory_space<hbm>>
      %dma_start3A_23 = tpu.memref_squeeze %dma_start3A_22 : memref<1x1x2x128xi32, #tpu.memory_space<hbm>> -> memref<2x128xi32, #tpu.memory_space<hbm>>
      %dma_start3A_24 = arith.constant 0 : i32
      %dma_start3A_25 = arith.constant 0 : i32
      %dma_start3A_26 = tpu.memref_slice %arg8[%dma_start3A_15, %dma_start3A_24, %dma_start3A_25] : memref<4x2x128xi32, #tpu.memory_space<vmem>> -> memref<1x2x128xi32, #tpu.memory_space<vmem>>
      %dma_start3A_27 = tpu.memref_squeeze %dma_start3A_26 : memref<1x2x128xi32, #tpu.memory_space<vmem>> -> memref<2x128xi32, #tpu.memory_space<vmem>>
      %dma_start3A_28 = arith.constant 0 : i32
      %dma_start3A_29 = arith.constant 0 : i32
      %dma_start3A_30 = tpu.memref_slice %arg4[%arg1, %dma_start3A, %dma_start3A_28, %dma_start3A_29] : memref<16x80x2x128xi32, #tpu.memory_space<hbm>> -> memref<1x1x2x128xi32, #tpu.memory_space<hbm>>
      %dma_start3A_31 = tpu.memref_squeeze %dma_start3A_30 : memref<1x1x2x128xi32, #tpu.memory_space<hbm>> -> memref<2x128xi32, #tpu.memory_space<hbm>>
      tpu.enqueue_dma source(%dma_start3A_31 : memref<2x128xi32, #tpu.memory_space<hbm>>) target(%dma_start3A_27 : memref<2x128xi32, #tpu.memory_space<vmem>>) target_semaphore(%arg10 : memref<!tpu.dma_semaphore, #tpu.memory_space<semaphore_mem>>)
      %dma_start3A_32 = arith.constant 1 : i32
      %dma_start3A_33 = arith.constant 1 : i32
      %dma_start3A_34 = arith.constant 0 : i32
      %dma_start3A_35 = arith.constant 0 : i32
      %dma_start3A_36 = tpu.memref_slice %arg8[%dma_start3A_33, %dma_start3A_34, %dma_start3A_35] : memref<4x2x128xi32, #tpu.memory_space<vmem>> -> memref<1x2x128xi32, #tpu.memory_space<vmem>>
      %dma_start3A_37 = tpu.memref_squeeze %dma_start3A_36 : memref<1x2x128xi32, #tpu.memory_space<vmem>> -> memref<2x128xi32, #tpu.memory_space<vmem>>
      %dma_start3A_38 = arith.constant 0 : i32
      %dma_start3A_39 = arith.constant 0 : i32
      %dma_start3A_40 = tpu.memref_slice %arg4[%arg1, %dma_start3A_32, %dma_start3A_38, %dma_start3A_39] : memref<16x80x2x128xi32, #tpu.memory_space<hbm>> -> memref<1x1x2x128xi32, #tpu.memory_space<hbm>>
      %dma_start3A_41 = tpu.memref_squeeze %dma_start3A_40 : memref<1x1x2x128xi32, #tpu.memory_space<hbm>> -> memref<2x128xi32, #tpu.memory_space<hbm>>
      %dma_start3A_42 = arith.constant 0 : i32
      %dma_start3A_43 = arith.constant 0 : i32
      %dma_start3A_44 = tpu.memref_slice %arg8[%dma_start3A_33, %dma_start3A_42, %dma_start3A_43] : memref<4x2x128xi32, #tpu.memory_space<vmem>> -> memref<1x2x128xi32, #tpu.memory_space<vmem>>
      %dma_start3A_45 = tpu.memref_squeeze %dma_start3A_44 : memref<1x2x128xi32, #tpu.memory_space<vmem>> -> memref<2x128xi32, #tpu.memory_space<vmem>>
      %dma_start3A_46 = arith.constant 0 : i32
      %dma_start3A_47 = arith.constant 0 : i32
      %dma_start3A_48 = tpu.memref_slice %arg4[%arg1, %dma_start3A_32, %dma_start3A_46, %dma_start3A_47] : memref<16x80x2x128xi32, #tpu.memory_space<hbm>> -> memref<1x1x2x128xi32, #tpu.memory_space<hbm>>
      %dma_start3A_49 = tpu.memref_squeeze %dma_start3A_48 : memref<1x1x2x128xi32, #tpu.memory_space<hbm>> -> memref<2x128xi32, #tpu.memory_space<hbm>>
      tpu.enqueue_dma source(%dma_start3A_49 : memref<2x128xi32, #tpu.memory_space<hbm>>) target(%dma_start3A_45 : memref<2x128xi32, #tpu.memory_space<vmem>>) target_semaphore(%arg11 : memref<!tpu.dma_semaphore, #tpu.memory_space<semaphore_mem>>)
      %dma_start3A_50 = arith.constant 2 : i32
      %dma_start3A_51 = arith.constant 2 : i32
      %dma_start3A_52 = arith.constant 0 : i32
      %dma_start3A_53 = arith.constant 0 : i32
      %dma_start3A_54 = tpu.memref_slice %arg8[%dma_start3A_51, %dma_start3A_52, %dma_start3A_53] : memref<4x2x128xi32, #tpu.memory_space<vmem>> -> memref<1x2x128xi32, #tpu.memory_space<vmem>>
      %dma_start3A_55 = tpu.memref_squeeze %dma_start3A_54 : memref<1x2x128xi32, #tpu.memory_space<vmem>> -> memref<2x128xi32, #tpu.memory_space<vmem>>
      %dma_start3A_56 = arith.constant 0 : i32
      %dma_start3A_57 = arith.constant 0 : i32
      %dma_start3A_58 = tpu.memref_slice %arg4[%arg1, %dma_start3A_50, %dma_start3A_56, %dma_start3A_57] : memref<16x80x2x128xi32, #tpu.memory_space<hbm>> -> memref<1x1x2x128xi32, #tpu.memory_space<hbm>>
      %dma_start3A_59 = tpu.memref_squeeze %dma_start3A_58 : memref<1x1x2x128xi32, #tpu.memory_space<hbm>> -> memref<2x128xi32, #tpu.memory_space<hbm>>
      %dma_start3A_60 = arith.constant 0 : i32
      %dma_start3A_61 = arith.constant 0 : i32
      %dma_start3A_62 = tpu.memref_slice %arg8[%dma_start3A_51, %dma_start3A_60, %dma_start3A_61] : memref<4x2x128xi32, #tpu.memory_space<vmem>> -> memref<1x2x128xi32, #tpu.memory_space<vmem>>
      %dma_start3A_63 = tpu.memref_squeeze %dma_start3A_62 : memref<1x2x128xi32, #tpu.memory_space<vmem>> -> memref<2x128xi32, #tpu.memory_space<vmem>>
      %dma_start3A_64 = arith.constant 0 : i32
      %dma_start3A_65 = arith.constant 0 : i32
      %dma_start3A_66 = tpu.memref_slice %arg4[%arg1, %dma_start3A_50, %dma_start3A_64, %dma_start3A_65] : memref<16x80x2x128xi32, #tpu.memory_space<hbm>> -> memref<1x1x2x128xi32, #tpu.memory_space<hbm>>
      %dma_start3A_67 = tpu.memref_squeeze %dma_start3A_66 : memref<1x1x2x128xi32, #tpu.memory_space<hbm>> -> memref<2x128xi32, #tpu.memory_space<hbm>>
      tpu.enqueue_dma source(%dma_start3A_67 : memref<2x128xi32, #tpu.memory_space<hbm>>) target(%dma_start3A_63 : memref<2x128xi32, #tpu.memory_space<vmem>>) target_semaphore(%arg12 : memref<!tpu.dma_semaphore, #tpu.memory_space<semaphore_mem>>)
      %dma_wait3A = arith.constant 0 : i32
      %dma_wait3A_68 = arith.constant 0 : i32
      %dma_wait3A_69 = arith.constant 0 : i32
      %dma_wait3A_70 = arith.constant 0 : i32
      %dma_wait3A_71 = tpu.memref_slice %arg8[%dma_wait3A_68, %dma_wait3A_69, %dma_wait3A_70] : memref<4x2x128xi32, #tpu.memory_space<vmem>> -> memref<1x2x128xi32, #tpu.memory_space<vmem>>
      %dma_wait3A_72 = tpu.memref_squeeze %dma_wait3A_71 : memref<1x2x128xi32, #tpu.memory_space<vmem>> -> memref<2x128xi32, #tpu.memory_space<vmem>>
      %dma_wait3A_73 = arith.constant 0 : i32
      %dma_wait3A_74 = arith.constant 0 : i32
      %dma_wait3A_75 = tpu.memref_slice %arg4[%arg1, %dma_wait3A, %dma_wait3A_73, %dma_wait3A_74] : memref<16x80x2x128xi32, #tpu.memory_space<hbm>> -> memref<1x1x2x128xi32, #tpu.memory_space<hbm>>
      %dma_wait3A_76 = tpu.memref_squeeze %dma_wait3A_75 : memref<1x1x2x128xi32, #tpu.memory_space<hbm>> -> memref<2x128xi32, #tpu.memory_space<hbm>>
      %dma_wait3A_77 = arith.constant 0 : i32
      %dma_wait3A_78 = arith.constant 0 : i32
      %dma_wait3A_79 = tpu.memref_slice %arg8[%dma_wait3A_68, %dma_wait3A_77, %dma_wait3A_78] : memref<4x2x128xi32, #tpu.memory_space<vmem>> -> memref<1x2x128xi32, #tpu.memory_space<vmem>>
      %dma_wait3A_80 = tpu.memref_squeeze %dma_wait3A_79 : memref<1x2x128xi32, #tpu.memory_space<vmem>> -> memref<2x128xi32, #tpu.memory_space<vmem>>
      %dma_wait3A_81 = arith.constant 0 : i32
      %dma_wait3A_82 = arith.constant 0 : i32
      %dma_wait3A_83 = tpu.memref_slice %arg4[%arg1, %dma_wait3A, %dma_wait3A_81, %dma_wait3A_82] : memref<16x80x2x128xi32, #tpu.memory_space<hbm>> -> memref<1x1x2x128xi32, #tpu.memory_space<hbm>>
      %dma_wait3A_84 = tpu.memref_squeeze %dma_wait3A_83 : memref<1x1x2x128xi32, #tpu.memory_space<hbm>> -> memref<2x128xi32, #tpu.memory_space<hbm>>
      tpu.wait_dma2 semaphore(%arg10 : memref<!tpu.dma_semaphore, #tpu.memory_space<semaphore_mem>>) src(%dma_wait3A_84 : memref<2x128xi32, #tpu.memory_space<hbm>>) dst(%dma_wait3A_80 : memref<2x128xi32, #tpu.memory_space<vmem>>)
      %dma_start3A_85 = arith.constant 0 : i32
      %dma_start3A_86 = arith.constant 0 : i32
      %dma_start3A_87 = arith.constant 0 : i32
      %dma_start3A_88 = arith.constant 0 : i32
      %dma_start3A_89 = arith.constant 0 : i32
      %dma_start3A_90 = tpu.memref_slice %arg9[%dma_start3A_87, %dma_start3A_88, %dma_start3A_89] : memref<2x128x128xf32, #tpu.memory_space<vmem>> -> memref<1x128x128xf32, #tpu.memory_space<vmem>>
      %dma_start3A_91 = tpu.memref_squeeze %dma_start3A_90 : memref<1x128x128xf32, #tpu.memory_space<vmem>> -> memref<128x128xf32, #tpu.memory_space<vmem>>
      %dma_start3A_92 = arith.constant 0 : i32
      %dma_start3A_93 = tpu.memref_slice %arg8[%dma_start3A_85, %dma_start3A_86, %dma_start3A_92] : memref<4x2x128xi32, #tpu.memory_space<vmem>> -> memref<1x1x128xi32, #tpu.memory_space<vmem>>
      %dma_start3A_94 = tpu.memref_squeeze %dma_start3A_93 : memref<1x1x128xi32, #tpu.memory_space<vmem>> -> memref<128xi32, #tpu.memory_space<vmem>>
      %dma_start3A_95 = arith.constant 0 : i32
      %dma_start3A_96 = arith.constant 0 : i32
      %dma_start3A_97 = tpu.memref_slice %arg2[%dma_start3A_95, %dma_start3A_96] : memref<10000x128xf32, #tpu.memory_space<hbm>> -> memref<10000x128xf32, #tpu.memory_space<hbm>>
      tpu.enqueue_indirect_dma source(%dma_start3A_97 : memref<10000x128xf32, #tpu.memory_space<hbm>>) target(%dma_start3A_91 : memref<128x128xf32, #tpu.memory_space<vmem>>) offsets(%dma_start3A_94 : memref<128xi32, #tpu.memory_space<vmem>>) semaphore(%arg14 : memref<!tpu.dma_semaphore, #tpu.memory_space<semaphore_mem>>)
      %scan3A = arith.constant 0 : i32
      %scan3A_98 = arith.constant 20 : i32
      %scan3A_99 = arith.addi %scan3A, %scan3A_98 : i32
      %scan3A_100 = arith.constant 1 : i32
      scf.for %scan3A_115 = %scan3A to %scan3A_99 step %scan3A_100  : i32 {
        %mul3A_116 = arith.constant 4 : i32
        %mul3A_117 = arith.muli %scan3A_115, %mul3A_116 : i32
        %add3A = arith.constant 0 : i32
        %add3A_118 = arith.addi %add3A, %mul3A_117 : i32
        %add3A_119 = arith.constant 0 : i32
        %add3A_120 = arith.addi %add3A_118, %add3A_119 : i32
        %ge3A = arith.constant 1 : i32
        %ge3A_121 = arith.cmpi sge, %add3A_120, %ge3A : i32
        %convert_element_type3A_122 = arith.extui %ge3A_121 : i1 to i32
        %cond3A_123 = arith.constant 0 : i32
        %cond3A_124 = arith.cmpi ne, %convert_element_type3A_122, %cond3A_123 : i32
        scf.if %cond3A_124 {
          %sub3A = arith.constant 1 : i32
          %sub3A_305 = arith.subi %add3A_120, %sub3A : i32
          %dma_wait3A_306 = arith.constant 1 : i32
          %dma_wait3A_307 = arith.constant 3 : i32
          %dma_wait3A_308 = arith.constant 1 : i32
          %dma_wait3A_309 = arith.constant 0 : i32
          %dma_wait3A_310 = arith.constant 0 : i32
          %dma_wait3A_311 = tpu.memref_slice %arg9[%dma_wait3A_306, %dma_wait3A_309, %dma_wait3A_310] : memref<2x128x128xf32, #tpu.memory_space<vmem>> -> memref<1x128x128xf32, #tpu.memory_space<vmem>>
          %dma_wait3A_312 = tpu.memref_squeeze %dma_wait3A_311 : memref<1x128x128xf32, #tpu.memory_space<vmem>> -> memref<128x128xf32, #tpu.memory_space<vmem>>
          %dma_wait3A_313 = arith.constant 0 : i32
          %dma_wait3A_314 = tpu.memref_slice %arg8[%dma_wait3A_307, %dma_wait3A_308, %dma_wait3A_313] : memref<4x2x128xi32, #tpu.memory_space<vmem>> -> memref<1x1x128xi32, #tpu.memory_space<vmem>>
          %dma_wait3A_315 = tpu.memref_squeeze %dma_wait3A_314 : memref<1x1x128xi32, #tpu.memory_space<vmem>> -> memref<128xi32, #tpu.memory_space<vmem>>
          %dma_wait3A_316 = arith.constant 0 : i32
          %dma_wait3A_317 = arith.constant 0 : i32
          %dma_wait3A_318 = tpu.memref_slice %arg7[%dma_wait3A_316, %dma_wait3A_317] : memref<10112x128xf32, #tpu.memory_space<vmem_shared>> -> memref<10112x128xf32, #tpu.memory_space<vmem_shared>>
          tpu.wait_indirect_dma semaphore(%arg17 : memref<!tpu.dma_semaphore, #tpu.memory_space<semaphore_mem>>) src(%dma_wait3A_312 : memref<128x128xf32, #tpu.memory_space<vmem>>) dst(%dma_wait3A_318 : memref<10112x128xf32, #tpu.memory_space<vmem_shared>>)
        } else {
        }
        %add3A_125 = arith.constant 1 : i32
        %add3A_126 = arith.addi %add3A_120, %add3A_125 : i32
        %lt3A = arith.constant 80 : i32
        %lt3A_127 = arith.cmpi slt, %add3A_126, %lt3A : i32
        %convert_element_type3A_128 = arith.extui %lt3A_127 : i1 to i32
        %cond3A_129 = arith.constant 0 : i32
        %cond3A_130 = arith.cmpi ne, %convert_element_type3A_128, %cond3A_129 : i32
        scf.if %cond3A_130 {
          %add3A_305 = arith.constant 1 : i32
          %add3A_306 = arith.addi %add3A_120, %add3A_305 : i32
          %dma_wait3A_307 = arith.constant 1 : i32
          %dma_wait3A_308 = arith.constant 0 : i32
          %dma_wait3A_309 = arith.constant 0 : i32
          %dma_wait3A_310 = tpu.memref_slice %arg8[%dma_wait3A_307, %dma_wait3A_308, %dma_wait3A_309] : memref<4x2x128xi32, #tpu.memory_space<vmem>> -> memref<1x2x128xi32, #tpu.memory_space<vmem>>
          %dma_wait3A_311 = tpu.memref_squeeze %dma_wait3A_310 : memref<1x2x128xi32, #tpu.memory_space<vmem>> -> memref<2x128xi32, #tpu.memory_space<vmem>>
          %dma_wait3A_312 = arith.constant 0 : i32
          %dma_wait3A_313 = arith.constant 0 : i32
          %dma_wait3A_314 = tpu.memref_slice %arg4[%arg1, %add3A_306, %dma_wait3A_312, %dma_wait3A_313] : memref<16x80x2x128xi32, #tpu.memory_space<hbm>> -> memref<1x1x2x128xi32, #tpu.memory_space<hbm>>
          %dma_wait3A_315 = tpu.memref_squeeze %dma_wait3A_314 : memref<1x1x2x128xi32, #tpu.memory_space<hbm>> -> memref<2x128xi32, #tpu.memory_space<hbm>>
          %dma_wait3A_316 = arith.constant 0 : i32
          %dma_wait3A_317 = arith.constant 0 : i32
          %dma_wait3A_318 = tpu.memref_slice %arg8[%dma_wait3A_307, %dma_wait3A_316, %dma_wait3A_317] : memref<4x2x128xi32, #tpu.memory_space<vmem>> -> memref<1x2x128xi32, #tpu.memory_space<vmem>>
          %dma_wait3A_319 = tpu.memref_squeeze %dma_wait3A_318 : memref<1x2x128xi32, #tpu.memory_space<vmem>> -> memref<2x128xi32, #tpu.memory_space<vmem>>
          %dma_wait3A_320 = arith.constant 0 : i32
          %dma_wait3A_321 = arith.constant 0 : i32
          %dma_wait3A_322 = tpu.memref_slice %arg4[%arg1, %add3A_306, %dma_wait3A_320, %dma_wait3A_321] : memref<16x80x2x128xi32, #tpu.memory_space<hbm>> -> memref<1x1x2x128xi32, #tpu.memory_space<hbm>>
          %dma_wait3A_323 = tpu.memref_squeeze %dma_wait3A_322 : memref<1x1x2x128xi32, #tpu.memory_space<hbm>> -> memref<2x128xi32, #tpu.memory_space<hbm>>
          tpu.wait_dma2 semaphore(%arg11 : memref<!tpu.dma_semaphore, #tpu.memory_space<semaphore_mem>>) src(%dma_wait3A_323 : memref<2x128xi32, #tpu.memory_space<hbm>>) dst(%dma_wait3A_319 : memref<2x128xi32, #tpu.memory_space<vmem>>)
          %add3A_324 = arith.constant 1 : i32
          %add3A_325 = arith.addi %add3A_120, %add3A_324 : i32
          %dma_start3A_326 = arith.constant 1 : i32
          %dma_start3A_327 = arith.constant 0 : i32
          %dma_start3A_328 = arith.constant 1 : i32
          %dma_start3A_329 = arith.constant 0 : i32
          %dma_start3A_330 = arith.constant 0 : i32
          %dma_start3A_331 = tpu.memref_slice %arg9[%dma_start3A_328, %dma_start3A_329, %dma_start3A_330] : memref<2x128x128xf32, #tpu.memory_space<vmem>> -> memref<1x128x128xf32, #tpu.memory_space<vmem>>
          %dma_start3A_332 = tpu.memref_squeeze %dma_start3A_331 : memref<1x128x128xf32, #tpu.memory_space<vmem>> -> memref<128x128xf32, #tpu.memory_space<vmem>>
          %dma_start3A_333 = arith.constant 0 : i32
          %dma_start3A_334 = tpu.memref_slice %arg8[%dma_start3A_326, %dma_start3A_327, %dma_start3A_333] : memref<4x2x128xi32, #tpu.memory_space<vmem>> -> memref<1x1x128xi32, #tpu.memory_space<vmem>>
          %dma_start3A_335 = tpu.memref_squeeze %dma_start3A_334 : memref<1x1x128xi32, #tpu.memory_space<vmem>> -> memref<128xi32, #tpu.memory_space<vmem>>
          %dma_start3A_336 = arith.constant 0 : i32
          %dma_start3A_337 = arith.constant 0 : i32
          %dma_start3A_338 = tpu.memref_slice %arg2[%dma_start3A_336, %dma_start3A_337] : memref<10000x128xf32, #tpu.memory_space<hbm>> -> memref<10000x128xf32, #tpu.memory_space<hbm>>
          tpu.enqueue_indirect_dma source(%dma_start3A_338 : memref<10000x128xf32, #tpu.memory_space<hbm>>) target(%dma_start3A_332 : memref<128x128xf32, #tpu.memory_space<vmem>>) offsets(%dma_start3A_335 : memref<128xi32, #tpu.memory_space<vmem>>) semaphore(%arg15 : memref<!tpu.dma_semaphore, #tpu.memory_space<semaphore_mem>>)
        } else {
        }
        %dma_wait3A_131 = arith.constant 0 : i32
        %dma_wait3A_132 = arith.constant 0 : i32
        %dma_wait3A_133 = arith.constant 0 : i32
        %dma_wait3A_134 = arith.constant 0 : i32
        %dma_wait3A_135 = arith.constant 0 : i32
        %dma_wait3A_136 = tpu.memref_slice %arg9[%dma_wait3A_133, %dma_wait3A_134, %dma_wait3A_135] : memref<2x128x128xf32, #tpu.memory_space<vmem>> -> memref<1x128x128xf32, #tpu.memory_space<vmem>>
        %dma_wait3A_137 = tpu.memref_squeeze %dma_wait3A_136 : memref<1x128x128xf32, #tpu.memory_space<vmem>> -> memref<128x128xf32, #tpu.memory_space<vmem>>
        %dma_wait3A_138 = arith.constant 0 : i32
        %dma_wait3A_139 = tpu.memref_slice %arg8[%dma_wait3A_131, %dma_wait3A_132, %dma_wait3A_138] : memref<4x2x128xi32, #tpu.memory_space<vmem>> -> memref<1x1x128xi32, #tpu.memory_space<vmem>>
        %dma_wait3A_140 = tpu.memref_squeeze %dma_wait3A_139 : memref<1x1x128xi32, #tpu.memory_space<vmem>> -> memref<128xi32, #tpu.memory_space<vmem>>
        %dma_wait3A_141 = arith.constant 0 : i32
        %dma_wait3A_142 = arith.constant 0 : i32
        %dma_wait3A_143 = tpu.memref_slice %arg2[%dma_wait3A_141, %dma_wait3A_142] : memref<10000x128xf32, #tpu.memory_space<hbm>> -> memref<10000x128xf32, #tpu.memory_space<hbm>>
        tpu.wait_indirect_dma semaphore(%arg14 : memref<!tpu.dma_semaphore, #tpu.memory_space<semaphore_mem>>) src(%dma_wait3A_143 : memref<10000x128xf32, #tpu.memory_space<hbm>>) dst(%dma_wait3A_137 : memref<128x128xf32, #tpu.memory_space<vmem>>)
        %dma_start3A_144 = arith.constant 0 : i32
        %dma_start3A_145 = arith.constant 0 : i32
        %dma_start3A_146 = arith.constant 1 : i32
        %dma_start3A_147 = arith.constant 0 : i32
        %dma_start3A_148 = arith.constant 0 : i32
        %dma_start3A_149 = tpu.memref_slice %arg9[%dma_start3A_144, %dma_start3A_147, %dma_start3A_148] : memref<2x128x128xf32, #tpu.memory_space<vmem>> -> memref<1x128x128xf32, #tpu.memory_space<vmem>>
        %dma_start3A_150 = tpu.memref_squeeze %dma_start3A_149 : memref<1x128x128xf32, #tpu.memory_space<vmem>> -> memref<128x128xf32, #tpu.memory_space<vmem>>
        %dma_start3A_151 = arith.constant 0 : i32
        %dma_start3A_152 = tpu.memref_slice %arg8[%dma_start3A_145, %dma_start3A_146, %dma_start3A_151] : memref<4x2x128xi32, #tpu.memory_space<vmem>> -> memref<1x1x128xi32, #tpu.memory_space<vmem>>
        %dma_start3A_153 = tpu.memref_squeeze %dma_start3A_152 : memref<1x1x128xi32, #tpu.memory_space<vmem>> -> memref<128xi32, #tpu.memory_space<vmem>>
        %dma_start3A_154 = arith.constant 0 : i32
        %dma_start3A_155 = arith.constant 0 : i32
        %dma_start3A_156 = tpu.memref_slice %arg7[%dma_start3A_154, %dma_start3A_155] : memref<10112x128xf32, #tpu.memory_space<vmem_shared>> -> memref<10112x128xf32, #tpu.memory_space<vmem_shared>>
        tpu.enqueue_indirect_dma source(%dma_start3A_150 : memref<128x128xf32, #tpu.memory_space<vmem>>) target(%dma_start3A_156 : memref<10112x128xf32, #tpu.memory_space<vmem_shared>>) offsets(%dma_start3A_153 : memref<128xi32, #tpu.memory_space<vmem>>) semaphore(%arg16 : memref<!tpu.dma_semaphore, #tpu.memory_space<semaphore_mem>>) {add = true}
        %add3A_157 = arith.constant 3 : i32
        %add3A_158 = arith.addi %add3A_120, %add3A_157 : i32
        %lt3A_159 = arith.constant 80 : i32
        %lt3A_160 = arith.cmpi slt, %add3A_158, %lt3A_159 : i32
        %convert_element_type3A_161 = arith.extui %lt3A_160 : i1 to i32
        %cond3A_162 = arith.constant 0 : i32
        %cond3A_163 = arith.cmpi ne, %convert_element_type3A_161, %cond3A_162 : i32
        scf.if %cond3A_163 {
          %add3A_305 = arith.constant 3 : i32
          %add3A_306 = arith.addi %add3A_120, %add3A_305 : i32
          %dma_start3A_307 = arith.constant 3 : i32
          %dma_start3A_308 = arith.constant 0 : i32
          %dma_start3A_309 = arith.constant 0 : i32
          %dma_start3A_310 = tpu.memref_slice %arg8[%dma_start3A_307, %dma_start3A_308, %dma_start3A_309] : memref<4x2x128xi32, #tpu.memory_space<vmem>> -> memref<1x2x128xi32, #tpu.memory_space<vmem>>
          %dma_start3A_311 = tpu.memref_squeeze %dma_start3A_310 : memref<1x2x128xi32, #tpu.memory_space<vmem>> -> memref<2x128xi32, #tpu.memory_space<vmem>>
          %dma_start3A_312 = arith.constant 0 : i32
          %dma_start3A_313 = arith.constant 0 : i32
          %dma_start3A_314 = tpu.memref_slice %arg4[%arg1, %add3A_306, %dma_start3A_312, %dma_start3A_313] : memref<16x80x2x128xi32, #tpu.memory_space<hbm>> -> memref<1x1x2x128xi32, #tpu.memory_space<hbm>>
          %dma_start3A_315 = tpu.memref_squeeze %dma_start3A_314 : memref<1x1x2x128xi32, #tpu.memory_space<hbm>> -> memref<2x128xi32, #tpu.memory_space<hbm>>
          %dma_start3A_316 = arith.constant 0 : i32
          %dma_start3A_317 = arith.constant 0 : i32
          %dma_start3A_318 = tpu.memref_slice %arg8[%dma_start3A_307, %dma_start3A_316, %dma_start3A_317] : memref<4x2x128xi32, #tpu.memory_space<vmem>> -> memref<1x2x128xi32, #tpu.memory_space<vmem>>
          %dma_start3A_319 = tpu.memref_squeeze %dma_start3A_318 : memref<1x2x128xi32, #tpu.memory_space<vmem>> -> memref<2x128xi32, #tpu.memory_space<vmem>>
          %dma_start3A_320 = arith.constant 0 : i32
          %dma_start3A_321 = arith.constant 0 : i32
          %dma_start3A_322 = tpu.memref_slice %arg4[%arg1, %add3A_306, %dma_start3A_320, %dma_start3A_321] : memref<16x80x2x128xi32, #tpu.memory_space<hbm>> -> memref<1x1x2x128xi32, #tpu.memory_space<hbm>>
          %dma_start3A_323 = tpu.memref_squeeze %dma_start3A_322 : memref<1x1x2x128xi32, #tpu.memory_space<hbm>> -> memref<2x128xi32, #tpu.memory_space<hbm>>
          tpu.enqueue_dma source(%dma_start3A_323 : memref<2x128xi32, #tpu.memory_space<hbm>>) target(%dma_start3A_319 : memref<2x128xi32, #tpu.memory_space<vmem>>) target_semaphore(%arg13 : memref<!tpu.dma_semaphore, #tpu.memory_space<semaphore_mem>>)
        } else {
        }
        %add3A_164 = arith.constant 1 : i32
        %add3A_165 = arith.addi %add3A_118, %add3A_164 : i32
        %ge3A_166 = arith.constant 1 : i32
        %ge3A_167 = arith.cmpi sge, %add3A_165, %ge3A_166 : i32
        %convert_element_type3A_168 = arith.extui %ge3A_167 : i1 to i32
        %cond3A_169 = arith.constant 0 : i32
        %cond3A_170 = arith.cmpi ne, %convert_element_type3A_168, %cond3A_169 : i32
        scf.if %cond3A_170 {
          %sub3A = arith.constant 1 : i32
          %sub3A_305 = arith.subi %add3A_165, %sub3A : i32
          %dma_wait3A_306 = arith.constant 0 : i32
          %dma_wait3A_307 = arith.constant 0 : i32
          %dma_wait3A_308 = arith.constant 1 : i32
          %dma_wait3A_309 = arith.constant 0 : i32
          %dma_wait3A_310 = arith.constant 0 : i32
          %dma_wait3A_311 = tpu.memref_slice %arg9[%dma_wait3A_306, %dma_wait3A_309, %dma_wait3A_310] : memref<2x128x128xf32, #tpu.memory_space<vmem>> -> memref<1x128x128xf32, #tpu.memory_space<vmem>>
          %dma_wait3A_312 = tpu.memref_squeeze %dma_wait3A_311 : memref<1x128x128xf32, #tpu.memory_space<vmem>> -> memref<128x128xf32, #tpu.memory_space<vmem>>
          %dma_wait3A_313 = arith.constant 0 : i32
          %dma_wait3A_314 = tpu.memref_slice %arg8[%dma_wait3A_307, %dma_wait3A_308, %dma_wait3A_313] : memref<4x2x128xi32, #tpu.memory_space<vmem>> -> memref<1x1x128xi32, #tpu.memory_space<vmem>>
          %dma_wait3A_315 = tpu.memref_squeeze %dma_wait3A_314 : memref<1x1x128xi32, #tpu.memory_space<vmem>> -> memref<128xi32, #tpu.memory_space<vmem>>
          %dma_wait3A_316 = arith.constant 0 : i32
          %dma_wait3A_317 = arith.constant 0 : i32
          %dma_wait3A_318 = tpu.memref_slice %arg7[%dma_wait3A_316, %dma_wait3A_317] : memref<10112x128xf32, #tpu.memory_space<vmem_shared>> -> memref<10112x128xf32, #tpu.memory_space<vmem_shared>>
          tpu.wait_indirect_dma semaphore(%arg16 : memref<!tpu.dma_semaphore, #tpu.memory_space<semaphore_mem>>) src(%dma_wait3A_312 : memref<128x128xf32, #tpu.memory_space<vmem>>) dst(%dma_wait3A_318 : memref<10112x128xf32, #tpu.memory_space<vmem_shared>>)
        } else {
        }
        %add3A_171 = arith.constant 1 : i32
        %add3A_172 = arith.addi %add3A_165, %add3A_171 : i32
        %lt3A_173 = arith.constant 80 : i32
        %lt3A_174 = arith.cmpi slt, %add3A_172, %lt3A_173 : i32
        %convert_element_type3A_175 = arith.extui %lt3A_174 : i1 to i32
        %cond3A_176 = arith.constant 0 : i32
        %cond3A_177 = arith.cmpi ne, %convert_element_type3A_175, %cond3A_176 : i32
        scf.if %cond3A_177 {
          %add3A_305 = arith.constant 1 : i32
          %add3A_306 = arith.addi %add3A_165, %add3A_305 : i32
          %dma_wait3A_307 = arith.constant 2 : i32
          %dma_wait3A_308 = arith.constant 0 : i32
          %dma_wait3A_309 = arith.constant 0 : i32
          %dma_wait3A_310 = tpu.memref_slice %arg8[%dma_wait3A_307, %dma_wait3A_308, %dma_wait3A_309] : memref<4x2x128xi32, #tpu.memory_space<vmem>> -> memref<1x2x128xi32, #tpu.memory_space<vmem>>
          %dma_wait3A_311 = tpu.memref_squeeze %dma_wait3A_310 : memref<1x2x128xi32, #tpu.memory_space<vmem>> -> memref<2x128xi32, #tpu.memory_space<vmem>>
          %dma_wait3A_312 = arith.constant 0 : i32
          %dma_wait3A_313 = arith.constant 0 : i32
          %dma_wait3A_314 = tpu.memref_slice %arg4[%arg1, %add3A_306, %dma_wait3A_312, %dma_wait3A_313] : memref<16x80x2x128xi32, #tpu.memory_space<hbm>> -> memref<1x1x2x128xi32, #tpu.memory_space<hbm>>
          %dma_wait3A_315 = tpu.memref_squeeze %dma_wait3A_314 : memref<1x1x2x128xi32, #tpu.memory_space<hbm>> -> memref<2x128xi32, #tpu.memory_space<hbm>>
          %dma_wait3A_316 = arith.constant 0 : i32
          %dma_wait3A_317 = arith.constant 0 : i32
          %dma_wait3A_318 = tpu.memref_slice %arg8[%dma_wait3A_307, %dma_wait3A_316, %dma_wait3A_317] : memref<4x2x128xi32, #tpu.memory_space<vmem>> -> memref<1x2x128xi32, #tpu.memory_space<vmem>>
          %dma_wait3A_319 = tpu.memref_squeeze %dma_wait3A_318 : memref<1x2x128xi32, #tpu.memory_space<vmem>> -> memref<2x128xi32, #tpu.memory_space<vmem>>
          %dma_wait3A_320 = arith.constant 0 : i32
          %dma_wait3A_321 = arith.constant 0 : i32
          %dma_wait3A_322 = tpu.memref_slice %arg4[%arg1, %add3A_306, %dma_wait3A_320, %dma_wait3A_321] : memref<16x80x2x128xi32, #tpu.memory_space<hbm>> -> memref<1x1x2x128xi32, #tpu.memory_space<hbm>>
          %dma_wait3A_323 = tpu.memref_squeeze %dma_wait3A_322 : memref<1x1x2x128xi32, #tpu.memory_space<hbm>> -> memref<2x128xi32, #tpu.memory_space<hbm>>
          tpu.wait_dma2 semaphore(%arg12 : memref<!tpu.dma_semaphore, #tpu.memory_space<semaphore_mem>>) src(%dma_wait3A_323 : memref<2x128xi32, #tpu.memory_space<hbm>>) dst(%dma_wait3A_319 : memref<2x128xi32, #tpu.memory_space<vmem>>)
          %add3A_324 = arith.constant 1 : i32
          %add3A_325 = arith.addi %add3A_165, %add3A_324 : i32
          %dma_start3A_326 = arith.constant 2 : i32
          %dma_start3A_327 = arith.constant 0 : i32
          %dma_start3A_328 = arith.constant 0 : i32
          %dma_start3A_329 = arith.constant 0 : i32
          %dma_start3A_330 = arith.constant 0 : i32
          %dma_start3A_331 = tpu.memref_slice %arg9[%dma_start3A_328, %dma_start3A_329, %dma_start3A_330] : memref<2x128x128xf32, #tpu.memory_space<vmem>> -> memref<1x128x128xf32, #tpu.memory_space<vmem>>
          %dma_start3A_332 = tpu.memref_squeeze %dma_start3A_331 : memref<1x128x128xf32, #tpu.memory_space<vmem>> -> memref<128x128xf32, #tpu.memory_space<vmem>>
          %dma_start3A_333 = arith.constant 0 : i32
          %dma_start3A_334 = tpu.memref_slice %arg8[%dma_start3A_326, %dma_start3A_327, %dma_start3A_333] : memref<4x2x128xi32, #tpu.memory_space<vmem>> -> memref<1x1x128xi32, #tpu.memory_space<vmem>>
          %dma_start3A_335 = tpu.memref_squeeze %dma_start3A_334 : memref<1x1x128xi32, #tpu.memory_space<vmem>> -> memref<128xi32, #tpu.memory_space<vmem>>
          %dma_start3A_336 = arith.constant 0 : i32
          %dma_start3A_337 = arith.constant 0 : i32
          %dma_start3A_338 = tpu.memref_slice %arg2[%dma_start3A_336, %dma_start3A_337] : memref<10000x128xf32, #tpu.memory_space<hbm>> -> memref<10000x128xf32, #tpu.memory_space<hbm>>
          tpu.enqueue_indirect_dma source(%dma_start3A_338 : memref<10000x128xf32, #tpu.memory_space<hbm>>) target(%dma_start3A_332 : memref<128x128xf32, #tpu.memory_space<vmem>>) offsets(%dma_start3A_335 : memref<128xi32, #tpu.memory_space<vmem>>) semaphore(%arg14 : memref<!tpu.dma_semaphore, #tpu.memory_space<semaphore_mem>>)
        } else {
        }
        %dma_wait3A_178 = arith.constant 1 : i32
        %dma_wait3A_179 = arith.constant 0 : i32
        %dma_wait3A_180 = arith.constant 1 : i32
        %dma_wait3A_181 = arith.constant 0 : i32
        %dma_wait3A_182 = arith.constant 0 : i32
        %dma_wait3A_183 = tpu.memref_slice %arg9[%dma_wait3A_180, %dma_wait3A_181, %dma_wait3A_182] : memref<2x128x128xf32, #tpu.memory_space<vmem>> -> memref<1x128x128xf32, #tpu.memory_space<vmem>>
        %dma_wait3A_184 = tpu.memref_squeeze %dma_wait3A_183 : memref<1x128x128xf32, #tpu.memory_space<vmem>> -> memref<128x128xf32, #tpu.memory_space<vmem>>
        %dma_wait3A_185 = arith.constant 0 : i32
        %dma_wait3A_186 = tpu.memref_slice %arg8[%dma_wait3A_178, %dma_wait3A_179, %dma_wait3A_185] : memref<4x2x128xi32, #tpu.memory_space<vmem>> -> memref<1x1x128xi32, #tpu.memory_space<vmem>>
        %dma_wait3A_187 = tpu.memref_squeeze %dma_wait3A_186 : memref<1x1x128xi32, #tpu.memory_space<vmem>> -> memref<128xi32, #tpu.memory_space<vmem>>
        %dma_wait3A_188 = arith.constant 0 : i32
        %dma_wait3A_189 = arith.constant 0 : i32
        %dma_wait3A_190 = tpu.memref_slice %arg2[%dma_wait3A_188, %dma_wait3A_189] : memref<10000x128xf32, #tpu.memory_space<hbm>> -> memref<10000x128xf32, #tpu.memory_space<hbm>>
        tpu.wait_indirect_dma semaphore(%arg15 : memref<!tpu.dma_semaphore, #tpu.memory_space<semaphore_mem>>) src(%dma_wait3A_190 : memref<10000x128xf32, #tpu.memory_space<hbm>>) dst(%dma_wait3A_184 : memref<128x128xf32, #tpu.memory_space<vmem>>)
        %dma_start3A_191 = arith.constant 1 : i32
        %dma_start3A_192 = arith.constant 1 : i32
        %dma_start3A_193 = arith.constant 1 : i32
        %dma_start3A_194 = arith.constant 0 : i32
        %dma_start3A_195 = arith.constant 0 : i32
        %dma_start3A_196 = tpu.memref_slice %arg9[%dma_start3A_191, %dma_start3A_194, %dma_start3A_195] : memref<2x128x128xf32, #tpu.memory_space<vmem>> -> memref<1x128x128xf32, #tpu.memory_space<vmem>>
        %dma_start3A_197 = tpu.memref_squeeze %dma_start3A_196 : memref<1x128x128xf32, #tpu.memory_space<vmem>> -> memref<128x128xf32, #tpu.memory_space<vmem>>
        %dma_start3A_198 = arith.constant 0 : i32
        %dma_start3A_199 = tpu.memref_slice %arg8[%dma_start3A_192, %dma_start3A_193, %dma_start3A_198] : memref<4x2x128xi32, #tpu.memory_space<vmem>> -> memref<1x1x128xi32, #tpu.memory_space<vmem>>
        %dma_start3A_200 = tpu.memref_squeeze %dma_start3A_199 : memref<1x1x128xi32, #tpu.memory_space<vmem>> -> memref<128xi32, #tpu.memory_space<vmem>>
        %dma_start3A_201 = arith.constant 0 : i32
        %dma_start3A_202 = arith.constant 0 : i32
        %dma_start3A_203 = tpu.memref_slice %arg7[%dma_start3A_201, %dma_start3A_202] : memref<10112x128xf32, #tpu.memory_space<vmem_shared>> -> memref<10112x128xf32, #tpu.memory_space<vmem_shared>>
        tpu.enqueue_indirect_dma source(%dma_start3A_197 : memref<128x128xf32, #tpu.memory_space<vmem>>) target(%dma_start3A_203 : memref<10112x128xf32, #tpu.memory_space<vmem_shared>>) offsets(%dma_start3A_200 : memref<128xi32, #tpu.memory_space<vmem>>) semaphore(%arg17 : memref<!tpu.dma_semaphore, #tpu.memory_space<semaphore_mem>>) {add = true}
        %add3A_204 = arith.constant 3 : i32
        %add3A_205 = arith.addi %add3A_165, %add3A_204 : i32
        %lt3A_206 = arith.constant 80 : i32
        %lt3A_207 = arith.cmpi slt, %add3A_205, %lt3A_206 : i32
        %convert_element_type3A_208 = arith.extui %lt3A_207 : i1 to i32
        %cond3A_209 = arith.constant 0 : i32
        %cond3A_210 = arith.cmpi ne, %convert_element_type3A_208, %cond3A_209 : i32
        scf.if %cond3A_210 {
          %add3A_305 = arith.constant 3 : i32
          %add3A_306 = arith.addi %add3A_165, %add3A_305 : i32
          %dma_start3A_307 = arith.constant 0 : i32
          %dma_start3A_308 = arith.constant 0 : i32
          %dma_start3A_309 = arith.constant 0 : i32
          %dma_start3A_310 = tpu.memref_slice %arg8[%dma_start3A_307, %dma_start3A_308, %dma_start3A_309] : memref<4x2x128xi32, #tpu.memory_space<vmem>> -> memref<1x2x128xi32, #tpu.memory_space<vmem>>
          %dma_start3A_311 = tpu.memref_squeeze %dma_start3A_310 : memref<1x2x128xi32, #tpu.memory_space<vmem>> -> memref<2x128xi32, #tpu.memory_space<vmem>>
          %dma_start3A_312 = arith.constant 0 : i32
          %dma_start3A_313 = arith.constant 0 : i32
          %dma_start3A_314 = tpu.memref_slice %arg4[%arg1, %add3A_306, %dma_start3A_312, %dma_start3A_313] : memref<16x80x2x128xi32, #tpu.memory_space<hbm>> -> memref<1x1x2x128xi32, #tpu.memory_space<hbm>>
          %dma_start3A_315 = tpu.memref_squeeze %dma_start3A_314 : memref<1x1x2x128xi32, #tpu.memory_space<hbm>> -> memref<2x128xi32, #tpu.memory_space<hbm>>
          %dma_start3A_316 = arith.constant 0 : i32
          %dma_start3A_317 = arith.constant 0 : i32
          %dma_start3A_318 = tpu.memref_slice %arg8[%dma_start3A_307, %dma_start3A_316, %dma_start3A_317] : memref<4x2x128xi32, #tpu.memory_space<vmem>> -> memref<1x2x128xi32, #tpu.memory_space<vmem>>
          %dma_start3A_319 = tpu.memref_squeeze %dma_start3A_318 : memref<1x2x128xi32, #tpu.memory_space<vmem>> -> memref<2x128xi32, #tpu.memory_space<vmem>>
          %dma_start3A_320 = arith.constant 0 : i32
          %dma_start3A_321 = arith.constant 0 : i32
          %dma_start3A_322 = tpu.memref_slice %arg4[%arg1, %add3A_306, %dma_start3A_320, %dma_start3A_321] : memref<16x80x2x128xi32, #tpu.memory_space<hbm>> -> memref<1x1x2x128xi32, #tpu.memory_space<hbm>>
          %dma_start3A_323 = tpu.memref_squeeze %dma_start3A_322 : memref<1x1x2x128xi32, #tpu.memory_space<hbm>> -> memref<2x128xi32, #tpu.memory_space<hbm>>
          tpu.enqueue_dma source(%dma_start3A_323 : memref<2x128xi32, #tpu.memory_space<hbm>>) target(%dma_start3A_319 : memref<2x128xi32, #tpu.memory_space<vmem>>) target_semaphore(%arg10 : memref<!tpu.dma_semaphore, #tpu.memory_space<semaphore_mem>>)
        } else {
        }
        %add3A_211 = arith.constant 2 : i32
        %add3A_212 = arith.addi %add3A_118, %add3A_211 : i32
        %ge3A_213 = arith.constant 1 : i32
        %ge3A_214 = arith.cmpi sge, %add3A_212, %ge3A_213 : i32
        %convert_element_type3A_215 = arith.extui %ge3A_214 : i1 to i32
        %cond3A_216 = arith.constant 0 : i32
        %cond3A_217 = arith.cmpi ne, %convert_element_type3A_215, %cond3A_216 : i32
        scf.if %cond3A_217 {
          %sub3A = arith.constant 1 : i32
          %sub3A_305 = arith.subi %add3A_212, %sub3A : i32
          %dma_wait3A_306 = arith.constant 1 : i32
          %dma_wait3A_307 = arith.constant 1 : i32
          %dma_wait3A_308 = arith.constant 1 : i32
          %dma_wait3A_309 = arith.constant 0 : i32
          %dma_wait3A_310 = arith.constant 0 : i32
          %dma_wait3A_311 = tpu.memref_slice %arg9[%dma_wait3A_306, %dma_wait3A_309, %dma_wait3A_310] : memref<2x128x128xf32, #tpu.memory_space<vmem>> -> memref<1x128x128xf32, #tpu.memory_space<vmem>>
          %dma_wait3A_312 = tpu.memref_squeeze %dma_wait3A_311 : memref<1x128x128xf32, #tpu.memory_space<vmem>> -> memref<128x128xf32, #tpu.memory_space<vmem>>
          %dma_wait3A_313 = arith.constant 0 : i32
          %dma_wait3A_314 = tpu.memref_slice %arg8[%dma_wait3A_307, %dma_wait3A_308, %dma_wait3A_313] : memref<4x2x128xi32, #tpu.memory_space<vmem>> -> memref<1x1x128xi32, #tpu.memory_space<vmem>>
          %dma_wait3A_315 = tpu.memref_squeeze %dma_wait3A_314 : memref<1x1x128xi32, #tpu.memory_space<vmem>> -> memref<128xi32, #tpu.memory_space<vmem>>
          %dma_wait3A_316 = arith.constant 0 : i32
          %dma_wait3A_317 = arith.constant 0 : i32
          %dma_wait3A_318 = tpu.memref_slice %arg7[%dma_wait3A_316, %dma_wait3A_317] : memref<10112x128xf32, #tpu.memory_space<vmem_shared>> -> memref<10112x128xf32, #tpu.memory_space<vmem_shared>>
          tpu.wait_indirect_dma semaphore(%arg17 : memref<!tpu.dma_semaphore, #tpu.memory_space<semaphore_mem>>) src(%dma_wait3A_312 : memref<128x128xf32, #tpu.memory_space<vmem>>) dst(%dma_wait3A_318 : memref<10112x128xf32, #tpu.memory_space<vmem_shared>>)
        } else {
        }
        %add3A_218 = arith.constant 1 : i32
        %add3A_219 = arith.addi %add3A_212, %add3A_218 : i32
        %lt3A_220 = arith.constant 80 : i32
        %lt3A_221 = arith.cmpi slt, %add3A_219, %lt3A_220 : i32
        %convert_element_type3A_222 = arith.extui %lt3A_221 : i1 to i32
        %cond3A_223 = arith.constant 0 : i32
        %cond3A_224 = arith.cmpi ne, %convert_element_type3A_222, %cond3A_223 : i32
        scf.if %cond3A_224 {
          %add3A_305 = arith.constant 1 : i32
          %add3A_306 = arith.addi %add3A_212, %add3A_305 : i32
          %dma_wait3A_307 = arith.constant 3 : i32
          %dma_wait3A_308 = arith.constant 0 : i32
          %dma_wait3A_309 = arith.constant 0 : i32
          %dma_wait3A_310 = tpu.memref_slice %arg8[%dma_wait3A_307, %dma_wait3A_308, %dma_wait3A_309] : memref<4x2x128xi32, #tpu.memory_space<vmem>> -> memref<1x2x128xi32, #tpu.memory_space<vmem>>
          %dma_wait3A_311 = tpu.memref_squeeze %dma_wait3A_310 : memref<1x2x128xi32, #tpu.memory_space<vmem>> -> memref<2x128xi32, #tpu.memory_space<vmem>>
          %dma_wait3A_312 = arith.constant 0 : i32
          %dma_wait3A_313 = arith.constant 0 : i32
          %dma_wait3A_314 = tpu.memref_slice %arg4[%arg1, %add3A_306, %dma_wait3A_312, %dma_wait3A_313] : memref<16x80x2x128xi32, #tpu.memory_space<hbm>> -> memref<1x1x2x128xi32, #tpu.memory_space<hbm>>
          %dma_wait3A_315 = tpu.memref_squeeze %dma_wait3A_314 : memref<1x1x2x128xi32, #tpu.memory_space<hbm>> -> memref<2x128xi32, #tpu.memory_space<hbm>>
          %dma_wait3A_316 = arith.constant 0 : i32
          %dma_wait3A_317 = arith.constant 0 : i32
          %dma_wait3A_318 = tpu.memref_slice %arg8[%dma_wait3A_307, %dma_wait3A_316, %dma_wait3A_317] : memref<4x2x128xi32, #tpu.memory_space<vmem>> -> memref<1x2x128xi32, #tpu.memory_space<vmem>>
          %dma_wait3A_319 = tpu.memref_squeeze %dma_wait3A_318 : memref<1x2x128xi32, #tpu.memory_space<vmem>> -> memref<2x128xi32, #tpu.memory_space<vmem>>
          %dma_wait3A_320 = arith.constant 0 : i32
          %dma_wait3A_321 = arith.constant 0 : i32
          %dma_wait3A_322 = tpu.memref_slice %arg4[%arg1, %add3A_306, %dma_wait3A_320, %dma_wait3A_321] : memref<16x80x2x128xi32, #tpu.memory_space<hbm>> -> memref<1x1x2x128xi32, #tpu.memory_space<hbm>>
          %dma_wait3A_323 = tpu.memref_squeeze %dma_wait3A_322 : memref<1x1x2x128xi32, #tpu.memory_space<hbm>> -> memref<2x128xi32, #tpu.memory_space<hbm>>
          tpu.wait_dma2 semaphore(%arg13 : memref<!tpu.dma_semaphore, #tpu.memory_space<semaphore_mem>>) src(%dma_wait3A_323 : memref<2x128xi32, #tpu.memory_space<hbm>>) dst(%dma_wait3A_319 : memref<2x128xi32, #tpu.memory_space<vmem>>)
          %add3A_324 = arith.constant 1 : i32
          %add3A_325 = arith.addi %add3A_212, %add3A_324 : i32
          %dma_start3A_326 = arith.constant 3 : i32
          %dma_start3A_327 = arith.constant 0 : i32
          %dma_start3A_328 = arith.constant 1 : i32
          %dma_start3A_329 = arith.constant 0 : i32
          %dma_start3A_330 = arith.constant 0 : i32
          %dma_start3A_331 = tpu.memref_slice %arg9[%dma_start3A_328, %dma_start3A_329, %dma_start3A_330] : memref<2x128x128xf32, #tpu.memory_space<vmem>> -> memref<1x128x128xf32, #tpu.memory_space<vmem>>
          %dma_start3A_332 = tpu.memref_squeeze %dma_start3A_331 : memref<1x128x128xf32, #tpu.memory_space<vmem>> -> memref<128x128xf32, #tpu.memory_space<vmem>>
          %dma_start3A_333 = arith.constant 0 : i32
          %dma_start3A_334 = tpu.memref_slice %arg8[%dma_start3A_326, %dma_start3A_327, %dma_start3A_333] : memref<4x2x128xi32, #tpu.memory_space<vmem>> -> memref<1x1x128xi32, #tpu.memory_space<vmem>>
          %dma_start3A_335 = tpu.memref_squeeze %dma_start3A_334 : memref<1x1x128xi32, #tpu.memory_space<vmem>> -> memref<128xi32, #tpu.memory_space<vmem>>
          %dma_start3A_336 = arith.constant 0 : i32
          %dma_start3A_337 = arith.constant 0 : i32
          %dma_start3A_338 = tpu.memref_slice %arg2[%dma_start3A_336, %dma_start3A_337] : memref<10000x128xf32, #tpu.memory_space<hbm>> -> memref<10000x128xf32, #tpu.memory_space<hbm>>
          tpu.enqueue_indirect_dma source(%dma_start3A_338 : memref<10000x128xf32, #tpu.memory_space<hbm>>) target(%dma_start3A_332 : memref<128x128xf32, #tpu.memory_space<vmem>>) offsets(%dma_start3A_335 : memref<128xi32, #tpu.memory_space<vmem>>) semaphore(%arg15 : memref<!tpu.dma_semaphore, #tpu.memory_space<semaphore_mem>>)
        } else {
        }
        %dma_wait3A_225 = arith.constant 2 : i32
        %dma_wait3A_226 = arith.constant 0 : i32
        %dma_wait3A_227 = arith.constant 0 : i32
        %dma_wait3A_228 = arith.constant 0 : i32
        %dma_wait3A_229 = arith.constant 0 : i32
        %dma_wait3A_230 = tpu.memref_slice %arg9[%dma_wait3A_227, %dma_wait3A_228, %dma_wait3A_229] : memref<2x128x128xf32, #tpu.memory_space<vmem>> -> memref<1x128x128xf32, #tpu.memory_space<vmem>>
        %dma_wait3A_231 = tpu.memref_squeeze %dma_wait3A_230 : memref<1x128x128xf32, #tpu.memory_space<vmem>> -> memref<128x128xf32, #tpu.memory_space<vmem>>
        %dma_wait3A_232 = arith.constant 0 : i32
        %dma_wait3A_233 = tpu.memref_slice %arg8[%dma_wait3A_225, %dma_wait3A_226, %dma_wait3A_232] : memref<4x2x128xi32, #tpu.memory_space<vmem>> -> memref<1x1x128xi32, #tpu.memory_space<vmem>>
        %dma_wait3A_234 = tpu.memref_squeeze %dma_wait3A_233 : memref<1x1x128xi32, #tpu.memory_space<vmem>> -> memref<128xi32, #tpu.memory_space<vmem>>
        %dma_wait3A_235 = arith.constant 0 : i32
        %dma_wait3A_236 = arith.constant 0 : i32
        %dma_wait3A_237 = tpu.memref_slice %arg2[%dma_wait3A_235, %dma_wait3A_236] : memref<10000x128xf32, #tpu.memory_space<hbm>> -> memref<10000x128xf32, #tpu.memory_space<hbm>>
        tpu.wait_indirect_dma semaphore(%arg14 : memref<!tpu.dma_semaphore, #tpu.memory_space<semaphore_mem>>) src(%dma_wait3A_237 : memref<10000x128xf32, #tpu.memory_space<hbm>>) dst(%dma_wait3A_231 : memref<128x128xf32, #tpu.memory_space<vmem>>)
        %dma_start3A_238 = arith.constant 0 : i32
        %dma_start3A_239 = arith.constant 2 : i32
        %dma_start3A_240 = arith.constant 1 : i32
        %dma_start3A_241 = arith.constant 0 : i32
        %dma_start3A_242 = arith.constant 0 : i32
        %dma_start3A_243 = tpu.memref_slice %arg9[%dma_start3A_238, %dma_start3A_241, %dma_start3A_242] : memref<2x128x128xf32, #tpu.memory_space<vmem>> -> memref<1x128x128xf32, #tpu.memory_space<vmem>>
        %dma_start3A_244 = tpu.memref_squeeze %dma_start3A_243 : memref<1x128x128xf32, #tpu.memory_space<vmem>> -> memref<128x128xf32, #tpu.memory_space<vmem>>
        %dma_start3A_245 = arith.constant 0 : i32
        %dma_start3A_246 = tpu.memref_slice %arg8[%dma_start3A_239, %dma_start3A_240, %dma_start3A_245] : memref<4x2x128xi32, #tpu.memory_space<vmem>> -> memref<1x1x128xi32, #tpu.memory_space<vmem>>
        %dma_start3A_247 = tpu.memref_squeeze %dma_start3A_246 : memref<1x1x128xi32, #tpu.memory_space<vmem>> -> memref<128xi32, #tpu.memory_space<vmem>>
        %dma_start3A_248 = arith.constant 0 : i32
        %dma_start3A_249 = arith.constant 0 : i32
        %dma_start3A_250 = tpu.memref_slice %arg7[%dma_start3A_248, %dma_start3A_249] : memref<10112x128xf32, #tpu.memory_space<vmem_shared>> -> memref<10112x128xf32, #tpu.memory_space<vmem_shared>>
        tpu.enqueue_indirect_dma source(%dma_start3A_244 : memref<128x128xf32, #tpu.memory_space<vmem>>) target(%dma_start3A_250 : memref<10112x128xf32, #tpu.memory_space<vmem_shared>>) offsets(%dma_start3A_247 : memref<128xi32, #tpu.memory_space<vmem>>) semaphore(%arg16 : memref<!tpu.dma_semaphore, #tpu.memory_space<semaphore_mem>>) {add = true}
        %add3A_251 = arith.constant 3 : i32
        %add3A_252 = arith.addi %add3A_212, %add3A_251 : i32
        %lt3A_253 = arith.constant 80 : i32
        %lt3A_254 = arith.cmpi slt, %add3A_252, %lt3A_253 : i32
        %convert_element_type3A_255 = arith.extui %lt3A_254 : i1 to i32
        %cond3A_256 = arith.constant 0 : i32
        %cond3A_257 = arith.cmpi ne, %convert_element_type3A_255, %cond3A_256 : i32
        scf.if %cond3A_257 {
          %add3A_305 = arith.constant 3 : i32
          %add3A_306 = arith.addi %add3A_212, %add3A_305 : i32
          %dma_start3A_307 = arith.constant 1 : i32
          %dma_start3A_308 = arith.constant 0 : i32
          %dma_start3A_309 = arith.constant 0 : i32
          %dma_start3A_310 = tpu.memref_slice %arg8[%dma_start3A_307, %dma_start3A_308, %dma_start3A_309] : memref<4x2x128xi32, #tpu.memory_space<vmem>> -> memref<1x2x128xi32, #tpu.memory_space<vmem>>
          %dma_start3A_311 = tpu.memref_squeeze %dma_start3A_310 : memref<1x2x128xi32, #tpu.memory_space<vmem>> -> memref<2x128xi32, #tpu.memory_space<vmem>>
          %dma_start3A_312 = arith.constant 0 : i32
          %dma_start3A_313 = arith.constant 0 : i32
          %dma_start3A_314 = tpu.memref_slice %arg4[%arg1, %add3A_306, %dma_start3A_312, %dma_start3A_313] : memref<16x80x2x128xi32, #tpu.memory_space<hbm>> -> memref<1x1x2x128xi32, #tpu.memory_space<hbm>>
          %dma_start3A_315 = tpu.memref_squeeze %dma_start3A_314 : memref<1x1x2x128xi32, #tpu.memory_space<hbm>> -> memref<2x128xi32, #tpu.memory_space<hbm>>
          %dma_start3A_316 = arith.constant 0 : i32
          %dma_start3A_317 = arith.constant 0 : i32
          %dma_start3A_318 = tpu.memref_slice %arg8[%dma_start3A_307, %dma_start3A_316, %dma_start3A_317] : memref<4x2x128xi32, #tpu.memory_space<vmem>> -> memref<1x2x128xi32, #tpu.memory_space<vmem>>
          %dma_start3A_319 = tpu.memref_squeeze %dma_start3A_318 : memref<1x2x128xi32, #tpu.memory_space<vmem>> -> memref<2x128xi32, #tpu.memory_space<vmem>>
          %dma_start3A_320 = arith.constant 0 : i32
          %dma_start3A_321 = arith.constant 0 : i32
          %dma_start3A_322 = tpu.memref_slice %arg4[%arg1, %add3A_306, %dma_start3A_320, %dma_start3A_321] : memref<16x80x2x128xi32, #tpu.memory_space<hbm>> -> memref<1x1x2x128xi32, #tpu.memory_space<hbm>>
          %dma_start3A_323 = tpu.memref_squeeze %dma_start3A_322 : memref<1x1x2x128xi32, #tpu.memory_space<hbm>> -> memref<2x128xi32, #tpu.memory_space<hbm>>
          tpu.enqueue_dma source(%dma_start3A_323 : memref<2x128xi32, #tpu.memory_space<hbm>>) target(%dma_start3A_319 : memref<2x128xi32, #tpu.memory_space<vmem>>) target_semaphore(%arg11 : memref<!tpu.dma_semaphore, #tpu.memory_space<semaphore_mem>>)
        } else {
        }
        %add3A_258 = arith.constant 3 : i32
        %add3A_259 = arith.addi %add3A_118, %add3A_258 : i32
        %ge3A_260 = arith.constant 1 : i32
        %ge3A_261 = arith.cmpi sge, %add3A_259, %ge3A_260 : i32
        %convert_element_type3A_262 = arith.extui %ge3A_261 : i1 to i32
        %cond3A_263 = arith.constant 0 : i32
        %cond3A_264 = arith.cmpi ne, %convert_element_type3A_262, %cond3A_263 : i32
        scf.if %cond3A_264 {
          %sub3A = arith.constant 1 : i32
          %sub3A_305 = arith.subi %add3A_259, %sub3A : i32
          %dma_wait3A_306 = arith.constant 0 : i32
          %dma_wait3A_307 = arith.constant 2 : i32
          %dma_wait3A_308 = arith.constant 1 : i32
          %dma_wait3A_309 = arith.constant 0 : i32
          %dma_wait3A_310 = arith.constant 0 : i32
          %dma_wait3A_311 = tpu.memref_slice %arg9[%dma_wait3A_306, %dma_wait3A_309, %dma_wait3A_310] : memref<2x128x128xf32, #tpu.memory_space<vmem>> -> memref<1x128x128xf32, #tpu.memory_space<vmem>>
          %dma_wait3A_312 = tpu.memref_squeeze %dma_wait3A_311 : memref<1x128x128xf32, #tpu.memory_space<vmem>> -> memref<128x128xf32, #tpu.memory_space<vmem>>
          %dma_wait3A_313 = arith.constant 0 : i32
          %dma_wait3A_314 = tpu.memref_slice %arg8[%dma_wait3A_307, %dma_wait3A_308, %dma_wait3A_313] : memref<4x2x128xi32, #tpu.memory_space<vmem>> -> memref<1x1x128xi32, #tpu.memory_space<vmem>>
          %dma_wait3A_315 = tpu.memref_squeeze %dma_wait3A_314 : memref<1x1x128xi32, #tpu.memory_space<vmem>> -> memref<128xi32, #tpu.memory_space<vmem>>
          %dma_wait3A_316 = arith.constant 0 : i32
          %dma_wait3A_317 = arith.constant 0 : i32
          %dma_wait3A_318 = tpu.memref_slice %arg7[%dma_wait3A_316, %dma_wait3A_317] : memref<10112x128xf32, #tpu.memory_space<vmem_shared>> -> memref<10112x128xf32, #tpu.memory_space<vmem_shared>>
          tpu.wait_indirect_dma semaphore(%arg16 : memref<!tpu.dma_semaphore, #tpu.memory_space<semaphore_mem>>) src(%dma_wait3A_312 : memref<128x128xf32, #tpu.memory_space<vmem>>) dst(%dma_wait3A_318 : memref<10112x128xf32, #tpu.memory_space<vmem_shared>>)
        } else {
        }
        %add3A_265 = arith.constant 1 : i32
        %add3A_266 = arith.addi %add3A_259, %add3A_265 : i32
        %lt3A_267 = arith.constant 80 : i32
        %lt3A_268 = arith.cmpi slt, %add3A_266, %lt3A_267 : i32
        %convert_element_type3A_269 = arith.extui %lt3A_268 : i1 to i32
        %cond3A_270 = arith.constant 0 : i32
        %cond3A_271 = arith.cmpi ne, %convert_element_type3A_269, %cond3A_270 : i32
        scf.if %cond3A_271 {
          %add3A_305 = arith.constant 1 : i32
          %add3A_306 = arith.addi %add3A_259, %add3A_305 : i32
          %dma_wait3A_307 = arith.constant 0 : i32
          %dma_wait3A_308 = arith.constant 0 : i32
          %dma_wait3A_309 = arith.constant 0 : i32
          %dma_wait3A_310 = tpu.memref_slice %arg8[%dma_wait3A_307, %dma_wait3A_308, %dma_wait3A_309] : memref<4x2x128xi32, #tpu.memory_space<vmem>> -> memref<1x2x128xi32, #tpu.memory_space<vmem>>
          %dma_wait3A_311 = tpu.memref_squeeze %dma_wait3A_310 : memref<1x2x128xi32, #tpu.memory_space<vmem>> -> memref<2x128xi32, #tpu.memory_space<vmem>>
          %dma_wait3A_312 = arith.constant 0 : i32
          %dma_wait3A_313 = arith.constant 0 : i32
          %dma_wait3A_314 = tpu.memref_slice %arg4[%arg1, %add3A_306, %dma_wait3A_312, %dma_wait3A_313] : memref<16x80x2x128xi32, #tpu.memory_space<hbm>> -> memref<1x1x2x128xi32, #tpu.memory_space<hbm>>
          %dma_wait3A_315 = tpu.memref_squeeze %dma_wait3A_314 : memref<1x1x2x128xi32, #tpu.memory_space<hbm>> -> memref<2x128xi32, #tpu.memory_space<hbm>>
          %dma_wait3A_316 = arith.constant 0 : i32
          %dma_wait3A_317 = arith.constant 0 : i32
          %dma_wait3A_318 = tpu.memref_slice %arg8[%dma_wait3A_307, %dma_wait3A_316, %dma_wait3A_317] : memref<4x2x128xi32, #tpu.memory_space<vmem>> -> memref<1x2x128xi32, #tpu.memory_space<vmem>>
          %dma_wait3A_319 = tpu.memref_squeeze %dma_wait3A_318 : memref<1x2x128xi32, #tpu.memory_space<vmem>> -> memref<2x128xi32, #tpu.memory_space<vmem>>
          %dma_wait3A_320 = arith.constant 0 : i32
          %dma_wait3A_321 = arith.constant 0 : i32
          %dma_wait3A_322 = tpu.memref_slice %arg4[%arg1, %add3A_306, %dma_wait3A_320, %dma_wait3A_321] : memref<16x80x2x128xi32, #tpu.memory_space<hbm>> -> memref<1x1x2x128xi32, #tpu.memory_space<hbm>>
          %dma_wait3A_323 = tpu.memref_squeeze %dma_wait3A_322 : memref<1x1x2x128xi32, #tpu.memory_space<hbm>> -> memref<2x128xi32, #tpu.memory_space<hbm>>
          tpu.wait_dma2 semaphore(%arg10 : memref<!tpu.dma_semaphore, #tpu.memory_space<semaphore_mem>>) src(%dma_wait3A_323 : memref<2x128xi32, #tpu.memory_space<hbm>>) dst(%dma_wait3A_319 : memref<2x128xi32, #tpu.memory_space<vmem>>)
          %add3A_324 = arith.constant 1 : i32
          %add3A_325 = arith.addi %add3A_259, %add3A_324 : i32
          %dma_start3A_326 = arith.constant 0 : i32
          %dma_start3A_327 = arith.constant 0 : i32
          %dma_start3A_328 = arith.constant 0 : i32
          %dma_start3A_329 = arith.constant 0 : i32
          %dma_start3A_330 = arith.constant 0 : i32
          %dma_start3A_331 = tpu.memref_slice %arg9[%dma_start3A_328, %dma_start3A_329, %dma_start3A_330] : memref<2x128x128xf32, #tpu.memory_space<vmem>> -> memref<1x128x128xf32, #tpu.memory_space<vmem>>
          %dma_start3A_332 = tpu.memref_squeeze %dma_start3A_331 : memref<1x128x128xf32, #tpu.memory_space<vmem>> -> memref<128x128xf32, #tpu.memory_space<vmem>>
          %dma_start3A_333 = arith.constant 0 : i32
          %dma_start3A_334 = tpu.memref_slice %arg8[%dma_start3A_326, %dma_start3A_327, %dma_start3A_333] : memref<4x2x128xi32, #tpu.memory_space<vmem>> -> memref<1x1x128xi32, #tpu.memory_space<vmem>>
          %dma_start3A_335 = tpu.memref_squeeze %dma_start3A_334 : memref<1x1x128xi32, #tpu.memory_space<vmem>> -> memref<128xi32, #tpu.memory_space<vmem>>
          %dma_start3A_336 = arith.constant 0 : i32
          %dma_start3A_337 = arith.constant 0 : i32
          %dma_start3A_338 = tpu.memref_slice %arg2[%dma_start3A_336, %dma_start3A_337] : memref<10000x128xf32, #tpu.memory_space<hbm>> -> memref<10000x128xf32, #tpu.memory_space<hbm>>
          tpu.enqueue_indirect_dma source(%dma_start3A_338 : memref<10000x128xf32, #tpu.memory_space<hbm>>) target(%dma_start3A_332 : memref<128x128xf32, #tpu.memory_space<vmem>>) offsets(%dma_start3A_335 : memref<128xi32, #tpu.memory_space<vmem>>) semaphore(%arg14 : memref<!tpu.dma_semaphore, #tpu.memory_space<semaphore_mem>>)
        } else {
        }
        %dma_wait3A_272 = arith.constant 3 : i32
        %dma_wait3A_273 = arith.constant 0 : i32
        %dma_wait3A_274 = arith.constant 1 : i32
        %dma_wait3A_275 = arith.constant 0 : i32
        %dma_wait3A_276 = arith.constant 0 : i32
        %dma_wait3A_277 = tpu.memref_slice %arg9[%dma_wait3A_274, %dma_wait3A_275, %dma_wait3A_276] : memref<2x128x128xf32, #tpu.memory_space<vmem>> -> memref<1x128x128xf32, #tpu.memory_space<vmem>>
        %dma_wait3A_278 = tpu.memref_squeeze %dma_wait3A_277 : memref<1x128x128xf32, #tpu.memory_space<vmem>> -> memref<128x128xf32, #tpu.memory_space<vmem>>
        %dma_wait3A_279 = arith.constant 0 : i32
        %dma_wait3A_280 = tpu.memref_slice %arg8[%dma_wait3A_272, %dma_wait3A_273, %dma_wait3A_279] : memref<4x2x128xi32, #tpu.memory_space<vmem>> -> memref<1x1x128xi32, #tpu.memory_space<vmem>>
        %dma_wait3A_281 = tpu.memref_squeeze %dma_wait3A_280 : memref<1x1x128xi32, #tpu.memory_space<vmem>> -> memref<128xi32, #tpu.memory_space<vmem>>
        %dma_wait3A_282 = arith.constant 0 : i32
        %dma_wait3A_283 = arith.constant 0 : i32
        %dma_wait3A_284 = tpu.memref_slice %arg2[%dma_wait3A_282, %dma_wait3A_283] : memref<10000x128xf32, #tpu.memory_space<hbm>> -> memref<10000x128xf32, #tpu.memory_space<hbm>>
        tpu.wait_indirect_dma semaphore(%arg15 : memref<!tpu.dma_semaphore, #tpu.memory_space<semaphore_mem>>) src(%dma_wait3A_284 : memref<10000x128xf32, #tpu.memory_space<hbm>>) dst(%dma_wait3A_278 : memref<128x128xf32, #tpu.memory_space<vmem>>)
        %dma_start3A_285 = arith.constant 1 : i32
        %dma_start3A_286 = arith.constant 3 : i32
        %dma_start3A_287 = arith.constant 1 : i32
        %dma_start3A_288 = arith.constant 0 : i32
        %dma_start3A_289 = arith.constant 0 : i32
        %dma_start3A_290 = tpu.memref_slice %arg9[%dma_start3A_285, %dma_start3A_288, %dma_start3A_289] : memref<2x128x128xf32, #tpu.memory_space<vmem>> -> memref<1x128x128xf32, #tpu.memory_space<vmem>>
        %dma_start3A_291 = tpu.memref_squeeze %dma_start3A_290 : memref<1x128x128xf32, #tpu.memory_space<vmem>> -> memref<128x128xf32, #tpu.memory_space<vmem>>
        %dma_start3A_292 = arith.constant 0 : i32
        %dma_start3A_293 = tpu.memref_slice %arg8[%dma_start3A_286, %dma_start3A_287, %dma_start3A_292] : memref<4x2x128xi32, #tpu.memory_space<vmem>> -> memref<1x1x128xi32, #tpu.memory_space<vmem>>
        %dma_start3A_294 = tpu.memref_squeeze %dma_start3A_293 : memref<1x1x128xi32, #tpu.memory_space<vmem>> -> memref<128xi32, #tpu.memory_space<vmem>>
        %dma_start3A_295 = arith.constant 0 : i32
        %dma_start3A_296 = arith.constant 0 : i32
        %dma_start3A_297 = tpu.memref_slice %arg7[%dma_start3A_295, %dma_start3A_296] : memref<10112x128xf32, #tpu.memory_space<vmem_shared>> -> memref<10112x128xf32, #tpu.memory_space<vmem_shared>>
        tpu.enqueue_indirect_dma source(%dma_start3A_291 : memref<128x128xf32, #tpu.memory_space<vmem>>) target(%dma_start3A_297 : memref<10112x128xf32, #tpu.memory_space<vmem_shared>>) offsets(%dma_start3A_294 : memref<128xi32, #tpu.memory_space<vmem>>) semaphore(%arg17 : memref<!tpu.dma_semaphore, #tpu.memory_space<semaphore_mem>>) {add = true}
        %add3A_298 = arith.constant 3 : i32
        %add3A_299 = arith.addi %add3A_259, %add3A_298 : i32
        %lt3A_300 = arith.constant 80 : i32
        %lt3A_301 = arith.cmpi slt, %add3A_299, %lt3A_300 : i32
        %convert_element_type3A_302 = arith.extui %lt3A_301 : i1 to i32
        %cond3A_303 = arith.constant 0 : i32
        %cond3A_304 = arith.cmpi ne, %convert_element_type3A_302, %cond3A_303 : i32
        scf.if %cond3A_304 {
          %add3A_305 = arith.constant 3 : i32
          %add3A_306 = arith.addi %add3A_259, %add3A_305 : i32
          %dma_start3A_307 = arith.constant 2 : i32
          %dma_start3A_308 = arith.constant 0 : i32
          %dma_start3A_309 = arith.constant 0 : i32
          %dma_start3A_310 = tpu.memref_slice %arg8[%dma_start3A_307, %dma_start3A_308, %dma_start3A_309] : memref<4x2x128xi32, #tpu.memory_space<vmem>> -> memref<1x2x128xi32, #tpu.memory_space<vmem>>
          %dma_start3A_311 = tpu.memref_squeeze %dma_start3A_310 : memref<1x2x128xi32, #tpu.memory_space<vmem>> -> memref<2x128xi32, #tpu.memory_space<vmem>>
          %dma_start3A_312 = arith.constant 0 : i32
          %dma_start3A_313 = arith.constant 0 : i32
          %dma_start3A_314 = tpu.memref_slice %arg4[%arg1, %add3A_306, %dma_start3A_312, %dma_start3A_313] : memref<16x80x2x128xi32, #tpu.memory_space<hbm>> -> memref<1x1x2x128xi32, #tpu.memory_space<hbm>>
          %dma_start3A_315 = tpu.memref_squeeze %dma_start3A_314 : memref<1x1x2x128xi32, #tpu.memory_space<hbm>> -> memref<2x128xi32, #tpu.memory_space<hbm>>
          %dma_start3A_316 = arith.constant 0 : i32
          %dma_start3A_317 = arith.constant 0 : i32
          %dma_start3A_318 = tpu.memref_slice %arg8[%dma_start3A_307, %dma_start3A_316, %dma_start3A_317] : memref<4x2x128xi32, #tpu.memory_space<vmem>> -> memref<1x2x128xi32, #tpu.memory_space<vmem>>
          %dma_start3A_319 = tpu.memref_squeeze %dma_start3A_318 : memref<1x2x128xi32, #tpu.memory_space<vmem>> -> memref<2x128xi32, #tpu.memory_space<vmem>>
          %dma_start3A_320 = arith.constant 0 : i32
          %dma_start3A_321 = arith.constant 0 : i32
          %dma_start3A_322 = tpu.memref_slice %arg4[%arg1, %add3A_306, %dma_start3A_320, %dma_start3A_321] : memref<16x80x2x128xi32, #tpu.memory_space<hbm>> -> memref<1x1x2x128xi32, #tpu.memory_space<hbm>>
          %dma_start3A_323 = tpu.memref_squeeze %dma_start3A_322 : memref<1x1x2x128xi32, #tpu.memory_space<hbm>> -> memref<2x128xi32, #tpu.memory_space<hbm>>
          tpu.enqueue_dma source(%dma_start3A_323 : memref<2x128xi32, #tpu.memory_space<hbm>>) target(%dma_start3A_319 : memref<2x128xi32, #tpu.memory_space<vmem>>) target_semaphore(%arg12 : memref<!tpu.dma_semaphore, #tpu.memory_space<semaphore_mem>>)
        } else {
        }
      }
      %scan3A_101 = arith.constant 20 : i32
      %dma_wait3A_102 = arith.constant 1 : i32
      %dma_wait3A_103 = arith.constant 3 : i32
      %dma_wait3A_104 = arith.constant 1 : i32
      %dma_wait3A_105 = arith.constant 0 : i32
      %dma_wait3A_106 = arith.constant 0 : i32
      %dma_wait3A_107 = tpu.memref_slice %arg9[%dma_wait3A_102, %dma_wait3A_105, %dma_wait3A_106] : memref<2x128x128xf32, #tpu.memory_space<vmem>> -> memref<1x128x128xf32, #tpu.memory_space<vmem>>
      %dma_wait3A_108 = tpu.memref_squeeze %dma_wait3A_107 : memref<1x128x128xf32, #tpu.memory_space<vmem>> -> memref<128x128xf32, #tpu.memory_space<vmem>>
      %dma_wait3A_109 = arith.constant 0 : i32
      %dma_wait3A_110 = tpu.memref_slice %arg8[%dma_wait3A_103, %dma_wait3A_104, %dma_wait3A_109] : memref<4x2x128xi32, #tpu.memory_space<vmem>> -> memref<1x1x128xi32, #tpu.memory_space<vmem>>
      %dma_wait3A_111 = tpu.memref_squeeze %dma_wait3A_110 : memref<1x1x128xi32, #tpu.memory_space<vmem>> -> memref<128xi32, #tpu.memory_space<vmem>>
      %dma_wait3A_112 = arith.constant 0 : i32
      %dma_wait3A_113 = arith.constant 0 : i32
      %dma_wait3A_114 = tpu.memref_slice %arg7[%dma_wait3A_112, %dma_wait3A_113] : memref<10112x128xf32, #tpu.memory_space<vmem_shared>> -> memref<10112x128xf32, #tpu.memory_space<vmem_shared>>
      tpu.wait_indirect_dma semaphore(%arg17 : memref<!tpu.dma_semaphore, #tpu.memory_space<semaphore_mem>>) src(%dma_wait3A_108 : memref<128x128xf32, #tpu.memory_space<vmem>>) dst(%dma_wait3A_114 : memref<10112x128xf32, #tpu.memory_space<vmem_shared>>)
    } else {
    }
    %eq3A_5 = arith.constant 1 : i32
    %eq3A_6 = arith.cmpi eq, %arg0, %eq3A_5 : i32
    %convert_element_type3A_7 = arith.extui %eq3A_6 : i1 to i32
    %cond3A_8 = arith.constant 0 : i32
    %cond3A_9 = arith.cmpi ne, %convert_element_type3A_7, %cond3A_8 : i32
    scf.if %cond3A_9 {
      %dma_start3A = arith.constant 0 : i32
      %dma_start3A_15 = arith.constant 0 : i32
      %dma_start3A_16 = arith.constant 0 : i32
      %dma_start3A_17 = arith.constant 0 : i32
      %dma_start3A_18 = tpu.memref_slice %arg8[%dma_start3A_15, %dma_start3A_16, %dma_start3A_17] : memref<4x2x128xi32, #tpu.memory_space<vmem>> -> memref<1x2x128xi32, #tpu.memory_space<vmem>>
      %dma_start3A_19 = tpu.memref_squeeze %dma_start3A_18 : memref<1x2x128xi32, #tpu.memory_space<vmem>> -> memref<2x128xi32, #tpu.memory_space<vmem>>
      %dma_start3A_20 = arith.constant 0 : i32
      %dma_start3A_21 = arith.constant 0 : i32
      %dma_start3A_22 = tpu.memref_slice %arg4[%arg1, %dma_start3A, %dma_start3A_20, %dma_start3A_21] : memref<16x80x2x128xi32, #tpu.memory_space<hbm>> -> memref<1x1x2x128xi32, #tpu.memory_space<hbm>>
      %dma_start3A_23 = tpu.memref_squeeze %dma_start3A_22 : memref<1x1x2x128xi32, #tpu.memory_space<hbm>> -> memref<2x128xi32, #tpu.memory_space<hbm>>
      %dma_start3A_24 = arith.constant 0 : i32
      %dma_start3A_25 = arith.constant 0 : i32
      %dma_start3A_26 = tpu.memref_slice %arg8[%dma_start3A_15, %dma_start3A_24, %dma_start3A_25] : memref<4x2x128xi32, #tpu.memory_space<vmem>> -> memref<1x2x128xi32, #tpu.memory_space<vmem>>
      %dma_start3A_27 = tpu.memref_squeeze %dma_start3A_26 : memref<1x2x128xi32, #tpu.memory_space<vmem>> -> memref<2x128xi32, #tpu.memory_space<vmem>>
      %dma_start3A_28 = arith.constant 0 : i32
      %dma_start3A_29 = arith.constant 0 : i32
      %dma_start3A_30 = tpu.memref_slice %arg4[%arg1, %dma_start3A, %dma_start3A_28, %dma_start3A_29] : memref<16x80x2x128xi32, #tpu.memory_space<hbm>> -> memref<1x1x2x128xi32, #tpu.memory_space<hbm>>
      %dma_start3A_31 = tpu.memref_squeeze %dma_start3A_30 : memref<1x1x2x128xi32, #tpu.memory_space<hbm>> -> memref<2x128xi32, #tpu.memory_space<hbm>>
      tpu.enqueue_dma source(%dma_start3A_31 : memref<2x128xi32, #tpu.memory_space<hbm>>) target(%dma_start3A_27 : memref<2x128xi32, #tpu.memory_space<vmem>>) target_semaphore(%arg10 : memref<!tpu.dma_semaphore, #tpu.memory_space<semaphore_mem>>)
      %dma_start3A_32 = arith.constant 1 : i32
      %dma_start3A_33 = arith.constant 1 : i32
      %dma_start3A_34 = arith.constant 0 : i32
      %dma_start3A_35 = arith.constant 0 : i32
      %dma_start3A_36 = tpu.memref_slice %arg8[%dma_start3A_33, %dma_start3A_34, %dma_start3A_35] : memref<4x2x128xi32, #tpu.memory_space<vmem>> -> memref<1x2x128xi32, #tpu.memory_space<vmem>>
      %dma_start3A_37 = tpu.memref_squeeze %dma_start3A_36 : memref<1x2x128xi32, #tpu.memory_space<vmem>> -> memref<2x128xi32, #tpu.memory_space<vmem>>
      %dma_start3A_38 = arith.constant 0 : i32
      %dma_start3A_39 = arith.constant 0 : i32
      %dma_start3A_40 = tpu.memref_slice %arg4[%arg1, %dma_start3A_32, %dma_start3A_38, %dma_start3A_39] : memref<16x80x2x128xi32, #tpu.memory_space<hbm>> -> memref<1x1x2x128xi32, #tpu.memory_space<hbm>>
      %dma_start3A_41 = tpu.memref_squeeze %dma_start3A_40 : memref<1x1x2x128xi32, #tpu.memory_space<hbm>> -> memref<2x128xi32, #tpu.memory_space<hbm>>
      %dma_start3A_42 = arith.constant 0 : i32
      %dma_start3A_43 = arith.constant 0 : i32
      %dma_start3A_44 = tpu.memref_slice %arg8[%dma_start3A_33, %dma_start3A_42, %dma_start3A_43] : memref<4x2x128xi32, #tpu.memory_space<vmem>> -> memref<1x2x128xi32, #tpu.memory_space<vmem>>
      %dma_start3A_45 = tpu.memref_squeeze %dma_start3A_44 : memref<1x2x128xi32, #tpu.memory_space<vmem>> -> memref<2x128xi32, #tpu.memory_space<vmem>>
      %dma_start3A_46 = arith.constant 0 : i32
      %dma_start3A_47 = arith.constant 0 : i32
      %dma_start3A_48 = tpu.memref_slice %arg4[%arg1, %dma_start3A_32, %dma_start3A_46, %dma_start3A_47] : memref<16x80x2x128xi32, #tpu.memory_space<hbm>> -> memref<1x1x2x128xi32, #tpu.memory_space<hbm>>
      %dma_start3A_49 = tpu.memref_squeeze %dma_start3A_48 : memref<1x1x2x128xi32, #tpu.memory_space<hbm>> -> memref<2x128xi32, #tpu.memory_space<hbm>>
      tpu.enqueue_dma source(%dma_start3A_49 : memref<2x128xi32, #tpu.memory_space<hbm>>) target(%dma_start3A_45 : memref<2x128xi32, #tpu.memory_space<vmem>>) target_semaphore(%arg11 : memref<!tpu.dma_semaphore, #tpu.memory_space<semaphore_mem>>)
      %dma_start3A_50 = arith.constant 2 : i32
      %dma_start3A_51 = arith.constant 2 : i32
      %dma_start3A_52 = arith.constant 0 : i32
      %dma_start3A_53 = arith.constant 0 : i32
      %dma_start3A_54 = tpu.memref_slice %arg8[%dma_start3A_51, %dma_start3A_52, %dma_start3A_53] : memref<4x2x128xi32, #tpu.memory_space<vmem>> -> memref<1x2x128xi32, #tpu.memory_space<vmem>>
      %dma_start3A_55 = tpu.memref_squeeze %dma_start3A_54 : memref<1x2x128xi32, #tpu.memory_space<vmem>> -> memref<2x128xi32, #tpu.memory_space<vmem>>
      %dma_start3A_56 = arith.constant 0 : i32
      %dma_start3A_57 = arith.constant 0 : i32
      %dma_start3A_58 = tpu.memref_slice %arg4[%arg1, %dma_start3A_50, %dma_start3A_56, %dma_start3A_57] : memref<16x80x2x128xi32, #tpu.memory_space<hbm>> -> memref<1x1x2x128xi32, #tpu.memory_space<hbm>>
      %dma_start3A_59 = tpu.memref_squeeze %dma_start3A_58 : memref<1x1x2x128xi32, #tpu.memory_space<hbm>> -> memref<2x128xi32, #tpu.memory_space<hbm>>
      %dma_start3A_60 = arith.constant 0 : i32
      %dma_start3A_61 = arith.constant 0 : i32
      %dma_start3A_62 = tpu.memref_slice %arg8[%dma_start3A_51, %dma_start3A_60, %dma_start3A_61] : memref<4x2x128xi32, #tpu.memory_space<vmem>> -> memref<1x2x128xi32, #tpu.memory_space<vmem>>
      %dma_start3A_63 = tpu.memref_squeeze %dma_start3A_62 : memref<1x2x128xi32, #tpu.memory_space<vmem>> -> memref<2x128xi32, #tpu.memory_space<vmem>>
      %dma_start3A_64 = arith.constant 0 : i32
      %dma_start3A_65 = arith.constant 0 : i32
      %dma_start3A_66 = tpu.memref_slice %arg4[%arg1, %dma_start3A_50, %dma_start3A_64, %dma_start3A_65] : memref<16x80x2x128xi32, #tpu.memory_space<hbm>> -> memref<1x1x2x128xi32, #tpu.memory_space<hbm>>
      %dma_start3A_67 = tpu.memref_squeeze %dma_start3A_66 : memref<1x1x2x128xi32, #tpu.memory_space<hbm>> -> memref<2x128xi32, #tpu.memory_space<hbm>>
      tpu.enqueue_dma source(%dma_start3A_67 : memref<2x128xi32, #tpu.memory_space<hbm>>) target(%dma_start3A_63 : memref<2x128xi32, #tpu.memory_space<vmem>>) target_semaphore(%arg12 : memref<!tpu.dma_semaphore, #tpu.memory_space<semaphore_mem>>)
      %dma_wait3A = arith.constant 0 : i32
      %dma_wait3A_68 = arith.constant 0 : i32
      %dma_wait3A_69 = arith.constant 0 : i32
      %dma_wait3A_70 = arith.constant 0 : i32
      %dma_wait3A_71 = tpu.memref_slice %arg8[%dma_wait3A_68, %dma_wait3A_69, %dma_wait3A_70] : memref<4x2x128xi32, #tpu.memory_space<vmem>> -> memref<1x2x128xi32, #tpu.memory_space<vmem>>
      %dma_wait3A_72 = tpu.memref_squeeze %dma_wait3A_71 : memref<1x2x128xi32, #tpu.memory_space<vmem>> -> memref<2x128xi32, #tpu.memory_space<vmem>>
      %dma_wait3A_73 = arith.constant 0 : i32
      %dma_wait3A_74 = arith.constant 0 : i32
      %dma_wait3A_75 = tpu.memref_slice %arg4[%arg1, %dma_wait3A, %dma_wait3A_73, %dma_wait3A_74] : memref<16x80x2x128xi32, #tpu.memory_space<hbm>> -> memref<1x1x2x128xi32, #tpu.memory_space<hbm>>
      %dma_wait3A_76 = tpu.memref_squeeze %dma_wait3A_75 : memref<1x1x2x128xi32, #tpu.memory_space<hbm>> -> memref<2x128xi32, #tpu.memory_space<hbm>>
      %dma_wait3A_77 = arith.constant 0 : i32
      %dma_wait3A_78 = arith.constant 0 : i32
      %dma_wait3A_79 = tpu.memref_slice %arg8[%dma_wait3A_68, %dma_wait3A_77, %dma_wait3A_78] : memref<4x2x128xi32, #tpu.memory_space<vmem>> -> memref<1x2x128xi32, #tpu.memory_space<vmem>>
      %dma_wait3A_80 = tpu.memref_squeeze %dma_wait3A_79 : memref<1x2x128xi32, #tpu.memory_space<vmem>> -> memref<2x128xi32, #tpu.memory_space<vmem>>
      %dma_wait3A_81 = arith.constant 0 : i32
      %dma_wait3A_82 = arith.constant 0 : i32
      %dma_wait3A_83 = tpu.memref_slice %arg4[%arg1, %dma_wait3A, %dma_wait3A_81, %dma_wait3A_82] : memref<16x80x2x128xi32, #tpu.memory_space<hbm>> -> memref<1x1x2x128xi32, #tpu.memory_space<hbm>>
      %dma_wait3A_84 = tpu.memref_squeeze %dma_wait3A_83 : memref<1x1x2x128xi32, #tpu.memory_space<hbm>> -> memref<2x128xi32, #tpu.memory_space<hbm>>
      tpu.wait_dma2 semaphore(%arg10 : memref<!tpu.dma_semaphore, #tpu.memory_space<semaphore_mem>>) src(%dma_wait3A_84 : memref<2x128xi32, #tpu.memory_space<hbm>>) dst(%dma_wait3A_80 : memref<2x128xi32, #tpu.memory_space<vmem>>)
      %dma_start3A_85 = arith.constant 0 : i32
      %dma_start3A_86 = arith.constant 0 : i32
      %dma_start3A_87 = arith.constant 0 : i32
      %dma_start3A_88 = arith.constant 0 : i32
      %dma_start3A_89 = arith.constant 0 : i32
      %dma_start3A_90 = tpu.memref_slice %arg9[%dma_start3A_87, %dma_start3A_88, %dma_start3A_89] : memref<2x128x128xf32, #tpu.memory_space<vmem>> -> memref<1x128x128xf32, #tpu.memory_space<vmem>>
      %dma_start3A_91 = tpu.memref_squeeze %dma_start3A_90 : memref<1x128x128xf32, #tpu.memory_space<vmem>> -> memref<128x128xf32, #tpu.memory_space<vmem>>
      %dma_start3A_92 = arith.constant 0 : i32
      %dma_start3A_93 = tpu.memref_slice %arg8[%dma_start3A_85, %dma_start3A_86, %dma_start3A_92] : memref<4x2x128xi32, #tpu.memory_space<vmem>> -> memref<1x1x128xi32, #tpu.memory_space<vmem>>
      %dma_start3A_94 = tpu.memref_squeeze %dma_start3A_93 : memref<1x1x128xi32, #tpu.memory_space<vmem>> -> memref<128xi32, #tpu.memory_space<vmem>>
      %dma_start3A_95 = arith.constant 0 : i32
      %dma_start3A_96 = arith.constant 0 : i32
      %dma_start3A_97 = tpu.memref_slice %arg3[%dma_start3A_95, %dma_start3A_96] : memref<10000x128xf32, #tpu.memory_space<hbm>> -> memref<10000x128xf32, #tpu.memory_space<hbm>>
      tpu.enqueue_indirect_dma source(%dma_start3A_97 : memref<10000x128xf32, #tpu.memory_space<hbm>>) target(%dma_start3A_91 : memref<128x128xf32, #tpu.memory_space<vmem>>) offsets(%dma_start3A_94 : memref<128xi32, #tpu.memory_space<vmem>>) semaphore(%arg14 : memref<!tpu.dma_semaphore, #tpu.memory_space<semaphore_mem>>)
      %scan3A = arith.constant 0 : i32
      %scan3A_98 = arith.constant 20 : i32
      %scan3A_99 = arith.addi %scan3A, %scan3A_98 : i32
      %scan3A_100 = arith.constant 1 : i32
      scf.for %scan3A_115 = %scan3A to %scan3A_99 step %scan3A_100  : i32 {
        %mul3A_116 = arith.constant 4 : i32
        %mul3A_117 = arith.muli %scan3A_115, %mul3A_116 : i32
        %add3A = arith.constant 0 : i32
        %add3A_118 = arith.addi %add3A, %mul3A_117 : i32
        %add3A_119 = arith.constant 0 : i32
        %add3A_120 = arith.addi %add3A_118, %add3A_119 : i32
        %ge3A = arith.constant 1 : i32
        %ge3A_121 = arith.cmpi sge, %add3A_120, %ge3A : i32
        %convert_element_type3A_122 = arith.extui %ge3A_121 : i1 to i32
        %cond3A_123 = arith.constant 0 : i32
        %cond3A_124 = arith.cmpi ne, %convert_element_type3A_122, %cond3A_123 : i32
        scf.if %cond3A_124 {
          %sub3A = arith.constant 1 : i32
          %sub3A_305 = arith.subi %add3A_120, %sub3A : i32
          %dma_wait3A_306 = arith.constant 1 : i32
          %dma_wait3A_307 = arith.constant 3 : i32
          %dma_wait3A_308 = arith.constant 1 : i32
          %dma_wait3A_309 = arith.constant 0 : i32
          %dma_wait3A_310 = arith.constant 0 : i32
          %dma_wait3A_311 = tpu.memref_slice %arg9[%dma_wait3A_306, %dma_wait3A_309, %dma_wait3A_310] : memref<2x128x128xf32, #tpu.memory_space<vmem>> -> memref<1x128x128xf32, #tpu.memory_space<vmem>>
          %dma_wait3A_312 = tpu.memref_squeeze %dma_wait3A_311 : memref<1x128x128xf32, #tpu.memory_space<vmem>> -> memref<128x128xf32, #tpu.memory_space<vmem>>
          %dma_wait3A_313 = arith.constant 0 : i32
          %dma_wait3A_314 = tpu.memref_slice %arg8[%dma_wait3A_307, %dma_wait3A_308, %dma_wait3A_313] : memref<4x2x128xi32, #tpu.memory_space<vmem>> -> memref<1x1x128xi32, #tpu.memory_space<vmem>>
          %dma_wait3A_315 = tpu.memref_squeeze %dma_wait3A_314 : memref<1x1x128xi32, #tpu.memory_space<vmem>> -> memref<128xi32, #tpu.memory_space<vmem>>
          %dma_wait3A_316 = arith.constant 0 : i32
          %dma_wait3A_317 = arith.constant 0 : i32
          %dma_wait3A_318 = tpu.memref_slice %arg7[%dma_wait3A_316, %dma_wait3A_317] : memref<10112x128xf32, #tpu.memory_space<vmem_shared>> -> memref<10112x128xf32, #tpu.memory_space<vmem_shared>>
          tpu.wait_indirect_dma semaphore(%arg17 : memref<!tpu.dma_semaphore, #tpu.memory_space<semaphore_mem>>) src(%dma_wait3A_312 : memref<128x128xf32, #tpu.memory_space<vmem>>) dst(%dma_wait3A_318 : memref<10112x128xf32, #tpu.memory_space<vmem_shared>>)
        } else {
        }
        %add3A_125 = arith.constant 1 : i32
        %add3A_126 = arith.addi %add3A_120, %add3A_125 : i32
        %lt3A = arith.constant 80 : i32
        %lt3A_127 = arith.cmpi slt, %add3A_126, %lt3A : i32
        %convert_element_type3A_128 = arith.extui %lt3A_127 : i1 to i32
        %cond3A_129 = arith.constant 0 : i32
        %cond3A_130 = arith.cmpi ne, %convert_element_type3A_128, %cond3A_129 : i32
        scf.if %cond3A_130 {
          %add3A_305 = arith.constant 1 : i32
          %add3A_306 = arith.addi %add3A_120, %add3A_305 : i32
          %dma_wait3A_307 = arith.constant 1 : i32
          %dma_wait3A_308 = arith.constant 0 : i32
          %dma_wait3A_309 = arith.constant 0 : i32
          %dma_wait3A_310 = tpu.memref_slice %arg8[%dma_wait3A_307, %dma_wait3A_308, %dma_wait3A_309] : memref<4x2x128xi32, #tpu.memory_space<vmem>> -> memref<1x2x128xi32, #tpu.memory_space<vmem>>
          %dma_wait3A_311 = tpu.memref_squeeze %dma_wait3A_310 : memref<1x2x128xi32, #tpu.memory_space<vmem>> -> memref<2x128xi32, #tpu.memory_space<vmem>>
          %dma_wait3A_312 = arith.constant 0 : i32
          %dma_wait3A_313 = arith.constant 0 : i32
          %dma_wait3A_314 = tpu.memref_slice %arg4[%arg1, %add3A_306, %dma_wait3A_312, %dma_wait3A_313] : memref<16x80x2x128xi32, #tpu.memory_space<hbm>> -> memref<1x1x2x128xi32, #tpu.memory_space<hbm>>
          %dma_wait3A_315 = tpu.memref_squeeze %dma_wait3A_314 : memref<1x1x2x128xi32, #tpu.memory_space<hbm>> -> memref<2x128xi32, #tpu.memory_space<hbm>>
          %dma_wait3A_316 = arith.constant 0 : i32
          %dma_wait3A_317 = arith.constant 0 : i32
          %dma_wait3A_318 = tpu.memref_slice %arg8[%dma_wait3A_307, %dma_wait3A_316, %dma_wait3A_317] : memref<4x2x128xi32, #tpu.memory_space<vmem>> -> memref<1x2x128xi32, #tpu.memory_space<vmem>>
          %dma_wait3A_319 = tpu.memref_squeeze %dma_wait3A_318 : memref<1x2x128xi32, #tpu.memory_space<vmem>> -> memref<2x128xi32, #tpu.memory_space<vmem>>
          %dma_wait3A_320 = arith.constant 0 : i32
          %dma_wait3A_321 = arith.constant 0 : i32
          %dma_wait3A_322 = tpu.memref_slice %arg4[%arg1, %add3A_306, %dma_wait3A_320, %dma_wait3A_321] : memref<16x80x2x128xi32, #tpu.memory_space<hbm>> -> memref<1x1x2x128xi32, #tpu.memory_space<hbm>>
          %dma_wait3A_323 = tpu.memref_squeeze %dma_wait3A_322 : memref<1x1x2x128xi32, #tpu.memory_space<hbm>> -> memref<2x128xi32, #tpu.memory_space<hbm>>
          tpu.wait_dma2 semaphore(%arg11 : memref<!tpu.dma_semaphore, #tpu.memory_space<semaphore_mem>>) src(%dma_wait3A_323 : memref<2x128xi32, #tpu.memory_space<hbm>>) dst(%dma_wait3A_319 : memref<2x128xi32, #tpu.memory_space<vmem>>)
          %add3A_324 = arith.constant 1 : i32
          %add3A_325 = arith.addi %add3A_120, %add3A_324 : i32
          %dma_start3A_326 = arith.constant 1 : i32
          %dma_start3A_327 = arith.constant 0 : i32
          %dma_start3A_328 = arith.constant 1 : i32
          %dma_start3A_329 = arith.constant 0 : i32
          %dma_start3A_330 = arith.constant 0 : i32
          %dma_start3A_331 = tpu.memref_slice %arg9[%dma_start3A_328, %dma_start3A_329, %dma_start3A_330] : memref<2x128x128xf32, #tpu.memory_space<vmem>> -> memref<1x128x128xf32, #tpu.memory_space<vmem>>
          %dma_start3A_332 = tpu.memref_squeeze %dma_start3A_331 : memref<1x128x128xf32, #tpu.memory_space<vmem>> -> memref<128x128xf32, #tpu.memory_space<vmem>>
          %dma_start3A_333 = arith.constant 0 : i32
          %dma_start3A_334 = tpu.memref_slice %arg8[%dma_start3A_326, %dma_start3A_327, %dma_start3A_333] : memref<4x2x128xi32, #tpu.memory_space<vmem>> -> memref<1x1x128xi32, #tpu.memory_space<vmem>>
          %dma_start3A_335 = tpu.memref_squeeze %dma_start3A_334 : memref<1x1x128xi32, #tpu.memory_space<vmem>> -> memref<128xi32, #tpu.memory_space<vmem>>
          %dma_start3A_336 = arith.constant 0 : i32
          %dma_start3A_337 = arith.constant 0 : i32
          %dma_start3A_338 = tpu.memref_slice %arg3[%dma_start3A_336, %dma_start3A_337] : memref<10000x128xf32, #tpu.memory_space<hbm>> -> memref<10000x128xf32, #tpu.memory_space<hbm>>
          tpu.enqueue_indirect_dma source(%dma_start3A_338 : memref<10000x128xf32, #tpu.memory_space<hbm>>) target(%dma_start3A_332 : memref<128x128xf32, #tpu.memory_space<vmem>>) offsets(%dma_start3A_335 : memref<128xi32, #tpu.memory_space<vmem>>) semaphore(%arg15 : memref<!tpu.dma_semaphore, #tpu.memory_space<semaphore_mem>>)
        } else {
        }
        %dma_wait3A_131 = arith.constant 0 : i32
        %dma_wait3A_132 = arith.constant 0 : i32
        %dma_wait3A_133 = arith.constant 0 : i32
        %dma_wait3A_134 = arith.constant 0 : i32
        %dma_wait3A_135 = arith.constant 0 : i32
        %dma_wait3A_136 = tpu.memref_slice %arg9[%dma_wait3A_133, %dma_wait3A_134, %dma_wait3A_135] : memref<2x128x128xf32, #tpu.memory_space<vmem>> -> memref<1x128x128xf32, #tpu.memory_space<vmem>>
        %dma_wait3A_137 = tpu.memref_squeeze %dma_wait3A_136 : memref<1x128x128xf32, #tpu.memory_space<vmem>> -> memref<128x128xf32, #tpu.memory_space<vmem>>
        %dma_wait3A_138 = arith.constant 0 : i32
        %dma_wait3A_139 = tpu.memref_slice %arg8[%dma_wait3A_131, %dma_wait3A_132, %dma_wait3A_138] : memref<4x2x128xi32, #tpu.memory_space<vmem>> -> memref<1x1x128xi32, #tpu.memory_space<vmem>>
        %dma_wait3A_140 = tpu.memref_squeeze %dma_wait3A_139 : memref<1x1x128xi32, #tpu.memory_space<vmem>> -> memref<128xi32, #tpu.memory_space<vmem>>
        %dma_wait3A_141 = arith.constant 0 : i32
        %dma_wait3A_142 = arith.constant 0 : i32
        %dma_wait3A_143 = tpu.memref_slice %arg3[%dma_wait3A_141, %dma_wait3A_142] : memref<10000x128xf32, #tpu.memory_space<hbm>> -> memref<10000x128xf32, #tpu.memory_space<hbm>>
        tpu.wait_indirect_dma semaphore(%arg14 : memref<!tpu.dma_semaphore, #tpu.memory_space<semaphore_mem>>) src(%dma_wait3A_143 : memref<10000x128xf32, #tpu.memory_space<hbm>>) dst(%dma_wait3A_137 : memref<128x128xf32, #tpu.memory_space<vmem>>)
        %dma_start3A_144 = arith.constant 0 : i32
        %dma_start3A_145 = arith.constant 0 : i32
        %dma_start3A_146 = arith.constant 1 : i32
        %dma_start3A_147 = arith.constant 0 : i32
        %dma_start3A_148 = arith.constant 0 : i32
        %dma_start3A_149 = tpu.memref_slice %arg9[%dma_start3A_144, %dma_start3A_147, %dma_start3A_148] : memref<2x128x128xf32, #tpu.memory_space<vmem>> -> memref<1x128x128xf32, #tpu.memory_space<vmem>>
        %dma_start3A_150 = tpu.memref_squeeze %dma_start3A_149 : memref<1x128x128xf32, #tpu.memory_space<vmem>> -> memref<128x128xf32, #tpu.memory_space<vmem>>
        %dma_start3A_151 = arith.constant 0 : i32
        %dma_start3A_152 = tpu.memref_slice %arg8[%dma_start3A_145, %dma_start3A_146, %dma_start3A_151] : memref<4x2x128xi32, #tpu.memory_space<vmem>> -> memref<1x1x128xi32, #tpu.memory_space<vmem>>
        %dma_start3A_153 = tpu.memref_squeeze %dma_start3A_152 : memref<1x1x128xi32, #tpu.memory_space<vmem>> -> memref<128xi32, #tpu.memory_space<vmem>>
        %dma_start3A_154 = arith.constant 0 : i32
        %dma_start3A_155 = arith.constant 0 : i32
        %dma_start3A_156 = tpu.memref_slice %arg7[%dma_start3A_154, %dma_start3A_155] : memref<10112x128xf32, #tpu.memory_space<vmem_shared>> -> memref<10112x128xf32, #tpu.memory_space<vmem_shared>>
        tpu.enqueue_indirect_dma source(%dma_start3A_150 : memref<128x128xf32, #tpu.memory_space<vmem>>) target(%dma_start3A_156 : memref<10112x128xf32, #tpu.memory_space<vmem_shared>>) offsets(%dma_start3A_153 : memref<128xi32, #tpu.memory_space<vmem>>) semaphore(%arg16 : memref<!tpu.dma_semaphore, #tpu.memory_space<semaphore_mem>>) {add = true}
        %add3A_157 = arith.constant 3 : i32
        %add3A_158 = arith.addi %add3A_120, %add3A_157 : i32
        %lt3A_159 = arith.constant 80 : i32
        %lt3A_160 = arith.cmpi slt, %add3A_158, %lt3A_159 : i32
        %convert_element_type3A_161 = arith.extui %lt3A_160 : i1 to i32
        %cond3A_162 = arith.constant 0 : i32
        %cond3A_163 = arith.cmpi ne, %convert_element_type3A_161, %cond3A_162 : i32
        scf.if %cond3A_163 {
          %add3A_305 = arith.constant 3 : i32
          %add3A_306 = arith.addi %add3A_120, %add3A_305 : i32
          %dma_start3A_307 = arith.constant 3 : i32
          %dma_start3A_308 = arith.constant 0 : i32
          %dma_start3A_309 = arith.constant 0 : i32
          %dma_start3A_310 = tpu.memref_slice %arg8[%dma_start3A_307, %dma_start3A_308, %dma_start3A_309] : memref<4x2x128xi32, #tpu.memory_space<vmem>> -> memref<1x2x128xi32, #tpu.memory_space<vmem>>
          %dma_start3A_311 = tpu.memref_squeeze %dma_start3A_310 : memref<1x2x128xi32, #tpu.memory_space<vmem>> -> memref<2x128xi32, #tpu.memory_space<vmem>>
          %dma_start3A_312 = arith.constant 0 : i32
          %dma_start3A_313 = arith.constant 0 : i32
          %dma_start3A_314 = tpu.memref_slice %arg4[%arg1, %add3A_306, %dma_start3A_312, %dma_start3A_313] : memref<16x80x2x128xi32, #tpu.memory_space<hbm>> -> memref<1x1x2x128xi32, #tpu.memory_space<hbm>>
          %dma_start3A_315 = tpu.memref_squeeze %dma_start3A_314 : memref<1x1x2x128xi32, #tpu.memory_space<hbm>> -> memref<2x128xi32, #tpu.memory_space<hbm>>
          %dma_start3A_316 = arith.constant 0 : i32
          %dma_start3A_317 = arith.constant 0 : i32
          %dma_start3A_318 = tpu.memref_slice %arg8[%dma_start3A_307, %dma_start3A_316, %dma_start3A_317] : memref<4x2x128xi32, #tpu.memory_space<vmem>> -> memref<1x2x128xi32, #tpu.memory_space<vmem>>
          %dma_start3A_319 = tpu.memref_squeeze %dma_start3A_318 : memref<1x2x128xi32, #tpu.memory_space<vmem>> -> memref<2x128xi32, #tpu.memory_space<vmem>>
          %dma_start3A_320 = arith.constant 0 : i32
          %dma_start3A_321 = arith.constant 0 : i32
          %dma_start3A_322 = tpu.memref_slice %arg4[%arg1, %add3A_306, %dma_start3A_320, %dma_start3A_321] : memref<16x80x2x128xi32, #tpu.memory_space<hbm>> -> memref<1x1x2x128xi32, #tpu.memory_space<hbm>>
          %dma_start3A_323 = tpu.memref_squeeze %dma_start3A_322 : memref<1x1x2x128xi32, #tpu.memory_space<hbm>> -> memref<2x128xi32, #tpu.memory_space<hbm>>
          tpu.enqueue_dma source(%dma_start3A_323 : memref<2x128xi32, #tpu.memory_space<hbm>>) target(%dma_start3A_319 : memref<2x128xi32, #tpu.memory_space<vmem>>) target_semaphore(%arg13 : memref<!tpu.dma_semaphore, #tpu.memory_space<semaphore_mem>>)
        } else {
        }
        %add3A_164 = arith.constant 1 : i32
        %add3A_165 = arith.addi %add3A_118, %add3A_164 : i32
        %ge3A_166 = arith.constant 1 : i32
        %ge3A_167 = arith.cmpi sge, %add3A_165, %ge3A_166 : i32
        %convert_element_type3A_168 = arith.extui %ge3A_167 : i1 to i32
        %cond3A_169 = arith.constant 0 : i32
        %cond3A_170 = arith.cmpi ne, %convert_element_type3A_168, %cond3A_169 : i32
        scf.if %cond3A_170 {
          %sub3A = arith.constant 1 : i32
          %sub3A_305 = arith.subi %add3A_165, %sub3A : i32
          %dma_wait3A_306 = arith.constant 0 : i32
          %dma_wait3A_307 = arith.constant 0 : i32
          %dma_wait3A_308 = arith.constant 1 : i32
          %dma_wait3A_309 = arith.constant 0 : i32
          %dma_wait3A_310 = arith.constant 0 : i32
          %dma_wait3A_311 = tpu.memref_slice %arg9[%dma_wait3A_306, %dma_wait3A_309, %dma_wait3A_310] : memref<2x128x128xf32, #tpu.memory_space<vmem>> -> memref<1x128x128xf32, #tpu.memory_space<vmem>>
          %dma_wait3A_312 = tpu.memref_squeeze %dma_wait3A_311 : memref<1x128x128xf32, #tpu.memory_space<vmem>> -> memref<128x128xf32, #tpu.memory_space<vmem>>
          %dma_wait3A_313 = arith.constant 0 : i32
          %dma_wait3A_314 = tpu.memref_slice %arg8[%dma_wait3A_307, %dma_wait3A_308, %dma_wait3A_313] : memref<4x2x128xi32, #tpu.memory_space<vmem>> -> memref<1x1x128xi32, #tpu.memory_space<vmem>>
          %dma_wait3A_315 = tpu.memref_squeeze %dma_wait3A_314 : memref<1x1x128xi32, #tpu.memory_space<vmem>> -> memref<128xi32, #tpu.memory_space<vmem>>
          %dma_wait3A_316 = arith.constant 0 : i32
          %dma_wait3A_317 = arith.constant 0 : i32
          %dma_wait3A_318 = tpu.memref_slice %arg7[%dma_wait3A_316, %dma_wait3A_317] : memref<10112x128xf32, #tpu.memory_space<vmem_shared>> -> memref<10112x128xf32, #tpu.memory_space<vmem_shared>>
          tpu.wait_indirect_dma semaphore(%arg16 : memref<!tpu.dma_semaphore, #tpu.memory_space<semaphore_mem>>) src(%dma_wait3A_312 : memref<128x128xf32, #tpu.memory_space<vmem>>) dst(%dma_wait3A_318 : memref<10112x128xf32, #tpu.memory_space<vmem_shared>>)
        } else {
        }
        %add3A_171 = arith.constant 1 : i32
        %add3A_172 = arith.addi %add3A_165, %add3A_171 : i32
        %lt3A_173 = arith.constant 80 : i32
        %lt3A_174 = arith.cmpi slt, %add3A_172, %lt3A_173 : i32
        %convert_element_type3A_175 = arith.extui %lt3A_174 : i1 to i32
        %cond3A_176 = arith.constant 0 : i32
        %cond3A_177 = arith.cmpi ne, %convert_element_type3A_175, %cond3A_176 : i32
        scf.if %cond3A_177 {
          %add3A_305 = arith.constant 1 : i32
          %add3A_306 = arith.addi %add3A_165, %add3A_305 : i32
          %dma_wait3A_307 = arith.constant 2 : i32
          %dma_wait3A_308 = arith.constant 0 : i32
          %dma_wait3A_309 = arith.constant 0 : i32
          %dma_wait3A_310 = tpu.memref_slice %arg8[%dma_wait3A_307, %dma_wait3A_308, %dma_wait3A_309] : memref<4x2x128xi32, #tpu.memory_space<vmem>> -> memref<1x2x128xi32, #tpu.memory_space<vmem>>
          %dma_wait3A_311 = tpu.memref_squeeze %dma_wait3A_310 : memref<1x2x128xi32, #tpu.memory_space<vmem>> -> memref<2x128xi32, #tpu.memory_space<vmem>>
          %dma_wait3A_312 = arith.constant 0 : i32
          %dma_wait3A_313 = arith.constant 0 : i32
          %dma_wait3A_314 = tpu.memref_slice %arg4[%arg1, %add3A_306, %dma_wait3A_312, %dma_wait3A_313] : memref<16x80x2x128xi32, #tpu.memory_space<hbm>> -> memref<1x1x2x128xi32, #tpu.memory_space<hbm>>
          %dma_wait3A_315 = tpu.memref_squeeze %dma_wait3A_314 : memref<1x1x2x128xi32, #tpu.memory_space<hbm>> -> memref<2x128xi32, #tpu.memory_space<hbm>>
          %dma_wait3A_316 = arith.constant 0 : i32
          %dma_wait3A_317 = arith.constant 0 : i32
          %dma_wait3A_318 = tpu.memref_slice %arg8[%dma_wait3A_307, %dma_wait3A_316, %dma_wait3A_317] : memref<4x2x128xi32, #tpu.memory_space<vmem>> -> memref<1x2x128xi32, #tpu.memory_space<vmem>>
          %dma_wait3A_319 = tpu.memref_squeeze %dma_wait3A_318 : memref<1x2x128xi32, #tpu.memory_space<vmem>> -> memref<2x128xi32, #tpu.memory_space<vmem>>
          %dma_wait3A_320 = arith.constant 0 : i32
          %dma_wait3A_321 = arith.constant 0 : i32
          %dma_wait3A_322 = tpu.memref_slice %arg4[%arg1, %add3A_306, %dma_wait3A_320, %dma_wait3A_321] : memref<16x80x2x128xi32, #tpu.memory_space<hbm>> -> memref<1x1x2x128xi32, #tpu.memory_space<hbm>>
          %dma_wait3A_323 = tpu.memref_squeeze %dma_wait3A_322 : memref<1x1x2x128xi32, #tpu.memory_space<hbm>> -> memref<2x128xi32, #tpu.memory_space<hbm>>
          tpu.wait_dma2 semaphore(%arg12 : memref<!tpu.dma_semaphore, #tpu.memory_space<semaphore_mem>>) src(%dma_wait3A_323 : memref<2x128xi32, #tpu.memory_space<hbm>>) dst(%dma_wait3A_319 : memref<2x128xi32, #tpu.memory_space<vmem>>)
          %add3A_324 = arith.constant 1 : i32
          %add3A_325 = arith.addi %add3A_165, %add3A_324 : i32
          %dma_start3A_326 = arith.constant 2 : i32
          %dma_start3A_327 = arith.constant 0 : i32
          %dma_start3A_328 = arith.constant 0 : i32
          %dma_start3A_329 = arith.constant 0 : i32
          %dma_start3A_330 = arith.constant 0 : i32
          %dma_start3A_331 = tpu.memref_slice %arg9[%dma_start3A_328, %dma_start3A_329, %dma_start3A_330] : memref<2x128x128xf32, #tpu.memory_space<vmem>> -> memref<1x128x128xf32, #tpu.memory_space<vmem>>
          %dma_start3A_332 = tpu.memref_squeeze %dma_start3A_331 : memref<1x128x128xf32, #tpu.memory_space<vmem>> -> memref<128x128xf32, #tpu.memory_space<vmem>>
          %dma_start3A_333 = arith.constant 0 : i32
          %dma_start3A_334 = tpu.memref_slice %arg8[%dma_start3A_326, %dma_start3A_327, %dma_start3A_333] : memref<4x2x128xi32, #tpu.memory_space<vmem>> -> memref<1x1x128xi32, #tpu.memory_space<vmem>>
          %dma_start3A_335 = tpu.memref_squeeze %dma_start3A_334 : memref<1x1x128xi32, #tpu.memory_space<vmem>> -> memref<128xi32, #tpu.memory_space<vmem>>
          %dma_start3A_336 = arith.constant 0 : i32
          %dma_start3A_337 = arith.constant 0 : i32
          %dma_start3A_338 = tpu.memref_slice %arg3[%dma_start3A_336, %dma_start3A_337] : memref<10000x128xf32, #tpu.memory_space<hbm>> -> memref<10000x128xf32, #tpu.memory_space<hbm>>
          tpu.enqueue_indirect_dma source(%dma_start3A_338 : memref<10000x128xf32, #tpu.memory_space<hbm>>) target(%dma_start3A_332 : memref<128x128xf32, #tpu.memory_space<vmem>>) offsets(%dma_start3A_335 : memref<128xi32, #tpu.memory_space<vmem>>) semaphore(%arg14 : memref<!tpu.dma_semaphore, #tpu.memory_space<semaphore_mem>>)
        } else {
        }
        %dma_wait3A_178 = arith.constant 1 : i32
        %dma_wait3A_179 = arith.constant 0 : i32
        %dma_wait3A_180 = arith.constant 1 : i32
        %dma_wait3A_181 = arith.constant 0 : i32
        %dma_wait3A_182 = arith.constant 0 : i32
        %dma_wait3A_183 = tpu.memref_slice %arg9[%dma_wait3A_180, %dma_wait3A_181, %dma_wait3A_182] : memref<2x128x128xf32, #tpu.memory_space<vmem>> -> memref<1x128x128xf32, #tpu.memory_space<vmem>>
        %dma_wait3A_184 = tpu.memref_squeeze %dma_wait3A_183 : memref<1x128x128xf32, #tpu.memory_space<vmem>> -> memref<128x128xf32, #tpu.memory_space<vmem>>
        %dma_wait3A_185 = arith.constant 0 : i32
        %dma_wait3A_186 = tpu.memref_slice %arg8[%dma_wait3A_178, %dma_wait3A_179, %dma_wait3A_185] : memref<4x2x128xi32, #tpu.memory_space<vmem>> -> memref<1x1x128xi32, #tpu.memory_space<vmem>>
        %dma_wait3A_187 = tpu.memref_squeeze %dma_wait3A_186 : memref<1x1x128xi32, #tpu.memory_space<vmem>> -> memref<128xi32, #tpu.memory_space<vmem>>
        %dma_wait3A_188 = arith.constant 0 : i32
        %dma_wait3A_189 = arith.constant 0 : i32
        %dma_wait3A_190 = tpu.memref_slice %arg3[%dma_wait3A_188, %dma_wait3A_189] : memref<10000x128xf32, #tpu.memory_space<hbm>> -> memref<10000x128xf32, #tpu.memory_space<hbm>>
        tpu.wait_indirect_dma semaphore(%arg15 : memref<!tpu.dma_semaphore, #tpu.memory_space<semaphore_mem>>) src(%dma_wait3A_190 : memref<10000x128xf32, #tpu.memory_space<hbm>>) dst(%dma_wait3A_184 : memref<128x128xf32, #tpu.memory_space<vmem>>)
        %dma_start3A_191 = arith.constant 1 : i32
        %dma_start3A_192 = arith.constant 1 : i32
        %dma_start3A_193 = arith.constant 1 : i32
        %dma_start3A_194 = arith.constant 0 : i32
        %dma_start3A_195 = arith.constant 0 : i32
        %dma_start3A_196 = tpu.memref_slice %arg9[%dma_start3A_191, %dma_start3A_194, %dma_start3A_195] : memref<2x128x128xf32, #tpu.memory_space<vmem>> -> memref<1x128x128xf32, #tpu.memory_space<vmem>>
        %dma_start3A_197 = tpu.memref_squeeze %dma_start3A_196 : memref<1x128x128xf32, #tpu.memory_space<vmem>> -> memref<128x128xf32, #tpu.memory_space<vmem>>
        %dma_start3A_198 = arith.constant 0 : i32
        %dma_start3A_199 = tpu.memref_slice %arg8[%dma_start3A_192, %dma_start3A_193, %dma_start3A_198] : memref<4x2x128xi32, #tpu.memory_space<vmem>> -> memref<1x1x128xi32, #tpu.memory_space<vmem>>
        %dma_start3A_200 = tpu.memref_squeeze %dma_start3A_199 : memref<1x1x128xi32, #tpu.memory_space<vmem>> -> memref<128xi32, #tpu.memory_space<vmem>>
        %dma_start3A_201 = arith.constant 0 : i32
        %dma_start3A_202 = arith.constant 0 : i32
        %dma_start3A_203 = tpu.memref_slice %arg7[%dma_start3A_201, %dma_start3A_202] : memref<10112x128xf32, #tpu.memory_space<vmem_shared>> -> memref<10112x128xf32, #tpu.memory_space<vmem_shared>>
        tpu.enqueue_indirect_dma source(%dma_start3A_197 : memref<128x128xf32, #tpu.memory_space<vmem>>) target(%dma_start3A_203 : memref<10112x128xf32, #tpu.memory_space<vmem_shared>>) offsets(%dma_start3A_200 : memref<128xi32, #tpu.memory_space<vmem>>) semaphore(%arg17 : memref<!tpu.dma_semaphore, #tpu.memory_space<semaphore_mem>>) {add = true}
        %add3A_204 = arith.constant 3 : i32
        %add3A_205 = arith.addi %add3A_165, %add3A_204 : i32
        %lt3A_206 = arith.constant 80 : i32
        %lt3A_207 = arith.cmpi slt, %add3A_205, %lt3A_206 : i32
        %convert_element_type3A_208 = arith.extui %lt3A_207 : i1 to i32
        %cond3A_209 = arith.constant 0 : i32
        %cond3A_210 = arith.cmpi ne, %convert_element_type3A_208, %cond3A_209 : i32
        scf.if %cond3A_210 {
          %add3A_305 = arith.constant 3 : i32
          %add3A_306 = arith.addi %add3A_165, %add3A_305 : i32
          %dma_start3A_307 = arith.constant 0 : i32
          %dma_start3A_308 = arith.constant 0 : i32
          %dma_start3A_309 = arith.constant 0 : i32
          %dma_start3A_310 = tpu.memref_slice %arg8[%dma_start3A_307, %dma_start3A_308, %dma_start3A_309] : memref<4x2x128xi32, #tpu.memory_space<vmem>> -> memref<1x2x128xi32, #tpu.memory_space<vmem>>
          %dma_start3A_311 = tpu.memref_squeeze %dma_start3A_310 : memref<1x2x128xi32, #tpu.memory_space<vmem>> -> memref<2x128xi32, #tpu.memory_space<vmem>>
          %dma_start3A_312 = arith.constant 0 : i32
          %dma_start3A_313 = arith.constant 0 : i32
          %dma_start3A_314 = tpu.memref_slice %arg4[%arg1, %add3A_306, %dma_start3A_312, %dma_start3A_313] : memref<16x80x2x128xi32, #tpu.memory_space<hbm>> -> memref<1x1x2x128xi32, #tpu.memory_space<hbm>>
          %dma_start3A_315 = tpu.memref_squeeze %dma_start3A_314 : memref<1x1x2x128xi32, #tpu.memory_space<hbm>> -> memref<2x128xi32, #tpu.memory_space<hbm>>
          %dma_start3A_316 = arith.constant 0 : i32
          %dma_start3A_317 = arith.constant 0 : i32
          %dma_start3A_318 = tpu.memref_slice %arg8[%dma_start3A_307, %dma_start3A_316, %dma_start3A_317] : memref<4x2x128xi32, #tpu.memory_space<vmem>> -> memref<1x2x128xi32, #tpu.memory_space<vmem>>
          %dma_start3A_319 = tpu.memref_squeeze %dma_start3A_318 : memref<1x2x128xi32, #tpu.memory_space<vmem>> -> memref<2x128xi32, #tpu.memory_space<vmem>>
          %dma_start3A_320 = arith.constant 0 : i32
          %dma_start3A_321 = arith.constant 0 : i32
          %dma_start3A_322 = tpu.memref_slice %arg4[%arg1, %add3A_306, %dma_start3A_320, %dma_start3A_321] : memref<16x80x2x128xi32, #tpu.memory_space<hbm>> -> memref<1x1x2x128xi32, #tpu.memory_space<hbm>>
          %dma_start3A_323 = tpu.memref_squeeze %dma_start3A_322 : memref<1x1x2x128xi32, #tpu.memory_space<hbm>> -> memref<2x128xi32, #tpu.memory_space<hbm>>
          tpu.enqueue_dma source(%dma_start3A_323 : memref<2x128xi32, #tpu.memory_space<hbm>>) target(%dma_start3A_319 : memref<2x128xi32, #tpu.memory_space<vmem>>) target_semaphore(%arg10 : memref<!tpu.dma_semaphore, #tpu.memory_space<semaphore_mem>>)
        } else {
        }
        %add3A_211 = arith.constant 2 : i32
        %add3A_212 = arith.addi %add3A_118, %add3A_211 : i32
        %ge3A_213 = arith.constant 1 : i32
        %ge3A_214 = arith.cmpi sge, %add3A_212, %ge3A_213 : i32
        %convert_element_type3A_215 = arith.extui %ge3A_214 : i1 to i32
        %cond3A_216 = arith.constant 0 : i32
        %cond3A_217 = arith.cmpi ne, %convert_element_type3A_215, %cond3A_216 : i32
        scf.if %cond3A_217 {
          %sub3A = arith.constant 1 : i32
          %sub3A_305 = arith.subi %add3A_212, %sub3A : i32
          %dma_wait3A_306 = arith.constant 1 : i32
          %dma_wait3A_307 = arith.constant 1 : i32
          %dma_wait3A_308 = arith.constant 1 : i32
          %dma_wait3A_309 = arith.constant 0 : i32
          %dma_wait3A_310 = arith.constant 0 : i32
          %dma_wait3A_311 = tpu.memref_slice %arg9[%dma_wait3A_306, %dma_wait3A_309, %dma_wait3A_310] : memref<2x128x128xf32, #tpu.memory_space<vmem>> -> memref<1x128x128xf32, #tpu.memory_space<vmem>>
          %dma_wait3A_312 = tpu.memref_squeeze %dma_wait3A_311 : memref<1x128x128xf32, #tpu.memory_space<vmem>> -> memref<128x128xf32, #tpu.memory_space<vmem>>
          %dma_wait3A_313 = arith.constant 0 : i32
          %dma_wait3A_314 = tpu.memref_slice %arg8[%dma_wait3A_307, %dma_wait3A_308, %dma_wait3A_313] : memref<4x2x128xi32, #tpu.memory_space<vmem>> -> memref<1x1x128xi32, #tpu.memory_space<vmem>>
          %dma_wait3A_315 = tpu.memref_squeeze %dma_wait3A_314 : memref<1x1x128xi32, #tpu.memory_space<vmem>> -> memref<128xi32, #tpu.memory_space<vmem>>
          %dma_wait3A_316 = arith.constant 0 : i32
          %dma_wait3A_317 = arith.constant 0 : i32
          %dma_wait3A_318 = tpu.memref_slice %arg7[%dma_wait3A_316, %dma_wait3A_317] : memref<10112x128xf32, #tpu.memory_space<vmem_shared>> -> memref<10112x128xf32, #tpu.memory_space<vmem_shared>>
          tpu.wait_indirect_dma semaphore(%arg17 : memref<!tpu.dma_semaphore, #tpu.memory_space<semaphore_mem>>) src(%dma_wait3A_312 : memref<128x128xf32, #tpu.memory_space<vmem>>) dst(%dma_wait3A_318 : memref<10112x128xf32, #tpu.memory_space<vmem_shared>>)
        } else {
        }
        %add3A_218 = arith.constant 1 : i32
        %add3A_219 = arith.addi %add3A_212, %add3A_218 : i32
        %lt3A_220 = arith.constant 80 : i32
        %lt3A_221 = arith.cmpi slt, %add3A_219, %lt3A_220 : i32
        %convert_element_type3A_222 = arith.extui %lt3A_221 : i1 to i32
        %cond3A_223 = arith.constant 0 : i32
        %cond3A_224 = arith.cmpi ne, %convert_element_type3A_222, %cond3A_223 : i32
        scf.if %cond3A_224 {
          %add3A_305 = arith.constant 1 : i32
          %add3A_306 = arith.addi %add3A_212, %add3A_305 : i32
          %dma_wait3A_307 = arith.constant 3 : i32
          %dma_wait3A_308 = arith.constant 0 : i32
          %dma_wait3A_309 = arith.constant 0 : i32
          %dma_wait3A_310 = tpu.memref_slice %arg8[%dma_wait3A_307, %dma_wait3A_308, %dma_wait3A_309] : memref<4x2x128xi32, #tpu.memory_space<vmem>> -> memref<1x2x128xi32, #tpu.memory_space<vmem>>
          %dma_wait3A_311 = tpu.memref_squeeze %dma_wait3A_310 : memref<1x2x128xi32, #tpu.memory_space<vmem>> -> memref<2x128xi32, #tpu.memory_space<vmem>>
          %dma_wait3A_312 = arith.constant 0 : i32
          %dma_wait3A_313 = arith.constant 0 : i32
          %dma_wait3A_314 = tpu.memref_slice %arg4[%arg1, %add3A_306, %dma_wait3A_312, %dma_wait3A_313] : memref<16x80x2x128xi32, #tpu.memory_space<hbm>> -> memref<1x1x2x128xi32, #tpu.memory_space<hbm>>
          %dma_wait3A_315 = tpu.memref_squeeze %dma_wait3A_314 : memref<1x1x2x128xi32, #tpu.memory_space<hbm>> -> memref<2x128xi32, #tpu.memory_space<hbm>>
          %dma_wait3A_316 = arith.constant 0 : i32
          %dma_wait3A_317 = arith.constant 0 : i32
          %dma_wait3A_318 = tpu.memref_slice %arg8[%dma_wait3A_307, %dma_wait3A_316, %dma_wait3A_317] : memref<4x2x128xi32, #tpu.memory_space<vmem>> -> memref<1x2x128xi32, #tpu.memory_space<vmem>>
          %dma_wait3A_319 = tpu.memref_squeeze %dma_wait3A_318 : memref<1x2x128xi32, #tpu.memory_space<vmem>> -> memref<2x128xi32, #tpu.memory_space<vmem>>
          %dma_wait3A_320 = arith.constant 0 : i32
          %dma_wait3A_321 = arith.constant 0 : i32
          %dma_wait3A_322 = tpu.memref_slice %arg4[%arg1, %add3A_306, %dma_wait3A_320, %dma_wait3A_321] : memref<16x80x2x128xi32, #tpu.memory_space<hbm>> -> memref<1x1x2x128xi32, #tpu.memory_space<hbm>>
          %dma_wait3A_323 = tpu.memref_squeeze %dma_wait3A_322 : memref<1x1x2x128xi32, #tpu.memory_space<hbm>> -> memref<2x128xi32, #tpu.memory_space<hbm>>
          tpu.wait_dma2 semaphore(%arg13 : memref<!tpu.dma_semaphore, #tpu.memory_space<semaphore_mem>>) src(%dma_wait3A_323 : memref<2x128xi32, #tpu.memory_space<hbm>>) dst(%dma_wait3A_319 : memref<2x128xi32, #tpu.memory_space<vmem>>)
          %add3A_324 = arith.constant 1 : i32
          %add3A_325 = arith.addi %add3A_212, %add3A_324 : i32
          %dma_start3A_326 = arith.constant 3 : i32
          %dma_start3A_327 = arith.constant 0 : i32
          %dma_start3A_328 = arith.constant 1 : i32
          %dma_start3A_329 = arith.constant 0 : i32
          %dma_start3A_330 = arith.constant 0 : i32
          %dma_start3A_331 = tpu.memref_slice %arg9[%dma_start3A_328, %dma_start3A_329, %dma_start3A_330] : memref<2x128x128xf32, #tpu.memory_space<vmem>> -> memref<1x128x128xf32, #tpu.memory_space<vmem>>
          %dma_start3A_332 = tpu.memref_squeeze %dma_start3A_331 : memref<1x128x128xf32, #tpu.memory_space<vmem>> -> memref<128x128xf32, #tpu.memory_space<vmem>>
          %dma_start3A_333 = arith.constant 0 : i32
          %dma_start3A_334 = tpu.memref_slice %arg8[%dma_start3A_326, %dma_start3A_327, %dma_start3A_333] : memref<4x2x128xi32, #tpu.memory_space<vmem>> -> memref<1x1x128xi32, #tpu.memory_space<vmem>>
          %dma_start3A_335 = tpu.memref_squeeze %dma_start3A_334 : memref<1x1x128xi32, #tpu.memory_space<vmem>> -> memref<128xi32, #tpu.memory_space<vmem>>
          %dma_start3A_336 = arith.constant 0 : i32
          %dma_start3A_337 = arith.constant 0 : i32
          %dma_start3A_338 = tpu.memref_slice %arg3[%dma_start3A_336, %dma_start3A_337] : memref<10000x128xf32, #tpu.memory_space<hbm>> -> memref<10000x128xf32, #tpu.memory_space<hbm>>
          tpu.enqueue_indirect_dma source(%dma_start3A_338 : memref<10000x128xf32, #tpu.memory_space<hbm>>) target(%dma_start3A_332 : memref<128x128xf32, #tpu.memory_space<vmem>>) offsets(%dma_start3A_335 : memref<128xi32, #tpu.memory_space<vmem>>) semaphore(%arg15 : memref<!tpu.dma_semaphore, #tpu.memory_space<semaphore_mem>>)
        } else {
        }
        %dma_wait3A_225 = arith.constant 2 : i32
        %dma_wait3A_226 = arith.constant 0 : i32
        %dma_wait3A_227 = arith.constant 0 : i32
        %dma_wait3A_228 = arith.constant 0 : i32
        %dma_wait3A_229 = arith.constant 0 : i32
        %dma_wait3A_230 = tpu.memref_slice %arg9[%dma_wait3A_227, %dma_wait3A_228, %dma_wait3A_229] : memref<2x128x128xf32, #tpu.memory_space<vmem>> -> memref<1x128x128xf32, #tpu.memory_space<vmem>>
        %dma_wait3A_231 = tpu.memref_squeeze %dma_wait3A_230 : memref<1x128x128xf32, #tpu.memory_space<vmem>> -> memref<128x128xf32, #tpu.memory_space<vmem>>
        %dma_wait3A_232 = arith.constant 0 : i32
        %dma_wait3A_233 = tpu.memref_slice %arg8[%dma_wait3A_225, %dma_wait3A_226, %dma_wait3A_232] : memref<4x2x128xi32, #tpu.memory_space<vmem>> -> memref<1x1x128xi32, #tpu.memory_space<vmem>>
        %dma_wait3A_234 = tpu.memref_squeeze %dma_wait3A_233 : memref<1x1x128xi32, #tpu.memory_space<vmem>> -> memref<128xi32, #tpu.memory_space<vmem>>
        %dma_wait3A_235 = arith.constant 0 : i32
        %dma_wait3A_236 = arith.constant 0 : i32
        %dma_wait3A_237 = tpu.memref_slice %arg3[%dma_wait3A_235, %dma_wait3A_236] : memref<10000x128xf32, #tpu.memory_space<hbm>> -> memref<10000x128xf32, #tpu.memory_space<hbm>>
        tpu.wait_indirect_dma semaphore(%arg14 : memref<!tpu.dma_semaphore, #tpu.memory_space<semaphore_mem>>) src(%dma_wait3A_237 : memref<10000x128xf32, #tpu.memory_space<hbm>>) dst(%dma_wait3A_231 : memref<128x128xf32, #tpu.memory_space<vmem>>)
        %dma_start3A_238 = arith.constant 0 : i32
        %dma_start3A_239 = arith.constant 2 : i32
        %dma_start3A_240 = arith.constant 1 : i32
        %dma_start3A_241 = arith.constant 0 : i32
        %dma_start3A_242 = arith.constant 0 : i32
        %dma_start3A_243 = tpu.memref_slice %arg9[%dma_start3A_238, %dma_start3A_241, %dma_start3A_242] : memref<2x128x128xf32, #tpu.memory_space<vmem>> -> memref<1x128x128xf32, #tpu.memory_space<vmem>>
        %dma_start3A_244 = tpu.memref_squeeze %dma_start3A_243 : memref<1x128x128xf32, #tpu.memory_space<vmem>> -> memref<128x128xf32, #tpu.memory_space<vmem>>
        %dma_start3A_245 = arith.constant 0 : i32
        %dma_start3A_246 = tpu.memref_slice %arg8[%dma_start3A_239, %dma_start3A_240, %dma_start3A_245] : memref<4x2x128xi32, #tpu.memory_space<vmem>> -> memref<1x1x128xi32, #tpu.memory_space<vmem>>
        %dma_start3A_247 = tpu.memref_squeeze %dma_start3A_246 : memref<1x1x128xi32, #tpu.memory_space<vmem>> -> memref<128xi32, #tpu.memory_space<vmem>>
        %dma_start3A_248 = arith.constant 0 : i32
        %dma_start3A_249 = arith.constant 0 : i32
        %dma_start3A_250 = tpu.memref_slice %arg7[%dma_start3A_248, %dma_start3A_249] : memref<10112x128xf32, #tpu.memory_space<vmem_shared>> -> memref<10112x128xf32, #tpu.memory_space<vmem_shared>>
        tpu.enqueue_indirect_dma source(%dma_start3A_244 : memref<128x128xf32, #tpu.memory_space<vmem>>) target(%dma_start3A_250 : memref<10112x128xf32, #tpu.memory_space<vmem_shared>>) offsets(%dma_start3A_247 : memref<128xi32, #tpu.memory_space<vmem>>) semaphore(%arg16 : memref<!tpu.dma_semaphore, #tpu.memory_space<semaphore_mem>>) {add = true}
        %add3A_251 = arith.constant 3 : i32
        %add3A_252 = arith.addi %add3A_212, %add3A_251 : i32
        %lt3A_253 = arith.constant 80 : i32
        %lt3A_254 = arith.cmpi slt, %add3A_252, %lt3A_253 : i32
        %convert_element_type3A_255 = arith.extui %lt3A_254 : i1 to i32
        %cond3A_256 = arith.constant 0 : i32
        %cond3A_257 = arith.cmpi ne, %convert_element_type3A_255, %cond3A_256 : i32
        scf.if %cond3A_257 {
          %add3A_305 = arith.constant 3 : i32
          %add3A_306 = arith.addi %add3A_212, %add3A_305 : i32
          %dma_start3A_307 = arith.constant 1 : i32
          %dma_start3A_308 = arith.constant 0 : i32
          %dma_start3A_309 = arith.constant 0 : i32
          %dma_start3A_310 = tpu.memref_slice %arg8[%dma_start3A_307, %dma_start3A_308, %dma_start3A_309] : memref<4x2x128xi32, #tpu.memory_space<vmem>> -> memref<1x2x128xi32, #tpu.memory_space<vmem>>
          %dma_start3A_311 = tpu.memref_squeeze %dma_start3A_310 : memref<1x2x128xi32, #tpu.memory_space<vmem>> -> memref<2x128xi32, #tpu.memory_space<vmem>>
          %dma_start3A_312 = arith.constant 0 : i32
          %dma_start3A_313 = arith.constant 0 : i32
          %dma_start3A_314 = tpu.memref_slice %arg4[%arg1, %add3A_306, %dma_start3A_312, %dma_start3A_313] : memref<16x80x2x128xi32, #tpu.memory_space<hbm>> -> memref<1x1x2x128xi32, #tpu.memory_space<hbm>>
          %dma_start3A_315 = tpu.memref_squeeze %dma_start3A_314 : memref<1x1x2x128xi32, #tpu.memory_space<hbm>> -> memref<2x128xi32, #tpu.memory_space<hbm>>
          %dma_start3A_316 = arith.constant 0 : i32
          %dma_start3A_317 = arith.constant 0 : i32
          %dma_start3A_318 = tpu.memref_slice %arg8[%dma_start3A_307, %dma_start3A_316, %dma_start3A_317] : memref<4x2x128xi32, #tpu.memory_space<vmem>> -> memref<1x2x128xi32, #tpu.memory_space<vmem>>
          %dma_start3A_319 = tpu.memref_squeeze %dma_start3A_318 : memref<1x2x128xi32, #tpu.memory_space<vmem>> -> memref<2x128xi32, #tpu.memory_space<vmem>>
          %dma_start3A_320 = arith.constant 0 : i32
          %dma_start3A_321 = arith.constant 0 : i32
          %dma_start3A_322 = tpu.memref_slice %arg4[%arg1, %add3A_306, %dma_start3A_320, %dma_start3A_321] : memref<16x80x2x128xi32, #tpu.memory_space<hbm>> -> memref<1x1x2x128xi32, #tpu.memory_space<hbm>>
          %dma_start3A_323 = tpu.memref_squeeze %dma_start3A_322 : memref<1x1x2x128xi32, #tpu.memory_space<hbm>> -> memref<2x128xi32, #tpu.memory_space<hbm>>
          tpu.enqueue_dma source(%dma_start3A_323 : memref<2x128xi32, #tpu.memory_space<hbm>>) target(%dma_start3A_319 : memref<2x128xi32, #tpu.memory_space<vmem>>) target_semaphore(%arg11 : memref<!tpu.dma_semaphore, #tpu.memory_space<semaphore_mem>>)
        } else {
        }
        %add3A_258 = arith.constant 3 : i32
        %add3A_259 = arith.addi %add3A_118, %add3A_258 : i32
        %ge3A_260 = arith.constant 1 : i32
        %ge3A_261 = arith.cmpi sge, %add3A_259, %ge3A_260 : i32
        %convert_element_type3A_262 = arith.extui %ge3A_261 : i1 to i32
        %cond3A_263 = arith.constant 0 : i32
        %cond3A_264 = arith.cmpi ne, %convert_element_type3A_262, %cond3A_263 : i32
        scf.if %cond3A_264 {
          %sub3A = arith.constant 1 : i32
          %sub3A_305 = arith.subi %add3A_259, %sub3A : i32
          %dma_wait3A_306 = arith.constant 0 : i32
          %dma_wait3A_307 = arith.constant 2 : i32
          %dma_wait3A_308 = arith.constant 1 : i32
          %dma_wait3A_309 = arith.constant 0 : i32
          %dma_wait3A_310 = arith.constant 0 : i32
          %dma_wait3A_311 = tpu.memref_slice %arg9[%dma_wait3A_306, %dma_wait3A_309, %dma_wait3A_310] : memref<2x128x128xf32, #tpu.memory_space<vmem>> -> memref<1x128x128xf32, #tpu.memory_space<vmem>>
          %dma_wait3A_312 = tpu.memref_squeeze %dma_wait3A_311 : memref<1x128x128xf32, #tpu.memory_space<vmem>> -> memref<128x128xf32, #tpu.memory_space<vmem>>
          %dma_wait3A_313 = arith.constant 0 : i32
          %dma_wait3A_314 = tpu.memref_slice %arg8[%dma_wait3A_307, %dma_wait3A_308, %dma_wait3A_313] : memref<4x2x128xi32, #tpu.memory_space<vmem>> -> memref<1x1x128xi32, #tpu.memory_space<vmem>>
          %dma_wait3A_315 = tpu.memref_squeeze %dma_wait3A_314 : memref<1x1x128xi32, #tpu.memory_space<vmem>> -> memref<128xi32, #tpu.memory_space<vmem>>
          %dma_wait3A_316 = arith.constant 0 : i32
          %dma_wait3A_317 = arith.constant 0 : i32
          %dma_wait3A_318 = tpu.memref_slice %arg7[%dma_wait3A_316, %dma_wait3A_317] : memref<10112x128xf32, #tpu.memory_space<vmem_shared>> -> memref<10112x128xf32, #tpu.memory_space<vmem_shared>>
          tpu.wait_indirect_dma semaphore(%arg16 : memref<!tpu.dma_semaphore, #tpu.memory_space<semaphore_mem>>) src(%dma_wait3A_312 : memref<128x128xf32, #tpu.memory_space<vmem>>) dst(%dma_wait3A_318 : memref<10112x128xf32, #tpu.memory_space<vmem_shared>>)
        } else {
        }
        %add3A_265 = arith.constant 1 : i32
        %add3A_266 = arith.addi %add3A_259, %add3A_265 : i32
        %lt3A_267 = arith.constant 80 : i32
        %lt3A_268 = arith.cmpi slt, %add3A_266, %lt3A_267 : i32
        %convert_element_type3A_269 = arith.extui %lt3A_268 : i1 to i32
        %cond3A_270 = arith.constant 0 : i32
        %cond3A_271 = arith.cmpi ne, %convert_element_type3A_269, %cond3A_270 : i32
        scf.if %cond3A_271 {
          %add3A_305 = arith.constant 1 : i32
          %add3A_306 = arith.addi %add3A_259, %add3A_305 : i32
          %dma_wait3A_307 = arith.constant 0 : i32
          %dma_wait3A_308 = arith.constant 0 : i32
          %dma_wait3A_309 = arith.constant 0 : i32
          %dma_wait3A_310 = tpu.memref_slice %arg8[%dma_wait3A_307, %dma_wait3A_308, %dma_wait3A_309] : memref<4x2x128xi32, #tpu.memory_space<vmem>> -> memref<1x2x128xi32, #tpu.memory_space<vmem>>
          %dma_wait3A_311 = tpu.memref_squeeze %dma_wait3A_310 : memref<1x2x128xi32, #tpu.memory_space<vmem>> -> memref<2x128xi32, #tpu.memory_space<vmem>>
          %dma_wait3A_312 = arith.constant 0 : i32
          %dma_wait3A_313 = arith.constant 0 : i32
          %dma_wait3A_314 = tpu.memref_slice %arg4[%arg1, %add3A_306, %dma_wait3A_312, %dma_wait3A_313] : memref<16x80x2x128xi32, #tpu.memory_space<hbm>> -> memref<1x1x2x128xi32, #tpu.memory_space<hbm>>
          %dma_wait3A_315 = tpu.memref_squeeze %dma_wait3A_314 : memref<1x1x2x128xi32, #tpu.memory_space<hbm>> -> memref<2x128xi32, #tpu.memory_space<hbm>>
          %dma_wait3A_316 = arith.constant 0 : i32
          %dma_wait3A_317 = arith.constant 0 : i32
          %dma_wait3A_318 = tpu.memref_slice %arg8[%dma_wait3A_307, %dma_wait3A_316, %dma_wait3A_317] : memref<4x2x128xi32, #tpu.memory_space<vmem>> -> memref<1x2x128xi32, #tpu.memory_space<vmem>>
          %dma_wait3A_319 = tpu.memref_squeeze %dma_wait3A_318 : memref<1x2x128xi32, #tpu.memory_space<vmem>> -> memref<2x128xi32, #tpu.memory_space<vmem>>
          %dma_wait3A_320 = arith.constant 0 : i32
          %dma_wait3A_321 = arith.constant 0 : i32
          %dma_wait3A_322 = tpu.memref_slice %arg4[%arg1, %add3A_306, %dma_wait3A_320, %dma_wait3A_321] : memref<16x80x2x128xi32, #tpu.memory_space<hbm>> -> memref<1x1x2x128xi32, #tpu.memory_space<hbm>>
          %dma_wait3A_323 = tpu.memref_squeeze %dma_wait3A_322 : memref<1x1x2x128xi32, #tpu.memory_space<hbm>> -> memref<2x128xi32, #tpu.memory_space<hbm>>
          tpu.wait_dma2 semaphore(%arg10 : memref<!tpu.dma_semaphore, #tpu.memory_space<semaphore_mem>>) src(%dma_wait3A_323 : memref<2x128xi32, #tpu.memory_space<hbm>>) dst(%dma_wait3A_319 : memref<2x128xi32, #tpu.memory_space<vmem>>)
          %add3A_324 = arith.constant 1 : i32
          %add3A_325 = arith.addi %add3A_259, %add3A_324 : i32
          %dma_start3A_326 = arith.constant 0 : i32
          %dma_start3A_327 = arith.constant 0 : i32
          %dma_start3A_328 = arith.constant 0 : i32
          %dma_start3A_329 = arith.constant 0 : i32
          %dma_start3A_330 = arith.constant 0 : i32
          %dma_start3A_331 = tpu.memref_slice %arg9[%dma_start3A_328, %dma_start3A_329, %dma_start3A_330] : memref<2x128x128xf32, #tpu.memory_space<vmem>> -> memref<1x128x128xf32, #tpu.memory_space<vmem>>
          %dma_start3A_332 = tpu.memref_squeeze %dma_start3A_331 : memref<1x128x128xf32, #tpu.memory_space<vmem>> -> memref<128x128xf32, #tpu.memory_space<vmem>>
          %dma_start3A_333 = arith.constant 0 : i32
          %dma_start3A_334 = tpu.memref_slice %arg8[%dma_start3A_326, %dma_start3A_327, %dma_start3A_333] : memref<4x2x128xi32, #tpu.memory_space<vmem>> -> memref<1x1x128xi32, #tpu.memory_space<vmem>>
          %dma_start3A_335 = tpu.memref_squeeze %dma_start3A_334 : memref<1x1x128xi32, #tpu.memory_space<vmem>> -> memref<128xi32, #tpu.memory_space<vmem>>
          %dma_start3A_336 = arith.constant 0 : i32
          %dma_start3A_337 = arith.constant 0 : i32
          %dma_start3A_338 = tpu.memref_slice %arg3[%dma_start3A_336, %dma_start3A_337] : memref<10000x128xf32, #tpu.memory_space<hbm>> -> memref<10000x128xf32, #tpu.memory_space<hbm>>
          tpu.enqueue_indirect_dma source(%dma_start3A_338 : memref<10000x128xf32, #tpu.memory_space<hbm>>) target(%dma_start3A_332 : memref<128x128xf32, #tpu.memory_space<vmem>>) offsets(%dma_start3A_335 : memref<128xi32, #tpu.memory_space<vmem>>) semaphore(%arg14 : memref<!tpu.dma_semaphore, #tpu.memory_space<semaphore_mem>>)
        } else {
        }
        %dma_wait3A_272 = arith.constant 3 : i32
        %dma_wait3A_273 = arith.constant 0 : i32
        %dma_wait3A_274 = arith.constant 1 : i32
        %dma_wait3A_275 = arith.constant 0 : i32
        %dma_wait3A_276 = arith.constant 0 : i32
        %dma_wait3A_277 = tpu.memref_slice %arg9[%dma_wait3A_274, %dma_wait3A_275, %dma_wait3A_276] : memref<2x128x128xf32, #tpu.memory_space<vmem>> -> memref<1x128x128xf32, #tpu.memory_space<vmem>>
        %dma_wait3A_278 = tpu.memref_squeeze %dma_wait3A_277 : memref<1x128x128xf32, #tpu.memory_space<vmem>> -> memref<128x128xf32, #tpu.memory_space<vmem>>
        %dma_wait3A_279 = arith.constant 0 : i32
        %dma_wait3A_280 = tpu.memref_slice %arg8[%dma_wait3A_272, %dma_wait3A_273, %dma_wait3A_279] : memref<4x2x128xi32, #tpu.memory_space<vmem>> -> memref<1x1x128xi32, #tpu.memory_space<vmem>>
        %dma_wait3A_281 = tpu.memref_squeeze %dma_wait3A_280 : memref<1x1x128xi32, #tpu.memory_space<vmem>> -> memref<128xi32, #tpu.memory_space<vmem>>
        %dma_wait3A_282 = arith.constant 0 : i32
        %dma_wait3A_283 = arith.constant 0 : i32
        %dma_wait3A_284 = tpu.memref_slice %arg3[%dma_wait3A_282, %dma_wait3A_283] : memref<10000x128xf32, #tpu.memory_space<hbm>> -> memref<10000x128xf32, #tpu.memory_space<hbm>>
        tpu.wait_indirect_dma semaphore(%arg15 : memref<!tpu.dma_semaphore, #tpu.memory_space<semaphore_mem>>) src(%dma_wait3A_284 : memref<10000x128xf32, #tpu.memory_space<hbm>>) dst(%dma_wait3A_278 : memref<128x128xf32, #tpu.memory_space<vmem>>)
        %dma_start3A_285 = arith.constant 1 : i32
        %dma_start3A_286 = arith.constant 3 : i32
        %dma_start3A_287 = arith.constant 1 : i32
        %dma_start3A_288 = arith.constant 0 : i32
        %dma_start3A_289 = arith.constant 0 : i32
        %dma_start3A_290 = tpu.memref_slice %arg9[%dma_start3A_285, %dma_start3A_288, %dma_start3A_289] : memref<2x128x128xf32, #tpu.memory_space<vmem>> -> memref<1x128x128xf32, #tpu.memory_space<vmem>>
        %dma_start3A_291 = tpu.memref_squeeze %dma_start3A_290 : memref<1x128x128xf32, #tpu.memory_space<vmem>> -> memref<128x128xf32, #tpu.memory_space<vmem>>
        %dma_start3A_292 = arith.constant 0 : i32
        %dma_start3A_293 = tpu.memref_slice %arg8[%dma_start3A_286, %dma_start3A_287, %dma_start3A_292] : memref<4x2x128xi32, #tpu.memory_space<vmem>> -> memref<1x1x128xi32, #tpu.memory_space<vmem>>
        %dma_start3A_294 = tpu.memref_squeeze %dma_start3A_293 : memref<1x1x128xi32, #tpu.memory_space<vmem>> -> memref<128xi32, #tpu.memory_space<vmem>>
        %dma_start3A_295 = arith.constant 0 : i32
        %dma_start3A_296 = arith.constant 0 : i32
        %dma_start3A_297 = tpu.memref_slice %arg7[%dma_start3A_295, %dma_start3A_296] : memref<10112x128xf32, #tpu.memory_space<vmem_shared>> -> memref<10112x128xf32, #tpu.memory_space<vmem_shared>>
        tpu.enqueue_indirect_dma source(%dma_start3A_291 : memref<128x128xf32, #tpu.memory_space<vmem>>) target(%dma_start3A_297 : memref<10112x128xf32, #tpu.memory_space<vmem_shared>>) offsets(%dma_start3A_294 : memref<128xi32, #tpu.memory_space<vmem>>) semaphore(%arg17 : memref<!tpu.dma_semaphore, #tpu.memory_space<semaphore_mem>>) {add = true}
        %add3A_298 = arith.constant 3 : i32
        %add3A_299 = arith.addi %add3A_259, %add3A_298 : i32
        %lt3A_300 = arith.constant 80 : i32
        %lt3A_301 = arith.cmpi slt, %add3A_299, %lt3A_300 : i32
        %convert_element_type3A_302 = arith.extui %lt3A_301 : i1 to i32
        %cond3A_303 = arith.constant 0 : i32
        %cond3A_304 = arith.cmpi ne, %convert_element_type3A_302, %cond3A_303 : i32
        scf.if %cond3A_304 {
          %add3A_305 = arith.constant 3 : i32
          %add3A_306 = arith.addi %add3A_259, %add3A_305 : i32
          %dma_start3A_307 = arith.constant 2 : i32
          %dma_start3A_308 = arith.constant 0 : i32
          %dma_start3A_309 = arith.constant 0 : i32
          %dma_start3A_310 = tpu.memref_slice %arg8[%dma_start3A_307, %dma_start3A_308, %dma_start3A_309] : memref<4x2x128xi32, #tpu.memory_space<vmem>> -> memref<1x2x128xi32, #tpu.memory_space<vmem>>
          %dma_start3A_311 = tpu.memref_squeeze %dma_start3A_310 : memref<1x2x128xi32, #tpu.memory_space<vmem>> -> memref<2x128xi32, #tpu.memory_space<vmem>>
          %dma_start3A_312 = arith.constant 0 : i32
          %dma_start3A_313 = arith.constant 0 : i32
          %dma_start3A_314 = tpu.memref_slice %arg4[%arg1, %add3A_306, %dma_start3A_312, %dma_start3A_313] : memref<16x80x2x128xi32, #tpu.memory_space<hbm>> -> memref<1x1x2x128xi32, #tpu.memory_space<hbm>>
          %dma_start3A_315 = tpu.memref_squeeze %dma_start3A_314 : memref<1x1x2x128xi32, #tpu.memory_space<hbm>> -> memref<2x128xi32, #tpu.memory_space<hbm>>
          %dma_start3A_316 = arith.constant 0 : i32
          %dma_start3A_317 = arith.constant 0 : i32
          %dma_start3A_318 = tpu.memref_slice %arg8[%dma_start3A_307, %dma_start3A_316, %dma_start3A_317] : memref<4x2x128xi32, #tpu.memory_space<vmem>> -> memref<1x2x128xi32, #tpu.memory_space<vmem>>
          %dma_start3A_319 = tpu.memref_squeeze %dma_start3A_318 : memref<1x2x128xi32, #tpu.memory_space<vmem>> -> memref<2x128xi32, #tpu.memory_space<vmem>>
          %dma_start3A_320 = arith.constant 0 : i32
          %dma_start3A_321 = arith.constant 0 : i32
          %dma_start3A_322 = tpu.memref_slice %arg4[%arg1, %add3A_306, %dma_start3A_320, %dma_start3A_321] : memref<16x80x2x128xi32, #tpu.memory_space<hbm>> -> memref<1x1x2x128xi32, #tpu.memory_space<hbm>>
          %dma_start3A_323 = tpu.memref_squeeze %dma_start3A_322 : memref<1x1x2x128xi32, #tpu.memory_space<hbm>> -> memref<2x128xi32, #tpu.memory_space<hbm>>
          tpu.enqueue_dma source(%dma_start3A_323 : memref<2x128xi32, #tpu.memory_space<hbm>>) target(%dma_start3A_319 : memref<2x128xi32, #tpu.memory_space<vmem>>) target_semaphore(%arg12 : memref<!tpu.dma_semaphore, #tpu.memory_space<semaphore_mem>>)
        } else {
        }
      }
      %scan3A_101 = arith.constant 20 : i32
      %dma_wait3A_102 = arith.constant 1 : i32
      %dma_wait3A_103 = arith.constant 3 : i32
      %dma_wait3A_104 = arith.constant 1 : i32
      %dma_wait3A_105 = arith.constant 0 : i32
      %dma_wait3A_106 = arith.constant 0 : i32
      %dma_wait3A_107 = tpu.memref_slice %arg9[%dma_wait3A_102, %dma_wait3A_105, %dma_wait3A_106] : memref<2x128x128xf32, #tpu.memory_space<vmem>> -> memref<1x128x128xf32, #tpu.memory_space<vmem>>
      %dma_wait3A_108 = tpu.memref_squeeze %dma_wait3A_107 : memref<1x128x128xf32, #tpu.memory_space<vmem>> -> memref<128x128xf32, #tpu.memory_space<vmem>>
      %dma_wait3A_109 = arith.constant 0 : i32
      %dma_wait3A_110 = tpu.memref_slice %arg8[%dma_wait3A_103, %dma_wait3A_104, %dma_wait3A_109] : memref<4x2x128xi32, #tpu.memory_space<vmem>> -> memref<1x1x128xi32, #tpu.memory_space<vmem>>
      %dma_wait3A_111 = tpu.memref_squeeze %dma_wait3A_110 : memref<1x1x128xi32, #tpu.memory_space<vmem>> -> memref<128xi32, #tpu.memory_space<vmem>>
      %dma_wait3A_112 = arith.constant 0 : i32
      %dma_wait3A_113 = arith.constant 0 : i32
      %dma_wait3A_114 = tpu.memref_slice %arg7[%dma_wait3A_112, %dma_wait3A_113] : memref<10112x128xf32, #tpu.memory_space<vmem_shared>> -> memref<10112x128xf32, #tpu.memory_space<vmem_shared>>
      tpu.wait_indirect_dma semaphore(%arg17 : memref<!tpu.dma_semaphore, #tpu.memory_space<semaphore_mem>>) src(%dma_wait3A_108 : memref<128x128xf32, #tpu.memory_space<vmem>>) dst(%dma_wait3A_114 : memref<10112x128xf32, #tpu.memory_space<vmem_shared>>)
    } else {
    }
    %barrier3A_10 = arith.constant 0 : index
    tpu.barrier barrier_id(%barrier3A_10)
    %mul3A_11 = arith.constant 632 : i32
    %mul3A_12 = arith.muli %arg1, %mul3A_11 : i32
    %mul3A_13 = arith.constant 632 : i32
    %mul3A_14 = arith.muli %arg1, %mul3A_13 : i32
    "tpu.region"() ({
      %run_scoped3A = tpu.sem_alloc : memref<!tpu.dma_semaphore, #tpu.memory_space<semaphore_mem>>
      %dma_start3A = arith.constant 0 : i32
      %dma_start3A_15 = tpu.memref_slice %arg6[%arg0, %mul3A_14, %dma_start3A] : memref<2x10112x128xf32, #tpu.memory_space<hbm>> -> memref<1x632x128xf32, #tpu.memory_space<hbm>>
      %dma_start3A_16 = tpu.memref_squeeze %dma_start3A_15 : memref<1x632x128xf32, #tpu.memory_space<hbm>> -> memref<632x128xf32, #tpu.memory_space<hbm>>
      %dma_start3A_17 = arith.constant 0 : i32
      %dma_start3A_18 = tpu.memref_slice %arg7[%mul3A_12, %dma_start3A_17] : memref<10112x128xf32, #tpu.memory_space<vmem_shared>> -> memref<632x128xf32, #tpu.memory_space<vmem_shared>>
      tpu.enqueue_dma source(%dma_start3A_18 : memref<632x128xf32, #tpu.memory_space<vmem_shared>>) target(%dma_start3A_16 : memref<632x128xf32, #tpu.memory_space<hbm>>) target_semaphore(%run_scoped3A : memref<!tpu.dma_semaphore, #tpu.memory_space<semaphore_mem>>)
      %dma_wait3A = arith.constant 0 : i32
      %dma_wait3A_19 = tpu.memref_slice %arg6[%arg0, %mul3A_14, %dma_wait3A] : memref<2x10112x128xf32, #tpu.memory_space<hbm>> -> memref<1x632x128xf32, #tpu.memory_space<hbm>>
      %dma_wait3A_20 = tpu.memref_squeeze %dma_wait3A_19 : memref<1x632x128xf32, #tpu.memory_space<hbm>> -> memref<632x128xf32, #tpu.memory_space<hbm>>
      %dma_wait3A_21 = arith.constant 0 : i32
      %dma_wait3A_22 = tpu.memref_slice %arg7[%mul3A_12, %dma_wait3A_21] : memref<10112x128xf32, #tpu.memory_space<vmem_shared>> -> memref<632x128xf32, #tpu.memory_space<vmem_shared>>
      tpu.wait_dma2 semaphore(%run_scoped3A : memref<!tpu.dma_semaphore, #tpu.memory_space<semaphore_mem>>) src(%dma_wait3A_22 : memref<632x128xf32, #tpu.memory_space<vmem_shared>>) dst(%dma_wait3A_20 : memref<632x128xf32, #tpu.memory_space<hbm>>)
      tpu.yield
    }) : () -> ()
    return
  }
}

#map = affine_map<(d0, d1) -> (0, 0, 0)>
#map1 = affine_map<(d0, d1) -> (0, 0)>
module attributes {stable_mosaic.version = 14 : i64} {
  func.func @body(%arg0: i32, %arg1: i32, %arg2: memref<32x40x128xi32, #tpu.memory_space<hbm>>, %arg3: memref<10112x128xf32, #tpu.memory_space<hbm>>, %arg4: memref<128x128xf32, #tpu.memory_space<hbm>>, %arg5: memref<2x10112x128xf32, #tpu.memory_space<hbm>>, %arg6: memref<10112x128xf32, #tpu.memory_space<vmem_shared>>, %arg7: memref<40x128xi32, #tpu.memory_space<vmem>>, %arg8: memref<128x128xf32, #tpu.memory_space<vmem>>, %arg9: memref<!tpu.dma_semaphore, #tpu.memory_space<semaphore_mem>>, %arg10: memref<!tpu.dma_semaphore, #tpu.memory_space<semaphore_mem>>) attributes {dimension_semantics = [#tpu.dimension_semantics<core_parallel>, #tpu.dimension_semantics<subcore_parallel>], iteration_bounds = array<i64: 2, 16>, scalar_prefetch = 0 : i64, scratch_operands = 5 : i64, tpu.core_type = #tpu.core_type<sc_vector_subcore>, window_params = [{transform_indices = #map}, {transform_indices = #map1}, {transform_indices = #map1}, {transform_indices = #map}]} {
    %mul3A = arith.constant 16 : i32
    %mul3A_0 = arith.muli %arg0, %mul3A : i32
    %add3A = arith.addi %mul3A_0, %arg1 : i32
    "tpu.region"() ({
      %run_scoped3A = tpu.sem_alloc : memref<!tpu.dma_semaphore, #tpu.memory_space<semaphore_mem>>
      %dma_start3A_568 = arith.constant 0 : i32
      %dma_start3A_569 = arith.constant 0 : i32
      %dma_start3A_570 = tpu.memref_slice %arg2[%add3A, %dma_start3A_568, %dma_start3A_569] : memref<32x40x128xi32, #tpu.memory_space<hbm>> -> memref<1x40x128xi32, #tpu.memory_space<hbm>>
      %dma_start3A_571 = tpu.memref_squeeze %dma_start3A_570 : memref<1x40x128xi32, #tpu.memory_space<hbm>> -> memref<40x128xi32, #tpu.memory_space<hbm>>
      %dma_start3A_572 = arith.constant 0 : i32
      %dma_start3A_573 = arith.constant 0 : i32
      %dma_start3A_574 = tpu.memref_slice %arg2[%add3A, %dma_start3A_572, %dma_start3A_573] : memref<32x40x128xi32, #tpu.memory_space<hbm>> -> memref<1x40x128xi32, #tpu.memory_space<hbm>>
      %dma_start3A_575 = tpu.memref_squeeze %dma_start3A_574 : memref<1x40x128xi32, #tpu.memory_space<hbm>> -> memref<40x128xi32, #tpu.memory_space<hbm>>
      tpu.enqueue_dma source(%dma_start3A_575 : memref<40x128xi32, #tpu.memory_space<hbm>>) target(%arg7 : memref<40x128xi32, #tpu.memory_space<vmem>>) target_semaphore(%run_scoped3A : memref<!tpu.dma_semaphore, #tpu.memory_space<semaphore_mem>>)
      %dma_wait3A_576 = arith.constant 0 : i32
      %dma_wait3A_577 = arith.constant 0 : i32
      %dma_wait3A_578 = tpu.memref_slice %arg2[%add3A, %dma_wait3A_576, %dma_wait3A_577] : memref<32x40x128xi32, #tpu.memory_space<hbm>> -> memref<1x40x128xi32, #tpu.memory_space<hbm>>
      %dma_wait3A_579 = tpu.memref_squeeze %dma_wait3A_578 : memref<1x40x128xi32, #tpu.memory_space<hbm>> -> memref<40x128xi32, #tpu.memory_space<hbm>>
      %dma_wait3A_580 = arith.constant 0 : i32
      %dma_wait3A_581 = arith.constant 0 : i32
      %dma_wait3A_582 = tpu.memref_slice %arg2[%add3A, %dma_wait3A_580, %dma_wait3A_581] : memref<32x40x128xi32, #tpu.memory_space<hbm>> -> memref<1x40x128xi32, #tpu.memory_space<hbm>>
      %dma_wait3A_583 = tpu.memref_squeeze %dma_wait3A_582 : memref<1x40x128xi32, #tpu.memory_space<hbm>> -> memref<40x128xi32, #tpu.memory_space<hbm>>
      tpu.wait_dma2 semaphore(%run_scoped3A : memref<!tpu.dma_semaphore, #tpu.memory_space<semaphore_mem>>) src(%dma_wait3A_583 : memref<40x128xi32, #tpu.memory_space<hbm>>) dst(%arg7 : memref<40x128xi32, #tpu.memory_space<vmem>>)
      tpu.yield
    }) : () -> ()
    "tpu.region"() ({
      %run_scoped3A = tpu.sem_alloc : memref<!tpu.dma_semaphore, #tpu.memory_space<semaphore_mem>>
      tpu.enqueue_dma source(%arg4 : memref<128x128xf32, #tpu.memory_space<hbm>>) target(%arg8 : memref<128x128xf32, #tpu.memory_space<vmem>>) target_semaphore(%run_scoped3A : memref<!tpu.dma_semaphore, #tpu.memory_space<semaphore_mem>>)
      tpu.wait_dma2 semaphore(%run_scoped3A : memref<!tpu.dma_semaphore, #tpu.memory_space<semaphore_mem>>) src(%arg4 : memref<128x128xf32, #tpu.memory_space<hbm>>) dst(%arg8 : memref<128x128xf32, #tpu.memory_space<vmem>>)
      tpu.yield
    }) : () -> ()
    %mul3A_1 = arith.constant 632 : i32
    %mul3A_2 = arith.muli %arg1, %mul3A_1 : i32
    %mul3A_3 = arith.constant 632 : i32
    %mul3A_4 = arith.muli %arg1, %mul3A_3 : i32
    "tpu.region"() ({
      %run_scoped3A = tpu.sem_alloc : memref<!tpu.dma_semaphore, #tpu.memory_space<semaphore_mem>>
      %dma_start3A_568 = arith.constant 0 : i32
      %dma_start3A_569 = tpu.memref_slice %arg6[%mul3A_4, %dma_start3A_568] : memref<10112x128xf32, #tpu.memory_space<vmem_shared>> -> memref<632x128xf32, #tpu.memory_space<vmem_shared>>
      %dma_start3A_570 = arith.constant 0 : i32
      %dma_start3A_571 = tpu.memref_slice %arg3[%mul3A_2, %dma_start3A_570] : memref<10112x128xf32, #tpu.memory_space<hbm>> -> memref<632x128xf32, #tpu.memory_space<hbm>>
      tpu.enqueue_dma source(%dma_start3A_571 : memref<632x128xf32, #tpu.memory_space<hbm>>) target(%dma_start3A_569 : memref<632x128xf32, #tpu.memory_space<vmem_shared>>) target_semaphore(%run_scoped3A : memref<!tpu.dma_semaphore, #tpu.memory_space<semaphore_mem>>)
      %dma_wait3A_572 = arith.constant 0 : i32
      %dma_wait3A_573 = tpu.memref_slice %arg6[%mul3A_4, %dma_wait3A_572] : memref<10112x128xf32, #tpu.memory_space<vmem_shared>> -> memref<632x128xf32, #tpu.memory_space<vmem_shared>>
      %dma_wait3A_574 = arith.constant 0 : i32
      %dma_wait3A_575 = tpu.memref_slice %arg3[%mul3A_2, %dma_wait3A_574] : memref<10112x128xf32, #tpu.memory_space<hbm>> -> memref<632x128xf32, #tpu.memory_space<hbm>>
      tpu.wait_dma2 semaphore(%run_scoped3A : memref<!tpu.dma_semaphore, #tpu.memory_space<semaphore_mem>>) src(%dma_wait3A_575 : memref<632x128xf32, #tpu.memory_space<hbm>>) dst(%dma_wait3A_573 : memref<632x128xf32, #tpu.memory_space<vmem_shared>>)
      tpu.yield
    }) : () -> ()
    %barrier3A = arith.constant 0 : index
    tpu.barrier barrier_id(%barrier3A)
    %dma_start3A = arith.constant 0 : i32
    %dma_start3A_5 = arith.constant 0 : i32
    %dma_start3A_6 = tpu.memref_slice %arg7[%dma_start3A, %dma_start3A_5] : memref<40x128xi32, #tpu.memory_space<vmem>> -> memref<1x128xi32, #tpu.memory_space<vmem>>
    %dma_start3A_7 = tpu.memref_squeeze %dma_start3A_6 : memref<1x128xi32, #tpu.memory_space<vmem>> -> memref<128xi32, #tpu.memory_space<vmem>>
    %dma_start3A_8 = arith.constant 0 : i32
    %dma_start3A_9 = arith.constant 0 : i32
    %dma_start3A_10 = tpu.memref_slice %arg6[%dma_start3A_8, %dma_start3A_9] : memref<10112x128xf32, #tpu.memory_space<vmem_shared>> -> memref<10112x128xf32, #tpu.memory_space<vmem_shared>>
    tpu.enqueue_indirect_dma source(%arg8 : memref<128x128xf32, #tpu.memory_space<vmem>>) target(%dma_start3A_10 : memref<10112x128xf32, #tpu.memory_space<vmem_shared>>) offsets(%dma_start3A_7 : memref<128xi32, #tpu.memory_space<vmem>>) semaphore(%arg10 : memref<!tpu.dma_semaphore, #tpu.memory_space<semaphore_mem>>) {add = true}
    %dma_start3A_11 = arith.constant 1 : i32
    %dma_start3A_12 = arith.constant 0 : i32
    %dma_start3A_13 = tpu.memref_slice %arg7[%dma_start3A_11, %dma_start3A_12] : memref<40x128xi32, #tpu.memory_space<vmem>> -> memref<1x128xi32, #tpu.memory_space<vmem>>
    %dma_start3A_14 = tpu.memref_squeeze %dma_start3A_13 : memref<1x128xi32, #tpu.memory_space<vmem>> -> memref<128xi32, #tpu.memory_space<vmem>>
    %dma_start3A_15 = arith.constant 0 : i32
    %dma_start3A_16 = arith.constant 0 : i32
    %dma_start3A_17 = tpu.memref_slice %arg6[%dma_start3A_15, %dma_start3A_16] : memref<10112x128xf32, #tpu.memory_space<vmem_shared>> -> memref<10112x128xf32, #tpu.memory_space<vmem_shared>>
    tpu.enqueue_indirect_dma source(%arg8 : memref<128x128xf32, #tpu.memory_space<vmem>>) target(%dma_start3A_17 : memref<10112x128xf32, #tpu.memory_space<vmem_shared>>) offsets(%dma_start3A_14 : memref<128xi32, #tpu.memory_space<vmem>>) semaphore(%arg10 : memref<!tpu.dma_semaphore, #tpu.memory_space<semaphore_mem>>) {add = true}
    %dma_start3A_18 = arith.constant 2 : i32
    %dma_start3A_19 = arith.constant 0 : i32
    %dma_start3A_20 = tpu.memref_slice %arg7[%dma_start3A_18, %dma_start3A_19] : memref<40x128xi32, #tpu.memory_space<vmem>> -> memref<1x128xi32, #tpu.memory_space<vmem>>
    %dma_start3A_21 = tpu.memref_squeeze %dma_start3A_20 : memref<1x128xi32, #tpu.memory_space<vmem>> -> memref<128xi32, #tpu.memory_space<vmem>>
    %dma_start3A_22 = arith.constant 0 : i32
    %dma_start3A_23 = arith.constant 0 : i32
    %dma_start3A_24 = tpu.memref_slice %arg6[%dma_start3A_22, %dma_start3A_23] : memref<10112x128xf32, #tpu.memory_space<vmem_shared>> -> memref<10112x128xf32, #tpu.memory_space<vmem_shared>>
    tpu.enqueue_indirect_dma source(%arg8 : memref<128x128xf32, #tpu.memory_space<vmem>>) target(%dma_start3A_24 : memref<10112x128xf32, #tpu.memory_space<vmem_shared>>) offsets(%dma_start3A_21 : memref<128xi32, #tpu.memory_space<vmem>>) semaphore(%arg10 : memref<!tpu.dma_semaphore, #tpu.memory_space<semaphore_mem>>) {add = true}
    %dma_start3A_25 = arith.constant 3 : i32
    %dma_start3A_26 = arith.constant 0 : i32
    %dma_start3A_27 = tpu.memref_slice %arg7[%dma_start3A_25, %dma_start3A_26] : memref<40x128xi32, #tpu.memory_space<vmem>> -> memref<1x128xi32, #tpu.memory_space<vmem>>
    %dma_start3A_28 = tpu.memref_squeeze %dma_start3A_27 : memref<1x128xi32, #tpu.memory_space<vmem>> -> memref<128xi32, #tpu.memory_space<vmem>>
    %dma_start3A_29 = arith.constant 0 : i32
    %dma_start3A_30 = arith.constant 0 : i32
    %dma_start3A_31 = tpu.memref_slice %arg6[%dma_start3A_29, %dma_start3A_30] : memref<10112x128xf32, #tpu.memory_space<vmem_shared>> -> memref<10112x128xf32, #tpu.memory_space<vmem_shared>>
    tpu.enqueue_indirect_dma source(%arg8 : memref<128x128xf32, #tpu.memory_space<vmem>>) target(%dma_start3A_31 : memref<10112x128xf32, #tpu.memory_space<vmem_shared>>) offsets(%dma_start3A_28 : memref<128xi32, #tpu.memory_space<vmem>>) semaphore(%arg10 : memref<!tpu.dma_semaphore, #tpu.memory_space<semaphore_mem>>) {add = true}
    %dma_start3A_32 = arith.constant 4 : i32
    %dma_start3A_33 = arith.constant 0 : i32
    %dma_start3A_34 = tpu.memref_slice %arg7[%dma_start3A_32, %dma_start3A_33] : memref<40x128xi32, #tpu.memory_space<vmem>> -> memref<1x128xi32, #tpu.memory_space<vmem>>
    %dma_start3A_35 = tpu.memref_squeeze %dma_start3A_34 : memref<1x128xi32, #tpu.memory_space<vmem>> -> memref<128xi32, #tpu.memory_space<vmem>>
    %dma_start3A_36 = arith.constant 0 : i32
    %dma_start3A_37 = arith.constant 0 : i32
    %dma_start3A_38 = tpu.memref_slice %arg6[%dma_start3A_36, %dma_start3A_37] : memref<10112x128xf32, #tpu.memory_space<vmem_shared>> -> memref<10112x128xf32, #tpu.memory_space<vmem_shared>>
    tpu.enqueue_indirect_dma source(%arg8 : memref<128x128xf32, #tpu.memory_space<vmem>>) target(%dma_start3A_38 : memref<10112x128xf32, #tpu.memory_space<vmem_shared>>) offsets(%dma_start3A_35 : memref<128xi32, #tpu.memory_space<vmem>>) semaphore(%arg10 : memref<!tpu.dma_semaphore, #tpu.memory_space<semaphore_mem>>) {add = true}
    %dma_start3A_39 = arith.constant 5 : i32
    %dma_start3A_40 = arith.constant 0 : i32
    %dma_start3A_41 = tpu.memref_slice %arg7[%dma_start3A_39, %dma_start3A_40] : memref<40x128xi32, #tpu.memory_space<vmem>> -> memref<1x128xi32, #tpu.memory_space<vmem>>
    %dma_start3A_42 = tpu.memref_squeeze %dma_start3A_41 : memref<1x128xi32, #tpu.memory_space<vmem>> -> memref<128xi32, #tpu.memory_space<vmem>>
    %dma_start3A_43 = arith.constant 0 : i32
    %dma_start3A_44 = arith.constant 0 : i32
    %dma_start3A_45 = tpu.memref_slice %arg6[%dma_start3A_43, %dma_start3A_44] : memref<10112x128xf32, #tpu.memory_space<vmem_shared>> -> memref<10112x128xf32, #tpu.memory_space<vmem_shared>>
    tpu.enqueue_indirect_dma source(%arg8 : memref<128x128xf32, #tpu.memory_space<vmem>>) target(%dma_start3A_45 : memref<10112x128xf32, #tpu.memory_space<vmem_shared>>) offsets(%dma_start3A_42 : memref<128xi32, #tpu.memory_space<vmem>>) semaphore(%arg10 : memref<!tpu.dma_semaphore, #tpu.memory_space<semaphore_mem>>) {add = true}
    %dma_start3A_46 = arith.constant 6 : i32
    %dma_start3A_47 = arith.constant 0 : i32
    %dma_start3A_48 = tpu.memref_slice %arg7[%dma_start3A_46, %dma_start3A_47] : memref<40x128xi32, #tpu.memory_space<vmem>> -> memref<1x128xi32, #tpu.memory_space<vmem>>
    %dma_start3A_49 = tpu.memref_squeeze %dma_start3A_48 : memref<1x128xi32, #tpu.memory_space<vmem>> -> memref<128xi32, #tpu.memory_space<vmem>>
    %dma_start3A_50 = arith.constant 0 : i32
    %dma_start3A_51 = arith.constant 0 : i32
    %dma_start3A_52 = tpu.memref_slice %arg6[%dma_start3A_50, %dma_start3A_51] : memref<10112x128xf32, #tpu.memory_space<vmem_shared>> -> memref<10112x128xf32, #tpu.memory_space<vmem_shared>>
    tpu.enqueue_indirect_dma source(%arg8 : memref<128x128xf32, #tpu.memory_space<vmem>>) target(%dma_start3A_52 : memref<10112x128xf32, #tpu.memory_space<vmem_shared>>) offsets(%dma_start3A_49 : memref<128xi32, #tpu.memory_space<vmem>>) semaphore(%arg10 : memref<!tpu.dma_semaphore, #tpu.memory_space<semaphore_mem>>) {add = true}
    %dma_start3A_53 = arith.constant 7 : i32
    %dma_start3A_54 = arith.constant 0 : i32
    %dma_start3A_55 = tpu.memref_slice %arg7[%dma_start3A_53, %dma_start3A_54] : memref<40x128xi32, #tpu.memory_space<vmem>> -> memref<1x128xi32, #tpu.memory_space<vmem>>
    %dma_start3A_56 = tpu.memref_squeeze %dma_start3A_55 : memref<1x128xi32, #tpu.memory_space<vmem>> -> memref<128xi32, #tpu.memory_space<vmem>>
    %dma_start3A_57 = arith.constant 0 : i32
    %dma_start3A_58 = arith.constant 0 : i32
    %dma_start3A_59 = tpu.memref_slice %arg6[%dma_start3A_57, %dma_start3A_58] : memref<10112x128xf32, #tpu.memory_space<vmem_shared>> -> memref<10112x128xf32, #tpu.memory_space<vmem_shared>>
    tpu.enqueue_indirect_dma source(%arg8 : memref<128x128xf32, #tpu.memory_space<vmem>>) target(%dma_start3A_59 : memref<10112x128xf32, #tpu.memory_space<vmem_shared>>) offsets(%dma_start3A_56 : memref<128xi32, #tpu.memory_space<vmem>>) semaphore(%arg10 : memref<!tpu.dma_semaphore, #tpu.memory_space<semaphore_mem>>) {add = true}
    %dma_start3A_60 = arith.constant 8 : i32
    %dma_start3A_61 = arith.constant 0 : i32
    %dma_start3A_62 = tpu.memref_slice %arg7[%dma_start3A_60, %dma_start3A_61] : memref<40x128xi32, #tpu.memory_space<vmem>> -> memref<1x128xi32, #tpu.memory_space<vmem>>
    %dma_start3A_63 = tpu.memref_squeeze %dma_start3A_62 : memref<1x128xi32, #tpu.memory_space<vmem>> -> memref<128xi32, #tpu.memory_space<vmem>>
    %dma_start3A_64 = arith.constant 0 : i32
    %dma_start3A_65 = arith.constant 0 : i32
    %dma_start3A_66 = tpu.memref_slice %arg6[%dma_start3A_64, %dma_start3A_65] : memref<10112x128xf32, #tpu.memory_space<vmem_shared>> -> memref<10112x128xf32, #tpu.memory_space<vmem_shared>>
    tpu.enqueue_indirect_dma source(%arg8 : memref<128x128xf32, #tpu.memory_space<vmem>>) target(%dma_start3A_66 : memref<10112x128xf32, #tpu.memory_space<vmem_shared>>) offsets(%dma_start3A_63 : memref<128xi32, #tpu.memory_space<vmem>>) semaphore(%arg10 : memref<!tpu.dma_semaphore, #tpu.memory_space<semaphore_mem>>) {add = true}
    %dma_start3A_67 = arith.constant 9 : i32
    %dma_start3A_68 = arith.constant 0 : i32
    %dma_start3A_69 = tpu.memref_slice %arg7[%dma_start3A_67, %dma_start3A_68] : memref<40x128xi32, #tpu.memory_space<vmem>> -> memref<1x128xi32, #tpu.memory_space<vmem>>
    %dma_start3A_70 = tpu.memref_squeeze %dma_start3A_69 : memref<1x128xi32, #tpu.memory_space<vmem>> -> memref<128xi32, #tpu.memory_space<vmem>>
    %dma_start3A_71 = arith.constant 0 : i32
    %dma_start3A_72 = arith.constant 0 : i32
    %dma_start3A_73 = tpu.memref_slice %arg6[%dma_start3A_71, %dma_start3A_72] : memref<10112x128xf32, #tpu.memory_space<vmem_shared>> -> memref<10112x128xf32, #tpu.memory_space<vmem_shared>>
    tpu.enqueue_indirect_dma source(%arg8 : memref<128x128xf32, #tpu.memory_space<vmem>>) target(%dma_start3A_73 : memref<10112x128xf32, #tpu.memory_space<vmem_shared>>) offsets(%dma_start3A_70 : memref<128xi32, #tpu.memory_space<vmem>>) semaphore(%arg10 : memref<!tpu.dma_semaphore, #tpu.memory_space<semaphore_mem>>) {add = true}
    %dma_start3A_74 = arith.constant 10 : i32
    %dma_start3A_75 = arith.constant 0 : i32
    %dma_start3A_76 = tpu.memref_slice %arg7[%dma_start3A_74, %dma_start3A_75] : memref<40x128xi32, #tpu.memory_space<vmem>> -> memref<1x128xi32, #tpu.memory_space<vmem>>
    %dma_start3A_77 = tpu.memref_squeeze %dma_start3A_76 : memref<1x128xi32, #tpu.memory_space<vmem>> -> memref<128xi32, #tpu.memory_space<vmem>>
    %dma_start3A_78 = arith.constant 0 : i32
    %dma_start3A_79 = arith.constant 0 : i32
    %dma_start3A_80 = tpu.memref_slice %arg6[%dma_start3A_78, %dma_start3A_79] : memref<10112x128xf32, #tpu.memory_space<vmem_shared>> -> memref<10112x128xf32, #tpu.memory_space<vmem_shared>>
    tpu.enqueue_indirect_dma source(%arg8 : memref<128x128xf32, #tpu.memory_space<vmem>>) target(%dma_start3A_80 : memref<10112x128xf32, #tpu.memory_space<vmem_shared>>) offsets(%dma_start3A_77 : memref<128xi32, #tpu.memory_space<vmem>>) semaphore(%arg10 : memref<!tpu.dma_semaphore, #tpu.memory_space<semaphore_mem>>) {add = true}
    %dma_start3A_81 = arith.constant 11 : i32
    %dma_start3A_82 = arith.constant 0 : i32
    %dma_start3A_83 = tpu.memref_slice %arg7[%dma_start3A_81, %dma_start3A_82] : memref<40x128xi32, #tpu.memory_space<vmem>> -> memref<1x128xi32, #tpu.memory_space<vmem>>
    %dma_start3A_84 = tpu.memref_squeeze %dma_start3A_83 : memref<1x128xi32, #tpu.memory_space<vmem>> -> memref<128xi32, #tpu.memory_space<vmem>>
    %dma_start3A_85 = arith.constant 0 : i32
    %dma_start3A_86 = arith.constant 0 : i32
    %dma_start3A_87 = tpu.memref_slice %arg6[%dma_start3A_85, %dma_start3A_86] : memref<10112x128xf32, #tpu.memory_space<vmem_shared>> -> memref<10112x128xf32, #tpu.memory_space<vmem_shared>>
    tpu.enqueue_indirect_dma source(%arg8 : memref<128x128xf32, #tpu.memory_space<vmem>>) target(%dma_start3A_87 : memref<10112x128xf32, #tpu.memory_space<vmem_shared>>) offsets(%dma_start3A_84 : memref<128xi32, #tpu.memory_space<vmem>>) semaphore(%arg10 : memref<!tpu.dma_semaphore, #tpu.memory_space<semaphore_mem>>) {add = true}
    %dma_start3A_88 = arith.constant 12 : i32
    %dma_start3A_89 = arith.constant 0 : i32
    %dma_start3A_90 = tpu.memref_slice %arg7[%dma_start3A_88, %dma_start3A_89] : memref<40x128xi32, #tpu.memory_space<vmem>> -> memref<1x128xi32, #tpu.memory_space<vmem>>
    %dma_start3A_91 = tpu.memref_squeeze %dma_start3A_90 : memref<1x128xi32, #tpu.memory_space<vmem>> -> memref<128xi32, #tpu.memory_space<vmem>>
    %dma_start3A_92 = arith.constant 0 : i32
    %dma_start3A_93 = arith.constant 0 : i32
    %dma_start3A_94 = tpu.memref_slice %arg6[%dma_start3A_92, %dma_start3A_93] : memref<10112x128xf32, #tpu.memory_space<vmem_shared>> -> memref<10112x128xf32, #tpu.memory_space<vmem_shared>>
    tpu.enqueue_indirect_dma source(%arg8 : memref<128x128xf32, #tpu.memory_space<vmem>>) target(%dma_start3A_94 : memref<10112x128xf32, #tpu.memory_space<vmem_shared>>) offsets(%dma_start3A_91 : memref<128xi32, #tpu.memory_space<vmem>>) semaphore(%arg10 : memref<!tpu.dma_semaphore, #tpu.memory_space<semaphore_mem>>) {add = true}
    %dma_start3A_95 = arith.constant 13 : i32
    %dma_start3A_96 = arith.constant 0 : i32
    %dma_start3A_97 = tpu.memref_slice %arg7[%dma_start3A_95, %dma_start3A_96] : memref<40x128xi32, #tpu.memory_space<vmem>> -> memref<1x128xi32, #tpu.memory_space<vmem>>
    %dma_start3A_98 = tpu.memref_squeeze %dma_start3A_97 : memref<1x128xi32, #tpu.memory_space<vmem>> -> memref<128xi32, #tpu.memory_space<vmem>>
    %dma_start3A_99 = arith.constant 0 : i32
    %dma_start3A_100 = arith.constant 0 : i32
    %dma_start3A_101 = tpu.memref_slice %arg6[%dma_start3A_99, %dma_start3A_100] : memref<10112x128xf32, #tpu.memory_space<vmem_shared>> -> memref<10112x128xf32, #tpu.memory_space<vmem_shared>>
    tpu.enqueue_indirect_dma source(%arg8 : memref<128x128xf32, #tpu.memory_space<vmem>>) target(%dma_start3A_101 : memref<10112x128xf32, #tpu.memory_space<vmem_shared>>) offsets(%dma_start3A_98 : memref<128xi32, #tpu.memory_space<vmem>>) semaphore(%arg10 : memref<!tpu.dma_semaphore, #tpu.memory_space<semaphore_mem>>) {add = true}
    %dma_start3A_102 = arith.constant 14 : i32
    %dma_start3A_103 = arith.constant 0 : i32
    %dma_start3A_104 = tpu.memref_slice %arg7[%dma_start3A_102, %dma_start3A_103] : memref<40x128xi32, #tpu.memory_space<vmem>> -> memref<1x128xi32, #tpu.memory_space<vmem>>
    %dma_start3A_105 = tpu.memref_squeeze %dma_start3A_104 : memref<1x128xi32, #tpu.memory_space<vmem>> -> memref<128xi32, #tpu.memory_space<vmem>>
    %dma_start3A_106 = arith.constant 0 : i32
    %dma_start3A_107 = arith.constant 0 : i32
    %dma_start3A_108 = tpu.memref_slice %arg6[%dma_start3A_106, %dma_start3A_107] : memref<10112x128xf32, #tpu.memory_space<vmem_shared>> -> memref<10112x128xf32, #tpu.memory_space<vmem_shared>>
    tpu.enqueue_indirect_dma source(%arg8 : memref<128x128xf32, #tpu.memory_space<vmem>>) target(%dma_start3A_108 : memref<10112x128xf32, #tpu.memory_space<vmem_shared>>) offsets(%dma_start3A_105 : memref<128xi32, #tpu.memory_space<vmem>>) semaphore(%arg10 : memref<!tpu.dma_semaphore, #tpu.memory_space<semaphore_mem>>) {add = true}
    %dma_start3A_109 = arith.constant 15 : i32
    %dma_start3A_110 = arith.constant 0 : i32
    %dma_start3A_111 = tpu.memref_slice %arg7[%dma_start3A_109, %dma_start3A_110] : memref<40x128xi32, #tpu.memory_space<vmem>> -> memref<1x128xi32, #tpu.memory_space<vmem>>
    %dma_start3A_112 = tpu.memref_squeeze %dma_start3A_111 : memref<1x128xi32, #tpu.memory_space<vmem>> -> memref<128xi32, #tpu.memory_space<vmem>>
    %dma_start3A_113 = arith.constant 0 : i32
    %dma_start3A_114 = arith.constant 0 : i32
    %dma_start3A_115 = tpu.memref_slice %arg6[%dma_start3A_113, %dma_start3A_114] : memref<10112x128xf32, #tpu.memory_space<vmem_shared>> -> memref<10112x128xf32, #tpu.memory_space<vmem_shared>>
    tpu.enqueue_indirect_dma source(%arg8 : memref<128x128xf32, #tpu.memory_space<vmem>>) target(%dma_start3A_115 : memref<10112x128xf32, #tpu.memory_space<vmem_shared>>) offsets(%dma_start3A_112 : memref<128xi32, #tpu.memory_space<vmem>>) semaphore(%arg10 : memref<!tpu.dma_semaphore, #tpu.memory_space<semaphore_mem>>) {add = true}
    %dma_start3A_116 = arith.constant 16 : i32
    %dma_start3A_117 = arith.constant 0 : i32
    %dma_start3A_118 = tpu.memref_slice %arg7[%dma_start3A_116, %dma_start3A_117] : memref<40x128xi32, #tpu.memory_space<vmem>> -> memref<1x128xi32, #tpu.memory_space<vmem>>
    %dma_start3A_119 = tpu.memref_squeeze %dma_start3A_118 : memref<1x128xi32, #tpu.memory_space<vmem>> -> memref<128xi32, #tpu.memory_space<vmem>>
    %dma_start3A_120 = arith.constant 0 : i32
    %dma_start3A_121 = arith.constant 0 : i32
    %dma_start3A_122 = tpu.memref_slice %arg6[%dma_start3A_120, %dma_start3A_121] : memref<10112x128xf32, #tpu.memory_space<vmem_shared>> -> memref<10112x128xf32, #tpu.memory_space<vmem_shared>>
    tpu.enqueue_indirect_dma source(%arg8 : memref<128x128xf32, #tpu.memory_space<vmem>>) target(%dma_start3A_122 : memref<10112x128xf32, #tpu.memory_space<vmem_shared>>) offsets(%dma_start3A_119 : memref<128xi32, #tpu.memory_space<vmem>>) semaphore(%arg10 : memref<!tpu.dma_semaphore, #tpu.memory_space<semaphore_mem>>) {add = true}
    %dma_start3A_123 = arith.constant 17 : i32
    %dma_start3A_124 = arith.constant 0 : i32
    %dma_start3A_125 = tpu.memref_slice %arg7[%dma_start3A_123, %dma_start3A_124] : memref<40x128xi32, #tpu.memory_space<vmem>> -> memref<1x128xi32, #tpu.memory_space<vmem>>
    %dma_start3A_126 = tpu.memref_squeeze %dma_start3A_125 : memref<1x128xi32, #tpu.memory_space<vmem>> -> memref<128xi32, #tpu.memory_space<vmem>>
    %dma_start3A_127 = arith.constant 0 : i32
    %dma_start3A_128 = arith.constant 0 : i32
    %dma_start3A_129 = tpu.memref_slice %arg6[%dma_start3A_127, %dma_start3A_128] : memref<10112x128xf32, #tpu.memory_space<vmem_shared>> -> memref<10112x128xf32, #tpu.memory_space<vmem_shared>>
    tpu.enqueue_indirect_dma source(%arg8 : memref<128x128xf32, #tpu.memory_space<vmem>>) target(%dma_start3A_129 : memref<10112x128xf32, #tpu.memory_space<vmem_shared>>) offsets(%dma_start3A_126 : memref<128xi32, #tpu.memory_space<vmem>>) semaphore(%arg10 : memref<!tpu.dma_semaphore, #tpu.memory_space<semaphore_mem>>) {add = true}
    %dma_start3A_130 = arith.constant 18 : i32
    %dma_start3A_131 = arith.constant 0 : i32
    %dma_start3A_132 = tpu.memref_slice %arg7[%dma_start3A_130, %dma_start3A_131] : memref<40x128xi32, #tpu.memory_space<vmem>> -> memref<1x128xi32, #tpu.memory_space<vmem>>
    %dma_start3A_133 = tpu.memref_squeeze %dma_start3A_132 : memref<1x128xi32, #tpu.memory_space<vmem>> -> memref<128xi32, #tpu.memory_space<vmem>>
    %dma_start3A_134 = arith.constant 0 : i32
    %dma_start3A_135 = arith.constant 0 : i32
    %dma_start3A_136 = tpu.memref_slice %arg6[%dma_start3A_134, %dma_start3A_135] : memref<10112x128xf32, #tpu.memory_space<vmem_shared>> -> memref<10112x128xf32, #tpu.memory_space<vmem_shared>>
    tpu.enqueue_indirect_dma source(%arg8 : memref<128x128xf32, #tpu.memory_space<vmem>>) target(%dma_start3A_136 : memref<10112x128xf32, #tpu.memory_space<vmem_shared>>) offsets(%dma_start3A_133 : memref<128xi32, #tpu.memory_space<vmem>>) semaphore(%arg10 : memref<!tpu.dma_semaphore, #tpu.memory_space<semaphore_mem>>) {add = true}
    %dma_start3A_137 = arith.constant 19 : i32
    %dma_start3A_138 = arith.constant 0 : i32
    %dma_start3A_139 = tpu.memref_slice %arg7[%dma_start3A_137, %dma_start3A_138] : memref<40x128xi32, #tpu.memory_space<vmem>> -> memref<1x128xi32, #tpu.memory_space<vmem>>
    %dma_start3A_140 = tpu.memref_squeeze %dma_start3A_139 : memref<1x128xi32, #tpu.memory_space<vmem>> -> memref<128xi32, #tpu.memory_space<vmem>>
    %dma_start3A_141 = arith.constant 0 : i32
    %dma_start3A_142 = arith.constant 0 : i32
    %dma_start3A_143 = tpu.memref_slice %arg6[%dma_start3A_141, %dma_start3A_142] : memref<10112x128xf32, #tpu.memory_space<vmem_shared>> -> memref<10112x128xf32, #tpu.memory_space<vmem_shared>>
    tpu.enqueue_indirect_dma source(%arg8 : memref<128x128xf32, #tpu.memory_space<vmem>>) target(%dma_start3A_143 : memref<10112x128xf32, #tpu.memory_space<vmem_shared>>) offsets(%dma_start3A_140 : memref<128xi32, #tpu.memory_space<vmem>>) semaphore(%arg10 : memref<!tpu.dma_semaphore, #tpu.memory_space<semaphore_mem>>) {add = true}
    %dma_start3A_144 = arith.constant 20 : i32
    %dma_start3A_145 = arith.constant 0 : i32
    %dma_start3A_146 = tpu.memref_slice %arg7[%dma_start3A_144, %dma_start3A_145] : memref<40x128xi32, #tpu.memory_space<vmem>> -> memref<1x128xi32, #tpu.memory_space<vmem>>
    %dma_start3A_147 = tpu.memref_squeeze %dma_start3A_146 : memref<1x128xi32, #tpu.memory_space<vmem>> -> memref<128xi32, #tpu.memory_space<vmem>>
    %dma_start3A_148 = arith.constant 0 : i32
    %dma_start3A_149 = arith.constant 0 : i32
    %dma_start3A_150 = tpu.memref_slice %arg6[%dma_start3A_148, %dma_start3A_149] : memref<10112x128xf32, #tpu.memory_space<vmem_shared>> -> memref<10112x128xf32, #tpu.memory_space<vmem_shared>>
    tpu.enqueue_indirect_dma source(%arg8 : memref<128x128xf32, #tpu.memory_space<vmem>>) target(%dma_start3A_150 : memref<10112x128xf32, #tpu.memory_space<vmem_shared>>) offsets(%dma_start3A_147 : memref<128xi32, #tpu.memory_space<vmem>>) semaphore(%arg10 : memref<!tpu.dma_semaphore, #tpu.memory_space<semaphore_mem>>) {add = true}
    %dma_start3A_151 = arith.constant 21 : i32
    %dma_start3A_152 = arith.constant 0 : i32
    %dma_start3A_153 = tpu.memref_slice %arg7[%dma_start3A_151, %dma_start3A_152] : memref<40x128xi32, #tpu.memory_space<vmem>> -> memref<1x128xi32, #tpu.memory_space<vmem>>
    %dma_start3A_154 = tpu.memref_squeeze %dma_start3A_153 : memref<1x128xi32, #tpu.memory_space<vmem>> -> memref<128xi32, #tpu.memory_space<vmem>>
    %dma_start3A_155 = arith.constant 0 : i32
    %dma_start3A_156 = arith.constant 0 : i32
    %dma_start3A_157 = tpu.memref_slice %arg6[%dma_start3A_155, %dma_start3A_156] : memref<10112x128xf32, #tpu.memory_space<vmem_shared>> -> memref<10112x128xf32, #tpu.memory_space<vmem_shared>>
    tpu.enqueue_indirect_dma source(%arg8 : memref<128x128xf32, #tpu.memory_space<vmem>>) target(%dma_start3A_157 : memref<10112x128xf32, #tpu.memory_space<vmem_shared>>) offsets(%dma_start3A_154 : memref<128xi32, #tpu.memory_space<vmem>>) semaphore(%arg10 : memref<!tpu.dma_semaphore, #tpu.memory_space<semaphore_mem>>) {add = true}
    %dma_start3A_158 = arith.constant 22 : i32
    %dma_start3A_159 = arith.constant 0 : i32
    %dma_start3A_160 = tpu.memref_slice %arg7[%dma_start3A_158, %dma_start3A_159] : memref<40x128xi32, #tpu.memory_space<vmem>> -> memref<1x128xi32, #tpu.memory_space<vmem>>
    %dma_start3A_161 = tpu.memref_squeeze %dma_start3A_160 : memref<1x128xi32, #tpu.memory_space<vmem>> -> memref<128xi32, #tpu.memory_space<vmem>>
    %dma_start3A_162 = arith.constant 0 : i32
    %dma_start3A_163 = arith.constant 0 : i32
    %dma_start3A_164 = tpu.memref_slice %arg6[%dma_start3A_162, %dma_start3A_163] : memref<10112x128xf32, #tpu.memory_space<vmem_shared>> -> memref<10112x128xf32, #tpu.memory_space<vmem_shared>>
    tpu.enqueue_indirect_dma source(%arg8 : memref<128x128xf32, #tpu.memory_space<vmem>>) target(%dma_start3A_164 : memref<10112x128xf32, #tpu.memory_space<vmem_shared>>) offsets(%dma_start3A_161 : memref<128xi32, #tpu.memory_space<vmem>>) semaphore(%arg10 : memref<!tpu.dma_semaphore, #tpu.memory_space<semaphore_mem>>) {add = true}
    %dma_start3A_165 = arith.constant 23 : i32
    %dma_start3A_166 = arith.constant 0 : i32
    %dma_start3A_167 = tpu.memref_slice %arg7[%dma_start3A_165, %dma_start3A_166] : memref<40x128xi32, #tpu.memory_space<vmem>> -> memref<1x128xi32, #tpu.memory_space<vmem>>
    %dma_start3A_168 = tpu.memref_squeeze %dma_start3A_167 : memref<1x128xi32, #tpu.memory_space<vmem>> -> memref<128xi32, #tpu.memory_space<vmem>>
    %dma_start3A_169 = arith.constant 0 : i32
    %dma_start3A_170 = arith.constant 0 : i32
    %dma_start3A_171 = tpu.memref_slice %arg6[%dma_start3A_169, %dma_start3A_170] : memref<10112x128xf32, #tpu.memory_space<vmem_shared>> -> memref<10112x128xf32, #tpu.memory_space<vmem_shared>>
    tpu.enqueue_indirect_dma source(%arg8 : memref<128x128xf32, #tpu.memory_space<vmem>>) target(%dma_start3A_171 : memref<10112x128xf32, #tpu.memory_space<vmem_shared>>) offsets(%dma_start3A_168 : memref<128xi32, #tpu.memory_space<vmem>>) semaphore(%arg10 : memref<!tpu.dma_semaphore, #tpu.memory_space<semaphore_mem>>) {add = true}
    %dma_start3A_172 = arith.constant 24 : i32
    %dma_start3A_173 = arith.constant 0 : i32
    %dma_start3A_174 = tpu.memref_slice %arg7[%dma_start3A_172, %dma_start3A_173] : memref<40x128xi32, #tpu.memory_space<vmem>> -> memref<1x128xi32, #tpu.memory_space<vmem>>
    %dma_start3A_175 = tpu.memref_squeeze %dma_start3A_174 : memref<1x128xi32, #tpu.memory_space<vmem>> -> memref<128xi32, #tpu.memory_space<vmem>>
    %dma_start3A_176 = arith.constant 0 : i32
    %dma_start3A_177 = arith.constant 0 : i32
    %dma_start3A_178 = tpu.memref_slice %arg6[%dma_start3A_176, %dma_start3A_177] : memref<10112x128xf32, #tpu.memory_space<vmem_shared>> -> memref<10112x128xf32, #tpu.memory_space<vmem_shared>>
    tpu.enqueue_indirect_dma source(%arg8 : memref<128x128xf32, #tpu.memory_space<vmem>>) target(%dma_start3A_178 : memref<10112x128xf32, #tpu.memory_space<vmem_shared>>) offsets(%dma_start3A_175 : memref<128xi32, #tpu.memory_space<vmem>>) semaphore(%arg10 : memref<!tpu.dma_semaphore, #tpu.memory_space<semaphore_mem>>) {add = true}
    %dma_start3A_179 = arith.constant 25 : i32
    %dma_start3A_180 = arith.constant 0 : i32
    %dma_start3A_181 = tpu.memref_slice %arg7[%dma_start3A_179, %dma_start3A_180] : memref<40x128xi32, #tpu.memory_space<vmem>> -> memref<1x128xi32, #tpu.memory_space<vmem>>
    %dma_start3A_182 = tpu.memref_squeeze %dma_start3A_181 : memref<1x128xi32, #tpu.memory_space<vmem>> -> memref<128xi32, #tpu.memory_space<vmem>>
    %dma_start3A_183 = arith.constant 0 : i32
    %dma_start3A_184 = arith.constant 0 : i32
    %dma_start3A_185 = tpu.memref_slice %arg6[%dma_start3A_183, %dma_start3A_184] : memref<10112x128xf32, #tpu.memory_space<vmem_shared>> -> memref<10112x128xf32, #tpu.memory_space<vmem_shared>>
    tpu.enqueue_indirect_dma source(%arg8 : memref<128x128xf32, #tpu.memory_space<vmem>>) target(%dma_start3A_185 : memref<10112x128xf32, #tpu.memory_space<vmem_shared>>) offsets(%dma_start3A_182 : memref<128xi32, #tpu.memory_space<vmem>>) semaphore(%arg10 : memref<!tpu.dma_semaphore, #tpu.memory_space<semaphore_mem>>) {add = true}
    %dma_start3A_186 = arith.constant 26 : i32
    %dma_start3A_187 = arith.constant 0 : i32
    %dma_start3A_188 = tpu.memref_slice %arg7[%dma_start3A_186, %dma_start3A_187] : memref<40x128xi32, #tpu.memory_space<vmem>> -> memref<1x128xi32, #tpu.memory_space<vmem>>
    %dma_start3A_189 = tpu.memref_squeeze %dma_start3A_188 : memref<1x128xi32, #tpu.memory_space<vmem>> -> memref<128xi32, #tpu.memory_space<vmem>>
    %dma_start3A_190 = arith.constant 0 : i32
    %dma_start3A_191 = arith.constant 0 : i32
    %dma_start3A_192 = tpu.memref_slice %arg6[%dma_start3A_190, %dma_start3A_191] : memref<10112x128xf32, #tpu.memory_space<vmem_shared>> -> memref<10112x128xf32, #tpu.memory_space<vmem_shared>>
    tpu.enqueue_indirect_dma source(%arg8 : memref<128x128xf32, #tpu.memory_space<vmem>>) target(%dma_start3A_192 : memref<10112x128xf32, #tpu.memory_space<vmem_shared>>) offsets(%dma_start3A_189 : memref<128xi32, #tpu.memory_space<vmem>>) semaphore(%arg10 : memref<!tpu.dma_semaphore, #tpu.memory_space<semaphore_mem>>) {add = true}
    %dma_start3A_193 = arith.constant 27 : i32
    %dma_start3A_194 = arith.constant 0 : i32
    %dma_start3A_195 = tpu.memref_slice %arg7[%dma_start3A_193, %dma_start3A_194] : memref<40x128xi32, #tpu.memory_space<vmem>> -> memref<1x128xi32, #tpu.memory_space<vmem>>
    %dma_start3A_196 = tpu.memref_squeeze %dma_start3A_195 : memref<1x128xi32, #tpu.memory_space<vmem>> -> memref<128xi32, #tpu.memory_space<vmem>>
    %dma_start3A_197 = arith.constant 0 : i32
    %dma_start3A_198 = arith.constant 0 : i32
    %dma_start3A_199 = tpu.memref_slice %arg6[%dma_start3A_197, %dma_start3A_198] : memref<10112x128xf32, #tpu.memory_space<vmem_shared>> -> memref<10112x128xf32, #tpu.memory_space<vmem_shared>>
    tpu.enqueue_indirect_dma source(%arg8 : memref<128x128xf32, #tpu.memory_space<vmem>>) target(%dma_start3A_199 : memref<10112x128xf32, #tpu.memory_space<vmem_shared>>) offsets(%dma_start3A_196 : memref<128xi32, #tpu.memory_space<vmem>>) semaphore(%arg10 : memref<!tpu.dma_semaphore, #tpu.memory_space<semaphore_mem>>) {add = true}
    %dma_start3A_200 = arith.constant 28 : i32
    %dma_start3A_201 = arith.constant 0 : i32
    %dma_start3A_202 = tpu.memref_slice %arg7[%dma_start3A_200, %dma_start3A_201] : memref<40x128xi32, #tpu.memory_space<vmem>> -> memref<1x128xi32, #tpu.memory_space<vmem>>
    %dma_start3A_203 = tpu.memref_squeeze %dma_start3A_202 : memref<1x128xi32, #tpu.memory_space<vmem>> -> memref<128xi32, #tpu.memory_space<vmem>>
    %dma_start3A_204 = arith.constant 0 : i32
    %dma_start3A_205 = arith.constant 0 : i32
    %dma_start3A_206 = tpu.memref_slice %arg6[%dma_start3A_204, %dma_start3A_205] : memref<10112x128xf32, #tpu.memory_space<vmem_shared>> -> memref<10112x128xf32, #tpu.memory_space<vmem_shared>>
    tpu.enqueue_indirect_dma source(%arg8 : memref<128x128xf32, #tpu.memory_space<vmem>>) target(%dma_start3A_206 : memref<10112x128xf32, #tpu.memory_space<vmem_shared>>) offsets(%dma_start3A_203 : memref<128xi32, #tpu.memory_space<vmem>>) semaphore(%arg10 : memref<!tpu.dma_semaphore, #tpu.memory_space<semaphore_mem>>) {add = true}
    %dma_start3A_207 = arith.constant 29 : i32
    %dma_start3A_208 = arith.constant 0 : i32
    %dma_start3A_209 = tpu.memref_slice %arg7[%dma_start3A_207, %dma_start3A_208] : memref<40x128xi32, #tpu.memory_space<vmem>> -> memref<1x128xi32, #tpu.memory_space<vmem>>
    %dma_start3A_210 = tpu.memref_squeeze %dma_start3A_209 : memref<1x128xi32, #tpu.memory_space<vmem>> -> memref<128xi32, #tpu.memory_space<vmem>>
    %dma_start3A_211 = arith.constant 0 : i32
    %dma_start3A_212 = arith.constant 0 : i32
    %dma_start3A_213 = tpu.memref_slice %arg6[%dma_start3A_211, %dma_start3A_212] : memref<10112x128xf32, #tpu.memory_space<vmem_shared>> -> memref<10112x128xf32, #tpu.memory_space<vmem_shared>>
    tpu.enqueue_indirect_dma source(%arg8 : memref<128x128xf32, #tpu.memory_space<vmem>>) target(%dma_start3A_213 : memref<10112x128xf32, #tpu.memory_space<vmem_shared>>) offsets(%dma_start3A_210 : memref<128xi32, #tpu.memory_space<vmem>>) semaphore(%arg10 : memref<!tpu.dma_semaphore, #tpu.memory_space<semaphore_mem>>) {add = true}
    %dma_start3A_214 = arith.constant 30 : i32
    %dma_start3A_215 = arith.constant 0 : i32
    %dma_start3A_216 = tpu.memref_slice %arg7[%dma_start3A_214, %dma_start3A_215] : memref<40x128xi32, #tpu.memory_space<vmem>> -> memref<1x128xi32, #tpu.memory_space<vmem>>
    %dma_start3A_217 = tpu.memref_squeeze %dma_start3A_216 : memref<1x128xi32, #tpu.memory_space<vmem>> -> memref<128xi32, #tpu.memory_space<vmem>>
    %dma_start3A_218 = arith.constant 0 : i32
    %dma_start3A_219 = arith.constant 0 : i32
    %dma_start3A_220 = tpu.memref_slice %arg6[%dma_start3A_218, %dma_start3A_219] : memref<10112x128xf32, #tpu.memory_space<vmem_shared>> -> memref<10112x128xf32, #tpu.memory_space<vmem_shared>>
    tpu.enqueue_indirect_dma source(%arg8 : memref<128x128xf32, #tpu.memory_space<vmem>>) target(%dma_start3A_220 : memref<10112x128xf32, #tpu.memory_space<vmem_shared>>) offsets(%dma_start3A_217 : memref<128xi32, #tpu.memory_space<vmem>>) semaphore(%arg10 : memref<!tpu.dma_semaphore, #tpu.memory_space<semaphore_mem>>) {add = true}
    %dma_start3A_221 = arith.constant 31 : i32
    %dma_start3A_222 = arith.constant 0 : i32
    %dma_start3A_223 = tpu.memref_slice %arg7[%dma_start3A_221, %dma_start3A_222] : memref<40x128xi32, #tpu.memory_space<vmem>> -> memref<1x128xi32, #tpu.memory_space<vmem>>
    %dma_start3A_224 = tpu.memref_squeeze %dma_start3A_223 : memref<1x128xi32, #tpu.memory_space<vmem>> -> memref<128xi32, #tpu.memory_space<vmem>>
    %dma_start3A_225 = arith.constant 0 : i32
    %dma_start3A_226 = arith.constant 0 : i32
    %dma_start3A_227 = tpu.memref_slice %arg6[%dma_start3A_225, %dma_start3A_226] : memref<10112x128xf32, #tpu.memory_space<vmem_shared>> -> memref<10112x128xf32, #tpu.memory_space<vmem_shared>>
    tpu.enqueue_indirect_dma source(%arg8 : memref<128x128xf32, #tpu.memory_space<vmem>>) target(%dma_start3A_227 : memref<10112x128xf32, #tpu.memory_space<vmem_shared>>) offsets(%dma_start3A_224 : memref<128xi32, #tpu.memory_space<vmem>>) semaphore(%arg10 : memref<!tpu.dma_semaphore, #tpu.memory_space<semaphore_mem>>) {add = true}
    %dma_start3A_228 = arith.constant 32 : i32
    %dma_start3A_229 = arith.constant 0 : i32
    %dma_start3A_230 = tpu.memref_slice %arg7[%dma_start3A_228, %dma_start3A_229] : memref<40x128xi32, #tpu.memory_space<vmem>> -> memref<1x128xi32, #tpu.memory_space<vmem>>
    %dma_start3A_231 = tpu.memref_squeeze %dma_start3A_230 : memref<1x128xi32, #tpu.memory_space<vmem>> -> memref<128xi32, #tpu.memory_space<vmem>>
    %dma_start3A_232 = arith.constant 0 : i32
    %dma_start3A_233 = arith.constant 0 : i32
    %dma_start3A_234 = tpu.memref_slice %arg6[%dma_start3A_232, %dma_start3A_233] : memref<10112x128xf32, #tpu.memory_space<vmem_shared>> -> memref<10112x128xf32, #tpu.memory_space<vmem_shared>>
    tpu.enqueue_indirect_dma source(%arg8 : memref<128x128xf32, #tpu.memory_space<vmem>>) target(%dma_start3A_234 : memref<10112x128xf32, #tpu.memory_space<vmem_shared>>) offsets(%dma_start3A_231 : memref<128xi32, #tpu.memory_space<vmem>>) semaphore(%arg10 : memref<!tpu.dma_semaphore, #tpu.memory_space<semaphore_mem>>) {add = true}
    %dma_start3A_235 = arith.constant 33 : i32
    %dma_start3A_236 = arith.constant 0 : i32
    %dma_start3A_237 = tpu.memref_slice %arg7[%dma_start3A_235, %dma_start3A_236] : memref<40x128xi32, #tpu.memory_space<vmem>> -> memref<1x128xi32, #tpu.memory_space<vmem>>
    %dma_start3A_238 = tpu.memref_squeeze %dma_start3A_237 : memref<1x128xi32, #tpu.memory_space<vmem>> -> memref<128xi32, #tpu.memory_space<vmem>>
    %dma_start3A_239 = arith.constant 0 : i32
    %dma_start3A_240 = arith.constant 0 : i32
    %dma_start3A_241 = tpu.memref_slice %arg6[%dma_start3A_239, %dma_start3A_240] : memref<10112x128xf32, #tpu.memory_space<vmem_shared>> -> memref<10112x128xf32, #tpu.memory_space<vmem_shared>>
    tpu.enqueue_indirect_dma source(%arg8 : memref<128x128xf32, #tpu.memory_space<vmem>>) target(%dma_start3A_241 : memref<10112x128xf32, #tpu.memory_space<vmem_shared>>) offsets(%dma_start3A_238 : memref<128xi32, #tpu.memory_space<vmem>>) semaphore(%arg10 : memref<!tpu.dma_semaphore, #tpu.memory_space<semaphore_mem>>) {add = true}
    %dma_start3A_242 = arith.constant 34 : i32
    %dma_start3A_243 = arith.constant 0 : i32
    %dma_start3A_244 = tpu.memref_slice %arg7[%dma_start3A_242, %dma_start3A_243] : memref<40x128xi32, #tpu.memory_space<vmem>> -> memref<1x128xi32, #tpu.memory_space<vmem>>
    %dma_start3A_245 = tpu.memref_squeeze %dma_start3A_244 : memref<1x128xi32, #tpu.memory_space<vmem>> -> memref<128xi32, #tpu.memory_space<vmem>>
    %dma_start3A_246 = arith.constant 0 : i32
    %dma_start3A_247 = arith.constant 0 : i32
    %dma_start3A_248 = tpu.memref_slice %arg6[%dma_start3A_246, %dma_start3A_247] : memref<10112x128xf32, #tpu.memory_space<vmem_shared>> -> memref<10112x128xf32, #tpu.memory_space<vmem_shared>>
    tpu.enqueue_indirect_dma source(%arg8 : memref<128x128xf32, #tpu.memory_space<vmem>>) target(%dma_start3A_248 : memref<10112x128xf32, #tpu.memory_space<vmem_shared>>) offsets(%dma_start3A_245 : memref<128xi32, #tpu.memory_space<vmem>>) semaphore(%arg10 : memref<!tpu.dma_semaphore, #tpu.memory_space<semaphore_mem>>) {add = true}
    %dma_start3A_249 = arith.constant 35 : i32
    %dma_start3A_250 = arith.constant 0 : i32
    %dma_start3A_251 = tpu.memref_slice %arg7[%dma_start3A_249, %dma_start3A_250] : memref<40x128xi32, #tpu.memory_space<vmem>> -> memref<1x128xi32, #tpu.memory_space<vmem>>
    %dma_start3A_252 = tpu.memref_squeeze %dma_start3A_251 : memref<1x128xi32, #tpu.memory_space<vmem>> -> memref<128xi32, #tpu.memory_space<vmem>>
    %dma_start3A_253 = arith.constant 0 : i32
    %dma_start3A_254 = arith.constant 0 : i32
    %dma_start3A_255 = tpu.memref_slice %arg6[%dma_start3A_253, %dma_start3A_254] : memref<10112x128xf32, #tpu.memory_space<vmem_shared>> -> memref<10112x128xf32, #tpu.memory_space<vmem_shared>>
    tpu.enqueue_indirect_dma source(%arg8 : memref<128x128xf32, #tpu.memory_space<vmem>>) target(%dma_start3A_255 : memref<10112x128xf32, #tpu.memory_space<vmem_shared>>) offsets(%dma_start3A_252 : memref<128xi32, #tpu.memory_space<vmem>>) semaphore(%arg10 : memref<!tpu.dma_semaphore, #tpu.memory_space<semaphore_mem>>) {add = true}
    %dma_start3A_256 = arith.constant 36 : i32
    %dma_start3A_257 = arith.constant 0 : i32
    %dma_start3A_258 = tpu.memref_slice %arg7[%dma_start3A_256, %dma_start3A_257] : memref<40x128xi32, #tpu.memory_space<vmem>> -> memref<1x128xi32, #tpu.memory_space<vmem>>
    %dma_start3A_259 = tpu.memref_squeeze %dma_start3A_258 : memref<1x128xi32, #tpu.memory_space<vmem>> -> memref<128xi32, #tpu.memory_space<vmem>>
    %dma_start3A_260 = arith.constant 0 : i32
    %dma_start3A_261 = arith.constant 0 : i32
    %dma_start3A_262 = tpu.memref_slice %arg6[%dma_start3A_260, %dma_start3A_261] : memref<10112x128xf32, #tpu.memory_space<vmem_shared>> -> memref<10112x128xf32, #tpu.memory_space<vmem_shared>>
    tpu.enqueue_indirect_dma source(%arg8 : memref<128x128xf32, #tpu.memory_space<vmem>>) target(%dma_start3A_262 : memref<10112x128xf32, #tpu.memory_space<vmem_shared>>) offsets(%dma_start3A_259 : memref<128xi32, #tpu.memory_space<vmem>>) semaphore(%arg10 : memref<!tpu.dma_semaphore, #tpu.memory_space<semaphore_mem>>) {add = true}
    %dma_start3A_263 = arith.constant 37 : i32
    %dma_start3A_264 = arith.constant 0 : i32
    %dma_start3A_265 = tpu.memref_slice %arg7[%dma_start3A_263, %dma_start3A_264] : memref<40x128xi32, #tpu.memory_space<vmem>> -> memref<1x128xi32, #tpu.memory_space<vmem>>
    %dma_start3A_266 = tpu.memref_squeeze %dma_start3A_265 : memref<1x128xi32, #tpu.memory_space<vmem>> -> memref<128xi32, #tpu.memory_space<vmem>>
    %dma_start3A_267 = arith.constant 0 : i32
    %dma_start3A_268 = arith.constant 0 : i32
    %dma_start3A_269 = tpu.memref_slice %arg6[%dma_start3A_267, %dma_start3A_268] : memref<10112x128xf32, #tpu.memory_space<vmem_shared>> -> memref<10112x128xf32, #tpu.memory_space<vmem_shared>>
    tpu.enqueue_indirect_dma source(%arg8 : memref<128x128xf32, #tpu.memory_space<vmem>>) target(%dma_start3A_269 : memref<10112x128xf32, #tpu.memory_space<vmem_shared>>) offsets(%dma_start3A_266 : memref<128xi32, #tpu.memory_space<vmem>>) semaphore(%arg10 : memref<!tpu.dma_semaphore, #tpu.memory_space<semaphore_mem>>) {add = true}
    %dma_start3A_270 = arith.constant 38 : i32
    %dma_start3A_271 = arith.constant 0 : i32
    %dma_start3A_272 = tpu.memref_slice %arg7[%dma_start3A_270, %dma_start3A_271] : memref<40x128xi32, #tpu.memory_space<vmem>> -> memref<1x128xi32, #tpu.memory_space<vmem>>
    %dma_start3A_273 = tpu.memref_squeeze %dma_start3A_272 : memref<1x128xi32, #tpu.memory_space<vmem>> -> memref<128xi32, #tpu.memory_space<vmem>>
    %dma_start3A_274 = arith.constant 0 : i32
    %dma_start3A_275 = arith.constant 0 : i32
    %dma_start3A_276 = tpu.memref_slice %arg6[%dma_start3A_274, %dma_start3A_275] : memref<10112x128xf32, #tpu.memory_space<vmem_shared>> -> memref<10112x128xf32, #tpu.memory_space<vmem_shared>>
    tpu.enqueue_indirect_dma source(%arg8 : memref<128x128xf32, #tpu.memory_space<vmem>>) target(%dma_start3A_276 : memref<10112x128xf32, #tpu.memory_space<vmem_shared>>) offsets(%dma_start3A_273 : memref<128xi32, #tpu.memory_space<vmem>>) semaphore(%arg10 : memref<!tpu.dma_semaphore, #tpu.memory_space<semaphore_mem>>) {add = true}
    %dma_start3A_277 = arith.constant 39 : i32
    %dma_start3A_278 = arith.constant 0 : i32
    %dma_start3A_279 = tpu.memref_slice %arg7[%dma_start3A_277, %dma_start3A_278] : memref<40x128xi32, #tpu.memory_space<vmem>> -> memref<1x128xi32, #tpu.memory_space<vmem>>
    %dma_start3A_280 = tpu.memref_squeeze %dma_start3A_279 : memref<1x128xi32, #tpu.memory_space<vmem>> -> memref<128xi32, #tpu.memory_space<vmem>>
    %dma_start3A_281 = arith.constant 0 : i32
    %dma_start3A_282 = arith.constant 0 : i32
    %dma_start3A_283 = tpu.memref_slice %arg6[%dma_start3A_281, %dma_start3A_282] : memref<10112x128xf32, #tpu.memory_space<vmem_shared>> -> memref<10112x128xf32, #tpu.memory_space<vmem_shared>>
    tpu.enqueue_indirect_dma source(%arg8 : memref<128x128xf32, #tpu.memory_space<vmem>>) target(%dma_start3A_283 : memref<10112x128xf32, #tpu.memory_space<vmem_shared>>) offsets(%dma_start3A_280 : memref<128xi32, #tpu.memory_space<vmem>>) semaphore(%arg10 : memref<!tpu.dma_semaphore, #tpu.memory_space<semaphore_mem>>) {add = true}
    %dma_wait3A = arith.constant 0 : i32
    %dma_wait3A_284 = arith.constant 0 : i32
    %dma_wait3A_285 = tpu.memref_slice %arg7[%dma_wait3A, %dma_wait3A_284] : memref<40x128xi32, #tpu.memory_space<vmem>> -> memref<1x128xi32, #tpu.memory_space<vmem>>
    %dma_wait3A_286 = tpu.memref_squeeze %dma_wait3A_285 : memref<1x128xi32, #tpu.memory_space<vmem>> -> memref<128xi32, #tpu.memory_space<vmem>>
    %dma_wait3A_287 = arith.constant 0 : i32
    %dma_wait3A_288 = arith.constant 0 : i32
    %dma_wait3A_289 = tpu.memref_slice %arg6[%dma_wait3A_287, %dma_wait3A_288] : memref<10112x128xf32, #tpu.memory_space<vmem_shared>> -> memref<10112x128xf32, #tpu.memory_space<vmem_shared>>
    tpu.wait_indirect_dma semaphore(%arg10 : memref<!tpu.dma_semaphore, #tpu.memory_space<semaphore_mem>>) src(%arg8 : memref<128x128xf32, #tpu.memory_space<vmem>>) dst(%dma_wait3A_289 : memref<10112x128xf32, #tpu.memory_space<vmem_shared>>)
    %dma_wait3A_290 = arith.constant 1 : i32
    %dma_wait3A_291 = arith.constant 0 : i32
    %dma_wait3A_292 = tpu.memref_slice %arg7[%dma_wait3A_290, %dma_wait3A_291] : memref<40x128xi32, #tpu.memory_space<vmem>> -> memref<1x128xi32, #tpu.memory_space<vmem>>
    %dma_wait3A_293 = tpu.memref_squeeze %dma_wait3A_292 : memref<1x128xi32, #tpu.memory_space<vmem>> -> memref<128xi32, #tpu.memory_space<vmem>>
    %dma_wait3A_294 = arith.constant 0 : i32
    %dma_wait3A_295 = arith.constant 0 : i32
    %dma_wait3A_296 = tpu.memref_slice %arg6[%dma_wait3A_294, %dma_wait3A_295] : memref<10112x128xf32, #tpu.memory_space<vmem_shared>> -> memref<10112x128xf32, #tpu.memory_space<vmem_shared>>
    tpu.wait_indirect_dma semaphore(%arg10 : memref<!tpu.dma_semaphore, #tpu.memory_space<semaphore_mem>>) src(%arg8 : memref<128x128xf32, #tpu.memory_space<vmem>>) dst(%dma_wait3A_296 : memref<10112x128xf32, #tpu.memory_space<vmem_shared>>)
    %dma_wait3A_297 = arith.constant 2 : i32
    %dma_wait3A_298 = arith.constant 0 : i32
    %dma_wait3A_299 = tpu.memref_slice %arg7[%dma_wait3A_297, %dma_wait3A_298] : memref<40x128xi32, #tpu.memory_space<vmem>> -> memref<1x128xi32, #tpu.memory_space<vmem>>
    %dma_wait3A_300 = tpu.memref_squeeze %dma_wait3A_299 : memref<1x128xi32, #tpu.memory_space<vmem>> -> memref<128xi32, #tpu.memory_space<vmem>>
    %dma_wait3A_301 = arith.constant 0 : i32
    %dma_wait3A_302 = arith.constant 0 : i32
    %dma_wait3A_303 = tpu.memref_slice %arg6[%dma_wait3A_301, %dma_wait3A_302] : memref<10112x128xf32, #tpu.memory_space<vmem_shared>> -> memref<10112x128xf32, #tpu.memory_space<vmem_shared>>
    tpu.wait_indirect_dma semaphore(%arg10 : memref<!tpu.dma_semaphore, #tpu.memory_space<semaphore_mem>>) src(%arg8 : memref<128x128xf32, #tpu.memory_space<vmem>>) dst(%dma_wait3A_303 : memref<10112x128xf32, #tpu.memory_space<vmem_shared>>)
    %dma_wait3A_304 = arith.constant 3 : i32
    %dma_wait3A_305 = arith.constant 0 : i32
    %dma_wait3A_306 = tpu.memref_slice %arg7[%dma_wait3A_304, %dma_wait3A_305] : memref<40x128xi32, #tpu.memory_space<vmem>> -> memref<1x128xi32, #tpu.memory_space<vmem>>
    %dma_wait3A_307 = tpu.memref_squeeze %dma_wait3A_306 : memref<1x128xi32, #tpu.memory_space<vmem>> -> memref<128xi32, #tpu.memory_space<vmem>>
    %dma_wait3A_308 = arith.constant 0 : i32
    %dma_wait3A_309 = arith.constant 0 : i32
    %dma_wait3A_310 = tpu.memref_slice %arg6[%dma_wait3A_308, %dma_wait3A_309] : memref<10112x128xf32, #tpu.memory_space<vmem_shared>> -> memref<10112x128xf32, #tpu.memory_space<vmem_shared>>
    tpu.wait_indirect_dma semaphore(%arg10 : memref<!tpu.dma_semaphore, #tpu.memory_space<semaphore_mem>>) src(%arg8 : memref<128x128xf32, #tpu.memory_space<vmem>>) dst(%dma_wait3A_310 : memref<10112x128xf32, #tpu.memory_space<vmem_shared>>)
    %dma_wait3A_311 = arith.constant 4 : i32
    %dma_wait3A_312 = arith.constant 0 : i32
    %dma_wait3A_313 = tpu.memref_slice %arg7[%dma_wait3A_311, %dma_wait3A_312] : memref<40x128xi32, #tpu.memory_space<vmem>> -> memref<1x128xi32, #tpu.memory_space<vmem>>
    %dma_wait3A_314 = tpu.memref_squeeze %dma_wait3A_313 : memref<1x128xi32, #tpu.memory_space<vmem>> -> memref<128xi32, #tpu.memory_space<vmem>>
    %dma_wait3A_315 = arith.constant 0 : i32
    %dma_wait3A_316 = arith.constant 0 : i32
    %dma_wait3A_317 = tpu.memref_slice %arg6[%dma_wait3A_315, %dma_wait3A_316] : memref<10112x128xf32, #tpu.memory_space<vmem_shared>> -> memref<10112x128xf32, #tpu.memory_space<vmem_shared>>
    tpu.wait_indirect_dma semaphore(%arg10 : memref<!tpu.dma_semaphore, #tpu.memory_space<semaphore_mem>>) src(%arg8 : memref<128x128xf32, #tpu.memory_space<vmem>>) dst(%dma_wait3A_317 : memref<10112x128xf32, #tpu.memory_space<vmem_shared>>)
    %dma_wait3A_318 = arith.constant 5 : i32
    %dma_wait3A_319 = arith.constant 0 : i32
    %dma_wait3A_320 = tpu.memref_slice %arg7[%dma_wait3A_318, %dma_wait3A_319] : memref<40x128xi32, #tpu.memory_space<vmem>> -> memref<1x128xi32, #tpu.memory_space<vmem>>
    %dma_wait3A_321 = tpu.memref_squeeze %dma_wait3A_320 : memref<1x128xi32, #tpu.memory_space<vmem>> -> memref<128xi32, #tpu.memory_space<vmem>>
    %dma_wait3A_322 = arith.constant 0 : i32
    %dma_wait3A_323 = arith.constant 0 : i32
    %dma_wait3A_324 = tpu.memref_slice %arg6[%dma_wait3A_322, %dma_wait3A_323] : memref<10112x128xf32, #tpu.memory_space<vmem_shared>> -> memref<10112x128xf32, #tpu.memory_space<vmem_shared>>
    tpu.wait_indirect_dma semaphore(%arg10 : memref<!tpu.dma_semaphore, #tpu.memory_space<semaphore_mem>>) src(%arg8 : memref<128x128xf32, #tpu.memory_space<vmem>>) dst(%dma_wait3A_324 : memref<10112x128xf32, #tpu.memory_space<vmem_shared>>)
    %dma_wait3A_325 = arith.constant 6 : i32
    %dma_wait3A_326 = arith.constant 0 : i32
    %dma_wait3A_327 = tpu.memref_slice %arg7[%dma_wait3A_325, %dma_wait3A_326] : memref<40x128xi32, #tpu.memory_space<vmem>> -> memref<1x128xi32, #tpu.memory_space<vmem>>
    %dma_wait3A_328 = tpu.memref_squeeze %dma_wait3A_327 : memref<1x128xi32, #tpu.memory_space<vmem>> -> memref<128xi32, #tpu.memory_space<vmem>>
    %dma_wait3A_329 = arith.constant 0 : i32
    %dma_wait3A_330 = arith.constant 0 : i32
    %dma_wait3A_331 = tpu.memref_slice %arg6[%dma_wait3A_329, %dma_wait3A_330] : memref<10112x128xf32, #tpu.memory_space<vmem_shared>> -> memref<10112x128xf32, #tpu.memory_space<vmem_shared>>
    tpu.wait_indirect_dma semaphore(%arg10 : memref<!tpu.dma_semaphore, #tpu.memory_space<semaphore_mem>>) src(%arg8 : memref<128x128xf32, #tpu.memory_space<vmem>>) dst(%dma_wait3A_331 : memref<10112x128xf32, #tpu.memory_space<vmem_shared>>)
    %dma_wait3A_332 = arith.constant 7 : i32
    %dma_wait3A_333 = arith.constant 0 : i32
    %dma_wait3A_334 = tpu.memref_slice %arg7[%dma_wait3A_332, %dma_wait3A_333] : memref<40x128xi32, #tpu.memory_space<vmem>> -> memref<1x128xi32, #tpu.memory_space<vmem>>
    %dma_wait3A_335 = tpu.memref_squeeze %dma_wait3A_334 : memref<1x128xi32, #tpu.memory_space<vmem>> -> memref<128xi32, #tpu.memory_space<vmem>>
    %dma_wait3A_336 = arith.constant 0 : i32
    %dma_wait3A_337 = arith.constant 0 : i32
    %dma_wait3A_338 = tpu.memref_slice %arg6[%dma_wait3A_336, %dma_wait3A_337] : memref<10112x128xf32, #tpu.memory_space<vmem_shared>> -> memref<10112x128xf32, #tpu.memory_space<vmem_shared>>
    tpu.wait_indirect_dma semaphore(%arg10 : memref<!tpu.dma_semaphore, #tpu.memory_space<semaphore_mem>>) src(%arg8 : memref<128x128xf32, #tpu.memory_space<vmem>>) dst(%dma_wait3A_338 : memref<10112x128xf32, #tpu.memory_space<vmem_shared>>)
    %dma_wait3A_339 = arith.constant 8 : i32
    %dma_wait3A_340 = arith.constant 0 : i32
    %dma_wait3A_341 = tpu.memref_slice %arg7[%dma_wait3A_339, %dma_wait3A_340] : memref<40x128xi32, #tpu.memory_space<vmem>> -> memref<1x128xi32, #tpu.memory_space<vmem>>
    %dma_wait3A_342 = tpu.memref_squeeze %dma_wait3A_341 : memref<1x128xi32, #tpu.memory_space<vmem>> -> memref<128xi32, #tpu.memory_space<vmem>>
    %dma_wait3A_343 = arith.constant 0 : i32
    %dma_wait3A_344 = arith.constant 0 : i32
    %dma_wait3A_345 = tpu.memref_slice %arg6[%dma_wait3A_343, %dma_wait3A_344] : memref<10112x128xf32, #tpu.memory_space<vmem_shared>> -> memref<10112x128xf32, #tpu.memory_space<vmem_shared>>
    tpu.wait_indirect_dma semaphore(%arg10 : memref<!tpu.dma_semaphore, #tpu.memory_space<semaphore_mem>>) src(%arg8 : memref<128x128xf32, #tpu.memory_space<vmem>>) dst(%dma_wait3A_345 : memref<10112x128xf32, #tpu.memory_space<vmem_shared>>)
    %dma_wait3A_346 = arith.constant 9 : i32
    %dma_wait3A_347 = arith.constant 0 : i32
    %dma_wait3A_348 = tpu.memref_slice %arg7[%dma_wait3A_346, %dma_wait3A_347] : memref<40x128xi32, #tpu.memory_space<vmem>> -> memref<1x128xi32, #tpu.memory_space<vmem>>
    %dma_wait3A_349 = tpu.memref_squeeze %dma_wait3A_348 : memref<1x128xi32, #tpu.memory_space<vmem>> -> memref<128xi32, #tpu.memory_space<vmem>>
    %dma_wait3A_350 = arith.constant 0 : i32
    %dma_wait3A_351 = arith.constant 0 : i32
    %dma_wait3A_352 = tpu.memref_slice %arg6[%dma_wait3A_350, %dma_wait3A_351] : memref<10112x128xf32, #tpu.memory_space<vmem_shared>> -> memref<10112x128xf32, #tpu.memory_space<vmem_shared>>
    tpu.wait_indirect_dma semaphore(%arg10 : memref<!tpu.dma_semaphore, #tpu.memory_space<semaphore_mem>>) src(%arg8 : memref<128x128xf32, #tpu.memory_space<vmem>>) dst(%dma_wait3A_352 : memref<10112x128xf32, #tpu.memory_space<vmem_shared>>)
    %dma_wait3A_353 = arith.constant 10 : i32
    %dma_wait3A_354 = arith.constant 0 : i32
    %dma_wait3A_355 = tpu.memref_slice %arg7[%dma_wait3A_353, %dma_wait3A_354] : memref<40x128xi32, #tpu.memory_space<vmem>> -> memref<1x128xi32, #tpu.memory_space<vmem>>
    %dma_wait3A_356 = tpu.memref_squeeze %dma_wait3A_355 : memref<1x128xi32, #tpu.memory_space<vmem>> -> memref<128xi32, #tpu.memory_space<vmem>>
    %dma_wait3A_357 = arith.constant 0 : i32
    %dma_wait3A_358 = arith.constant 0 : i32
    %dma_wait3A_359 = tpu.memref_slice %arg6[%dma_wait3A_357, %dma_wait3A_358] : memref<10112x128xf32, #tpu.memory_space<vmem_shared>> -> memref<10112x128xf32, #tpu.memory_space<vmem_shared>>
    tpu.wait_indirect_dma semaphore(%arg10 : memref<!tpu.dma_semaphore, #tpu.memory_space<semaphore_mem>>) src(%arg8 : memref<128x128xf32, #tpu.memory_space<vmem>>) dst(%dma_wait3A_359 : memref<10112x128xf32, #tpu.memory_space<vmem_shared>>)
    %dma_wait3A_360 = arith.constant 11 : i32
    %dma_wait3A_361 = arith.constant 0 : i32
    %dma_wait3A_362 = tpu.memref_slice %arg7[%dma_wait3A_360, %dma_wait3A_361] : memref<40x128xi32, #tpu.memory_space<vmem>> -> memref<1x128xi32, #tpu.memory_space<vmem>>
    %dma_wait3A_363 = tpu.memref_squeeze %dma_wait3A_362 : memref<1x128xi32, #tpu.memory_space<vmem>> -> memref<128xi32, #tpu.memory_space<vmem>>
    %dma_wait3A_364 = arith.constant 0 : i32
    %dma_wait3A_365 = arith.constant 0 : i32
    %dma_wait3A_366 = tpu.memref_slice %arg6[%dma_wait3A_364, %dma_wait3A_365] : memref<10112x128xf32, #tpu.memory_space<vmem_shared>> -> memref<10112x128xf32, #tpu.memory_space<vmem_shared>>
    tpu.wait_indirect_dma semaphore(%arg10 : memref<!tpu.dma_semaphore, #tpu.memory_space<semaphore_mem>>) src(%arg8 : memref<128x128xf32, #tpu.memory_space<vmem>>) dst(%dma_wait3A_366 : memref<10112x128xf32, #tpu.memory_space<vmem_shared>>)
    %dma_wait3A_367 = arith.constant 12 : i32
    %dma_wait3A_368 = arith.constant 0 : i32
    %dma_wait3A_369 = tpu.memref_slice %arg7[%dma_wait3A_367, %dma_wait3A_368] : memref<40x128xi32, #tpu.memory_space<vmem>> -> memref<1x128xi32, #tpu.memory_space<vmem>>
    %dma_wait3A_370 = tpu.memref_squeeze %dma_wait3A_369 : memref<1x128xi32, #tpu.memory_space<vmem>> -> memref<128xi32, #tpu.memory_space<vmem>>
    %dma_wait3A_371 = arith.constant 0 : i32
    %dma_wait3A_372 = arith.constant 0 : i32
    %dma_wait3A_373 = tpu.memref_slice %arg6[%dma_wait3A_371, %dma_wait3A_372] : memref<10112x128xf32, #tpu.memory_space<vmem_shared>> -> memref<10112x128xf32, #tpu.memory_space<vmem_shared>>
    tpu.wait_indirect_dma semaphore(%arg10 : memref<!tpu.dma_semaphore, #tpu.memory_space<semaphore_mem>>) src(%arg8 : memref<128x128xf32, #tpu.memory_space<vmem>>) dst(%dma_wait3A_373 : memref<10112x128xf32, #tpu.memory_space<vmem_shared>>)
    %dma_wait3A_374 = arith.constant 13 : i32
    %dma_wait3A_375 = arith.constant 0 : i32
    %dma_wait3A_376 = tpu.memref_slice %arg7[%dma_wait3A_374, %dma_wait3A_375] : memref<40x128xi32, #tpu.memory_space<vmem>> -> memref<1x128xi32, #tpu.memory_space<vmem>>
    %dma_wait3A_377 = tpu.memref_squeeze %dma_wait3A_376 : memref<1x128xi32, #tpu.memory_space<vmem>> -> memref<128xi32, #tpu.memory_space<vmem>>
    %dma_wait3A_378 = arith.constant 0 : i32
    %dma_wait3A_379 = arith.constant 0 : i32
    %dma_wait3A_380 = tpu.memref_slice %arg6[%dma_wait3A_378, %dma_wait3A_379] : memref<10112x128xf32, #tpu.memory_space<vmem_shared>> -> memref<10112x128xf32, #tpu.memory_space<vmem_shared>>
    tpu.wait_indirect_dma semaphore(%arg10 : memref<!tpu.dma_semaphore, #tpu.memory_space<semaphore_mem>>) src(%arg8 : memref<128x128xf32, #tpu.memory_space<vmem>>) dst(%dma_wait3A_380 : memref<10112x128xf32, #tpu.memory_space<vmem_shared>>)
    %dma_wait3A_381 = arith.constant 14 : i32
    %dma_wait3A_382 = arith.constant 0 : i32
    %dma_wait3A_383 = tpu.memref_slice %arg7[%dma_wait3A_381, %dma_wait3A_382] : memref<40x128xi32, #tpu.memory_space<vmem>> -> memref<1x128xi32, #tpu.memory_space<vmem>>
    %dma_wait3A_384 = tpu.memref_squeeze %dma_wait3A_383 : memref<1x128xi32, #tpu.memory_space<vmem>> -> memref<128xi32, #tpu.memory_space<vmem>>
    %dma_wait3A_385 = arith.constant 0 : i32
    %dma_wait3A_386 = arith.constant 0 : i32
    %dma_wait3A_387 = tpu.memref_slice %arg6[%dma_wait3A_385, %dma_wait3A_386] : memref<10112x128xf32, #tpu.memory_space<vmem_shared>> -> memref<10112x128xf32, #tpu.memory_space<vmem_shared>>
    tpu.wait_indirect_dma semaphore(%arg10 : memref<!tpu.dma_semaphore, #tpu.memory_space<semaphore_mem>>) src(%arg8 : memref<128x128xf32, #tpu.memory_space<vmem>>) dst(%dma_wait3A_387 : memref<10112x128xf32, #tpu.memory_space<vmem_shared>>)
    %dma_wait3A_388 = arith.constant 15 : i32
    %dma_wait3A_389 = arith.constant 0 : i32
    %dma_wait3A_390 = tpu.memref_slice %arg7[%dma_wait3A_388, %dma_wait3A_389] : memref<40x128xi32, #tpu.memory_space<vmem>> -> memref<1x128xi32, #tpu.memory_space<vmem>>
    %dma_wait3A_391 = tpu.memref_squeeze %dma_wait3A_390 : memref<1x128xi32, #tpu.memory_space<vmem>> -> memref<128xi32, #tpu.memory_space<vmem>>
    %dma_wait3A_392 = arith.constant 0 : i32
    %dma_wait3A_393 = arith.constant 0 : i32
    %dma_wait3A_394 = tpu.memref_slice %arg6[%dma_wait3A_392, %dma_wait3A_393] : memref<10112x128xf32, #tpu.memory_space<vmem_shared>> -> memref<10112x128xf32, #tpu.memory_space<vmem_shared>>
    tpu.wait_indirect_dma semaphore(%arg10 : memref<!tpu.dma_semaphore, #tpu.memory_space<semaphore_mem>>) src(%arg8 : memref<128x128xf32, #tpu.memory_space<vmem>>) dst(%dma_wait3A_394 : memref<10112x128xf32, #tpu.memory_space<vmem_shared>>)
    %dma_wait3A_395 = arith.constant 16 : i32
    %dma_wait3A_396 = arith.constant 0 : i32
    %dma_wait3A_397 = tpu.memref_slice %arg7[%dma_wait3A_395, %dma_wait3A_396] : memref<40x128xi32, #tpu.memory_space<vmem>> -> memref<1x128xi32, #tpu.memory_space<vmem>>
    %dma_wait3A_398 = tpu.memref_squeeze %dma_wait3A_397 : memref<1x128xi32, #tpu.memory_space<vmem>> -> memref<128xi32, #tpu.memory_space<vmem>>
    %dma_wait3A_399 = arith.constant 0 : i32
    %dma_wait3A_400 = arith.constant 0 : i32
    %dma_wait3A_401 = tpu.memref_slice %arg6[%dma_wait3A_399, %dma_wait3A_400] : memref<10112x128xf32, #tpu.memory_space<vmem_shared>> -> memref<10112x128xf32, #tpu.memory_space<vmem_shared>>
    tpu.wait_indirect_dma semaphore(%arg10 : memref<!tpu.dma_semaphore, #tpu.memory_space<semaphore_mem>>) src(%arg8 : memref<128x128xf32, #tpu.memory_space<vmem>>) dst(%dma_wait3A_401 : memref<10112x128xf32, #tpu.memory_space<vmem_shared>>)
    %dma_wait3A_402 = arith.constant 17 : i32
    %dma_wait3A_403 = arith.constant 0 : i32
    %dma_wait3A_404 = tpu.memref_slice %arg7[%dma_wait3A_402, %dma_wait3A_403] : memref<40x128xi32, #tpu.memory_space<vmem>> -> memref<1x128xi32, #tpu.memory_space<vmem>>
    %dma_wait3A_405 = tpu.memref_squeeze %dma_wait3A_404 : memref<1x128xi32, #tpu.memory_space<vmem>> -> memref<128xi32, #tpu.memory_space<vmem>>
    %dma_wait3A_406 = arith.constant 0 : i32
    %dma_wait3A_407 = arith.constant 0 : i32
    %dma_wait3A_408 = tpu.memref_slice %arg6[%dma_wait3A_406, %dma_wait3A_407] : memref<10112x128xf32, #tpu.memory_space<vmem_shared>> -> memref<10112x128xf32, #tpu.memory_space<vmem_shared>>
    tpu.wait_indirect_dma semaphore(%arg10 : memref<!tpu.dma_semaphore, #tpu.memory_space<semaphore_mem>>) src(%arg8 : memref<128x128xf32, #tpu.memory_space<vmem>>) dst(%dma_wait3A_408 : memref<10112x128xf32, #tpu.memory_space<vmem_shared>>)
    %dma_wait3A_409 = arith.constant 18 : i32
    %dma_wait3A_410 = arith.constant 0 : i32
    %dma_wait3A_411 = tpu.memref_slice %arg7[%dma_wait3A_409, %dma_wait3A_410] : memref<40x128xi32, #tpu.memory_space<vmem>> -> memref<1x128xi32, #tpu.memory_space<vmem>>
    %dma_wait3A_412 = tpu.memref_squeeze %dma_wait3A_411 : memref<1x128xi32, #tpu.memory_space<vmem>> -> memref<128xi32, #tpu.memory_space<vmem>>
    %dma_wait3A_413 = arith.constant 0 : i32
    %dma_wait3A_414 = arith.constant 0 : i32
    %dma_wait3A_415 = tpu.memref_slice %arg6[%dma_wait3A_413, %dma_wait3A_414] : memref<10112x128xf32, #tpu.memory_space<vmem_shared>> -> memref<10112x128xf32, #tpu.memory_space<vmem_shared>>
    tpu.wait_indirect_dma semaphore(%arg10 : memref<!tpu.dma_semaphore, #tpu.memory_space<semaphore_mem>>) src(%arg8 : memref<128x128xf32, #tpu.memory_space<vmem>>) dst(%dma_wait3A_415 : memref<10112x128xf32, #tpu.memory_space<vmem_shared>>)
    %dma_wait3A_416 = arith.constant 19 : i32
    %dma_wait3A_417 = arith.constant 0 : i32
    %dma_wait3A_418 = tpu.memref_slice %arg7[%dma_wait3A_416, %dma_wait3A_417] : memref<40x128xi32, #tpu.memory_space<vmem>> -> memref<1x128xi32, #tpu.memory_space<vmem>>
    %dma_wait3A_419 = tpu.memref_squeeze %dma_wait3A_418 : memref<1x128xi32, #tpu.memory_space<vmem>> -> memref<128xi32, #tpu.memory_space<vmem>>
    %dma_wait3A_420 = arith.constant 0 : i32
    %dma_wait3A_421 = arith.constant 0 : i32
    %dma_wait3A_422 = tpu.memref_slice %arg6[%dma_wait3A_420, %dma_wait3A_421] : memref<10112x128xf32, #tpu.memory_space<vmem_shared>> -> memref<10112x128xf32, #tpu.memory_space<vmem_shared>>
    tpu.wait_indirect_dma semaphore(%arg10 : memref<!tpu.dma_semaphore, #tpu.memory_space<semaphore_mem>>) src(%arg8 : memref<128x128xf32, #tpu.memory_space<vmem>>) dst(%dma_wait3A_422 : memref<10112x128xf32, #tpu.memory_space<vmem_shared>>)
    %dma_wait3A_423 = arith.constant 20 : i32
    %dma_wait3A_424 = arith.constant 0 : i32
    %dma_wait3A_425 = tpu.memref_slice %arg7[%dma_wait3A_423, %dma_wait3A_424] : memref<40x128xi32, #tpu.memory_space<vmem>> -> memref<1x128xi32, #tpu.memory_space<vmem>>
    %dma_wait3A_426 = tpu.memref_squeeze %dma_wait3A_425 : memref<1x128xi32, #tpu.memory_space<vmem>> -> memref<128xi32, #tpu.memory_space<vmem>>
    %dma_wait3A_427 = arith.constant 0 : i32
    %dma_wait3A_428 = arith.constant 0 : i32
    %dma_wait3A_429 = tpu.memref_slice %arg6[%dma_wait3A_427, %dma_wait3A_428] : memref<10112x128xf32, #tpu.memory_space<vmem_shared>> -> memref<10112x128xf32, #tpu.memory_space<vmem_shared>>
    tpu.wait_indirect_dma semaphore(%arg10 : memref<!tpu.dma_semaphore, #tpu.memory_space<semaphore_mem>>) src(%arg8 : memref<128x128xf32, #tpu.memory_space<vmem>>) dst(%dma_wait3A_429 : memref<10112x128xf32, #tpu.memory_space<vmem_shared>>)
    %dma_wait3A_430 = arith.constant 21 : i32
    %dma_wait3A_431 = arith.constant 0 : i32
    %dma_wait3A_432 = tpu.memref_slice %arg7[%dma_wait3A_430, %dma_wait3A_431] : memref<40x128xi32, #tpu.memory_space<vmem>> -> memref<1x128xi32, #tpu.memory_space<vmem>>
    %dma_wait3A_433 = tpu.memref_squeeze %dma_wait3A_432 : memref<1x128xi32, #tpu.memory_space<vmem>> -> memref<128xi32, #tpu.memory_space<vmem>>
    %dma_wait3A_434 = arith.constant 0 : i32
    %dma_wait3A_435 = arith.constant 0 : i32
    %dma_wait3A_436 = tpu.memref_slice %arg6[%dma_wait3A_434, %dma_wait3A_435] : memref<10112x128xf32, #tpu.memory_space<vmem_shared>> -> memref<10112x128xf32, #tpu.memory_space<vmem_shared>>
    tpu.wait_indirect_dma semaphore(%arg10 : memref<!tpu.dma_semaphore, #tpu.memory_space<semaphore_mem>>) src(%arg8 : memref<128x128xf32, #tpu.memory_space<vmem>>) dst(%dma_wait3A_436 : memref<10112x128xf32, #tpu.memory_space<vmem_shared>>)
    %dma_wait3A_437 = arith.constant 22 : i32
    %dma_wait3A_438 = arith.constant 0 : i32
    %dma_wait3A_439 = tpu.memref_slice %arg7[%dma_wait3A_437, %dma_wait3A_438] : memref<40x128xi32, #tpu.memory_space<vmem>> -> memref<1x128xi32, #tpu.memory_space<vmem>>
    %dma_wait3A_440 = tpu.memref_squeeze %dma_wait3A_439 : memref<1x128xi32, #tpu.memory_space<vmem>> -> memref<128xi32, #tpu.memory_space<vmem>>
    %dma_wait3A_441 = arith.constant 0 : i32
    %dma_wait3A_442 = arith.constant 0 : i32
    %dma_wait3A_443 = tpu.memref_slice %arg6[%dma_wait3A_441, %dma_wait3A_442] : memref<10112x128xf32, #tpu.memory_space<vmem_shared>> -> memref<10112x128xf32, #tpu.memory_space<vmem_shared>>
    tpu.wait_indirect_dma semaphore(%arg10 : memref<!tpu.dma_semaphore, #tpu.memory_space<semaphore_mem>>) src(%arg8 : memref<128x128xf32, #tpu.memory_space<vmem>>) dst(%dma_wait3A_443 : memref<10112x128xf32, #tpu.memory_space<vmem_shared>>)
    %dma_wait3A_444 = arith.constant 23 : i32
    %dma_wait3A_445 = arith.constant 0 : i32
    %dma_wait3A_446 = tpu.memref_slice %arg7[%dma_wait3A_444, %dma_wait3A_445] : memref<40x128xi32, #tpu.memory_space<vmem>> -> memref<1x128xi32, #tpu.memory_space<vmem>>
    %dma_wait3A_447 = tpu.memref_squeeze %dma_wait3A_446 : memref<1x128xi32, #tpu.memory_space<vmem>> -> memref<128xi32, #tpu.memory_space<vmem>>
    %dma_wait3A_448 = arith.constant 0 : i32
    %dma_wait3A_449 = arith.constant 0 : i32
    %dma_wait3A_450 = tpu.memref_slice %arg6[%dma_wait3A_448, %dma_wait3A_449] : memref<10112x128xf32, #tpu.memory_space<vmem_shared>> -> memref<10112x128xf32, #tpu.memory_space<vmem_shared>>
    tpu.wait_indirect_dma semaphore(%arg10 : memref<!tpu.dma_semaphore, #tpu.memory_space<semaphore_mem>>) src(%arg8 : memref<128x128xf32, #tpu.memory_space<vmem>>) dst(%dma_wait3A_450 : memref<10112x128xf32, #tpu.memory_space<vmem_shared>>)
    %dma_wait3A_451 = arith.constant 24 : i32
    %dma_wait3A_452 = arith.constant 0 : i32
    %dma_wait3A_453 = tpu.memref_slice %arg7[%dma_wait3A_451, %dma_wait3A_452] : memref<40x128xi32, #tpu.memory_space<vmem>> -> memref<1x128xi32, #tpu.memory_space<vmem>>
    %dma_wait3A_454 = tpu.memref_squeeze %dma_wait3A_453 : memref<1x128xi32, #tpu.memory_space<vmem>> -> memref<128xi32, #tpu.memory_space<vmem>>
    %dma_wait3A_455 = arith.constant 0 : i32
    %dma_wait3A_456 = arith.constant 0 : i32
    %dma_wait3A_457 = tpu.memref_slice %arg6[%dma_wait3A_455, %dma_wait3A_456] : memref<10112x128xf32, #tpu.memory_space<vmem_shared>> -> memref<10112x128xf32, #tpu.memory_space<vmem_shared>>
    tpu.wait_indirect_dma semaphore(%arg10 : memref<!tpu.dma_semaphore, #tpu.memory_space<semaphore_mem>>) src(%arg8 : memref<128x128xf32, #tpu.memory_space<vmem>>) dst(%dma_wait3A_457 : memref<10112x128xf32, #tpu.memory_space<vmem_shared>>)
    %dma_wait3A_458 = arith.constant 25 : i32
    %dma_wait3A_459 = arith.constant 0 : i32
    %dma_wait3A_460 = tpu.memref_slice %arg7[%dma_wait3A_458, %dma_wait3A_459] : memref<40x128xi32, #tpu.memory_space<vmem>> -> memref<1x128xi32, #tpu.memory_space<vmem>>
    %dma_wait3A_461 = tpu.memref_squeeze %dma_wait3A_460 : memref<1x128xi32, #tpu.memory_space<vmem>> -> memref<128xi32, #tpu.memory_space<vmem>>
    %dma_wait3A_462 = arith.constant 0 : i32
    %dma_wait3A_463 = arith.constant 0 : i32
    %dma_wait3A_464 = tpu.memref_slice %arg6[%dma_wait3A_462, %dma_wait3A_463] : memref<10112x128xf32, #tpu.memory_space<vmem_shared>> -> memref<10112x128xf32, #tpu.memory_space<vmem_shared>>
    tpu.wait_indirect_dma semaphore(%arg10 : memref<!tpu.dma_semaphore, #tpu.memory_space<semaphore_mem>>) src(%arg8 : memref<128x128xf32, #tpu.memory_space<vmem>>) dst(%dma_wait3A_464 : memref<10112x128xf32, #tpu.memory_space<vmem_shared>>)
    %dma_wait3A_465 = arith.constant 26 : i32
    %dma_wait3A_466 = arith.constant 0 : i32
    %dma_wait3A_467 = tpu.memref_slice %arg7[%dma_wait3A_465, %dma_wait3A_466] : memref<40x128xi32, #tpu.memory_space<vmem>> -> memref<1x128xi32, #tpu.memory_space<vmem>>
    %dma_wait3A_468 = tpu.memref_squeeze %dma_wait3A_467 : memref<1x128xi32, #tpu.memory_space<vmem>> -> memref<128xi32, #tpu.memory_space<vmem>>
    %dma_wait3A_469 = arith.constant 0 : i32
    %dma_wait3A_470 = arith.constant 0 : i32
    %dma_wait3A_471 = tpu.memref_slice %arg6[%dma_wait3A_469, %dma_wait3A_470] : memref<10112x128xf32, #tpu.memory_space<vmem_shared>> -> memref<10112x128xf32, #tpu.memory_space<vmem_shared>>
    tpu.wait_indirect_dma semaphore(%arg10 : memref<!tpu.dma_semaphore, #tpu.memory_space<semaphore_mem>>) src(%arg8 : memref<128x128xf32, #tpu.memory_space<vmem>>) dst(%dma_wait3A_471 : memref<10112x128xf32, #tpu.memory_space<vmem_shared>>)
    %dma_wait3A_472 = arith.constant 27 : i32
    %dma_wait3A_473 = arith.constant 0 : i32
    %dma_wait3A_474 = tpu.memref_slice %arg7[%dma_wait3A_472, %dma_wait3A_473] : memref<40x128xi32, #tpu.memory_space<vmem>> -> memref<1x128xi32, #tpu.memory_space<vmem>>
    %dma_wait3A_475 = tpu.memref_squeeze %dma_wait3A_474 : memref<1x128xi32, #tpu.memory_space<vmem>> -> memref<128xi32, #tpu.memory_space<vmem>>
    %dma_wait3A_476 = arith.constant 0 : i32
    %dma_wait3A_477 = arith.constant 0 : i32
    %dma_wait3A_478 = tpu.memref_slice %arg6[%dma_wait3A_476, %dma_wait3A_477] : memref<10112x128xf32, #tpu.memory_space<vmem_shared>> -> memref<10112x128xf32, #tpu.memory_space<vmem_shared>>
    tpu.wait_indirect_dma semaphore(%arg10 : memref<!tpu.dma_semaphore, #tpu.memory_space<semaphore_mem>>) src(%arg8 : memref<128x128xf32, #tpu.memory_space<vmem>>) dst(%dma_wait3A_478 : memref<10112x128xf32, #tpu.memory_space<vmem_shared>>)
    %dma_wait3A_479 = arith.constant 28 : i32
    %dma_wait3A_480 = arith.constant 0 : i32
    %dma_wait3A_481 = tpu.memref_slice %arg7[%dma_wait3A_479, %dma_wait3A_480] : memref<40x128xi32, #tpu.memory_space<vmem>> -> memref<1x128xi32, #tpu.memory_space<vmem>>
    %dma_wait3A_482 = tpu.memref_squeeze %dma_wait3A_481 : memref<1x128xi32, #tpu.memory_space<vmem>> -> memref<128xi32, #tpu.memory_space<vmem>>
    %dma_wait3A_483 = arith.constant 0 : i32
    %dma_wait3A_484 = arith.constant 0 : i32
    %dma_wait3A_485 = tpu.memref_slice %arg6[%dma_wait3A_483, %dma_wait3A_484] : memref<10112x128xf32, #tpu.memory_space<vmem_shared>> -> memref<10112x128xf32, #tpu.memory_space<vmem_shared>>
    tpu.wait_indirect_dma semaphore(%arg10 : memref<!tpu.dma_semaphore, #tpu.memory_space<semaphore_mem>>) src(%arg8 : memref<128x128xf32, #tpu.memory_space<vmem>>) dst(%dma_wait3A_485 : memref<10112x128xf32, #tpu.memory_space<vmem_shared>>)
    %dma_wait3A_486 = arith.constant 29 : i32
    %dma_wait3A_487 = arith.constant 0 : i32
    %dma_wait3A_488 = tpu.memref_slice %arg7[%dma_wait3A_486, %dma_wait3A_487] : memref<40x128xi32, #tpu.memory_space<vmem>> -> memref<1x128xi32, #tpu.memory_space<vmem>>
    %dma_wait3A_489 = tpu.memref_squeeze %dma_wait3A_488 : memref<1x128xi32, #tpu.memory_space<vmem>> -> memref<128xi32, #tpu.memory_space<vmem>>
    %dma_wait3A_490 = arith.constant 0 : i32
    %dma_wait3A_491 = arith.constant 0 : i32
    %dma_wait3A_492 = tpu.memref_slice %arg6[%dma_wait3A_490, %dma_wait3A_491] : memref<10112x128xf32, #tpu.memory_space<vmem_shared>> -> memref<10112x128xf32, #tpu.memory_space<vmem_shared>>
    tpu.wait_indirect_dma semaphore(%arg10 : memref<!tpu.dma_semaphore, #tpu.memory_space<semaphore_mem>>) src(%arg8 : memref<128x128xf32, #tpu.memory_space<vmem>>) dst(%dma_wait3A_492 : memref<10112x128xf32, #tpu.memory_space<vmem_shared>>)
    %dma_wait3A_493 = arith.constant 30 : i32
    %dma_wait3A_494 = arith.constant 0 : i32
    %dma_wait3A_495 = tpu.memref_slice %arg7[%dma_wait3A_493, %dma_wait3A_494] : memref<40x128xi32, #tpu.memory_space<vmem>> -> memref<1x128xi32, #tpu.memory_space<vmem>>
    %dma_wait3A_496 = tpu.memref_squeeze %dma_wait3A_495 : memref<1x128xi32, #tpu.memory_space<vmem>> -> memref<128xi32, #tpu.memory_space<vmem>>
    %dma_wait3A_497 = arith.constant 0 : i32
    %dma_wait3A_498 = arith.constant 0 : i32
    %dma_wait3A_499 = tpu.memref_slice %arg6[%dma_wait3A_497, %dma_wait3A_498] : memref<10112x128xf32, #tpu.memory_space<vmem_shared>> -> memref<10112x128xf32, #tpu.memory_space<vmem_shared>>
    tpu.wait_indirect_dma semaphore(%arg10 : memref<!tpu.dma_semaphore, #tpu.memory_space<semaphore_mem>>) src(%arg8 : memref<128x128xf32, #tpu.memory_space<vmem>>) dst(%dma_wait3A_499 : memref<10112x128xf32, #tpu.memory_space<vmem_shared>>)
    %dma_wait3A_500 = arith.constant 31 : i32
    %dma_wait3A_501 = arith.constant 0 : i32
    %dma_wait3A_502 = tpu.memref_slice %arg7[%dma_wait3A_500, %dma_wait3A_501] : memref<40x128xi32, #tpu.memory_space<vmem>> -> memref<1x128xi32, #tpu.memory_space<vmem>>
    %dma_wait3A_503 = tpu.memref_squeeze %dma_wait3A_502 : memref<1x128xi32, #tpu.memory_space<vmem>> -> memref<128xi32, #tpu.memory_space<vmem>>
    %dma_wait3A_504 = arith.constant 0 : i32
    %dma_wait3A_505 = arith.constant 0 : i32
    %dma_wait3A_506 = tpu.memref_slice %arg6[%dma_wait3A_504, %dma_wait3A_505] : memref<10112x128xf32, #tpu.memory_space<vmem_shared>> -> memref<10112x128xf32, #tpu.memory_space<vmem_shared>>
    tpu.wait_indirect_dma semaphore(%arg10 : memref<!tpu.dma_semaphore, #tpu.memory_space<semaphore_mem>>) src(%arg8 : memref<128x128xf32, #tpu.memory_space<vmem>>) dst(%dma_wait3A_506 : memref<10112x128xf32, #tpu.memory_space<vmem_shared>>)
    %dma_wait3A_507 = arith.constant 32 : i32
    %dma_wait3A_508 = arith.constant 0 : i32
    %dma_wait3A_509 = tpu.memref_slice %arg7[%dma_wait3A_507, %dma_wait3A_508] : memref<40x128xi32, #tpu.memory_space<vmem>> -> memref<1x128xi32, #tpu.memory_space<vmem>>
    %dma_wait3A_510 = tpu.memref_squeeze %dma_wait3A_509 : memref<1x128xi32, #tpu.memory_space<vmem>> -> memref<128xi32, #tpu.memory_space<vmem>>
    %dma_wait3A_511 = arith.constant 0 : i32
    %dma_wait3A_512 = arith.constant 0 : i32
    %dma_wait3A_513 = tpu.memref_slice %arg6[%dma_wait3A_511, %dma_wait3A_512] : memref<10112x128xf32, #tpu.memory_space<vmem_shared>> -> memref<10112x128xf32, #tpu.memory_space<vmem_shared>>
    tpu.wait_indirect_dma semaphore(%arg10 : memref<!tpu.dma_semaphore, #tpu.memory_space<semaphore_mem>>) src(%arg8 : memref<128x128xf32, #tpu.memory_space<vmem>>) dst(%dma_wait3A_513 : memref<10112x128xf32, #tpu.memory_space<vmem_shared>>)
    %dma_wait3A_514 = arith.constant 33 : i32
    %dma_wait3A_515 = arith.constant 0 : i32
    %dma_wait3A_516 = tpu.memref_slice %arg7[%dma_wait3A_514, %dma_wait3A_515] : memref<40x128xi32, #tpu.memory_space<vmem>> -> memref<1x128xi32, #tpu.memory_space<vmem>>
    %dma_wait3A_517 = tpu.memref_squeeze %dma_wait3A_516 : memref<1x128xi32, #tpu.memory_space<vmem>> -> memref<128xi32, #tpu.memory_space<vmem>>
    %dma_wait3A_518 = arith.constant 0 : i32
    %dma_wait3A_519 = arith.constant 0 : i32
    %dma_wait3A_520 = tpu.memref_slice %arg6[%dma_wait3A_518, %dma_wait3A_519] : memref<10112x128xf32, #tpu.memory_space<vmem_shared>> -> memref<10112x128xf32, #tpu.memory_space<vmem_shared>>
    tpu.wait_indirect_dma semaphore(%arg10 : memref<!tpu.dma_semaphore, #tpu.memory_space<semaphore_mem>>) src(%arg8 : memref<128x128xf32, #tpu.memory_space<vmem>>) dst(%dma_wait3A_520 : memref<10112x128xf32, #tpu.memory_space<vmem_shared>>)
    %dma_wait3A_521 = arith.constant 34 : i32
    %dma_wait3A_522 = arith.constant 0 : i32
    %dma_wait3A_523 = tpu.memref_slice %arg7[%dma_wait3A_521, %dma_wait3A_522] : memref<40x128xi32, #tpu.memory_space<vmem>> -> memref<1x128xi32, #tpu.memory_space<vmem>>
    %dma_wait3A_524 = tpu.memref_squeeze %dma_wait3A_523 : memref<1x128xi32, #tpu.memory_space<vmem>> -> memref<128xi32, #tpu.memory_space<vmem>>
    %dma_wait3A_525 = arith.constant 0 : i32
    %dma_wait3A_526 = arith.constant 0 : i32
    %dma_wait3A_527 = tpu.memref_slice %arg6[%dma_wait3A_525, %dma_wait3A_526] : memref<10112x128xf32, #tpu.memory_space<vmem_shared>> -> memref<10112x128xf32, #tpu.memory_space<vmem_shared>>
    tpu.wait_indirect_dma semaphore(%arg10 : memref<!tpu.dma_semaphore, #tpu.memory_space<semaphore_mem>>) src(%arg8 : memref<128x128xf32, #tpu.memory_space<vmem>>) dst(%dma_wait3A_527 : memref<10112x128xf32, #tpu.memory_space<vmem_shared>>)
    %dma_wait3A_528 = arith.constant 35 : i32
    %dma_wait3A_529 = arith.constant 0 : i32
    %dma_wait3A_530 = tpu.memref_slice %arg7[%dma_wait3A_528, %dma_wait3A_529] : memref<40x128xi32, #tpu.memory_space<vmem>> -> memref<1x128xi32, #tpu.memory_space<vmem>>
    %dma_wait3A_531 = tpu.memref_squeeze %dma_wait3A_530 : memref<1x128xi32, #tpu.memory_space<vmem>> -> memref<128xi32, #tpu.memory_space<vmem>>
    %dma_wait3A_532 = arith.constant 0 : i32
    %dma_wait3A_533 = arith.constant 0 : i32
    %dma_wait3A_534 = tpu.memref_slice %arg6[%dma_wait3A_532, %dma_wait3A_533] : memref<10112x128xf32, #tpu.memory_space<vmem_shared>> -> memref<10112x128xf32, #tpu.memory_space<vmem_shared>>
    tpu.wait_indirect_dma semaphore(%arg10 : memref<!tpu.dma_semaphore, #tpu.memory_space<semaphore_mem>>) src(%arg8 : memref<128x128xf32, #tpu.memory_space<vmem>>) dst(%dma_wait3A_534 : memref<10112x128xf32, #tpu.memory_space<vmem_shared>>)
    %dma_wait3A_535 = arith.constant 36 : i32
    %dma_wait3A_536 = arith.constant 0 : i32
    %dma_wait3A_537 = tpu.memref_slice %arg7[%dma_wait3A_535, %dma_wait3A_536] : memref<40x128xi32, #tpu.memory_space<vmem>> -> memref<1x128xi32, #tpu.memory_space<vmem>>
    %dma_wait3A_538 = tpu.memref_squeeze %dma_wait3A_537 : memref<1x128xi32, #tpu.memory_space<vmem>> -> memref<128xi32, #tpu.memory_space<vmem>>
    %dma_wait3A_539 = arith.constant 0 : i32
    %dma_wait3A_540 = arith.constant 0 : i32
    %dma_wait3A_541 = tpu.memref_slice %arg6[%dma_wait3A_539, %dma_wait3A_540] : memref<10112x128xf32, #tpu.memory_space<vmem_shared>> -> memref<10112x128xf32, #tpu.memory_space<vmem_shared>>
    tpu.wait_indirect_dma semaphore(%arg10 : memref<!tpu.dma_semaphore, #tpu.memory_space<semaphore_mem>>) src(%arg8 : memref<128x128xf32, #tpu.memory_space<vmem>>) dst(%dma_wait3A_541 : memref<10112x128xf32, #tpu.memory_space<vmem_shared>>)
    %dma_wait3A_542 = arith.constant 37 : i32
    %dma_wait3A_543 = arith.constant 0 : i32
    %dma_wait3A_544 = tpu.memref_slice %arg7[%dma_wait3A_542, %dma_wait3A_543] : memref<40x128xi32, #tpu.memory_space<vmem>> -> memref<1x128xi32, #tpu.memory_space<vmem>>
    %dma_wait3A_545 = tpu.memref_squeeze %dma_wait3A_544 : memref<1x128xi32, #tpu.memory_space<vmem>> -> memref<128xi32, #tpu.memory_space<vmem>>
    %dma_wait3A_546 = arith.constant 0 : i32
    %dma_wait3A_547 = arith.constant 0 : i32
    %dma_wait3A_548 = tpu.memref_slice %arg6[%dma_wait3A_546, %dma_wait3A_547] : memref<10112x128xf32, #tpu.memory_space<vmem_shared>> -> memref<10112x128xf32, #tpu.memory_space<vmem_shared>>
    tpu.wait_indirect_dma semaphore(%arg10 : memref<!tpu.dma_semaphore, #tpu.memory_space<semaphore_mem>>) src(%arg8 : memref<128x128xf32, #tpu.memory_space<vmem>>) dst(%dma_wait3A_548 : memref<10112x128xf32, #tpu.memory_space<vmem_shared>>)
    %dma_wait3A_549 = arith.constant 38 : i32
    %dma_wait3A_550 = arith.constant 0 : i32
    %dma_wait3A_551 = tpu.memref_slice %arg7[%dma_wait3A_549, %dma_wait3A_550] : memref<40x128xi32, #tpu.memory_space<vmem>> -> memref<1x128xi32, #tpu.memory_space<vmem>>
    %dma_wait3A_552 = tpu.memref_squeeze %dma_wait3A_551 : memref<1x128xi32, #tpu.memory_space<vmem>> -> memref<128xi32, #tpu.memory_space<vmem>>
    %dma_wait3A_553 = arith.constant 0 : i32
    %dma_wait3A_554 = arith.constant 0 : i32
    %dma_wait3A_555 = tpu.memref_slice %arg6[%dma_wait3A_553, %dma_wait3A_554] : memref<10112x128xf32, #tpu.memory_space<vmem_shared>> -> memref<10112x128xf32, #tpu.memory_space<vmem_shared>>
    tpu.wait_indirect_dma semaphore(%arg10 : memref<!tpu.dma_semaphore, #tpu.memory_space<semaphore_mem>>) src(%arg8 : memref<128x128xf32, #tpu.memory_space<vmem>>) dst(%dma_wait3A_555 : memref<10112x128xf32, #tpu.memory_space<vmem_shared>>)
    %dma_wait3A_556 = arith.constant 39 : i32
    %dma_wait3A_557 = arith.constant 0 : i32
    %dma_wait3A_558 = tpu.memref_slice %arg7[%dma_wait3A_556, %dma_wait3A_557] : memref<40x128xi32, #tpu.memory_space<vmem>> -> memref<1x128xi32, #tpu.memory_space<vmem>>
    %dma_wait3A_559 = tpu.memref_squeeze %dma_wait3A_558 : memref<1x128xi32, #tpu.memory_space<vmem>> -> memref<128xi32, #tpu.memory_space<vmem>>
    %dma_wait3A_560 = arith.constant 0 : i32
    %dma_wait3A_561 = arith.constant 0 : i32
    %dma_wait3A_562 = tpu.memref_slice %arg6[%dma_wait3A_560, %dma_wait3A_561] : memref<10112x128xf32, #tpu.memory_space<vmem_shared>> -> memref<10112x128xf32, #tpu.memory_space<vmem_shared>>
    tpu.wait_indirect_dma semaphore(%arg10 : memref<!tpu.dma_semaphore, #tpu.memory_space<semaphore_mem>>) src(%arg8 : memref<128x128xf32, #tpu.memory_space<vmem>>) dst(%dma_wait3A_562 : memref<10112x128xf32, #tpu.memory_space<vmem_shared>>)
    %barrier3A_563 = arith.constant 0 : index
    tpu.barrier barrier_id(%barrier3A_563)
    %mul3A_564 = arith.constant 632 : i32
    %mul3A_565 = arith.muli %arg1, %mul3A_564 : i32
    %mul3A_566 = arith.constant 632 : i32
    %mul3A_567 = arith.muli %arg1, %mul3A_566 : i32
    "tpu.region"() ({
      %run_scoped3A = tpu.sem_alloc : memref<!tpu.dma_semaphore, #tpu.memory_space<semaphore_mem>>
      %dma_start3A_568 = arith.constant 0 : i32
      %dma_start3A_569 = tpu.memref_slice %arg5[%arg0, %mul3A_567, %dma_start3A_568] : memref<2x10112x128xf32, #tpu.memory_space<hbm>> -> memref<1x632x128xf32, #tpu.memory_space<hbm>>
      %dma_start3A_570 = tpu.memref_squeeze %dma_start3A_569 : memref<1x632x128xf32, #tpu.memory_space<hbm>> -> memref<632x128xf32, #tpu.memory_space<hbm>>
      %dma_start3A_571 = arith.constant 0 : i32
      %dma_start3A_572 = tpu.memref_slice %arg6[%mul3A_565, %dma_start3A_571] : memref<10112x128xf32, #tpu.memory_space<vmem_shared>> -> memref<632x128xf32, #tpu.memory_space<vmem_shared>>
      tpu.enqueue_dma source(%dma_start3A_572 : memref<632x128xf32, #tpu.memory_space<vmem_shared>>) target(%dma_start3A_570 : memref<632x128xf32, #tpu.memory_space<hbm>>) target_semaphore(%run_scoped3A : memref<!tpu.dma_semaphore, #tpu.memory_space<semaphore_mem>>)
      %dma_wait3A_573 = arith.constant 0 : i32
      %dma_wait3A_574 = tpu.memref_slice %arg5[%arg0, %mul3A_567, %dma_wait3A_573] : memref<2x10112x128xf32, #tpu.memory_space<hbm>> -> memref<1x632x128xf32, #tpu.memory_space<hbm>>
      %dma_wait3A_575 = tpu.memref_squeeze %dma_wait3A_574 : memref<1x632x128xf32, #tpu.memory_space<hbm>> -> memref<632x128xf32, #tpu.memory_space<hbm>>
      %dma_wait3A_576 = arith.constant 0 : i32
      %dma_wait3A_577 = tpu.memref_slice %arg6[%mul3A_565, %dma_wait3A_576] : memref<10112x128xf32, #tpu.memory_space<vmem_shared>> -> memref<632x128xf32, #tpu.memory_space<vmem_shared>>
      tpu.wait_dma2 semaphore(%run_scoped3A : memref<!tpu.dma_semaphore, #tpu.memory_space<semaphore_mem>>) src(%dma_wait3A_577 : memref<632x128xf32, #tpu.memory_space<vmem_shared>>) dst(%dma_wait3A_575 : memref<632x128xf32, #tpu.memory_space<hbm>>)
      tpu.yield
    }) : () -> ()
    return
  }
}

#map = affine_map<(d0, d1) -> (0, 0)>
#map1 = affine_map<(d0, d1) -> (0, 0, 0, 0)>
#map2 = affine_map<(d0, d1) -> (0, 0, 0)>
module attributes {stable_mosaic.version = 14 : i64} {
  func.func @body(%arg0: i32, %arg1: i32, %arg2: memref<10000x128xf32, #tpu.memory_space<hbm>>, %arg3: memref<10000x128xf32, #tpu.memory_space<hbm>>, %arg4: memref<16x80x2x128xi32, #tpu.memory_space<hbm>>, %arg5: memref<10112x128xf32, #tpu.memory_space<hbm>>, %arg6: memref<2x10112x128xf32, #tpu.memory_space<hbm>>, %arg7: memref<10112x128xf32, #tpu.memory_space<vmem_shared>>, %arg8: memref<4x2x128xi32, #tpu.memory_space<vmem>>, %arg9: memref<2x128x128xf32, #tpu.memory_space<vmem>>, %arg10: memref<!tpu.dma_semaphore, #tpu.memory_space<semaphore_mem>>, %arg11: memref<!tpu.dma_semaphore, #tpu.memory_space<semaphore_mem>>, %arg12: memref<!tpu.dma_semaphore, #tpu.memory_space<semaphore_mem>>, %arg13: memref<!tpu.dma_semaphore, #tpu.memory_space<semaphore_mem>>, %arg14: memref<!tpu.dma_semaphore, #tpu.memory_space<semaphore_mem>>, %arg15: memref<!tpu.dma_semaphore, #tpu.memory_space<semaphore_mem>>, %arg16: memref<!tpu.dma_semaphore, #tpu.memory_space<semaphore_mem>>, %arg17: memref<!tpu.dma_semaphore, #tpu.memory_space<semaphore_mem>>) attributes {dimension_semantics = [#tpu.dimension_semantics<core_parallel>, #tpu.dimension_semantics<subcore_parallel>], iteration_bounds = array<i64: 2, 16>, scalar_prefetch = 0 : i64, scratch_operands = 11 : i64, tpu.core_type = #tpu.core_type<sc_vector_subcore>, window_params = [{transform_indices = #map}, {transform_indices = #map}, {transform_indices = #map1}, {transform_indices = #map}, {transform_indices = #map2}]} {
    %mul3A = arith.constant 632 : i32
    %mul3A_0 = arith.muli %arg1, %mul3A : i32
    %mul3A_1 = arith.constant 632 : i32
    %mul3A_2 = arith.muli %arg1, %mul3A_1 : i32
    "tpu.region"() ({
      %run_scoped3A = tpu.sem_alloc : memref<!tpu.dma_semaphore, #tpu.memory_space<semaphore_mem>>
      %dma_start3A = arith.constant 0 : i32
      %dma_start3A_15 = tpu.memref_slice %arg7[%mul3A_2, %dma_start3A] : memref<10112x128xf32, #tpu.memory_space<vmem_shared>> -> memref<632x128xf32, #tpu.memory_space<vmem_shared>>
      %dma_start3A_16 = arith.constant 0 : i32
      %dma_start3A_17 = tpu.memref_slice %arg5[%mul3A_0, %dma_start3A_16] : memref<10112x128xf32, #tpu.memory_space<hbm>> -> memref<632x128xf32, #tpu.memory_space<hbm>>
      tpu.enqueue_dma source(%dma_start3A_17 : memref<632x128xf32, #tpu.memory_space<hbm>>) target(%dma_start3A_15 : memref<632x128xf32, #tpu.memory_space<vmem_shared>>) target_semaphore(%run_scoped3A : memref<!tpu.dma_semaphore, #tpu.memory_space<semaphore_mem>>)
      %dma_wait3A = arith.constant 0 : i32
      %dma_wait3A_18 = tpu.memref_slice %arg7[%mul3A_2, %dma_wait3A] : memref<10112x128xf32, #tpu.memory_space<vmem_shared>> -> memref<632x128xf32, #tpu.memory_space<vmem_shared>>
      %dma_wait3A_19 = arith.constant 0 : i32
      %dma_wait3A_20 = tpu.memref_slice %arg5[%mul3A_0, %dma_wait3A_19] : memref<10112x128xf32, #tpu.memory_space<hbm>> -> memref<632x128xf32, #tpu.memory_space<hbm>>
      tpu.wait_dma2 semaphore(%run_scoped3A : memref<!tpu.dma_semaphore, #tpu.memory_space<semaphore_mem>>) src(%dma_wait3A_20 : memref<632x128xf32, #tpu.memory_space<hbm>>) dst(%dma_wait3A_18 : memref<632x128xf32, #tpu.memory_space<vmem_shared>>)
      tpu.yield
    }) : () -> ()
    %barrier3A = arith.constant 0 : index
    tpu.barrier barrier_id(%barrier3A)
    %eq3A = arith.constant 0 : i32
    %eq3A_3 = arith.cmpi eq, %arg0, %eq3A : i32
    %convert_element_type3A = arith.extui %eq3A_3 : i1 to i32
    %cond3A = arith.constant 0 : i32
    %cond3A_4 = arith.cmpi ne, %convert_element_type3A, %cond3A : i32
    scf.if %cond3A_4 {
      %dma_start3A = arith.constant 0 : i32
      %dma_start3A_15 = arith.constant 0 : i32
      %dma_start3A_16 = arith.constant 0 : i32
      %dma_start3A_17 = arith.constant 0 : i32
      %dma_start3A_18 = tpu.memref_slice %arg8[%dma_start3A_15, %dma_start3A_16, %dma_start3A_17] : memref<4x2x128xi32, #tpu.memory_space<vmem>> -> memref<1x2x128xi32, #tpu.memory_space<vmem>>
      %dma_start3A_19 = tpu.memref_squeeze %dma_start3A_18 : memref<1x2x128xi32, #tpu.memory_space<vmem>> -> memref<2x128xi32, #tpu.memory_space<vmem>>
      %dma_start3A_20 = arith.constant 0 : i32
      %dma_start3A_21 = arith.constant 0 : i32
      %dma_start3A_22 = tpu.memref_slice %arg4[%arg1, %dma_start3A, %dma_start3A_20, %dma_start3A_21] : memref<16x80x2x128xi32, #tpu.memory_space<hbm>> -> memref<1x1x2x128xi32, #tpu.memory_space<hbm>>
      %dma_start3A_23 = tpu.memref_squeeze %dma_start3A_22 : memref<1x1x2x128xi32, #tpu.memory_space<hbm>> -> memref<2x128xi32, #tpu.memory_space<hbm>>
      %dma_start3A_24 = arith.constant 0 : i32
      %dma_start3A_25 = arith.constant 0 : i32
      %dma_start3A_26 = tpu.memref_slice %arg8[%dma_start3A_15, %dma_start3A_24, %dma_start3A_25] : memref<4x2x128xi32, #tpu.memory_space<vmem>> -> memref<1x2x128xi32, #tpu.memory_space<vmem>>
      %dma_start3A_27 = tpu.memref_squeeze %dma_start3A_26 : memref<1x2x128xi32, #tpu.memory_space<vmem>> -> memref<2x128xi32, #tpu.memory_space<vmem>>
      %dma_start3A_28 = arith.constant 0 : i32
      %dma_start3A_29 = arith.constant 0 : i32
      %dma_start3A_30 = tpu.memref_slice %arg4[%arg1, %dma_start3A, %dma_start3A_28, %dma_start3A_29] : memref<16x80x2x128xi32, #tpu.memory_space<hbm>> -> memref<1x1x2x128xi32, #tpu.memory_space<hbm>>
      %dma_start3A_31 = tpu.memref_squeeze %dma_start3A_30 : memref<1x1x2x128xi32, #tpu.memory_space<hbm>> -> memref<2x128xi32, #tpu.memory_space<hbm>>
      tpu.enqueue_dma source(%dma_start3A_31 : memref<2x128xi32, #tpu.memory_space<hbm>>) target(%dma_start3A_27 : memref<2x128xi32, #tpu.memory_space<vmem>>) target_semaphore(%arg10 : memref<!tpu.dma_semaphore, #tpu.memory_space<semaphore_mem>>)
      %dma_start3A_32 = arith.constant 1 : i32
      %dma_start3A_33 = arith.constant 1 : i32
      %dma_start3A_34 = arith.constant 0 : i32
      %dma_start3A_35 = arith.constant 0 : i32
      %dma_start3A_36 = tpu.memref_slice %arg8[%dma_start3A_33, %dma_start3A_34, %dma_start3A_35] : memref<4x2x128xi32, #tpu.memory_space<vmem>> -> memref<1x2x128xi32, #tpu.memory_space<vmem>>
      %dma_start3A_37 = tpu.memref_squeeze %dma_start3A_36 : memref<1x2x128xi32, #tpu.memory_space<vmem>> -> memref<2x128xi32, #tpu.memory_space<vmem>>
      %dma_start3A_38 = arith.constant 0 : i32
      %dma_start3A_39 = arith.constant 0 : i32
      %dma_start3A_40 = tpu.memref_slice %arg4[%arg1, %dma_start3A_32, %dma_start3A_38, %dma_start3A_39] : memref<16x80x2x128xi32, #tpu.memory_space<hbm>> -> memref<1x1x2x128xi32, #tpu.memory_space<hbm>>
      %dma_start3A_41 = tpu.memref_squeeze %dma_start3A_40 : memref<1x1x2x128xi32, #tpu.memory_space<hbm>> -> memref<2x128xi32, #tpu.memory_space<hbm>>
      %dma_start3A_42 = arith.constant 0 : i32
      %dma_start3A_43 = arith.constant 0 : i32
      %dma_start3A_44 = tpu.memref_slice %arg8[%dma_start3A_33, %dma_start3A_42, %dma_start3A_43] : memref<4x2x128xi32, #tpu.memory_space<vmem>> -> memref<1x2x128xi32, #tpu.memory_space<vmem>>
      %dma_start3A_45 = tpu.memref_squeeze %dma_start3A_44 : memref<1x2x128xi32, #tpu.memory_space<vmem>> -> memref<2x128xi32, #tpu.memory_space<vmem>>
      %dma_start3A_46 = arith.constant 0 : i32
      %dma_start3A_47 = arith.constant 0 : i32
      %dma_start3A_48 = tpu.memref_slice %arg4[%arg1, %dma_start3A_32, %dma_start3A_46, %dma_start3A_47] : memref<16x80x2x128xi32, #tpu.memory_space<hbm>> -> memref<1x1x2x128xi32, #tpu.memory_space<hbm>>
      %dma_start3A_49 = tpu.memref_squeeze %dma_start3A_48 : memref<1x1x2x128xi32, #tpu.memory_space<hbm>> -> memref<2x128xi32, #tpu.memory_space<hbm>>
      tpu.enqueue_dma source(%dma_start3A_49 : memref<2x128xi32, #tpu.memory_space<hbm>>) target(%dma_start3A_45 : memref<2x128xi32, #tpu.memory_space<vmem>>) target_semaphore(%arg11 : memref<!tpu.dma_semaphore, #tpu.memory_space<semaphore_mem>>)
      %dma_start3A_50 = arith.constant 2 : i32
      %dma_start3A_51 = arith.constant 2 : i32
      %dma_start3A_52 = arith.constant 0 : i32
      %dma_start3A_53 = arith.constant 0 : i32
      %dma_start3A_54 = tpu.memref_slice %arg8[%dma_start3A_51, %dma_start3A_52, %dma_start3A_53] : memref<4x2x128xi32, #tpu.memory_space<vmem>> -> memref<1x2x128xi32, #tpu.memory_space<vmem>>
      %dma_start3A_55 = tpu.memref_squeeze %dma_start3A_54 : memref<1x2x128xi32, #tpu.memory_space<vmem>> -> memref<2x128xi32, #tpu.memory_space<vmem>>
      %dma_start3A_56 = arith.constant 0 : i32
      %dma_start3A_57 = arith.constant 0 : i32
      %dma_start3A_58 = tpu.memref_slice %arg4[%arg1, %dma_start3A_50, %dma_start3A_56, %dma_start3A_57] : memref<16x80x2x128xi32, #tpu.memory_space<hbm>> -> memref<1x1x2x128xi32, #tpu.memory_space<hbm>>
      %dma_start3A_59 = tpu.memref_squeeze %dma_start3A_58 : memref<1x1x2x128xi32, #tpu.memory_space<hbm>> -> memref<2x128xi32, #tpu.memory_space<hbm>>
      %dma_start3A_60 = arith.constant 0 : i32
      %dma_start3A_61 = arith.constant 0 : i32
      %dma_start3A_62 = tpu.memref_slice %arg8[%dma_start3A_51, %dma_start3A_60, %dma_start3A_61] : memref<4x2x128xi32, #tpu.memory_space<vmem>> -> memref<1x2x128xi32, #tpu.memory_space<vmem>>
      %dma_start3A_63 = tpu.memref_squeeze %dma_start3A_62 : memref<1x2x128xi32, #tpu.memory_space<vmem>> -> memref<2x128xi32, #tpu.memory_space<vmem>>
      %dma_start3A_64 = arith.constant 0 : i32
      %dma_start3A_65 = arith.constant 0 : i32
      %dma_start3A_66 = tpu.memref_slice %arg4[%arg1, %dma_start3A_50, %dma_start3A_64, %dma_start3A_65] : memref<16x80x2x128xi32, #tpu.memory_space<hbm>> -> memref<1x1x2x128xi32, #tpu.memory_space<hbm>>
      %dma_start3A_67 = tpu.memref_squeeze %dma_start3A_66 : memref<1x1x2x128xi32, #tpu.memory_space<hbm>> -> memref<2x128xi32, #tpu.memory_space<hbm>>
      tpu.enqueue_dma source(%dma_start3A_67 : memref<2x128xi32, #tpu.memory_space<hbm>>) target(%dma_start3A_63 : memref<2x128xi32, #tpu.memory_space<vmem>>) target_semaphore(%arg12 : memref<!tpu.dma_semaphore, #tpu.memory_space<semaphore_mem>>)
      %dma_wait3A = arith.constant 0 : i32
      %dma_wait3A_68 = arith.constant 0 : i32
      %dma_wait3A_69 = arith.constant 0 : i32
      %dma_wait3A_70 = arith.constant 0 : i32
      %dma_wait3A_71 = tpu.memref_slice %arg8[%dma_wait3A_68, %dma_wait3A_69, %dma_wait3A_70] : memref<4x2x128xi32, #tpu.memory_space<vmem>> -> memref<1x2x128xi32, #tpu.memory_space<vmem>>
      %dma_wait3A_72 = tpu.memref_squeeze %dma_wait3A_71 : memref<1x2x128xi32, #tpu.memory_space<vmem>> -> memref<2x128xi32, #tpu.memory_space<vmem>>
      %dma_wait3A_73 = arith.constant 0 : i32
      %dma_wait3A_74 = arith.constant 0 : i32
      %dma_wait3A_75 = tpu.memref_slice %arg4[%arg1, %dma_wait3A, %dma_wait3A_73, %dma_wait3A_74] : memref<16x80x2x128xi32, #tpu.memory_space<hbm>> -> memref<1x1x2x128xi32, #tpu.memory_space<hbm>>
      %dma_wait3A_76 = tpu.memref_squeeze %dma_wait3A_75 : memref<1x1x2x128xi32, #tpu.memory_space<hbm>> -> memref<2x128xi32, #tpu.memory_space<hbm>>
      %dma_wait3A_77 = arith.constant 0 : i32
      %dma_wait3A_78 = arith.constant 0 : i32
      %dma_wait3A_79 = tpu.memref_slice %arg8[%dma_wait3A_68, %dma_wait3A_77, %dma_wait3A_78] : memref<4x2x128xi32, #tpu.memory_space<vmem>> -> memref<1x2x128xi32, #tpu.memory_space<vmem>>
      %dma_wait3A_80 = tpu.memref_squeeze %dma_wait3A_79 : memref<1x2x128xi32, #tpu.memory_space<vmem>> -> memref<2x128xi32, #tpu.memory_space<vmem>>
      %dma_wait3A_81 = arith.constant 0 : i32
      %dma_wait3A_82 = arith.constant 0 : i32
      %dma_wait3A_83 = tpu.memref_slice %arg4[%arg1, %dma_wait3A, %dma_wait3A_81, %dma_wait3A_82] : memref<16x80x2x128xi32, #tpu.memory_space<hbm>> -> memref<1x1x2x128xi32, #tpu.memory_space<hbm>>
      %dma_wait3A_84 = tpu.memref_squeeze %dma_wait3A_83 : memref<1x1x2x128xi32, #tpu.memory_space<hbm>> -> memref<2x128xi32, #tpu.memory_space<hbm>>
      tpu.wait_dma2 semaphore(%arg10 : memref<!tpu.dma_semaphore, #tpu.memory_space<semaphore_mem>>) src(%dma_wait3A_84 : memref<2x128xi32, #tpu.memory_space<hbm>>) dst(%dma_wait3A_80 : memref<2x128xi32, #tpu.memory_space<vmem>>)
      %dma_start3A_85 = arith.constant 0 : i32
      %dma_start3A_86 = arith.constant 0 : i32
      %dma_start3A_87 = arith.constant 0 : i32
      %dma_start3A_88 = arith.constant 0 : i32
      %dma_start3A_89 = arith.constant 0 : i32
      %dma_start3A_90 = tpu.memref_slice %arg9[%dma_start3A_87, %dma_start3A_88, %dma_start3A_89] : memref<2x128x128xf32, #tpu.memory_space<vmem>> -> memref<1x128x128xf32, #tpu.memory_space<vmem>>
      %dma_start3A_91 = tpu.memref_squeeze %dma_start3A_90 : memref<1x128x128xf32, #tpu.memory_space<vmem>> -> memref<128x128xf32, #tpu.memory_space<vmem>>
      %dma_start3A_92 = arith.constant 0 : i32
      %dma_start3A_93 = tpu.memref_slice %arg8[%dma_start3A_85, %dma_start3A_86, %dma_start3A_92] : memref<4x2x128xi32, #tpu.memory_space<vmem>> -> memref<1x1x128xi32, #tpu.memory_space<vmem>>
      %dma_start3A_94 = tpu.memref_squeeze %dma_start3A_93 : memref<1x1x128xi32, #tpu.memory_space<vmem>> -> memref<128xi32, #tpu.memory_space<vmem>>
      %dma_start3A_95 = arith.constant 0 : i32
      %dma_start3A_96 = arith.constant 0 : i32
      %dma_start3A_97 = tpu.memref_slice %arg2[%dma_start3A_95, %dma_start3A_96] : memref<10000x128xf32, #tpu.memory_space<hbm>> -> memref<10000x128xf32, #tpu.memory_space<hbm>>
      tpu.enqueue_indirect_dma source(%dma_start3A_97 : memref<10000x128xf32, #tpu.memory_space<hbm>>) target(%dma_start3A_91 : memref<128x128xf32, #tpu.memory_space<vmem>>) offsets(%dma_start3A_94 : memref<128xi32, #tpu.memory_space<vmem>>) semaphore(%arg14 : memref<!tpu.dma_semaphore, #tpu.memory_space<semaphore_mem>>)
      %scan3A = arith.constant 0 : i32
      %scan3A_98 = arith.constant 20 : i32
      %scan3A_99 = arith.addi %scan3A, %scan3A_98 : i32
      %scan3A_100 = arith.constant 1 : i32
      scf.for %scan3A_115 = %scan3A to %scan3A_99 step %scan3A_100  : i32 {
        %mul3A_116 = arith.constant 4 : i32
        %mul3A_117 = arith.muli %scan3A_115, %mul3A_116 : i32
        %add3A = arith.constant 0 : i32
        %add3A_118 = arith.addi %add3A, %mul3A_117 : i32
        %add3A_119 = arith.constant 0 : i32
        %add3A_120 = arith.addi %add3A_118, %add3A_119 : i32
        %ge3A = arith.constant 1 : i32
        %ge3A_121 = arith.cmpi sge, %add3A_120, %ge3A : i32
        %convert_element_type3A_122 = arith.extui %ge3A_121 : i1 to i32
        %cond3A_123 = arith.constant 0 : i32
        %cond3A_124 = arith.cmpi ne, %convert_element_type3A_122, %cond3A_123 : i32
        scf.if %cond3A_124 {
          %sub3A = arith.constant 1 : i32
          %sub3A_305 = arith.subi %add3A_120, %sub3A : i32
          %dma_wait3A_306 = arith.constant 1 : i32
          %dma_wait3A_307 = arith.constant 3 : i32
          %dma_wait3A_308 = arith.constant 1 : i32
          %dma_wait3A_309 = arith.constant 0 : i32
          %dma_wait3A_310 = arith.constant 0 : i32
          %dma_wait3A_311 = tpu.memref_slice %arg9[%dma_wait3A_306, %dma_wait3A_309, %dma_wait3A_310] : memref<2x128x128xf32, #tpu.memory_space<vmem>> -> memref<1x128x128xf32, #tpu.memory_space<vmem>>
          %dma_wait3A_312 = tpu.memref_squeeze %dma_wait3A_311 : memref<1x128x128xf32, #tpu.memory_space<vmem>> -> memref<128x128xf32, #tpu.memory_space<vmem>>
          %dma_wait3A_313 = arith.constant 0 : i32
          %dma_wait3A_314 = tpu.memref_slice %arg8[%dma_wait3A_307, %dma_wait3A_308, %dma_wait3A_313] : memref<4x2x128xi32, #tpu.memory_space<vmem>> -> memref<1x1x128xi32, #tpu.memory_space<vmem>>
          %dma_wait3A_315 = tpu.memref_squeeze %dma_wait3A_314 : memref<1x1x128xi32, #tpu.memory_space<vmem>> -> memref<128xi32, #tpu.memory_space<vmem>>
          %dma_wait3A_316 = arith.constant 0 : i32
          %dma_wait3A_317 = arith.constant 0 : i32
          %dma_wait3A_318 = tpu.memref_slice %arg7[%dma_wait3A_316, %dma_wait3A_317] : memref<10112x128xf32, #tpu.memory_space<vmem_shared>> -> memref<10112x128xf32, #tpu.memory_space<vmem_shared>>
          tpu.wait_indirect_dma semaphore(%arg17 : memref<!tpu.dma_semaphore, #tpu.memory_space<semaphore_mem>>) src(%dma_wait3A_312 : memref<128x128xf32, #tpu.memory_space<vmem>>) dst(%dma_wait3A_318 : memref<10112x128xf32, #tpu.memory_space<vmem_shared>>)
        } else {
        }
        %add3A_125 = arith.constant 1 : i32
        %add3A_126 = arith.addi %add3A_120, %add3A_125 : i32
        %lt3A = arith.constant 80 : i32
        %lt3A_127 = arith.cmpi slt, %add3A_126, %lt3A : i32
        %convert_element_type3A_128 = arith.extui %lt3A_127 : i1 to i32
        %cond3A_129 = arith.constant 0 : i32
        %cond3A_130 = arith.cmpi ne, %convert_element_type3A_128, %cond3A_129 : i32
        scf.if %cond3A_130 {
          %add3A_305 = arith.constant 1 : i32
          %add3A_306 = arith.addi %add3A_120, %add3A_305 : i32
          %dma_wait3A_307 = arith.constant 1 : i32
          %dma_wait3A_308 = arith.constant 0 : i32
          %dma_wait3A_309 = arith.constant 0 : i32
          %dma_wait3A_310 = tpu.memref_slice %arg8[%dma_wait3A_307, %dma_wait3A_308, %dma_wait3A_309] : memref<4x2x128xi32, #tpu.memory_space<vmem>> -> memref<1x2x128xi32, #tpu.memory_space<vmem>>
          %dma_wait3A_311 = tpu.memref_squeeze %dma_wait3A_310 : memref<1x2x128xi32, #tpu.memory_space<vmem>> -> memref<2x128xi32, #tpu.memory_space<vmem>>
          %dma_wait3A_312 = arith.constant 0 : i32
          %dma_wait3A_313 = arith.constant 0 : i32
          %dma_wait3A_314 = tpu.memref_slice %arg4[%arg1, %add3A_306, %dma_wait3A_312, %dma_wait3A_313] : memref<16x80x2x128xi32, #tpu.memory_space<hbm>> -> memref<1x1x2x128xi32, #tpu.memory_space<hbm>>
          %dma_wait3A_315 = tpu.memref_squeeze %dma_wait3A_314 : memref<1x1x2x128xi32, #tpu.memory_space<hbm>> -> memref<2x128xi32, #tpu.memory_space<hbm>>
          %dma_wait3A_316 = arith.constant 0 : i32
          %dma_wait3A_317 = arith.constant 0 : i32
          %dma_wait3A_318 = tpu.memref_slice %arg8[%dma_wait3A_307, %dma_wait3A_316, %dma_wait3A_317] : memref<4x2x128xi32, #tpu.memory_space<vmem>> -> memref<1x2x128xi32, #tpu.memory_space<vmem>>
          %dma_wait3A_319 = tpu.memref_squeeze %dma_wait3A_318 : memref<1x2x128xi32, #tpu.memory_space<vmem>> -> memref<2x128xi32, #tpu.memory_space<vmem>>
          %dma_wait3A_320 = arith.constant 0 : i32
          %dma_wait3A_321 = arith.constant 0 : i32
          %dma_wait3A_322 = tpu.memref_slice %arg4[%arg1, %add3A_306, %dma_wait3A_320, %dma_wait3A_321] : memref<16x80x2x128xi32, #tpu.memory_space<hbm>> -> memref<1x1x2x128xi32, #tpu.memory_space<hbm>>
          %dma_wait3A_323 = tpu.memref_squeeze %dma_wait3A_322 : memref<1x1x2x128xi32, #tpu.memory_space<hbm>> -> memref<2x128xi32, #tpu.memory_space<hbm>>
          tpu.wait_dma2 semaphore(%arg11 : memref<!tpu.dma_semaphore, #tpu.memory_space<semaphore_mem>>) src(%dma_wait3A_323 : memref<2x128xi32, #tpu.memory_space<hbm>>) dst(%dma_wait3A_319 : memref<2x128xi32, #tpu.memory_space<vmem>>)
          %add3A_324 = arith.constant 1 : i32
          %add3A_325 = arith.addi %add3A_120, %add3A_324 : i32
          %dma_start3A_326 = arith.constant 1 : i32
          %dma_start3A_327 = arith.constant 0 : i32
          %dma_start3A_328 = arith.constant 1 : i32
          %dma_start3A_329 = arith.constant 0 : i32
          %dma_start3A_330 = arith.constant 0 : i32
          %dma_start3A_331 = tpu.memref_slice %arg9[%dma_start3A_328, %dma_start3A_329, %dma_start3A_330] : memref<2x128x128xf32, #tpu.memory_space<vmem>> -> memref<1x128x128xf32, #tpu.memory_space<vmem>>
          %dma_start3A_332 = tpu.memref_squeeze %dma_start3A_331 : memref<1x128x128xf32, #tpu.memory_space<vmem>> -> memref<128x128xf32, #tpu.memory_space<vmem>>
          %dma_start3A_333 = arith.constant 0 : i32
          %dma_start3A_334 = tpu.memref_slice %arg8[%dma_start3A_326, %dma_start3A_327, %dma_start3A_333] : memref<4x2x128xi32, #tpu.memory_space<vmem>> -> memref<1x1x128xi32, #tpu.memory_space<vmem>>
          %dma_start3A_335 = tpu.memref_squeeze %dma_start3A_334 : memref<1x1x128xi32, #tpu.memory_space<vmem>> -> memref<128xi32, #tpu.memory_space<vmem>>
          %dma_start3A_336 = arith.constant 0 : i32
          %dma_start3A_337 = arith.constant 0 : i32
          %dma_start3A_338 = tpu.memref_slice %arg2[%dma_start3A_336, %dma_start3A_337] : memref<10000x128xf32, #tpu.memory_space<hbm>> -> memref<10000x128xf32, #tpu.memory_space<hbm>>
          tpu.enqueue_indirect_dma source(%dma_start3A_338 : memref<10000x128xf32, #tpu.memory_space<hbm>>) target(%dma_start3A_332 : memref<128x128xf32, #tpu.memory_space<vmem>>) offsets(%dma_start3A_335 : memref<128xi32, #tpu.memory_space<vmem>>) semaphore(%arg15 : memref<!tpu.dma_semaphore, #tpu.memory_space<semaphore_mem>>)
        } else {
        }
        %dma_wait3A_131 = arith.constant 0 : i32
        %dma_wait3A_132 = arith.constant 0 : i32
        %dma_wait3A_133 = arith.constant 0 : i32
        %dma_wait3A_134 = arith.constant 0 : i32
        %dma_wait3A_135 = arith.constant 0 : i32
        %dma_wait3A_136 = tpu.memref_slice %arg9[%dma_wait3A_133, %dma_wait3A_134, %dma_wait3A_135] : memref<2x128x128xf32, #tpu.memory_space<vmem>> -> memref<1x128x128xf32, #tpu.memory_space<vmem>>
        %dma_wait3A_137 = tpu.memref_squeeze %dma_wait3A_136 : memref<1x128x128xf32, #tpu.memory_space<vmem>> -> memref<128x128xf32, #tpu.memory_space<vmem>>
        %dma_wait3A_138 = arith.constant 0 : i32
        %dma_wait3A_139 = tpu.memref_slice %arg8[%dma_wait3A_131, %dma_wait3A_132, %dma_wait3A_138] : memref<4x2x128xi32, #tpu.memory_space<vmem>> -> memref<1x1x128xi32, #tpu.memory_space<vmem>>
        %dma_wait3A_140 = tpu.memref_squeeze %dma_wait3A_139 : memref<1x1x128xi32, #tpu.memory_space<vmem>> -> memref<128xi32, #tpu.memory_space<vmem>>
        %dma_wait3A_141 = arith.constant 0 : i32
        %dma_wait3A_142 = arith.constant 0 : i32
        %dma_wait3A_143 = tpu.memref_slice %arg2[%dma_wait3A_141, %dma_wait3A_142] : memref<10000x128xf32, #tpu.memory_space<hbm>> -> memref<10000x128xf32, #tpu.memory_space<hbm>>
        tpu.wait_indirect_dma semaphore(%arg14 : memref<!tpu.dma_semaphore, #tpu.memory_space<semaphore_mem>>) src(%dma_wait3A_143 : memref<10000x128xf32, #tpu.memory_space<hbm>>) dst(%dma_wait3A_137 : memref<128x128xf32, #tpu.memory_space<vmem>>)
        %dma_start3A_144 = arith.constant 0 : i32
        %dma_start3A_145 = arith.constant 0 : i32
        %dma_start3A_146 = arith.constant 1 : i32
        %dma_start3A_147 = arith.constant 0 : i32
        %dma_start3A_148 = arith.constant 0 : i32
        %dma_start3A_149 = tpu.memref_slice %arg9[%dma_start3A_144, %dma_start3A_147, %dma_start3A_148] : memref<2x128x128xf32, #tpu.memory_space<vmem>> -> memref<1x128x128xf32, #tpu.memory_space<vmem>>
        %dma_start3A_150 = tpu.memref_squeeze %dma_start3A_149 : memref<1x128x128xf32, #tpu.memory_space<vmem>> -> memref<128x128xf32, #tpu.memory_space<vmem>>
        %dma_start3A_151 = arith.constant 0 : i32
        %dma_start3A_152 = tpu.memref_slice %arg8[%dma_start3A_145, %dma_start3A_146, %dma_start3A_151] : memref<4x2x128xi32, #tpu.memory_space<vmem>> -> memref<1x1x128xi32, #tpu.memory_space<vmem>>
        %dma_start3A_153 = tpu.memref_squeeze %dma_start3A_152 : memref<1x1x128xi32, #tpu.memory_space<vmem>> -> memref<128xi32, #tpu.memory_space<vmem>>
        %dma_start3A_154 = arith.constant 0 : i32
        %dma_start3A_155 = arith.constant 0 : i32
        %dma_start3A_156 = tpu.memref_slice %arg7[%dma_start3A_154, %dma_start3A_155] : memref<10112x128xf32, #tpu.memory_space<vmem_shared>> -> memref<10112x128xf32, #tpu.memory_space<vmem_shared>>
        tpu.enqueue_indirect_dma source(%dma_start3A_150 : memref<128x128xf32, #tpu.memory_space<vmem>>) target(%dma_start3A_156 : memref<10112x128xf32, #tpu.memory_space<vmem_shared>>) offsets(%dma_start3A_153 : memref<128xi32, #tpu.memory_space<vmem>>) semaphore(%arg16 : memref<!tpu.dma_semaphore, #tpu.memory_space<semaphore_mem>>) {add = true}
        %add3A_157 = arith.constant 3 : i32
        %add3A_158 = arith.addi %add3A_120, %add3A_157 : i32
        %lt3A_159 = arith.constant 80 : i32
        %lt3A_160 = arith.cmpi slt, %add3A_158, %lt3A_159 : i32
        %convert_element_type3A_161 = arith.extui %lt3A_160 : i1 to i32
        %cond3A_162 = arith.constant 0 : i32
        %cond3A_163 = arith.cmpi ne, %convert_element_type3A_161, %cond3A_162 : i32
        scf.if %cond3A_163 {
          %add3A_305 = arith.constant 3 : i32
          %add3A_306 = arith.addi %add3A_120, %add3A_305 : i32
          %dma_start3A_307 = arith.constant 3 : i32
          %dma_start3A_308 = arith.constant 0 : i32
          %dma_start3A_309 = arith.constant 0 : i32
          %dma_start3A_310 = tpu.memref_slice %arg8[%dma_start3A_307, %dma_start3A_308, %dma_start3A_309] : memref<4x2x128xi32, #tpu.memory_space<vmem>> -> memref<1x2x128xi32, #tpu.memory_space<vmem>>
          %dma_start3A_311 = tpu.memref_squeeze %dma_start3A_310 : memref<1x2x128xi32, #tpu.memory_space<vmem>> -> memref<2x128xi32, #tpu.memory_space<vmem>>
          %dma_start3A_312 = arith.constant 0 : i32
          %dma_start3A_313 = arith.constant 0 : i32
          %dma_start3A_314 = tpu.memref_slice %arg4[%arg1, %add3A_306, %dma_start3A_312, %dma_start3A_313] : memref<16x80x2x128xi32, #tpu.memory_space<hbm>> -> memref<1x1x2x128xi32, #tpu.memory_space<hbm>>
          %dma_start3A_315 = tpu.memref_squeeze %dma_start3A_314 : memref<1x1x2x128xi32, #tpu.memory_space<hbm>> -> memref<2x128xi32, #tpu.memory_space<hbm>>
          %dma_start3A_316 = arith.constant 0 : i32
          %dma_start3A_317 = arith.constant 0 : i32
          %dma_start3A_318 = tpu.memref_slice %arg8[%dma_start3A_307, %dma_start3A_316, %dma_start3A_317] : memref<4x2x128xi32, #tpu.memory_space<vmem>> -> memref<1x2x128xi32, #tpu.memory_space<vmem>>
          %dma_start3A_319 = tpu.memref_squeeze %dma_start3A_318 : memref<1x2x128xi32, #tpu.memory_space<vmem>> -> memref<2x128xi32, #tpu.memory_space<vmem>>
          %dma_start3A_320 = arith.constant 0 : i32
          %dma_start3A_321 = arith.constant 0 : i32
          %dma_start3A_322 = tpu.memref_slice %arg4[%arg1, %add3A_306, %dma_start3A_320, %dma_start3A_321] : memref<16x80x2x128xi32, #tpu.memory_space<hbm>> -> memref<1x1x2x128xi32, #tpu.memory_space<hbm>>
          %dma_start3A_323 = tpu.memref_squeeze %dma_start3A_322 : memref<1x1x2x128xi32, #tpu.memory_space<hbm>> -> memref<2x128xi32, #tpu.memory_space<hbm>>
          tpu.enqueue_dma source(%dma_start3A_323 : memref<2x128xi32, #tpu.memory_space<hbm>>) target(%dma_start3A_319 : memref<2x128xi32, #tpu.memory_space<vmem>>) target_semaphore(%arg13 : memref<!tpu.dma_semaphore, #tpu.memory_space<semaphore_mem>>)
        } else {
        }
        %add3A_164 = arith.constant 1 : i32
        %add3A_165 = arith.addi %add3A_118, %add3A_164 : i32
        %ge3A_166 = arith.constant 1 : i32
        %ge3A_167 = arith.cmpi sge, %add3A_165, %ge3A_166 : i32
        %convert_element_type3A_168 = arith.extui %ge3A_167 : i1 to i32
        %cond3A_169 = arith.constant 0 : i32
        %cond3A_170 = arith.cmpi ne, %convert_element_type3A_168, %cond3A_169 : i32
        scf.if %cond3A_170 {
          %sub3A = arith.constant 1 : i32
          %sub3A_305 = arith.subi %add3A_165, %sub3A : i32
          %dma_wait3A_306 = arith.constant 0 : i32
          %dma_wait3A_307 = arith.constant 0 : i32
          %dma_wait3A_308 = arith.constant 1 : i32
          %dma_wait3A_309 = arith.constant 0 : i32
          %dma_wait3A_310 = arith.constant 0 : i32
          %dma_wait3A_311 = tpu.memref_slice %arg9[%dma_wait3A_306, %dma_wait3A_309, %dma_wait3A_310] : memref<2x128x128xf32, #tpu.memory_space<vmem>> -> memref<1x128x128xf32, #tpu.memory_space<vmem>>
          %dma_wait3A_312 = tpu.memref_squeeze %dma_wait3A_311 : memref<1x128x128xf32, #tpu.memory_space<vmem>> -> memref<128x128xf32, #tpu.memory_space<vmem>>
          %dma_wait3A_313 = arith.constant 0 : i32
          %dma_wait3A_314 = tpu.memref_slice %arg8[%dma_wait3A_307, %dma_wait3A_308, %dma_wait3A_313] : memref<4x2x128xi32, #tpu.memory_space<vmem>> -> memref<1x1x128xi32, #tpu.memory_space<vmem>>
          %dma_wait3A_315 = tpu.memref_squeeze %dma_wait3A_314 : memref<1x1x128xi32, #tpu.memory_space<vmem>> -> memref<128xi32, #tpu.memory_space<vmem>>
          %dma_wait3A_316 = arith.constant 0 : i32
          %dma_wait3A_317 = arith.constant 0 : i32
          %dma_wait3A_318 = tpu.memref_slice %arg7[%dma_wait3A_316, %dma_wait3A_317] : memref<10112x128xf32, #tpu.memory_space<vmem_shared>> -> memref<10112x128xf32, #tpu.memory_space<vmem_shared>>
          tpu.wait_indirect_dma semaphore(%arg16 : memref<!tpu.dma_semaphore, #tpu.memory_space<semaphore_mem>>) src(%dma_wait3A_312 : memref<128x128xf32, #tpu.memory_space<vmem>>) dst(%dma_wait3A_318 : memref<10112x128xf32, #tpu.memory_space<vmem_shared>>)
        } else {
        }
        %add3A_171 = arith.constant 1 : i32
        %add3A_172 = arith.addi %add3A_165, %add3A_171 : i32
        %lt3A_173 = arith.constant 80 : i32
        %lt3A_174 = arith.cmpi slt, %add3A_172, %lt3A_173 : i32
        %convert_element_type3A_175 = arith.extui %lt3A_174 : i1 to i32
        %cond3A_176 = arith.constant 0 : i32
        %cond3A_177 = arith.cmpi ne, %convert_element_type3A_175, %cond3A_176 : i32
        scf.if %cond3A_177 {
          %add3A_305 = arith.constant 1 : i32
          %add3A_306 = arith.addi %add3A_165, %add3A_305 : i32
          %dma_wait3A_307 = arith.constant 2 : i32
          %dma_wait3A_308 = arith.constant 0 : i32
          %dma_wait3A_309 = arith.constant 0 : i32
          %dma_wait3A_310 = tpu.memref_slice %arg8[%dma_wait3A_307, %dma_wait3A_308, %dma_wait3A_309] : memref<4x2x128xi32, #tpu.memory_space<vmem>> -> memref<1x2x128xi32, #tpu.memory_space<vmem>>
          %dma_wait3A_311 = tpu.memref_squeeze %dma_wait3A_310 : memref<1x2x128xi32, #tpu.memory_space<vmem>> -> memref<2x128xi32, #tpu.memory_space<vmem>>
          %dma_wait3A_312 = arith.constant 0 : i32
          %dma_wait3A_313 = arith.constant 0 : i32
          %dma_wait3A_314 = tpu.memref_slice %arg4[%arg1, %add3A_306, %dma_wait3A_312, %dma_wait3A_313] : memref<16x80x2x128xi32, #tpu.memory_space<hbm>> -> memref<1x1x2x128xi32, #tpu.memory_space<hbm>>
          %dma_wait3A_315 = tpu.memref_squeeze %dma_wait3A_314 : memref<1x1x2x128xi32, #tpu.memory_space<hbm>> -> memref<2x128xi32, #tpu.memory_space<hbm>>
          %dma_wait3A_316 = arith.constant 0 : i32
          %dma_wait3A_317 = arith.constant 0 : i32
          %dma_wait3A_318 = tpu.memref_slice %arg8[%dma_wait3A_307, %dma_wait3A_316, %dma_wait3A_317] : memref<4x2x128xi32, #tpu.memory_space<vmem>> -> memref<1x2x128xi32, #tpu.memory_space<vmem>>
          %dma_wait3A_319 = tpu.memref_squeeze %dma_wait3A_318 : memref<1x2x128xi32, #tpu.memory_space<vmem>> -> memref<2x128xi32, #tpu.memory_space<vmem>>
          %dma_wait3A_320 = arith.constant 0 : i32
          %dma_wait3A_321 = arith.constant 0 : i32
          %dma_wait3A_322 = tpu.memref_slice %arg4[%arg1, %add3A_306, %dma_wait3A_320, %dma_wait3A_321] : memref<16x80x2x128xi32, #tpu.memory_space<hbm>> -> memref<1x1x2x128xi32, #tpu.memory_space<hbm>>
          %dma_wait3A_323 = tpu.memref_squeeze %dma_wait3A_322 : memref<1x1x2x128xi32, #tpu.memory_space<hbm>> -> memref<2x128xi32, #tpu.memory_space<hbm>>
          tpu.wait_dma2 semaphore(%arg12 : memref<!tpu.dma_semaphore, #tpu.memory_space<semaphore_mem>>) src(%dma_wait3A_323 : memref<2x128xi32, #tpu.memory_space<hbm>>) dst(%dma_wait3A_319 : memref<2x128xi32, #tpu.memory_space<vmem>>)
          %add3A_324 = arith.constant 1 : i32
          %add3A_325 = arith.addi %add3A_165, %add3A_324 : i32
          %dma_start3A_326 = arith.constant 2 : i32
          %dma_start3A_327 = arith.constant 0 : i32
          %dma_start3A_328 = arith.constant 0 : i32
          %dma_start3A_329 = arith.constant 0 : i32
          %dma_start3A_330 = arith.constant 0 : i32
          %dma_start3A_331 = tpu.memref_slice %arg9[%dma_start3A_328, %dma_start3A_329, %dma_start3A_330] : memref<2x128x128xf32, #tpu.memory_space<vmem>> -> memref<1x128x128xf32, #tpu.memory_space<vmem>>
          %dma_start3A_332 = tpu.memref_squeeze %dma_start3A_331 : memref<1x128x128xf32, #tpu.memory_space<vmem>> -> memref<128x128xf32, #tpu.memory_space<vmem>>
          %dma_start3A_333 = arith.constant 0 : i32
          %dma_start3A_334 = tpu.memref_slice %arg8[%dma_start3A_326, %dma_start3A_327, %dma_start3A_333] : memref<4x2x128xi32, #tpu.memory_space<vmem>> -> memref<1x1x128xi32, #tpu.memory_space<vmem>>
          %dma_start3A_335 = tpu.memref_squeeze %dma_start3A_334 : memref<1x1x128xi32, #tpu.memory_space<vmem>> -> memref<128xi32, #tpu.memory_space<vmem>>
          %dma_start3A_336 = arith.constant 0 : i32
          %dma_start3A_337 = arith.constant 0 : i32
          %dma_start3A_338 = tpu.memref_slice %arg2[%dma_start3A_336, %dma_start3A_337] : memref<10000x128xf32, #tpu.memory_space<hbm>> -> memref<10000x128xf32, #tpu.memory_space<hbm>>
          tpu.enqueue_indirect_dma source(%dma_start3A_338 : memref<10000x128xf32, #tpu.memory_space<hbm>>) target(%dma_start3A_332 : memref<128x128xf32, #tpu.memory_space<vmem>>) offsets(%dma_start3A_335 : memref<128xi32, #tpu.memory_space<vmem>>) semaphore(%arg14 : memref<!tpu.dma_semaphore, #tpu.memory_space<semaphore_mem>>)
        } else {
        }
        %dma_wait3A_178 = arith.constant 1 : i32
        %dma_wait3A_179 = arith.constant 0 : i32
        %dma_wait3A_180 = arith.constant 1 : i32
        %dma_wait3A_181 = arith.constant 0 : i32
        %dma_wait3A_182 = arith.constant 0 : i32
        %dma_wait3A_183 = tpu.memref_slice %arg9[%dma_wait3A_180, %dma_wait3A_181, %dma_wait3A_182] : memref<2x128x128xf32, #tpu.memory_space<vmem>> -> memref<1x128x128xf32, #tpu.memory_space<vmem>>
        %dma_wait3A_184 = tpu.memref_squeeze %dma_wait3A_183 : memref<1x128x128xf32, #tpu.memory_space<vmem>> -> memref<128x128xf32, #tpu.memory_space<vmem>>
        %dma_wait3A_185 = arith.constant 0 : i32
        %dma_wait3A_186 = tpu.memref_slice %arg8[%dma_wait3A_178, %dma_wait3A_179, %dma_wait3A_185] : memref<4x2x128xi32, #tpu.memory_space<vmem>> -> memref<1x1x128xi32, #tpu.memory_space<vmem>>
        %dma_wait3A_187 = tpu.memref_squeeze %dma_wait3A_186 : memref<1x1x128xi32, #tpu.memory_space<vmem>> -> memref<128xi32, #tpu.memory_space<vmem>>
        %dma_wait3A_188 = arith.constant 0 : i32
        %dma_wait3A_189 = arith.constant 0 : i32
        %dma_wait3A_190 = tpu.memref_slice %arg2[%dma_wait3A_188, %dma_wait3A_189] : memref<10000x128xf32, #tpu.memory_space<hbm>> -> memref<10000x128xf32, #tpu.memory_space<hbm>>
        tpu.wait_indirect_dma semaphore(%arg15 : memref<!tpu.dma_semaphore, #tpu.memory_space<semaphore_mem>>) src(%dma_wait3A_190 : memref<10000x128xf32, #tpu.memory_space<hbm>>) dst(%dma_wait3A_184 : memref<128x128xf32, #tpu.memory_space<vmem>>)
        %dma_start3A_191 = arith.constant 1 : i32
        %dma_start3A_192 = arith.constant 1 : i32
        %dma_start3A_193 = arith.constant 1 : i32
        %dma_start3A_194 = arith.constant 0 : i32
        %dma_start3A_195 = arith.constant 0 : i32
        %dma_start3A_196 = tpu.memref_slice %arg9[%dma_start3A_191, %dma_start3A_194, %dma_start3A_195] : memref<2x128x128xf32, #tpu.memory_space<vmem>> -> memref<1x128x128xf32, #tpu.memory_space<vmem>>
        %dma_start3A_197 = tpu.memref_squeeze %dma_start3A_196 : memref<1x128x128xf32, #tpu.memory_space<vmem>> -> memref<128x128xf32, #tpu.memory_space<vmem>>
        %dma_start3A_198 = arith.constant 0 : i32
        %dma_start3A_199 = tpu.memref_slice %arg8[%dma_start3A_192, %dma_start3A_193, %dma_start3A_198] : memref<4x2x128xi32, #tpu.memory_space<vmem>> -> memref<1x1x128xi32, #tpu.memory_space<vmem>>
        %dma_start3A_200 = tpu.memref_squeeze %dma_start3A_199 : memref<1x1x128xi32, #tpu.memory_space<vmem>> -> memref<128xi32, #tpu.memory_space<vmem>>
        %dma_start3A_201 = arith.constant 0 : i32
        %dma_start3A_202 = arith.constant 0 : i32
        %dma_start3A_203 = tpu.memref_slice %arg7[%dma_start3A_201, %dma_start3A_202] : memref<10112x128xf32, #tpu.memory_space<vmem_shared>> -> memref<10112x128xf32, #tpu.memory_space<vmem_shared>>
        tpu.enqueue_indirect_dma source(%dma_start3A_197 : memref<128x128xf32, #tpu.memory_space<vmem>>) target(%dma_start3A_203 : memref<10112x128xf32, #tpu.memory_space<vmem_shared>>) offsets(%dma_start3A_200 : memref<128xi32, #tpu.memory_space<vmem>>) semaphore(%arg17 : memref<!tpu.dma_semaphore, #tpu.memory_space<semaphore_mem>>) {add = true}
        %add3A_204 = arith.constant 3 : i32
        %add3A_205 = arith.addi %add3A_165, %add3A_204 : i32
        %lt3A_206 = arith.constant 80 : i32
        %lt3A_207 = arith.cmpi slt, %add3A_205, %lt3A_206 : i32
        %convert_element_type3A_208 = arith.extui %lt3A_207 : i1 to i32
        %cond3A_209 = arith.constant 0 : i32
        %cond3A_210 = arith.cmpi ne, %convert_element_type3A_208, %cond3A_209 : i32
        scf.if %cond3A_210 {
          %add3A_305 = arith.constant 3 : i32
          %add3A_306 = arith.addi %add3A_165, %add3A_305 : i32
          %dma_start3A_307 = arith.constant 0 : i32
          %dma_start3A_308 = arith.constant 0 : i32
          %dma_start3A_309 = arith.constant 0 : i32
          %dma_start3A_310 = tpu.memref_slice %arg8[%dma_start3A_307, %dma_start3A_308, %dma_start3A_309] : memref<4x2x128xi32, #tpu.memory_space<vmem>> -> memref<1x2x128xi32, #tpu.memory_space<vmem>>
          %dma_start3A_311 = tpu.memref_squeeze %dma_start3A_310 : memref<1x2x128xi32, #tpu.memory_space<vmem>> -> memref<2x128xi32, #tpu.memory_space<vmem>>
          %dma_start3A_312 = arith.constant 0 : i32
          %dma_start3A_313 = arith.constant 0 : i32
          %dma_start3A_314 = tpu.memref_slice %arg4[%arg1, %add3A_306, %dma_start3A_312, %dma_start3A_313] : memref<16x80x2x128xi32, #tpu.memory_space<hbm>> -> memref<1x1x2x128xi32, #tpu.memory_space<hbm>>
          %dma_start3A_315 = tpu.memref_squeeze %dma_start3A_314 : memref<1x1x2x128xi32, #tpu.memory_space<hbm>> -> memref<2x128xi32, #tpu.memory_space<hbm>>
          %dma_start3A_316 = arith.constant 0 : i32
          %dma_start3A_317 = arith.constant 0 : i32
          %dma_start3A_318 = tpu.memref_slice %arg8[%dma_start3A_307, %dma_start3A_316, %dma_start3A_317] : memref<4x2x128xi32, #tpu.memory_space<vmem>> -> memref<1x2x128xi32, #tpu.memory_space<vmem>>
          %dma_start3A_319 = tpu.memref_squeeze %dma_start3A_318 : memref<1x2x128xi32, #tpu.memory_space<vmem>> -> memref<2x128xi32, #tpu.memory_space<vmem>>
          %dma_start3A_320 = arith.constant 0 : i32
          %dma_start3A_321 = arith.constant 0 : i32
          %dma_start3A_322 = tpu.memref_slice %arg4[%arg1, %add3A_306, %dma_start3A_320, %dma_start3A_321] : memref<16x80x2x128xi32, #tpu.memory_space<hbm>> -> memref<1x1x2x128xi32, #tpu.memory_space<hbm>>
          %dma_start3A_323 = tpu.memref_squeeze %dma_start3A_322 : memref<1x1x2x128xi32, #tpu.memory_space<hbm>> -> memref<2x128xi32, #tpu.memory_space<hbm>>
          tpu.enqueue_dma source(%dma_start3A_323 : memref<2x128xi32, #tpu.memory_space<hbm>>) target(%dma_start3A_319 : memref<2x128xi32, #tpu.memory_space<vmem>>) target_semaphore(%arg10 : memref<!tpu.dma_semaphore, #tpu.memory_space<semaphore_mem>>)
        } else {
        }
        %add3A_211 = arith.constant 2 : i32
        %add3A_212 = arith.addi %add3A_118, %add3A_211 : i32
        %ge3A_213 = arith.constant 1 : i32
        %ge3A_214 = arith.cmpi sge, %add3A_212, %ge3A_213 : i32
        %convert_element_type3A_215 = arith.extui %ge3A_214 : i1 to i32
        %cond3A_216 = arith.constant 0 : i32
        %cond3A_217 = arith.cmpi ne, %convert_element_type3A_215, %cond3A_216 : i32
        scf.if %cond3A_217 {
          %sub3A = arith.constant 1 : i32
          %sub3A_305 = arith.subi %add3A_212, %sub3A : i32
          %dma_wait3A_306 = arith.constant 1 : i32
          %dma_wait3A_307 = arith.constant 1 : i32
          %dma_wait3A_308 = arith.constant 1 : i32
          %dma_wait3A_309 = arith.constant 0 : i32
          %dma_wait3A_310 = arith.constant 0 : i32
          %dma_wait3A_311 = tpu.memref_slice %arg9[%dma_wait3A_306, %dma_wait3A_309, %dma_wait3A_310] : memref<2x128x128xf32, #tpu.memory_space<vmem>> -> memref<1x128x128xf32, #tpu.memory_space<vmem>>
          %dma_wait3A_312 = tpu.memref_squeeze %dma_wait3A_311 : memref<1x128x128xf32, #tpu.memory_space<vmem>> -> memref<128x128xf32, #tpu.memory_space<vmem>>
          %dma_wait3A_313 = arith.constant 0 : i32
          %dma_wait3A_314 = tpu.memref_slice %arg8[%dma_wait3A_307, %dma_wait3A_308, %dma_wait3A_313] : memref<4x2x128xi32, #tpu.memory_space<vmem>> -> memref<1x1x128xi32, #tpu.memory_space<vmem>>
          %dma_wait3A_315 = tpu.memref_squeeze %dma_wait3A_314 : memref<1x1x128xi32, #tpu.memory_space<vmem>> -> memref<128xi32, #tpu.memory_space<vmem>>
          %dma_wait3A_316 = arith.constant 0 : i32
          %dma_wait3A_317 = arith.constant 0 : i32
          %dma_wait3A_318 = tpu.memref_slice %arg7[%dma_wait3A_316, %dma_wait3A_317] : memref<10112x128xf32, #tpu.memory_space<vmem_shared>> -> memref<10112x128xf32, #tpu.memory_space<vmem_shared>>
          tpu.wait_indirect_dma semaphore(%arg17 : memref<!tpu.dma_semaphore, #tpu.memory_space<semaphore_mem>>) src(%dma_wait3A_312 : memref<128x128xf32, #tpu.memory_space<vmem>>) dst(%dma_wait3A_318 : memref<10112x128xf32, #tpu.memory_space<vmem_shared>>)
        } else {
        }
        %add3A_218 = arith.constant 1 : i32
        %add3A_219 = arith.addi %add3A_212, %add3A_218 : i32
        %lt3A_220 = arith.constant 80 : i32
        %lt3A_221 = arith.cmpi slt, %add3A_219, %lt3A_220 : i32
        %convert_element_type3A_222 = arith.extui %lt3A_221 : i1 to i32
        %cond3A_223 = arith.constant 0 : i32
        %cond3A_224 = arith.cmpi ne, %convert_element_type3A_222, %cond3A_223 : i32
        scf.if %cond3A_224 {
          %add3A_305 = arith.constant 1 : i32
          %add3A_306 = arith.addi %add3A_212, %add3A_305 : i32
          %dma_wait3A_307 = arith.constant 3 : i32
          %dma_wait3A_308 = arith.constant 0 : i32
          %dma_wait3A_309 = arith.constant 0 : i32
          %dma_wait3A_310 = tpu.memref_slice %arg8[%dma_wait3A_307, %dma_wait3A_308, %dma_wait3A_309] : memref<4x2x128xi32, #tpu.memory_space<vmem>> -> memref<1x2x128xi32, #tpu.memory_space<vmem>>
          %dma_wait3A_311 = tpu.memref_squeeze %dma_wait3A_310 : memref<1x2x128xi32, #tpu.memory_space<vmem>> -> memref<2x128xi32, #tpu.memory_space<vmem>>
          %dma_wait3A_312 = arith.constant 0 : i32
          %dma_wait3A_313 = arith.constant 0 : i32
          %dma_wait3A_314 = tpu.memref_slice %arg4[%arg1, %add3A_306, %dma_wait3A_312, %dma_wait3A_313] : memref<16x80x2x128xi32, #tpu.memory_space<hbm>> -> memref<1x1x2x128xi32, #tpu.memory_space<hbm>>
          %dma_wait3A_315 = tpu.memref_squeeze %dma_wait3A_314 : memref<1x1x2x128xi32, #tpu.memory_space<hbm>> -> memref<2x128xi32, #tpu.memory_space<hbm>>
          %dma_wait3A_316 = arith.constant 0 : i32
          %dma_wait3A_317 = arith.constant 0 : i32
          %dma_wait3A_318 = tpu.memref_slice %arg8[%dma_wait3A_307, %dma_wait3A_316, %dma_wait3A_317] : memref<4x2x128xi32, #tpu.memory_space<vmem>> -> memref<1x2x128xi32, #tpu.memory_space<vmem>>
          %dma_wait3A_319 = tpu.memref_squeeze %dma_wait3A_318 : memref<1x2x128xi32, #tpu.memory_space<vmem>> -> memref<2x128xi32, #tpu.memory_space<vmem>>
          %dma_wait3A_320 = arith.constant 0 : i32
          %dma_wait3A_321 = arith.constant 0 : i32
          %dma_wait3A_322 = tpu.memref_slice %arg4[%arg1, %add3A_306, %dma_wait3A_320, %dma_wait3A_321] : memref<16x80x2x128xi32, #tpu.memory_space<hbm>> -> memref<1x1x2x128xi32, #tpu.memory_space<hbm>>
          %dma_wait3A_323 = tpu.memref_squeeze %dma_wait3A_322 : memref<1x1x2x128xi32, #tpu.memory_space<hbm>> -> memref<2x128xi32, #tpu.memory_space<hbm>>
          tpu.wait_dma2 semaphore(%arg13 : memref<!tpu.dma_semaphore, #tpu.memory_space<semaphore_mem>>) src(%dma_wait3A_323 : memref<2x128xi32, #tpu.memory_space<hbm>>) dst(%dma_wait3A_319 : memref<2x128xi32, #tpu.memory_space<vmem>>)
          %add3A_324 = arith.constant 1 : i32
          %add3A_325 = arith.addi %add3A_212, %add3A_324 : i32
          %dma_start3A_326 = arith.constant 3 : i32
          %dma_start3A_327 = arith.constant 0 : i32
          %dma_start3A_328 = arith.constant 1 : i32
          %dma_start3A_329 = arith.constant 0 : i32
          %dma_start3A_330 = arith.constant 0 : i32
          %dma_start3A_331 = tpu.memref_slice %arg9[%dma_start3A_328, %dma_start3A_329, %dma_start3A_330] : memref<2x128x128xf32, #tpu.memory_space<vmem>> -> memref<1x128x128xf32, #tpu.memory_space<vmem>>
          %dma_start3A_332 = tpu.memref_squeeze %dma_start3A_331 : memref<1x128x128xf32, #tpu.memory_space<vmem>> -> memref<128x128xf32, #tpu.memory_space<vmem>>
          %dma_start3A_333 = arith.constant 0 : i32
          %dma_start3A_334 = tpu.memref_slice %arg8[%dma_start3A_326, %dma_start3A_327, %dma_start3A_333] : memref<4x2x128xi32, #tpu.memory_space<vmem>> -> memref<1x1x128xi32, #tpu.memory_space<vmem>>
          %dma_start3A_335 = tpu.memref_squeeze %dma_start3A_334 : memref<1x1x128xi32, #tpu.memory_space<vmem>> -> memref<128xi32, #tpu.memory_space<vmem>>
          %dma_start3A_336 = arith.constant 0 : i32
          %dma_start3A_337 = arith.constant 0 : i32
          %dma_start3A_338 = tpu.memref_slice %arg2[%dma_start3A_336, %dma_start3A_337] : memref<10000x128xf32, #tpu.memory_space<hbm>> -> memref<10000x128xf32, #tpu.memory_space<hbm>>
          tpu.enqueue_indirect_dma source(%dma_start3A_338 : memref<10000x128xf32, #tpu.memory_space<hbm>>) target(%dma_start3A_332 : memref<128x128xf32, #tpu.memory_space<vmem>>) offsets(%dma_start3A_335 : memref<128xi32, #tpu.memory_space<vmem>>) semaphore(%arg15 : memref<!tpu.dma_semaphore, #tpu.memory_space<semaphore_mem>>)
        } else {
        }
        %dma_wait3A_225 = arith.constant 2 : i32
        %dma_wait3A_226 = arith.constant 0 : i32
        %dma_wait3A_227 = arith.constant 0 : i32
        %dma_wait3A_228 = arith.constant 0 : i32
        %dma_wait3A_229 = arith.constant 0 : i32
        %dma_wait3A_230 = tpu.memref_slice %arg9[%dma_wait3A_227, %dma_wait3A_228, %dma_wait3A_229] : memref<2x128x128xf32, #tpu.memory_space<vmem>> -> memref<1x128x128xf32, #tpu.memory_space<vmem>>
        %dma_wait3A_231 = tpu.memref_squeeze %dma_wait3A_230 : memref<1x128x128xf32, #tpu.memory_space<vmem>> -> memref<128x128xf32, #tpu.memory_space<vmem>>
        %dma_wait3A_232 = arith.constant 0 : i32
        %dma_wait3A_233 = tpu.memref_slice %arg8[%dma_wait3A_225, %dma_wait3A_226, %dma_wait3A_232] : memref<4x2x128xi32, #tpu.memory_space<vmem>> -> memref<1x1x128xi32, #tpu.memory_space<vmem>>
        %dma_wait3A_234 = tpu.memref_squeeze %dma_wait3A_233 : memref<1x1x128xi32, #tpu.memory_space<vmem>> -> memref<128xi32, #tpu.memory_space<vmem>>
        %dma_wait3A_235 = arith.constant 0 : i32
        %dma_wait3A_236 = arith.constant 0 : i32
        %dma_wait3A_237 = tpu.memref_slice %arg2[%dma_wait3A_235, %dma_wait3A_236] : memref<10000x128xf32, #tpu.memory_space<hbm>> -> memref<10000x128xf32, #tpu.memory_space<hbm>>
        tpu.wait_indirect_dma semaphore(%arg14 : memref<!tpu.dma_semaphore, #tpu.memory_space<semaphore_mem>>) src(%dma_wait3A_237 : memref<10000x128xf32, #tpu.memory_space<hbm>>) dst(%dma_wait3A_231 : memref<128x128xf32, #tpu.memory_space<vmem>>)
        %dma_start3A_238 = arith.constant 0 : i32
        %dma_start3A_239 = arith.constant 2 : i32
        %dma_start3A_240 = arith.constant 1 : i32
        %dma_start3A_241 = arith.constant 0 : i32
        %dma_start3A_242 = arith.constant 0 : i32
        %dma_start3A_243 = tpu.memref_slice %arg9[%dma_start3A_238, %dma_start3A_241, %dma_start3A_242] : memref<2x128x128xf32, #tpu.memory_space<vmem>> -> memref<1x128x128xf32, #tpu.memory_space<vmem>>
        %dma_start3A_244 = tpu.memref_squeeze %dma_start3A_243 : memref<1x128x128xf32, #tpu.memory_space<vmem>> -> memref<128x128xf32, #tpu.memory_space<vmem>>
        %dma_start3A_245 = arith.constant 0 : i32
        %dma_start3A_246 = tpu.memref_slice %arg8[%dma_start3A_239, %dma_start3A_240, %dma_start3A_245] : memref<4x2x128xi32, #tpu.memory_space<vmem>> -> memref<1x1x128xi32, #tpu.memory_space<vmem>>
        %dma_start3A_247 = tpu.memref_squeeze %dma_start3A_246 : memref<1x1x128xi32, #tpu.memory_space<vmem>> -> memref<128xi32, #tpu.memory_space<vmem>>
        %dma_start3A_248 = arith.constant 0 : i32
        %dma_start3A_249 = arith.constant 0 : i32
        %dma_start3A_250 = tpu.memref_slice %arg7[%dma_start3A_248, %dma_start3A_249] : memref<10112x128xf32, #tpu.memory_space<vmem_shared>> -> memref<10112x128xf32, #tpu.memory_space<vmem_shared>>
        tpu.enqueue_indirect_dma source(%dma_start3A_244 : memref<128x128xf32, #tpu.memory_space<vmem>>) target(%dma_start3A_250 : memref<10112x128xf32, #tpu.memory_space<vmem_shared>>) offsets(%dma_start3A_247 : memref<128xi32, #tpu.memory_space<vmem>>) semaphore(%arg16 : memref<!tpu.dma_semaphore, #tpu.memory_space<semaphore_mem>>) {add = true}
        %add3A_251 = arith.constant 3 : i32
        %add3A_252 = arith.addi %add3A_212, %add3A_251 : i32
        %lt3A_253 = arith.constant 80 : i32
        %lt3A_254 = arith.cmpi slt, %add3A_252, %lt3A_253 : i32
        %convert_element_type3A_255 = arith.extui %lt3A_254 : i1 to i32
        %cond3A_256 = arith.constant 0 : i32
        %cond3A_257 = arith.cmpi ne, %convert_element_type3A_255, %cond3A_256 : i32
        scf.if %cond3A_257 {
          %add3A_305 = arith.constant 3 : i32
          %add3A_306 = arith.addi %add3A_212, %add3A_305 : i32
          %dma_start3A_307 = arith.constant 1 : i32
          %dma_start3A_308 = arith.constant 0 : i32
          %dma_start3A_309 = arith.constant 0 : i32
          %dma_start3A_310 = tpu.memref_slice %arg8[%dma_start3A_307, %dma_start3A_308, %dma_start3A_309] : memref<4x2x128xi32, #tpu.memory_space<vmem>> -> memref<1x2x128xi32, #tpu.memory_space<vmem>>
          %dma_start3A_311 = tpu.memref_squeeze %dma_start3A_310 : memref<1x2x128xi32, #tpu.memory_space<vmem>> -> memref<2x128xi32, #tpu.memory_space<vmem>>
          %dma_start3A_312 = arith.constant 0 : i32
          %dma_start3A_313 = arith.constant 0 : i32
          %dma_start3A_314 = tpu.memref_slice %arg4[%arg1, %add3A_306, %dma_start3A_312, %dma_start3A_313] : memref<16x80x2x128xi32, #tpu.memory_space<hbm>> -> memref<1x1x2x128xi32, #tpu.memory_space<hbm>>
          %dma_start3A_315 = tpu.memref_squeeze %dma_start3A_314 : memref<1x1x2x128xi32, #tpu.memory_space<hbm>> -> memref<2x128xi32, #tpu.memory_space<hbm>>
          %dma_start3A_316 = arith.constant 0 : i32
          %dma_start3A_317 = arith.constant 0 : i32
          %dma_start3A_318 = tpu.memref_slice %arg8[%dma_start3A_307, %dma_start3A_316, %dma_start3A_317] : memref<4x2x128xi32, #tpu.memory_space<vmem>> -> memref<1x2x128xi32, #tpu.memory_space<vmem>>
          %dma_start3A_319 = tpu.memref_squeeze %dma_start3A_318 : memref<1x2x128xi32, #tpu.memory_space<vmem>> -> memref<2x128xi32, #tpu.memory_space<vmem>>
          %dma_start3A_320 = arith.constant 0 : i32
          %dma_start3A_321 = arith.constant 0 : i32
          %dma_start3A_322 = tpu.memref_slice %arg4[%arg1, %add3A_306, %dma_start3A_320, %dma_start3A_321] : memref<16x80x2x128xi32, #tpu.memory_space<hbm>> -> memref<1x1x2x128xi32, #tpu.memory_space<hbm>>
          %dma_start3A_323 = tpu.memref_squeeze %dma_start3A_322 : memref<1x1x2x128xi32, #tpu.memory_space<hbm>> -> memref<2x128xi32, #tpu.memory_space<hbm>>
          tpu.enqueue_dma source(%dma_start3A_323 : memref<2x128xi32, #tpu.memory_space<hbm>>) target(%dma_start3A_319 : memref<2x128xi32, #tpu.memory_space<vmem>>) target_semaphore(%arg11 : memref<!tpu.dma_semaphore, #tpu.memory_space<semaphore_mem>>)
        } else {
        }
        %add3A_258 = arith.constant 3 : i32
        %add3A_259 = arith.addi %add3A_118, %add3A_258 : i32
        %ge3A_260 = arith.constant 1 : i32
        %ge3A_261 = arith.cmpi sge, %add3A_259, %ge3A_260 : i32
        %convert_element_type3A_262 = arith.extui %ge3A_261 : i1 to i32
        %cond3A_263 = arith.constant 0 : i32
        %cond3A_264 = arith.cmpi ne, %convert_element_type3A_262, %cond3A_263 : i32
        scf.if %cond3A_264 {
          %sub3A = arith.constant 1 : i32
          %sub3A_305 = arith.subi %add3A_259, %sub3A : i32
          %dma_wait3A_306 = arith.constant 0 : i32
          %dma_wait3A_307 = arith.constant 2 : i32
          %dma_wait3A_308 = arith.constant 1 : i32
          %dma_wait3A_309 = arith.constant 0 : i32
          %dma_wait3A_310 = arith.constant 0 : i32
          %dma_wait3A_311 = tpu.memref_slice %arg9[%dma_wait3A_306, %dma_wait3A_309, %dma_wait3A_310] : memref<2x128x128xf32, #tpu.memory_space<vmem>> -> memref<1x128x128xf32, #tpu.memory_space<vmem>>
          %dma_wait3A_312 = tpu.memref_squeeze %dma_wait3A_311 : memref<1x128x128xf32, #tpu.memory_space<vmem>> -> memref<128x128xf32, #tpu.memory_space<vmem>>
          %dma_wait3A_313 = arith.constant 0 : i32
          %dma_wait3A_314 = tpu.memref_slice %arg8[%dma_wait3A_307, %dma_wait3A_308, %dma_wait3A_313] : memref<4x2x128xi32, #tpu.memory_space<vmem>> -> memref<1x1x128xi32, #tpu.memory_space<vmem>>
          %dma_wait3A_315 = tpu.memref_squeeze %dma_wait3A_314 : memref<1x1x128xi32, #tpu.memory_space<vmem>> -> memref<128xi32, #tpu.memory_space<vmem>>
          %dma_wait3A_316 = arith.constant 0 : i32
          %dma_wait3A_317 = arith.constant 0 : i32
          %dma_wait3A_318 = tpu.memref_slice %arg7[%dma_wait3A_316, %dma_wait3A_317] : memref<10112x128xf32, #tpu.memory_space<vmem_shared>> -> memref<10112x128xf32, #tpu.memory_space<vmem_shared>>
          tpu.wait_indirect_dma semaphore(%arg16 : memref<!tpu.dma_semaphore, #tpu.memory_space<semaphore_mem>>) src(%dma_wait3A_312 : memref<128x128xf32, #tpu.memory_space<vmem>>) dst(%dma_wait3A_318 : memref<10112x128xf32, #tpu.memory_space<vmem_shared>>)
        } else {
        }
        %add3A_265 = arith.constant 1 : i32
        %add3A_266 = arith.addi %add3A_259, %add3A_265 : i32
        %lt3A_267 = arith.constant 80 : i32
        %lt3A_268 = arith.cmpi slt, %add3A_266, %lt3A_267 : i32
        %convert_element_type3A_269 = arith.extui %lt3A_268 : i1 to i32
        %cond3A_270 = arith.constant 0 : i32
        %cond3A_271 = arith.cmpi ne, %convert_element_type3A_269, %cond3A_270 : i32
        scf.if %cond3A_271 {
          %add3A_305 = arith.constant 1 : i32
          %add3A_306 = arith.addi %add3A_259, %add3A_305 : i32
          %dma_wait3A_307 = arith.constant 0 : i32
          %dma_wait3A_308 = arith.constant 0 : i32
          %dma_wait3A_309 = arith.constant 0 : i32
          %dma_wait3A_310 = tpu.memref_slice %arg8[%dma_wait3A_307, %dma_wait3A_308, %dma_wait3A_309] : memref<4x2x128xi32, #tpu.memory_space<vmem>> -> memref<1x2x128xi32, #tpu.memory_space<vmem>>
          %dma_wait3A_311 = tpu.memref_squeeze %dma_wait3A_310 : memref<1x2x128xi32, #tpu.memory_space<vmem>> -> memref<2x128xi32, #tpu.memory_space<vmem>>
          %dma_wait3A_312 = arith.constant 0 : i32
          %dma_wait3A_313 = arith.constant 0 : i32
          %dma_wait3A_314 = tpu.memref_slice %arg4[%arg1, %add3A_306, %dma_wait3A_312, %dma_wait3A_313] : memref<16x80x2x128xi32, #tpu.memory_space<hbm>> -> memref<1x1x2x128xi32, #tpu.memory_space<hbm>>
          %dma_wait3A_315 = tpu.memref_squeeze %dma_wait3A_314 : memref<1x1x2x128xi32, #tpu.memory_space<hbm>> -> memref<2x128xi32, #tpu.memory_space<hbm>>
          %dma_wait3A_316 = arith.constant 0 : i32
          %dma_wait3A_317 = arith.constant 0 : i32
          %dma_wait3A_318 = tpu.memref_slice %arg8[%dma_wait3A_307, %dma_wait3A_316, %dma_wait3A_317] : memref<4x2x128xi32, #tpu.memory_space<vmem>> -> memref<1x2x128xi32, #tpu.memory_space<vmem>>
          %dma_wait3A_319 = tpu.memref_squeeze %dma_wait3A_318 : memref<1x2x128xi32, #tpu.memory_space<vmem>> -> memref<2x128xi32, #tpu.memory_space<vmem>>
          %dma_wait3A_320 = arith.constant 0 : i32
          %dma_wait3A_321 = arith.constant 0 : i32
          %dma_wait3A_322 = tpu.memref_slice %arg4[%arg1, %add3A_306, %dma_wait3A_320, %dma_wait3A_321] : memref<16x80x2x128xi32, #tpu.memory_space<hbm>> -> memref<1x1x2x128xi32, #tpu.memory_space<hbm>>
          %dma_wait3A_323 = tpu.memref_squeeze %dma_wait3A_322 : memref<1x1x2x128xi32, #tpu.memory_space<hbm>> -> memref<2x128xi32, #tpu.memory_space<hbm>>
          tpu.wait_dma2 semaphore(%arg10 : memref<!tpu.dma_semaphore, #tpu.memory_space<semaphore_mem>>) src(%dma_wait3A_323 : memref<2x128xi32, #tpu.memory_space<hbm>>) dst(%dma_wait3A_319 : memref<2x128xi32, #tpu.memory_space<vmem>>)
          %add3A_324 = arith.constant 1 : i32
          %add3A_325 = arith.addi %add3A_259, %add3A_324 : i32
          %dma_start3A_326 = arith.constant 0 : i32
          %dma_start3A_327 = arith.constant 0 : i32
          %dma_start3A_328 = arith.constant 0 : i32
          %dma_start3A_329 = arith.constant 0 : i32
          %dma_start3A_330 = arith.constant 0 : i32
          %dma_start3A_331 = tpu.memref_slice %arg9[%dma_start3A_328, %dma_start3A_329, %dma_start3A_330] : memref<2x128x128xf32, #tpu.memory_space<vmem>> -> memref<1x128x128xf32, #tpu.memory_space<vmem>>
          %dma_start3A_332 = tpu.memref_squeeze %dma_start3A_331 : memref<1x128x128xf32, #tpu.memory_space<vmem>> -> memref<128x128xf32, #tpu.memory_space<vmem>>
          %dma_start3A_333 = arith.constant 0 : i32
          %dma_start3A_334 = tpu.memref_slice %arg8[%dma_start3A_326, %dma_start3A_327, %dma_start3A_333] : memref<4x2x128xi32, #tpu.memory_space<vmem>> -> memref<1x1x128xi32, #tpu.memory_space<vmem>>
          %dma_start3A_335 = tpu.memref_squeeze %dma_start3A_334 : memref<1x1x128xi32, #tpu.memory_space<vmem>> -> memref<128xi32, #tpu.memory_space<vmem>>
          %dma_start3A_336 = arith.constant 0 : i32
          %dma_start3A_337 = arith.constant 0 : i32
          %dma_start3A_338 = tpu.memref_slice %arg2[%dma_start3A_336, %dma_start3A_337] : memref<10000x128xf32, #tpu.memory_space<hbm>> -> memref<10000x128xf32, #tpu.memory_space<hbm>>
          tpu.enqueue_indirect_dma source(%dma_start3A_338 : memref<10000x128xf32, #tpu.memory_space<hbm>>) target(%dma_start3A_332 : memref<128x128xf32, #tpu.memory_space<vmem>>) offsets(%dma_start3A_335 : memref<128xi32, #tpu.memory_space<vmem>>) semaphore(%arg14 : memref<!tpu.dma_semaphore, #tpu.memory_space<semaphore_mem>>)
        } else {
        }
        %dma_wait3A_272 = arith.constant 3 : i32
        %dma_wait3A_273 = arith.constant 0 : i32
        %dma_wait3A_274 = arith.constant 1 : i32
        %dma_wait3A_275 = arith.constant 0 : i32
        %dma_wait3A_276 = arith.constant 0 : i32
        %dma_wait3A_277 = tpu.memref_slice %arg9[%dma_wait3A_274, %dma_wait3A_275, %dma_wait3A_276] : memref<2x128x128xf32, #tpu.memory_space<vmem>> -> memref<1x128x128xf32, #tpu.memory_space<vmem>>
        %dma_wait3A_278 = tpu.memref_squeeze %dma_wait3A_277 : memref<1x128x128xf32, #tpu.memory_space<vmem>> -> memref<128x128xf32, #tpu.memory_space<vmem>>
        %dma_wait3A_279 = arith.constant 0 : i32
        %dma_wait3A_280 = tpu.memref_slice %arg8[%dma_wait3A_272, %dma_wait3A_273, %dma_wait3A_279] : memref<4x2x128xi32, #tpu.memory_space<vmem>> -> memref<1x1x128xi32, #tpu.memory_space<vmem>>
        %dma_wait3A_281 = tpu.memref_squeeze %dma_wait3A_280 : memref<1x1x128xi32, #tpu.memory_space<vmem>> -> memref<128xi32, #tpu.memory_space<vmem>>
        %dma_wait3A_282 = arith.constant 0 : i32
        %dma_wait3A_283 = arith.constant 0 : i32
        %dma_wait3A_284 = tpu.memref_slice %arg2[%dma_wait3A_282, %dma_wait3A_283] : memref<10000x128xf32, #tpu.memory_space<hbm>> -> memref<10000x128xf32, #tpu.memory_space<hbm>>
        tpu.wait_indirect_dma semaphore(%arg15 : memref<!tpu.dma_semaphore, #tpu.memory_space<semaphore_mem>>) src(%dma_wait3A_284 : memref<10000x128xf32, #tpu.memory_space<hbm>>) dst(%dma_wait3A_278 : memref<128x128xf32, #tpu.memory_space<vmem>>)
        %dma_start3A_285 = arith.constant 1 : i32
        %dma_start3A_286 = arith.constant 3 : i32
        %dma_start3A_287 = arith.constant 1 : i32
        %dma_start3A_288 = arith.constant 0 : i32
        %dma_start3A_289 = arith.constant 0 : i32
        %dma_start3A_290 = tpu.memref_slice %arg9[%dma_start3A_285, %dma_start3A_288, %dma_start3A_289] : memref<2x128x128xf32, #tpu.memory_space<vmem>> -> memref<1x128x128xf32, #tpu.memory_space<vmem>>
        %dma_start3A_291 = tpu.memref_squeeze %dma_start3A_290 : memref<1x128x128xf32, #tpu.memory_space<vmem>> -> memref<128x128xf32, #tpu.memory_space<vmem>>
        %dma_start3A_292 = arith.constant 0 : i32
        %dma_start3A_293 = tpu.memref_slice %arg8[%dma_start3A_286, %dma_start3A_287, %dma_start3A_292] : memref<4x2x128xi32, #tpu.memory_space<vmem>> -> memref<1x1x128xi32, #tpu.memory_space<vmem>>
        %dma_start3A_294 = tpu.memref_squeeze %dma_start3A_293 : memref<1x1x128xi32, #tpu.memory_space<vmem>> -> memref<128xi32, #tpu.memory_space<vmem>>
        %dma_start3A_295 = arith.constant 0 : i32
        %dma_start3A_296 = arith.constant 0 : i32
        %dma_start3A_297 = tpu.memref_slice %arg7[%dma_start3A_295, %dma_start3A_296] : memref<10112x128xf32, #tpu.memory_space<vmem_shared>> -> memref<10112x128xf32, #tpu.memory_space<vmem_shared>>
        tpu.enqueue_indirect_dma source(%dma_start3A_291 : memref<128x128xf32, #tpu.memory_space<vmem>>) target(%dma_start3A_297 : memref<10112x128xf32, #tpu.memory_space<vmem_shared>>) offsets(%dma_start3A_294 : memref<128xi32, #tpu.memory_space<vmem>>) semaphore(%arg17 : memref<!tpu.dma_semaphore, #tpu.memory_space<semaphore_mem>>) {add = true}
        %add3A_298 = arith.constant 3 : i32
        %add3A_299 = arith.addi %add3A_259, %add3A_298 : i32
        %lt3A_300 = arith.constant 80 : i32
        %lt3A_301 = arith.cmpi slt, %add3A_299, %lt3A_300 : i32
        %convert_element_type3A_302 = arith.extui %lt3A_301 : i1 to i32
        %cond3A_303 = arith.constant 0 : i32
        %cond3A_304 = arith.cmpi ne, %convert_element_type3A_302, %cond3A_303 : i32
        scf.if %cond3A_304 {
          %add3A_305 = arith.constant 3 : i32
          %add3A_306 = arith.addi %add3A_259, %add3A_305 : i32
          %dma_start3A_307 = arith.constant 2 : i32
          %dma_start3A_308 = arith.constant 0 : i32
          %dma_start3A_309 = arith.constant 0 : i32
          %dma_start3A_310 = tpu.memref_slice %arg8[%dma_start3A_307, %dma_start3A_308, %dma_start3A_309] : memref<4x2x128xi32, #tpu.memory_space<vmem>> -> memref<1x2x128xi32, #tpu.memory_space<vmem>>
          %dma_start3A_311 = tpu.memref_squeeze %dma_start3A_310 : memref<1x2x128xi32, #tpu.memory_space<vmem>> -> memref<2x128xi32, #tpu.memory_space<vmem>>
          %dma_start3A_312 = arith.constant 0 : i32
          %dma_start3A_313 = arith.constant 0 : i32
          %dma_start3A_314 = tpu.memref_slice %arg4[%arg1, %add3A_306, %dma_start3A_312, %dma_start3A_313] : memref<16x80x2x128xi32, #tpu.memory_space<hbm>> -> memref<1x1x2x128xi32, #tpu.memory_space<hbm>>
          %dma_start3A_315 = tpu.memref_squeeze %dma_start3A_314 : memref<1x1x2x128xi32, #tpu.memory_space<hbm>> -> memref<2x128xi32, #tpu.memory_space<hbm>>
          %dma_start3A_316 = arith.constant 0 : i32
          %dma_start3A_317 = arith.constant 0 : i32
          %dma_start3A_318 = tpu.memref_slice %arg8[%dma_start3A_307, %dma_start3A_316, %dma_start3A_317] : memref<4x2x128xi32, #tpu.memory_space<vmem>> -> memref<1x2x128xi32, #tpu.memory_space<vmem>>
          %dma_start3A_319 = tpu.memref_squeeze %dma_start3A_318 : memref<1x2x128xi32, #tpu.memory_space<vmem>> -> memref<2x128xi32, #tpu.memory_space<vmem>>
          %dma_start3A_320 = arith.constant 0 : i32
          %dma_start3A_321 = arith.constant 0 : i32
          %dma_start3A_322 = tpu.memref_slice %arg4[%arg1, %add3A_306, %dma_start3A_320, %dma_start3A_321] : memref<16x80x2x128xi32, #tpu.memory_space<hbm>> -> memref<1x1x2x128xi32, #tpu.memory_space<hbm>>
          %dma_start3A_323 = tpu.memref_squeeze %dma_start3A_322 : memref<1x1x2x128xi32, #tpu.memory_space<hbm>> -> memref<2x128xi32, #tpu.memory_space<hbm>>
          tpu.enqueue_dma source(%dma_start3A_323 : memref<2x128xi32, #tpu.memory_space<hbm>>) target(%dma_start3A_319 : memref<2x128xi32, #tpu.memory_space<vmem>>) target_semaphore(%arg12 : memref<!tpu.dma_semaphore, #tpu.memory_space<semaphore_mem>>)
        } else {
        }
      }
      %scan3A_101 = arith.constant 20 : i32
      %dma_wait3A_102 = arith.constant 1 : i32
      %dma_wait3A_103 = arith.constant 3 : i32
      %dma_wait3A_104 = arith.constant 1 : i32
      %dma_wait3A_105 = arith.constant 0 : i32
      %dma_wait3A_106 = arith.constant 0 : i32
      %dma_wait3A_107 = tpu.memref_slice %arg9[%dma_wait3A_102, %dma_wait3A_105, %dma_wait3A_106] : memref<2x128x128xf32, #tpu.memory_space<vmem>> -> memref<1x128x128xf32, #tpu.memory_space<vmem>>
      %dma_wait3A_108 = tpu.memref_squeeze %dma_wait3A_107 : memref<1x128x128xf32, #tpu.memory_space<vmem>> -> memref<128x128xf32, #tpu.memory_space<vmem>>
      %dma_wait3A_109 = arith.constant 0 : i32
      %dma_wait3A_110 = tpu.memref_slice %arg8[%dma_wait3A_103, %dma_wait3A_104, %dma_wait3A_109] : memref<4x2x128xi32, #tpu.memory_space<vmem>> -> memref<1x1x128xi32, #tpu.memory_space<vmem>>
      %dma_wait3A_111 = tpu.memref_squeeze %dma_wait3A_110 : memref<1x1x128xi32, #tpu.memory_space<vmem>> -> memref<128xi32, #tpu.memory_space<vmem>>
      %dma_wait3A_112 = arith.constant 0 : i32
      %dma_wait3A_113 = arith.constant 0 : i32
      %dma_wait3A_114 = tpu.memref_slice %arg7[%dma_wait3A_112, %dma_wait3A_113] : memref<10112x128xf32, #tpu.memory_space<vmem_shared>> -> memref<10112x128xf32, #tpu.memory_space<vmem_shared>>
      tpu.wait_indirect_dma semaphore(%arg17 : memref<!tpu.dma_semaphore, #tpu.memory_space<semaphore_mem>>) src(%dma_wait3A_108 : memref<128x128xf32, #tpu.memory_space<vmem>>) dst(%dma_wait3A_114 : memref<10112x128xf32, #tpu.memory_space<vmem_shared>>)
    } else {
    }
    %eq3A_5 = arith.constant 1 : i32
    %eq3A_6 = arith.cmpi eq, %arg0, %eq3A_5 : i32
    %convert_element_type3A_7 = arith.extui %eq3A_6 : i1 to i32
    %cond3A_8 = arith.constant 0 : i32
    %cond3A_9 = arith.cmpi ne, %convert_element_type3A_7, %cond3A_8 : i32
    scf.if %cond3A_9 {
      %dma_start3A = arith.constant 0 : i32
      %dma_start3A_15 = arith.constant 0 : i32
      %dma_start3A_16 = arith.constant 0 : i32
      %dma_start3A_17 = arith.constant 0 : i32
      %dma_start3A_18 = tpu.memref_slice %arg8[%dma_start3A_15, %dma_start3A_16, %dma_start3A_17] : memref<4x2x128xi32, #tpu.memory_space<vmem>> -> memref<1x2x128xi32, #tpu.memory_space<vmem>>
      %dma_start3A_19 = tpu.memref_squeeze %dma_start3A_18 : memref<1x2x128xi32, #tpu.memory_space<vmem>> -> memref<2x128xi32, #tpu.memory_space<vmem>>
      %dma_start3A_20 = arith.constant 0 : i32
      %dma_start3A_21 = arith.constant 0 : i32
      %dma_start3A_22 = tpu.memref_slice %arg4[%arg1, %dma_start3A, %dma_start3A_20, %dma_start3A_21] : memref<16x80x2x128xi32, #tpu.memory_space<hbm>> -> memref<1x1x2x128xi32, #tpu.memory_space<hbm>>
      %dma_start3A_23 = tpu.memref_squeeze %dma_start3A_22 : memref<1x1x2x128xi32, #tpu.memory_space<hbm>> -> memref<2x128xi32, #tpu.memory_space<hbm>>
      %dma_start3A_24 = arith.constant 0 : i32
      %dma_start3A_25 = arith.constant 0 : i32
      %dma_start3A_26 = tpu.memref_slice %arg8[%dma_start3A_15, %dma_start3A_24, %dma_start3A_25] : memref<4x2x128xi32, #tpu.memory_space<vmem>> -> memref<1x2x128xi32, #tpu.memory_space<vmem>>
      %dma_start3A_27 = tpu.memref_squeeze %dma_start3A_26 : memref<1x2x128xi32, #tpu.memory_space<vmem>> -> memref<2x128xi32, #tpu.memory_space<vmem>>
      %dma_start3A_28 = arith.constant 0 : i32
      %dma_start3A_29 = arith.constant 0 : i32
      %dma_start3A_30 = tpu.memref_slice %arg4[%arg1, %dma_start3A, %dma_start3A_28, %dma_start3A_29] : memref<16x80x2x128xi32, #tpu.memory_space<hbm>> -> memref<1x1x2x128xi32, #tpu.memory_space<hbm>>
      %dma_start3A_31 = tpu.memref_squeeze %dma_start3A_30 : memref<1x1x2x128xi32, #tpu.memory_space<hbm>> -> memref<2x128xi32, #tpu.memory_space<hbm>>
      tpu.enqueue_dma source(%dma_start3A_31 : memref<2x128xi32, #tpu.memory_space<hbm>>) target(%dma_start3A_27 : memref<2x128xi32, #tpu.memory_space<vmem>>) target_semaphore(%arg10 : memref<!tpu.dma_semaphore, #tpu.memory_space<semaphore_mem>>)
      %dma_start3A_32 = arith.constant 1 : i32
      %dma_start3A_33 = arith.constant 1 : i32
      %dma_start3A_34 = arith.constant 0 : i32
      %dma_start3A_35 = arith.constant 0 : i32
      %dma_start3A_36 = tpu.memref_slice %arg8[%dma_start3A_33, %dma_start3A_34, %dma_start3A_35] : memref<4x2x128xi32, #tpu.memory_space<vmem>> -> memref<1x2x128xi32, #tpu.memory_space<vmem>>
      %dma_start3A_37 = tpu.memref_squeeze %dma_start3A_36 : memref<1x2x128xi32, #tpu.memory_space<vmem>> -> memref<2x128xi32, #tpu.memory_space<vmem>>
      %dma_start3A_38 = arith.constant 0 : i32
      %dma_start3A_39 = arith.constant 0 : i32
      %dma_start3A_40 = tpu.memref_slice %arg4[%arg1, %dma_start3A_32, %dma_start3A_38, %dma_start3A_39] : memref<16x80x2x128xi32, #tpu.memory_space<hbm>> -> memref<1x1x2x128xi32, #tpu.memory_space<hbm>>
      %dma_start3A_41 = tpu.memref_squeeze %dma_start3A_40 : memref<1x1x2x128xi32, #tpu.memory_space<hbm>> -> memref<2x128xi32, #tpu.memory_space<hbm>>
      %dma_start3A_42 = arith.constant 0 : i32
      %dma_start3A_43 = arith.constant 0 : i32
      %dma_start3A_44 = tpu.memref_slice %arg8[%dma_start3A_33, %dma_start3A_42, %dma_start3A_43] : memref<4x2x128xi32, #tpu.memory_space<vmem>> -> memref<1x2x128xi32, #tpu.memory_space<vmem>>
      %dma_start3A_45 = tpu.memref_squeeze %dma_start3A_44 : memref<1x2x128xi32, #tpu.memory_space<vmem>> -> memref<2x128xi32, #tpu.memory_space<vmem>>
      %dma_start3A_46 = arith.constant 0 : i32
      %dma_start3A_47 = arith.constant 0 : i32
      %dma_start3A_48 = tpu.memref_slice %arg4[%arg1, %dma_start3A_32, %dma_start3A_46, %dma_start3A_47] : memref<16x80x2x128xi32, #tpu.memory_space<hbm>> -> memref<1x1x2x128xi32, #tpu.memory_space<hbm>>
      %dma_start3A_49 = tpu.memref_squeeze %dma_start3A_48 : memref<1x1x2x128xi32, #tpu.memory_space<hbm>> -> memref<2x128xi32, #tpu.memory_space<hbm>>
      tpu.enqueue_dma source(%dma_start3A_49 : memref<2x128xi32, #tpu.memory_space<hbm>>) target(%dma_start3A_45 : memref<2x128xi32, #tpu.memory_space<vmem>>) target_semaphore(%arg11 : memref<!tpu.dma_semaphore, #tpu.memory_space<semaphore_mem>>)
      %dma_start3A_50 = arith.constant 2 : i32
      %dma_start3A_51 = arith.constant 2 : i32
      %dma_start3A_52 = arith.constant 0 : i32
      %dma_start3A_53 = arith.constant 0 : i32
      %dma_start3A_54 = tpu.memref_slice %arg8[%dma_start3A_51, %dma_start3A_52, %dma_start3A_53] : memref<4x2x128xi32, #tpu.memory_space<vmem>> -> memref<1x2x128xi32, #tpu.memory_space<vmem>>
      %dma_start3A_55 = tpu.memref_squeeze %dma_start3A_54 : memref<1x2x128xi32, #tpu.memory_space<vmem>> -> memref<2x128xi32, #tpu.memory_space<vmem>>
      %dma_start3A_56 = arith.constant 0 : i32
      %dma_start3A_57 = arith.constant 0 : i32
      %dma_start3A_58 = tpu.memref_slice %arg4[%arg1, %dma_start3A_50, %dma_start3A_56, %dma_start3A_57] : memref<16x80x2x128xi32, #tpu.memory_space<hbm>> -> memref<1x1x2x128xi32, #tpu.memory_space<hbm>>
      %dma_start3A_59 = tpu.memref_squeeze %dma_start3A_58 : memref<1x1x2x128xi32, #tpu.memory_space<hbm>> -> memref<2x128xi32, #tpu.memory_space<hbm>>
      %dma_start3A_60 = arith.constant 0 : i32
      %dma_start3A_61 = arith.constant 0 : i32
      %dma_start3A_62 = tpu.memref_slice %arg8[%dma_start3A_51, %dma_start3A_60, %dma_start3A_61] : memref<4x2x128xi32, #tpu.memory_space<vmem>> -> memref<1x2x128xi32, #tpu.memory_space<vmem>>
      %dma_start3A_63 = tpu.memref_squeeze %dma_start3A_62 : memref<1x2x128xi32, #tpu.memory_space<vmem>> -> memref<2x128xi32, #tpu.memory_space<vmem>>
      %dma_start3A_64 = arith.constant 0 : i32
      %dma_start3A_65 = arith.constant 0 : i32
      %dma_start3A_66 = tpu.memref_slice %arg4[%arg1, %dma_start3A_50, %dma_start3A_64, %dma_start3A_65] : memref<16x80x2x128xi32, #tpu.memory_space<hbm>> -> memref<1x1x2x128xi32, #tpu.memory_space<hbm>>
      %dma_start3A_67 = tpu.memref_squeeze %dma_start3A_66 : memref<1x1x2x128xi32, #tpu.memory_space<hbm>> -> memref<2x128xi32, #tpu.memory_space<hbm>>
      tpu.enqueue_dma source(%dma_start3A_67 : memref<2x128xi32, #tpu.memory_space<hbm>>) target(%dma_start3A_63 : memref<2x128xi32, #tpu.memory_space<vmem>>) target_semaphore(%arg12 : memref<!tpu.dma_semaphore, #tpu.memory_space<semaphore_mem>>)
      %dma_wait3A = arith.constant 0 : i32
      %dma_wait3A_68 = arith.constant 0 : i32
      %dma_wait3A_69 = arith.constant 0 : i32
      %dma_wait3A_70 = arith.constant 0 : i32
      %dma_wait3A_71 = tpu.memref_slice %arg8[%dma_wait3A_68, %dma_wait3A_69, %dma_wait3A_70] : memref<4x2x128xi32, #tpu.memory_space<vmem>> -> memref<1x2x128xi32, #tpu.memory_space<vmem>>
      %dma_wait3A_72 = tpu.memref_squeeze %dma_wait3A_71 : memref<1x2x128xi32, #tpu.memory_space<vmem>> -> memref<2x128xi32, #tpu.memory_space<vmem>>
      %dma_wait3A_73 = arith.constant 0 : i32
      %dma_wait3A_74 = arith.constant 0 : i32
      %dma_wait3A_75 = tpu.memref_slice %arg4[%arg1, %dma_wait3A, %dma_wait3A_73, %dma_wait3A_74] : memref<16x80x2x128xi32, #tpu.memory_space<hbm>> -> memref<1x1x2x128xi32, #tpu.memory_space<hbm>>
      %dma_wait3A_76 = tpu.memref_squeeze %dma_wait3A_75 : memref<1x1x2x128xi32, #tpu.memory_space<hbm>> -> memref<2x128xi32, #tpu.memory_space<hbm>>
      %dma_wait3A_77 = arith.constant 0 : i32
      %dma_wait3A_78 = arith.constant 0 : i32
      %dma_wait3A_79 = tpu.memref_slice %arg8[%dma_wait3A_68, %dma_wait3A_77, %dma_wait3A_78] : memref<4x2x128xi32, #tpu.memory_space<vmem>> -> memref<1x2x128xi32, #tpu.memory_space<vmem>>
      %dma_wait3A_80 = tpu.memref_squeeze %dma_wait3A_79 : memref<1x2x128xi32, #tpu.memory_space<vmem>> -> memref<2x128xi32, #tpu.memory_space<vmem>>
      %dma_wait3A_81 = arith.constant 0 : i32
      %dma_wait3A_82 = arith.constant 0 : i32
      %dma_wait3A_83 = tpu.memref_slice %arg4[%arg1, %dma_wait3A, %dma_wait3A_81, %dma_wait3A_82] : memref<16x80x2x128xi32, #tpu.memory_space<hbm>> -> memref<1x1x2x128xi32, #tpu.memory_space<hbm>>
      %dma_wait3A_84 = tpu.memref_squeeze %dma_wait3A_83 : memref<1x1x2x128xi32, #tpu.memory_space<hbm>> -> memref<2x128xi32, #tpu.memory_space<hbm>>
      tpu.wait_dma2 semaphore(%arg10 : memref<!tpu.dma_semaphore, #tpu.memory_space<semaphore_mem>>) src(%dma_wait3A_84 : memref<2x128xi32, #tpu.memory_space<hbm>>) dst(%dma_wait3A_80 : memref<2x128xi32, #tpu.memory_space<vmem>>)
      %dma_start3A_85 = arith.constant 0 : i32
      %dma_start3A_86 = arith.constant 0 : i32
      %dma_start3A_87 = arith.constant 0 : i32
      %dma_start3A_88 = arith.constant 0 : i32
      %dma_start3A_89 = arith.constant 0 : i32
      %dma_start3A_90 = tpu.memref_slice %arg9[%dma_start3A_87, %dma_start3A_88, %dma_start3A_89] : memref<2x128x128xf32, #tpu.memory_space<vmem>> -> memref<1x128x128xf32, #tpu.memory_space<vmem>>
      %dma_start3A_91 = tpu.memref_squeeze %dma_start3A_90 : memref<1x128x128xf32, #tpu.memory_space<vmem>> -> memref<128x128xf32, #tpu.memory_space<vmem>>
      %dma_start3A_92 = arith.constant 0 : i32
      %dma_start3A_93 = tpu.memref_slice %arg8[%dma_start3A_85, %dma_start3A_86, %dma_start3A_92] : memref<4x2x128xi32, #tpu.memory_space<vmem>> -> memref<1x1x128xi32, #tpu.memory_space<vmem>>
      %dma_start3A_94 = tpu.memref_squeeze %dma_start3A_93 : memref<1x1x128xi32, #tpu.memory_space<vmem>> -> memref<128xi32, #tpu.memory_space<vmem>>
      %dma_start3A_95 = arith.constant 0 : i32
      %dma_start3A_96 = arith.constant 0 : i32
      %dma_start3A_97 = tpu.memref_slice %arg3[%dma_start3A_95, %dma_start3A_96] : memref<10000x128xf32, #tpu.memory_space<hbm>> -> memref<10000x128xf32, #tpu.memory_space<hbm>>
      tpu.enqueue_indirect_dma source(%dma_start3A_97 : memref<10000x128xf32, #tpu.memory_space<hbm>>) target(%dma_start3A_91 : memref<128x128xf32, #tpu.memory_space<vmem>>) offsets(%dma_start3A_94 : memref<128xi32, #tpu.memory_space<vmem>>) semaphore(%arg14 : memref<!tpu.dma_semaphore, #tpu.memory_space<semaphore_mem>>)
      %scan3A = arith.constant 0 : i32
      %scan3A_98 = arith.constant 20 : i32
      %scan3A_99 = arith.addi %scan3A, %scan3A_98 : i32
      %scan3A_100 = arith.constant 1 : i32
      scf.for %scan3A_115 = %scan3A to %scan3A_99 step %scan3A_100  : i32 {
        %mul3A_116 = arith.constant 4 : i32
        %mul3A_117 = arith.muli %scan3A_115, %mul3A_116 : i32
        %add3A = arith.constant 0 : i32
        %add3A_118 = arith.addi %add3A, %mul3A_117 : i32
        %add3A_119 = arith.constant 0 : i32
        %add3A_120 = arith.addi %add3A_118, %add3A_119 : i32
        %ge3A = arith.constant 1 : i32
        %ge3A_121 = arith.cmpi sge, %add3A_120, %ge3A : i32
        %convert_element_type3A_122 = arith.extui %ge3A_121 : i1 to i32
        %cond3A_123 = arith.constant 0 : i32
        %cond3A_124 = arith.cmpi ne, %convert_element_type3A_122, %cond3A_123 : i32
        scf.if %cond3A_124 {
          %sub3A = arith.constant 1 : i32
          %sub3A_305 = arith.subi %add3A_120, %sub3A : i32
          %dma_wait3A_306 = arith.constant 1 : i32
          %dma_wait3A_307 = arith.constant 3 : i32
          %dma_wait3A_308 = arith.constant 1 : i32
          %dma_wait3A_309 = arith.constant 0 : i32
          %dma_wait3A_310 = arith.constant 0 : i32
          %dma_wait3A_311 = tpu.memref_slice %arg9[%dma_wait3A_306, %dma_wait3A_309, %dma_wait3A_310] : memref<2x128x128xf32, #tpu.memory_space<vmem>> -> memref<1x128x128xf32, #tpu.memory_space<vmem>>
          %dma_wait3A_312 = tpu.memref_squeeze %dma_wait3A_311 : memref<1x128x128xf32, #tpu.memory_space<vmem>> -> memref<128x128xf32, #tpu.memory_space<vmem>>
          %dma_wait3A_313 = arith.constant 0 : i32
          %dma_wait3A_314 = tpu.memref_slice %arg8[%dma_wait3A_307, %dma_wait3A_308, %dma_wait3A_313] : memref<4x2x128xi32, #tpu.memory_space<vmem>> -> memref<1x1x128xi32, #tpu.memory_space<vmem>>
          %dma_wait3A_315 = tpu.memref_squeeze %dma_wait3A_314 : memref<1x1x128xi32, #tpu.memory_space<vmem>> -> memref<128xi32, #tpu.memory_space<vmem>>
          %dma_wait3A_316 = arith.constant 0 : i32
          %dma_wait3A_317 = arith.constant 0 : i32
          %dma_wait3A_318 = tpu.memref_slice %arg7[%dma_wait3A_316, %dma_wait3A_317] : memref<10112x128xf32, #tpu.memory_space<vmem_shared>> -> memref<10112x128xf32, #tpu.memory_space<vmem_shared>>
          tpu.wait_indirect_dma semaphore(%arg17 : memref<!tpu.dma_semaphore, #tpu.memory_space<semaphore_mem>>) src(%dma_wait3A_312 : memref<128x128xf32, #tpu.memory_space<vmem>>) dst(%dma_wait3A_318 : memref<10112x128xf32, #tpu.memory_space<vmem_shared>>)
        } else {
        }
        %add3A_125 = arith.constant 1 : i32
        %add3A_126 = arith.addi %add3A_120, %add3A_125 : i32
        %lt3A = arith.constant 80 : i32
        %lt3A_127 = arith.cmpi slt, %add3A_126, %lt3A : i32
        %convert_element_type3A_128 = arith.extui %lt3A_127 : i1 to i32
        %cond3A_129 = arith.constant 0 : i32
        %cond3A_130 = arith.cmpi ne, %convert_element_type3A_128, %cond3A_129 : i32
        scf.if %cond3A_130 {
          %add3A_305 = arith.constant 1 : i32
          %add3A_306 = arith.addi %add3A_120, %add3A_305 : i32
          %dma_wait3A_307 = arith.constant 1 : i32
          %dma_wait3A_308 = arith.constant 0 : i32
          %dma_wait3A_309 = arith.constant 0 : i32
          %dma_wait3A_310 = tpu.memref_slice %arg8[%dma_wait3A_307, %dma_wait3A_308, %dma_wait3A_309] : memref<4x2x128xi32, #tpu.memory_space<vmem>> -> memref<1x2x128xi32, #tpu.memory_space<vmem>>
          %dma_wait3A_311 = tpu.memref_squeeze %dma_wait3A_310 : memref<1x2x128xi32, #tpu.memory_space<vmem>> -> memref<2x128xi32, #tpu.memory_space<vmem>>
          %dma_wait3A_312 = arith.constant 0 : i32
          %dma_wait3A_313 = arith.constant 0 : i32
          %dma_wait3A_314 = tpu.memref_slice %arg4[%arg1, %add3A_306, %dma_wait3A_312, %dma_wait3A_313] : memref<16x80x2x128xi32, #tpu.memory_space<hbm>> -> memref<1x1x2x128xi32, #tpu.memory_space<hbm>>
          %dma_wait3A_315 = tpu.memref_squeeze %dma_wait3A_314 : memref<1x1x2x128xi32, #tpu.memory_space<hbm>> -> memref<2x128xi32, #tpu.memory_space<hbm>>
          %dma_wait3A_316 = arith.constant 0 : i32
          %dma_wait3A_317 = arith.constant 0 : i32
          %dma_wait3A_318 = tpu.memref_slice %arg8[%dma_wait3A_307, %dma_wait3A_316, %dma_wait3A_317] : memref<4x2x128xi32, #tpu.memory_space<vmem>> -> memref<1x2x128xi32, #tpu.memory_space<vmem>>
          %dma_wait3A_319 = tpu.memref_squeeze %dma_wait3A_318 : memref<1x2x128xi32, #tpu.memory_space<vmem>> -> memref<2x128xi32, #tpu.memory_space<vmem>>
          %dma_wait3A_320 = arith.constant 0 : i32
          %dma_wait3A_321 = arith.constant 0 : i32
          %dma_wait3A_322 = tpu.memref_slice %arg4[%arg1, %add3A_306, %dma_wait3A_320, %dma_wait3A_321] : memref<16x80x2x128xi32, #tpu.memory_space<hbm>> -> memref<1x1x2x128xi32, #tpu.memory_space<hbm>>
          %dma_wait3A_323 = tpu.memref_squeeze %dma_wait3A_322 : memref<1x1x2x128xi32, #tpu.memory_space<hbm>> -> memref<2x128xi32, #tpu.memory_space<hbm>>
          tpu.wait_dma2 semaphore(%arg11 : memref<!tpu.dma_semaphore, #tpu.memory_space<semaphore_mem>>) src(%dma_wait3A_323 : memref<2x128xi32, #tpu.memory_space<hbm>>) dst(%dma_wait3A_319 : memref<2x128xi32, #tpu.memory_space<vmem>>)
          %add3A_324 = arith.constant 1 : i32
          %add3A_325 = arith.addi %add3A_120, %add3A_324 : i32
          %dma_start3A_326 = arith.constant 1 : i32
          %dma_start3A_327 = arith.constant 0 : i32
          %dma_start3A_328 = arith.constant 1 : i32
          %dma_start3A_329 = arith.constant 0 : i32
          %dma_start3A_330 = arith.constant 0 : i32
          %dma_start3A_331 = tpu.memref_slice %arg9[%dma_start3A_328, %dma_start3A_329, %dma_start3A_330] : memref<2x128x128xf32, #tpu.memory_space<vmem>> -> memref<1x128x128xf32, #tpu.memory_space<vmem>>
          %dma_start3A_332 = tpu.memref_squeeze %dma_start3A_331 : memref<1x128x128xf32, #tpu.memory_space<vmem>> -> memref<128x128xf32, #tpu.memory_space<vmem>>
          %dma_start3A_333 = arith.constant 0 : i32
          %dma_start3A_334 = tpu.memref_slice %arg8[%dma_start3A_326, %dma_start3A_327, %dma_start3A_333] : memref<4x2x128xi32, #tpu.memory_space<vmem>> -> memref<1x1x128xi32, #tpu.memory_space<vmem>>
          %dma_start3A_335 = tpu.memref_squeeze %dma_start3A_334 : memref<1x1x128xi32, #tpu.memory_space<vmem>> -> memref<128xi32, #tpu.memory_space<vmem>>
          %dma_start3A_336 = arith.constant 0 : i32
          %dma_start3A_337 = arith.constant 0 : i32
          %dma_start3A_338 = tpu.memref_slice %arg3[%dma_start3A_336, %dma_start3A_337] : memref<10000x128xf32, #tpu.memory_space<hbm>> -> memref<10000x128xf32, #tpu.memory_space<hbm>>
          tpu.enqueue_indirect_dma source(%dma_start3A_338 : memref<10000x128xf32, #tpu.memory_space<hbm>>) target(%dma_start3A_332 : memref<128x128xf32, #tpu.memory_space<vmem>>) offsets(%dma_start3A_335 : memref<128xi32, #tpu.memory_space<vmem>>) semaphore(%arg15 : memref<!tpu.dma_semaphore, #tpu.memory_space<semaphore_mem>>)
        } else {
        }
        %dma_wait3A_131 = arith.constant 0 : i32
        %dma_wait3A_132 = arith.constant 0 : i32
        %dma_wait3A_133 = arith.constant 0 : i32
        %dma_wait3A_134 = arith.constant 0 : i32
        %dma_wait3A_135 = arith.constant 0 : i32
        %dma_wait3A_136 = tpu.memref_slice %arg9[%dma_wait3A_133, %dma_wait3A_134, %dma_wait3A_135] : memref<2x128x128xf32, #tpu.memory_space<vmem>> -> memref<1x128x128xf32, #tpu.memory_space<vmem>>
        %dma_wait3A_137 = tpu.memref_squeeze %dma_wait3A_136 : memref<1x128x128xf32, #tpu.memory_space<vmem>> -> memref<128x128xf32, #tpu.memory_space<vmem>>
        %dma_wait3A_138 = arith.constant 0 : i32
        %dma_wait3A_139 = tpu.memref_slice %arg8[%dma_wait3A_131, %dma_wait3A_132, %dma_wait3A_138] : memref<4x2x128xi32, #tpu.memory_space<vmem>> -> memref<1x1x128xi32, #tpu.memory_space<vmem>>
        %dma_wait3A_140 = tpu.memref_squeeze %dma_wait3A_139 : memref<1x1x128xi32, #tpu.memory_space<vmem>> -> memref<128xi32, #tpu.memory_space<vmem>>
        %dma_wait3A_141 = arith.constant 0 : i32
        %dma_wait3A_142 = arith.constant 0 : i32
        %dma_wait3A_143 = tpu.memref_slice %arg3[%dma_wait3A_141, %dma_wait3A_142] : memref<10000x128xf32, #tpu.memory_space<hbm>> -> memref<10000x128xf32, #tpu.memory_space<hbm>>
        tpu.wait_indirect_dma semaphore(%arg14 : memref<!tpu.dma_semaphore, #tpu.memory_space<semaphore_mem>>) src(%dma_wait3A_143 : memref<10000x128xf32, #tpu.memory_space<hbm>>) dst(%dma_wait3A_137 : memref<128x128xf32, #tpu.memory_space<vmem>>)
        %dma_start3A_144 = arith.constant 0 : i32
        %dma_start3A_145 = arith.constant 0 : i32
        %dma_start3A_146 = arith.constant 1 : i32
        %dma_start3A_147 = arith.constant 0 : i32
        %dma_start3A_148 = arith.constant 0 : i32
        %dma_start3A_149 = tpu.memref_slice %arg9[%dma_start3A_144, %dma_start3A_147, %dma_start3A_148] : memref<2x128x128xf32, #tpu.memory_space<vmem>> -> memref<1x128x128xf32, #tpu.memory_space<vmem>>
        %dma_start3A_150 = tpu.memref_squeeze %dma_start3A_149 : memref<1x128x128xf32, #tpu.memory_space<vmem>> -> memref<128x128xf32, #tpu.memory_space<vmem>>
        %dma_start3A_151 = arith.constant 0 : i32
        %dma_start3A_152 = tpu.memref_slice %arg8[%dma_start3A_145, %dma_start3A_146, %dma_start3A_151] : memref<4x2x128xi32, #tpu.memory_space<vmem>> -> memref<1x1x128xi32, #tpu.memory_space<vmem>>
        %dma_start3A_153 = tpu.memref_squeeze %dma_start3A_152 : memref<1x1x128xi32, #tpu.memory_space<vmem>> -> memref<128xi32, #tpu.memory_space<vmem>>
        %dma_start3A_154 = arith.constant 0 : i32
        %dma_start3A_155 = arith.constant 0 : i32
        %dma_start3A_156 = tpu.memref_slice %arg7[%dma_start3A_154, %dma_start3A_155] : memref<10112x128xf32, #tpu.memory_space<vmem_shared>> -> memref<10112x128xf32, #tpu.memory_space<vmem_shared>>
        tpu.enqueue_indirect_dma source(%dma_start3A_150 : memref<128x128xf32, #tpu.memory_space<vmem>>) target(%dma_start3A_156 : memref<10112x128xf32, #tpu.memory_space<vmem_shared>>) offsets(%dma_start3A_153 : memref<128xi32, #tpu.memory_space<vmem>>) semaphore(%arg16 : memref<!tpu.dma_semaphore, #tpu.memory_space<semaphore_mem>>) {add = true}
        %add3A_157 = arith.constant 3 : i32
        %add3A_158 = arith.addi %add3A_120, %add3A_157 : i32
        %lt3A_159 = arith.constant 80 : i32
        %lt3A_160 = arith.cmpi slt, %add3A_158, %lt3A_159 : i32
        %convert_element_type3A_161 = arith.extui %lt3A_160 : i1 to i32
        %cond3A_162 = arith.constant 0 : i32
        %cond3A_163 = arith.cmpi ne, %convert_element_type3A_161, %cond3A_162 : i32
        scf.if %cond3A_163 {
          %add3A_305 = arith.constant 3 : i32
          %add3A_306 = arith.addi %add3A_120, %add3A_305 : i32
          %dma_start3A_307 = arith.constant 3 : i32
          %dma_start3A_308 = arith.constant 0 : i32
          %dma_start3A_309 = arith.constant 0 : i32
          %dma_start3A_310 = tpu.memref_slice %arg8[%dma_start3A_307, %dma_start3A_308, %dma_start3A_309] : memref<4x2x128xi32, #tpu.memory_space<vmem>> -> memref<1x2x128xi32, #tpu.memory_space<vmem>>
          %dma_start3A_311 = tpu.memref_squeeze %dma_start3A_310 : memref<1x2x128xi32, #tpu.memory_space<vmem>> -> memref<2x128xi32, #tpu.memory_space<vmem>>
          %dma_start3A_312 = arith.constant 0 : i32
          %dma_start3A_313 = arith.constant 0 : i32
          %dma_start3A_314 = tpu.memref_slice %arg4[%arg1, %add3A_306, %dma_start3A_312, %dma_start3A_313] : memref<16x80x2x128xi32, #tpu.memory_space<hbm>> -> memref<1x1x2x128xi32, #tpu.memory_space<hbm>>
          %dma_start3A_315 = tpu.memref_squeeze %dma_start3A_314 : memref<1x1x2x128xi32, #tpu.memory_space<hbm>> -> memref<2x128xi32, #tpu.memory_space<hbm>>
          %dma_start3A_316 = arith.constant 0 : i32
          %dma_start3A_317 = arith.constant 0 : i32
          %dma_start3A_318 = tpu.memref_slice %arg8[%dma_start3A_307, %dma_start3A_316, %dma_start3A_317] : memref<4x2x128xi32, #tpu.memory_space<vmem>> -> memref<1x2x128xi32, #tpu.memory_space<vmem>>
          %dma_start3A_319 = tpu.memref_squeeze %dma_start3A_318 : memref<1x2x128xi32, #tpu.memory_space<vmem>> -> memref<2x128xi32, #tpu.memory_space<vmem>>
          %dma_start3A_320 = arith.constant 0 : i32
          %dma_start3A_321 = arith.constant 0 : i32
          %dma_start3A_322 = tpu.memref_slice %arg4[%arg1, %add3A_306, %dma_start3A_320, %dma_start3A_321] : memref<16x80x2x128xi32, #tpu.memory_space<hbm>> -> memref<1x1x2x128xi32, #tpu.memory_space<hbm>>
          %dma_start3A_323 = tpu.memref_squeeze %dma_start3A_322 : memref<1x1x2x128xi32, #tpu.memory_space<hbm>> -> memref<2x128xi32, #tpu.memory_space<hbm>>
          tpu.enqueue_dma source(%dma_start3A_323 : memref<2x128xi32, #tpu.memory_space<hbm>>) target(%dma_start3A_319 : memref<2x128xi32, #tpu.memory_space<vmem>>) target_semaphore(%arg13 : memref<!tpu.dma_semaphore, #tpu.memory_space<semaphore_mem>>)
        } else {
        }
        %add3A_164 = arith.constant 1 : i32
        %add3A_165 = arith.addi %add3A_118, %add3A_164 : i32
        %ge3A_166 = arith.constant 1 : i32
        %ge3A_167 = arith.cmpi sge, %add3A_165, %ge3A_166 : i32
        %convert_element_type3A_168 = arith.extui %ge3A_167 : i1 to i32
        %cond3A_169 = arith.constant 0 : i32
        %cond3A_170 = arith.cmpi ne, %convert_element_type3A_168, %cond3A_169 : i32
        scf.if %cond3A_170 {
          %sub3A = arith.constant 1 : i32
          %sub3A_305 = arith.subi %add3A_165, %sub3A : i32
          %dma_wait3A_306 = arith.constant 0 : i32
          %dma_wait3A_307 = arith.constant 0 : i32
          %dma_wait3A_308 = arith.constant 1 : i32
          %dma_wait3A_309 = arith.constant 0 : i32
          %dma_wait3A_310 = arith.constant 0 : i32
          %dma_wait3A_311 = tpu.memref_slice %arg9[%dma_wait3A_306, %dma_wait3A_309, %dma_wait3A_310] : memref<2x128x128xf32, #tpu.memory_space<vmem>> -> memref<1x128x128xf32, #tpu.memory_space<vmem>>
          %dma_wait3A_312 = tpu.memref_squeeze %dma_wait3A_311 : memref<1x128x128xf32, #tpu.memory_space<vmem>> -> memref<128x128xf32, #tpu.memory_space<vmem>>
          %dma_wait3A_313 = arith.constant 0 : i32
          %dma_wait3A_314 = tpu.memref_slice %arg8[%dma_wait3A_307, %dma_wait3A_308, %dma_wait3A_313] : memref<4x2x128xi32, #tpu.memory_space<vmem>> -> memref<1x1x128xi32, #tpu.memory_space<vmem>>
          %dma_wait3A_315 = tpu.memref_squeeze %dma_wait3A_314 : memref<1x1x128xi32, #tpu.memory_space<vmem>> -> memref<128xi32, #tpu.memory_space<vmem>>
          %dma_wait3A_316 = arith.constant 0 : i32
          %dma_wait3A_317 = arith.constant 0 : i32
          %dma_wait3A_318 = tpu.memref_slice %arg7[%dma_wait3A_316, %dma_wait3A_317] : memref<10112x128xf32, #tpu.memory_space<vmem_shared>> -> memref<10112x128xf32, #tpu.memory_space<vmem_shared>>
          tpu.wait_indirect_dma semaphore(%arg16 : memref<!tpu.dma_semaphore, #tpu.memory_space<semaphore_mem>>) src(%dma_wait3A_312 : memref<128x128xf32, #tpu.memory_space<vmem>>) dst(%dma_wait3A_318 : memref<10112x128xf32, #tpu.memory_space<vmem_shared>>)
        } else {
        }
        %add3A_171 = arith.constant 1 : i32
        %add3A_172 = arith.addi %add3A_165, %add3A_171 : i32
        %lt3A_173 = arith.constant 80 : i32
        %lt3A_174 = arith.cmpi slt, %add3A_172, %lt3A_173 : i32
        %convert_element_type3A_175 = arith.extui %lt3A_174 : i1 to i32
        %cond3A_176 = arith.constant 0 : i32
        %cond3A_177 = arith.cmpi ne, %convert_element_type3A_175, %cond3A_176 : i32
        scf.if %cond3A_177 {
          %add3A_305 = arith.constant 1 : i32
          %add3A_306 = arith.addi %add3A_165, %add3A_305 : i32
          %dma_wait3A_307 = arith.constant 2 : i32
          %dma_wait3A_308 = arith.constant 0 : i32
          %dma_wait3A_309 = arith.constant 0 : i32
          %dma_wait3A_310 = tpu.memref_slice %arg8[%dma_wait3A_307, %dma_wait3A_308, %dma_wait3A_309] : memref<4x2x128xi32, #tpu.memory_space<vmem>> -> memref<1x2x128xi32, #tpu.memory_space<vmem>>
          %dma_wait3A_311 = tpu.memref_squeeze %dma_wait3A_310 : memref<1x2x128xi32, #tpu.memory_space<vmem>> -> memref<2x128xi32, #tpu.memory_space<vmem>>
          %dma_wait3A_312 = arith.constant 0 : i32
          %dma_wait3A_313 = arith.constant 0 : i32
          %dma_wait3A_314 = tpu.memref_slice %arg4[%arg1, %add3A_306, %dma_wait3A_312, %dma_wait3A_313] : memref<16x80x2x128xi32, #tpu.memory_space<hbm>> -> memref<1x1x2x128xi32, #tpu.memory_space<hbm>>
          %dma_wait3A_315 = tpu.memref_squeeze %dma_wait3A_314 : memref<1x1x2x128xi32, #tpu.memory_space<hbm>> -> memref<2x128xi32, #tpu.memory_space<hbm>>
          %dma_wait3A_316 = arith.constant 0 : i32
          %dma_wait3A_317 = arith.constant 0 : i32
          %dma_wait3A_318 = tpu.memref_slice %arg8[%dma_wait3A_307, %dma_wait3A_316, %dma_wait3A_317] : memref<4x2x128xi32, #tpu.memory_space<vmem>> -> memref<1x2x128xi32, #tpu.memory_space<vmem>>
          %dma_wait3A_319 = tpu.memref_squeeze %dma_wait3A_318 : memref<1x2x128xi32, #tpu.memory_space<vmem>> -> memref<2x128xi32, #tpu.memory_space<vmem>>
          %dma_wait3A_320 = arith.constant 0 : i32
          %dma_wait3A_321 = arith.constant 0 : i32
          %dma_wait3A_322 = tpu.memref_slice %arg4[%arg1, %add3A_306, %dma_wait3A_320, %dma_wait3A_321] : memref<16x80x2x128xi32, #tpu.memory_space<hbm>> -> memref<1x1x2x128xi32, #tpu.memory_space<hbm>>
          %dma_wait3A_323 = tpu.memref_squeeze %dma_wait3A_322 : memref<1x1x2x128xi32, #tpu.memory_space<hbm>> -> memref<2x128xi32, #tpu.memory_space<hbm>>
          tpu.wait_dma2 semaphore(%arg12 : memref<!tpu.dma_semaphore, #tpu.memory_space<semaphore_mem>>) src(%dma_wait3A_323 : memref<2x128xi32, #tpu.memory_space<hbm>>) dst(%dma_wait3A_319 : memref<2x128xi32, #tpu.memory_space<vmem>>)
          %add3A_324 = arith.constant 1 : i32
          %add3A_325 = arith.addi %add3A_165, %add3A_324 : i32
          %dma_start3A_326 = arith.constant 2 : i32
          %dma_start3A_327 = arith.constant 0 : i32
          %dma_start3A_328 = arith.constant 0 : i32
          %dma_start3A_329 = arith.constant 0 : i32
          %dma_start3A_330 = arith.constant 0 : i32
          %dma_start3A_331 = tpu.memref_slice %arg9[%dma_start3A_328, %dma_start3A_329, %dma_start3A_330] : memref<2x128x128xf32, #tpu.memory_space<vmem>> -> memref<1x128x128xf32, #tpu.memory_space<vmem>>
          %dma_start3A_332 = tpu.memref_squeeze %dma_start3A_331 : memref<1x128x128xf32, #tpu.memory_space<vmem>> -> memref<128x128xf32, #tpu.memory_space<vmem>>
          %dma_start3A_333 = arith.constant 0 : i32
          %dma_start3A_334 = tpu.memref_slice %arg8[%dma_start3A_326, %dma_start3A_327, %dma_start3A_333] : memref<4x2x128xi32, #tpu.memory_space<vmem>> -> memref<1x1x128xi32, #tpu.memory_space<vmem>>
          %dma_start3A_335 = tpu.memref_squeeze %dma_start3A_334 : memref<1x1x128xi32, #tpu.memory_space<vmem>> -> memref<128xi32, #tpu.memory_space<vmem>>
          %dma_start3A_336 = arith.constant 0 : i32
          %dma_start3A_337 = arith.constant 0 : i32
          %dma_start3A_338 = tpu.memref_slice %arg3[%dma_start3A_336, %dma_start3A_337] : memref<10000x128xf32, #tpu.memory_space<hbm>> -> memref<10000x128xf32, #tpu.memory_space<hbm>>
          tpu.enqueue_indirect_dma source(%dma_start3A_338 : memref<10000x128xf32, #tpu.memory_space<hbm>>) target(%dma_start3A_332 : memref<128x128xf32, #tpu.memory_space<vmem>>) offsets(%dma_start3A_335 : memref<128xi32, #tpu.memory_space<vmem>>) semaphore(%arg14 : memref<!tpu.dma_semaphore, #tpu.memory_space<semaphore_mem>>)
        } else {
        }
        %dma_wait3A_178 = arith.constant 1 : i32
        %dma_wait3A_179 = arith.constant 0 : i32
        %dma_wait3A_180 = arith.constant 1 : i32
        %dma_wait3A_181 = arith.constant 0 : i32
        %dma_wait3A_182 = arith.constant 0 : i32
        %dma_wait3A_183 = tpu.memref_slice %arg9[%dma_wait3A_180, %dma_wait3A_181, %dma_wait3A_182] : memref<2x128x128xf32, #tpu.memory_space<vmem>> -> memref<1x128x128xf32, #tpu.memory_space<vmem>>
        %dma_wait3A_184 = tpu.memref_squeeze %dma_wait3A_183 : memref<1x128x128xf32, #tpu.memory_space<vmem>> -> memref<128x128xf32, #tpu.memory_space<vmem>>
        %dma_wait3A_185 = arith.constant 0 : i32
        %dma_wait3A_186 = tpu.memref_slice %arg8[%dma_wait3A_178, %dma_wait3A_179, %dma_wait3A_185] : memref<4x2x128xi32, #tpu.memory_space<vmem>> -> memref<1x1x128xi32, #tpu.memory_space<vmem>>
        %dma_wait3A_187 = tpu.memref_squeeze %dma_wait3A_186 : memref<1x1x128xi32, #tpu.memory_space<vmem>> -> memref<128xi32, #tpu.memory_space<vmem>>
        %dma_wait3A_188 = arith.constant 0 : i32
        %dma_wait3A_189 = arith.constant 0 : i32
        %dma_wait3A_190 = tpu.memref_slice %arg3[%dma_wait3A_188, %dma_wait3A_189] : memref<10000x128xf32, #tpu.memory_space<hbm>> -> memref<10000x128xf32, #tpu.memory_space<hbm>>
        tpu.wait_indirect_dma semaphore(%arg15 : memref<!tpu.dma_semaphore, #tpu.memory_space<semaphore_mem>>) src(%dma_wait3A_190 : memref<10000x128xf32, #tpu.memory_space<hbm>>) dst(%dma_wait3A_184 : memref<128x128xf32, #tpu.memory_space<vmem>>)
        %dma_start3A_191 = arith.constant 1 : i32
        %dma_start3A_192 = arith.constant 1 : i32
        %dma_start3A_193 = arith.constant 1 : i32
        %dma_start3A_194 = arith.constant 0 : i32
        %dma_start3A_195 = arith.constant 0 : i32
        %dma_start3A_196 = tpu.memref_slice %arg9[%dma_start3A_191, %dma_start3A_194, %dma_start3A_195] : memref<2x128x128xf32, #tpu.memory_space<vmem>> -> memref<1x128x128xf32, #tpu.memory_space<vmem>>
        %dma_start3A_197 = tpu.memref_squeeze %dma_start3A_196 : memref<1x128x128xf32, #tpu.memory_space<vmem>> -> memref<128x128xf32, #tpu.memory_space<vmem>>
        %dma_start3A_198 = arith.constant 0 : i32
        %dma_start3A_199 = tpu.memref_slice %arg8[%dma_start3A_192, %dma_start3A_193, %dma_start3A_198] : memref<4x2x128xi32, #tpu.memory_space<vmem>> -> memref<1x1x128xi32, #tpu.memory_space<vmem>>
        %dma_start3A_200 = tpu.memref_squeeze %dma_start3A_199 : memref<1x1x128xi32, #tpu.memory_space<vmem>> -> memref<128xi32, #tpu.memory_space<vmem>>
        %dma_start3A_201 = arith.constant 0 : i32
        %dma_start3A_202 = arith.constant 0 : i32
        %dma_start3A_203 = tpu.memref_slice %arg7[%dma_start3A_201, %dma_start3A_202] : memref<10112x128xf32, #tpu.memory_space<vmem_shared>> -> memref<10112x128xf32, #tpu.memory_space<vmem_shared>>
        tpu.enqueue_indirect_dma source(%dma_start3A_197 : memref<128x128xf32, #tpu.memory_space<vmem>>) target(%dma_start3A_203 : memref<10112x128xf32, #tpu.memory_space<vmem_shared>>) offsets(%dma_start3A_200 : memref<128xi32, #tpu.memory_space<vmem>>) semaphore(%arg17 : memref<!tpu.dma_semaphore, #tpu.memory_space<semaphore_mem>>) {add = true}
        %add3A_204 = arith.constant 3 : i32
        %add3A_205 = arith.addi %add3A_165, %add3A_204 : i32
        %lt3A_206 = arith.constant 80 : i32
        %lt3A_207 = arith.cmpi slt, %add3A_205, %lt3A_206 : i32
        %convert_element_type3A_208 = arith.extui %lt3A_207 : i1 to i32
        %cond3A_209 = arith.constant 0 : i32
        %cond3A_210 = arith.cmpi ne, %convert_element_type3A_208, %cond3A_209 : i32
        scf.if %cond3A_210 {
          %add3A_305 = arith.constant 3 : i32
          %add3A_306 = arith.addi %add3A_165, %add3A_305 : i32
          %dma_start3A_307 = arith.constant 0 : i32
          %dma_start3A_308 = arith.constant 0 : i32
          %dma_start3A_309 = arith.constant 0 : i32
          %dma_start3A_310 = tpu.memref_slice %arg8[%dma_start3A_307, %dma_start3A_308, %dma_start3A_309] : memref<4x2x128xi32, #tpu.memory_space<vmem>> -> memref<1x2x128xi32, #tpu.memory_space<vmem>>
          %dma_start3A_311 = tpu.memref_squeeze %dma_start3A_310 : memref<1x2x128xi32, #tpu.memory_space<vmem>> -> memref<2x128xi32, #tpu.memory_space<vmem>>
          %dma_start3A_312 = arith.constant 0 : i32
          %dma_start3A_313 = arith.constant 0 : i32
          %dma_start3A_314 = tpu.memref_slice %arg4[%arg1, %add3A_306, %dma_start3A_312, %dma_start3A_313] : memref<16x80x2x128xi32, #tpu.memory_space<hbm>> -> memref<1x1x2x128xi32, #tpu.memory_space<hbm>>
          %dma_start3A_315 = tpu.memref_squeeze %dma_start3A_314 : memref<1x1x2x128xi32, #tpu.memory_space<hbm>> -> memref<2x128xi32, #tpu.memory_space<hbm>>
          %dma_start3A_316 = arith.constant 0 : i32
          %dma_start3A_317 = arith.constant 0 : i32
          %dma_start3A_318 = tpu.memref_slice %arg8[%dma_start3A_307, %dma_start3A_316, %dma_start3A_317] : memref<4x2x128xi32, #tpu.memory_space<vmem>> -> memref<1x2x128xi32, #tpu.memory_space<vmem>>
          %dma_start3A_319 = tpu.memref_squeeze %dma_start3A_318 : memref<1x2x128xi32, #tpu.memory_space<vmem>> -> memref<2x128xi32, #tpu.memory_space<vmem>>
          %dma_start3A_320 = arith.constant 0 : i32
          %dma_start3A_321 = arith.constant 0 : i32
          %dma_start3A_322 = tpu.memref_slice %arg4[%arg1, %add3A_306, %dma_start3A_320, %dma_start3A_321] : memref<16x80x2x128xi32, #tpu.memory_space<hbm>> -> memref<1x1x2x128xi32, #tpu.memory_space<hbm>>
          %dma_start3A_323 = tpu.memref_squeeze %dma_start3A_322 : memref<1x1x2x128xi32, #tpu.memory_space<hbm>> -> memref<2x128xi32, #tpu.memory_space<hbm>>
          tpu.enqueue_dma source(%dma_start3A_323 : memref<2x128xi32, #tpu.memory_space<hbm>>) target(%dma_start3A_319 : memref<2x128xi32, #tpu.memory_space<vmem>>) target_semaphore(%arg10 : memref<!tpu.dma_semaphore, #tpu.memory_space<semaphore_mem>>)
        } else {
        }
        %add3A_211 = arith.constant 2 : i32
        %add3A_212 = arith.addi %add3A_118, %add3A_211 : i32
        %ge3A_213 = arith.constant 1 : i32
        %ge3A_214 = arith.cmpi sge, %add3A_212, %ge3A_213 : i32
        %convert_element_type3A_215 = arith.extui %ge3A_214 : i1 to i32
        %cond3A_216 = arith.constant 0 : i32
        %cond3A_217 = arith.cmpi ne, %convert_element_type3A_215, %cond3A_216 : i32
        scf.if %cond3A_217 {
          %sub3A = arith.constant 1 : i32
          %sub3A_305 = arith.subi %add3A_212, %sub3A : i32
          %dma_wait3A_306 = arith.constant 1 : i32
          %dma_wait3A_307 = arith.constant 1 : i32
          %dma_wait3A_308 = arith.constant 1 : i32
          %dma_wait3A_309 = arith.constant 0 : i32
          %dma_wait3A_310 = arith.constant 0 : i32
          %dma_wait3A_311 = tpu.memref_slice %arg9[%dma_wait3A_306, %dma_wait3A_309, %dma_wait3A_310] : memref<2x128x128xf32, #tpu.memory_space<vmem>> -> memref<1x128x128xf32, #tpu.memory_space<vmem>>
          %dma_wait3A_312 = tpu.memref_squeeze %dma_wait3A_311 : memref<1x128x128xf32, #tpu.memory_space<vmem>> -> memref<128x128xf32, #tpu.memory_space<vmem>>
          %dma_wait3A_313 = arith.constant 0 : i32
          %dma_wait3A_314 = tpu.memref_slice %arg8[%dma_wait3A_307, %dma_wait3A_308, %dma_wait3A_313] : memref<4x2x128xi32, #tpu.memory_space<vmem>> -> memref<1x1x128xi32, #tpu.memory_space<vmem>>
          %dma_wait3A_315 = tpu.memref_squeeze %dma_wait3A_314 : memref<1x1x128xi32, #tpu.memory_space<vmem>> -> memref<128xi32, #tpu.memory_space<vmem>>
          %dma_wait3A_316 = arith.constant 0 : i32
          %dma_wait3A_317 = arith.constant 0 : i32
          %dma_wait3A_318 = tpu.memref_slice %arg7[%dma_wait3A_316, %dma_wait3A_317] : memref<10112x128xf32, #tpu.memory_space<vmem_shared>> -> memref<10112x128xf32, #tpu.memory_space<vmem_shared>>
          tpu.wait_indirect_dma semaphore(%arg17 : memref<!tpu.dma_semaphore, #tpu.memory_space<semaphore_mem>>) src(%dma_wait3A_312 : memref<128x128xf32, #tpu.memory_space<vmem>>) dst(%dma_wait3A_318 : memref<10112x128xf32, #tpu.memory_space<vmem_shared>>)
        } else {
        }
        %add3A_218 = arith.constant 1 : i32
        %add3A_219 = arith.addi %add3A_212, %add3A_218 : i32
        %lt3A_220 = arith.constant 80 : i32
        %lt3A_221 = arith.cmpi slt, %add3A_219, %lt3A_220 : i32
        %convert_element_type3A_222 = arith.extui %lt3A_221 : i1 to i32
        %cond3A_223 = arith.constant 0 : i32
        %cond3A_224 = arith.cmpi ne, %convert_element_type3A_222, %cond3A_223 : i32
        scf.if %cond3A_224 {
          %add3A_305 = arith.constant 1 : i32
          %add3A_306 = arith.addi %add3A_212, %add3A_305 : i32
          %dma_wait3A_307 = arith.constant 3 : i32
          %dma_wait3A_308 = arith.constant 0 : i32
          %dma_wait3A_309 = arith.constant 0 : i32
          %dma_wait3A_310 = tpu.memref_slice %arg8[%dma_wait3A_307, %dma_wait3A_308, %dma_wait3A_309] : memref<4x2x128xi32, #tpu.memory_space<vmem>> -> memref<1x2x128xi32, #tpu.memory_space<vmem>>
          %dma_wait3A_311 = tpu.memref_squeeze %dma_wait3A_310 : memref<1x2x128xi32, #tpu.memory_space<vmem>> -> memref<2x128xi32, #tpu.memory_space<vmem>>
          %dma_wait3A_312 = arith.constant 0 : i32
          %dma_wait3A_313 = arith.constant 0 : i32
          %dma_wait3A_314 = tpu.memref_slice %arg4[%arg1, %add3A_306, %dma_wait3A_312, %dma_wait3A_313] : memref<16x80x2x128xi32, #tpu.memory_space<hbm>> -> memref<1x1x2x128xi32, #tpu.memory_space<hbm>>
          %dma_wait3A_315 = tpu.memref_squeeze %dma_wait3A_314 : memref<1x1x2x128xi32, #tpu.memory_space<hbm>> -> memref<2x128xi32, #tpu.memory_space<hbm>>
          %dma_wait3A_316 = arith.constant 0 : i32
          %dma_wait3A_317 = arith.constant 0 : i32
          %dma_wait3A_318 = tpu.memref_slice %arg8[%dma_wait3A_307, %dma_wait3A_316, %dma_wait3A_317] : memref<4x2x128xi32, #tpu.memory_space<vmem>> -> memref<1x2x128xi32, #tpu.memory_space<vmem>>
          %dma_wait3A_319 = tpu.memref_squeeze %dma_wait3A_318 : memref<1x2x128xi32, #tpu.memory_space<vmem>> -> memref<2x128xi32, #tpu.memory_space<vmem>>
          %dma_wait3A_320 = arith.constant 0 : i32
          %dma_wait3A_321 = arith.constant 0 : i32
          %dma_wait3A_322 = tpu.memref_slice %arg4[%arg1, %add3A_306, %dma_wait3A_320, %dma_wait3A_321] : memref<16x80x2x128xi32, #tpu.memory_space<hbm>> -> memref<1x1x2x128xi32, #tpu.memory_space<hbm>>
          %dma_wait3A_323 = tpu.memref_squeeze %dma_wait3A_322 : memref<1x1x2x128xi32, #tpu.memory_space<hbm>> -> memref<2x128xi32, #tpu.memory_space<hbm>>
          tpu.wait_dma2 semaphore(%arg13 : memref<!tpu.dma_semaphore, #tpu.memory_space<semaphore_mem>>) src(%dma_wait3A_323 : memref<2x128xi32, #tpu.memory_space<hbm>>) dst(%dma_wait3A_319 : memref<2x128xi32, #tpu.memory_space<vmem>>)
          %add3A_324 = arith.constant 1 : i32
          %add3A_325 = arith.addi %add3A_212, %add3A_324 : i32
          %dma_start3A_326 = arith.constant 3 : i32
          %dma_start3A_327 = arith.constant 0 : i32
          %dma_start3A_328 = arith.constant 1 : i32
          %dma_start3A_329 = arith.constant 0 : i32
          %dma_start3A_330 = arith.constant 0 : i32
          %dma_start3A_331 = tpu.memref_slice %arg9[%dma_start3A_328, %dma_start3A_329, %dma_start3A_330] : memref<2x128x128xf32, #tpu.memory_space<vmem>> -> memref<1x128x128xf32, #tpu.memory_space<vmem>>
          %dma_start3A_332 = tpu.memref_squeeze %dma_start3A_331 : memref<1x128x128xf32, #tpu.memory_space<vmem>> -> memref<128x128xf32, #tpu.memory_space<vmem>>
          %dma_start3A_333 = arith.constant 0 : i32
          %dma_start3A_334 = tpu.memref_slice %arg8[%dma_start3A_326, %dma_start3A_327, %dma_start3A_333] : memref<4x2x128xi32, #tpu.memory_space<vmem>> -> memref<1x1x128xi32, #tpu.memory_space<vmem>>
          %dma_start3A_335 = tpu.memref_squeeze %dma_start3A_334 : memref<1x1x128xi32, #tpu.memory_space<vmem>> -> memref<128xi32, #tpu.memory_space<vmem>>
          %dma_start3A_336 = arith.constant 0 : i32
          %dma_start3A_337 = arith.constant 0 : i32
          %dma_start3A_338 = tpu.memref_slice %arg3[%dma_start3A_336, %dma_start3A_337] : memref<10000x128xf32, #tpu.memory_space<hbm>> -> memref<10000x128xf32, #tpu.memory_space<hbm>>
          tpu.enqueue_indirect_dma source(%dma_start3A_338 : memref<10000x128xf32, #tpu.memory_space<hbm>>) target(%dma_start3A_332 : memref<128x128xf32, #tpu.memory_space<vmem>>) offsets(%dma_start3A_335 : memref<128xi32, #tpu.memory_space<vmem>>) semaphore(%arg15 : memref<!tpu.dma_semaphore, #tpu.memory_space<semaphore_mem>>)
        } else {
        }
        %dma_wait3A_225 = arith.constant 2 : i32
        %dma_wait3A_226 = arith.constant 0 : i32
        %dma_wait3A_227 = arith.constant 0 : i32
        %dma_wait3A_228 = arith.constant 0 : i32
        %dma_wait3A_229 = arith.constant 0 : i32
        %dma_wait3A_230 = tpu.memref_slice %arg9[%dma_wait3A_227, %dma_wait3A_228, %dma_wait3A_229] : memref<2x128x128xf32, #tpu.memory_space<vmem>> -> memref<1x128x128xf32, #tpu.memory_space<vmem>>
        %dma_wait3A_231 = tpu.memref_squeeze %dma_wait3A_230 : memref<1x128x128xf32, #tpu.memory_space<vmem>> -> memref<128x128xf32, #tpu.memory_space<vmem>>
        %dma_wait3A_232 = arith.constant 0 : i32
        %dma_wait3A_233 = tpu.memref_slice %arg8[%dma_wait3A_225, %dma_wait3A_226, %dma_wait3A_232] : memref<4x2x128xi32, #tpu.memory_space<vmem>> -> memref<1x1x128xi32, #tpu.memory_space<vmem>>
        %dma_wait3A_234 = tpu.memref_squeeze %dma_wait3A_233 : memref<1x1x128xi32, #tpu.memory_space<vmem>> -> memref<128xi32, #tpu.memory_space<vmem>>
        %dma_wait3A_235 = arith.constant 0 : i32
        %dma_wait3A_236 = arith.constant 0 : i32
        %dma_wait3A_237 = tpu.memref_slice %arg3[%dma_wait3A_235, %dma_wait3A_236] : memref<10000x128xf32, #tpu.memory_space<hbm>> -> memref<10000x128xf32, #tpu.memory_space<hbm>>
        tpu.wait_indirect_dma semaphore(%arg14 : memref<!tpu.dma_semaphore, #tpu.memory_space<semaphore_mem>>) src(%dma_wait3A_237 : memref<10000x128xf32, #tpu.memory_space<hbm>>) dst(%dma_wait3A_231 : memref<128x128xf32, #tpu.memory_space<vmem>>)
        %dma_start3A_238 = arith.constant 0 : i32
        %dma_start3A_239 = arith.constant 2 : i32
        %dma_start3A_240 = arith.constant 1 : i32
        %dma_start3A_241 = arith.constant 0 : i32
        %dma_start3A_242 = arith.constant 0 : i32
        %dma_start3A_243 = tpu.memref_slice %arg9[%dma_start3A_238, %dma_start3A_241, %dma_start3A_242] : memref<2x128x128xf32, #tpu.memory_space<vmem>> -> memref<1x128x128xf32, #tpu.memory_space<vmem>>
        %dma_start3A_244 = tpu.memref_squeeze %dma_start3A_243 : memref<1x128x128xf32, #tpu.memory_space<vmem>> -> memref<128x128xf32, #tpu.memory_space<vmem>>
        %dma_start3A_245 = arith.constant 0 : i32
        %dma_start3A_246 = tpu.memref_slice %arg8[%dma_start3A_239, %dma_start3A_240, %dma_start3A_245] : memref<4x2x128xi32, #tpu.memory_space<vmem>> -> memref<1x1x128xi32, #tpu.memory_space<vmem>>
        %dma_start3A_247 = tpu.memref_squeeze %dma_start3A_246 : memref<1x1x128xi32, #tpu.memory_space<vmem>> -> memref<128xi32, #tpu.memory_space<vmem>>
        %dma_start3A_248 = arith.constant 0 : i32
        %dma_start3A_249 = arith.constant 0 : i32
        %dma_start3A_250 = tpu.memref_slice %arg7[%dma_start3A_248, %dma_start3A_249] : memref<10112x128xf32, #tpu.memory_space<vmem_shared>> -> memref<10112x128xf32, #tpu.memory_space<vmem_shared>>
        tpu.enqueue_indirect_dma source(%dma_start3A_244 : memref<128x128xf32, #tpu.memory_space<vmem>>) target(%dma_start3A_250 : memref<10112x128xf32, #tpu.memory_space<vmem_shared>>) offsets(%dma_start3A_247 : memref<128xi32, #tpu.memory_space<vmem>>) semaphore(%arg16 : memref<!tpu.dma_semaphore, #tpu.memory_space<semaphore_mem>>) {add = true}
        %add3A_251 = arith.constant 3 : i32
        %add3A_252 = arith.addi %add3A_212, %add3A_251 : i32
        %lt3A_253 = arith.constant 80 : i32
        %lt3A_254 = arith.cmpi slt, %add3A_252, %lt3A_253 : i32
        %convert_element_type3A_255 = arith.extui %lt3A_254 : i1 to i32
        %cond3A_256 = arith.constant 0 : i32
        %cond3A_257 = arith.cmpi ne, %convert_element_type3A_255, %cond3A_256 : i32
        scf.if %cond3A_257 {
          %add3A_305 = arith.constant 3 : i32
          %add3A_306 = arith.addi %add3A_212, %add3A_305 : i32
          %dma_start3A_307 = arith.constant 1 : i32
          %dma_start3A_308 = arith.constant 0 : i32
          %dma_start3A_309 = arith.constant 0 : i32
          %dma_start3A_310 = tpu.memref_slice %arg8[%dma_start3A_307, %dma_start3A_308, %dma_start3A_309] : memref<4x2x128xi32, #tpu.memory_space<vmem>> -> memref<1x2x128xi32, #tpu.memory_space<vmem>>
          %dma_start3A_311 = tpu.memref_squeeze %dma_start3A_310 : memref<1x2x128xi32, #tpu.memory_space<vmem>> -> memref<2x128xi32, #tpu.memory_space<vmem>>
          %dma_start3A_312 = arith.constant 0 : i32
          %dma_start3A_313 = arith.constant 0 : i32
          %dma_start3A_314 = tpu.memref_slice %arg4[%arg1, %add3A_306, %dma_start3A_312, %dma_start3A_313] : memref<16x80x2x128xi32, #tpu.memory_space<hbm>> -> memref<1x1x2x128xi32, #tpu.memory_space<hbm>>
          %dma_start3A_315 = tpu.memref_squeeze %dma_start3A_314 : memref<1x1x2x128xi32, #tpu.memory_space<hbm>> -> memref<2x128xi32, #tpu.memory_space<hbm>>
          %dma_start3A_316 = arith.constant 0 : i32
          %dma_start3A_317 = arith.constant 0 : i32
          %dma_start3A_318 = tpu.memref_slice %arg8[%dma_start3A_307, %dma_start3A_316, %dma_start3A_317] : memref<4x2x128xi32, #tpu.memory_space<vmem>> -> memref<1x2x128xi32, #tpu.memory_space<vmem>>
          %dma_start3A_319 = tpu.memref_squeeze %dma_start3A_318 : memref<1x2x128xi32, #tpu.memory_space<vmem>> -> memref<2x128xi32, #tpu.memory_space<vmem>>
          %dma_start3A_320 = arith.constant 0 : i32
          %dma_start3A_321 = arith.constant 0 : i32
          %dma_start3A_322 = tpu.memref_slice %arg4[%arg1, %add3A_306, %dma_start3A_320, %dma_start3A_321] : memref<16x80x2x128xi32, #tpu.memory_space<hbm>> -> memref<1x1x2x128xi32, #tpu.memory_space<hbm>>
          %dma_start3A_323 = tpu.memref_squeeze %dma_start3A_322 : memref<1x1x2x128xi32, #tpu.memory_space<hbm>> -> memref<2x128xi32, #tpu.memory_space<hbm>>
          tpu.enqueue_dma source(%dma_start3A_323 : memref<2x128xi32, #tpu.memory_space<hbm>>) target(%dma_start3A_319 : memref<2x128xi32, #tpu.memory_space<vmem>>) target_semaphore(%arg11 : memref<!tpu.dma_semaphore, #tpu.memory_space<semaphore_mem>>)
        } else {
        }
        %add3A_258 = arith.constant 3 : i32
        %add3A_259 = arith.addi %add3A_118, %add3A_258 : i32
        %ge3A_260 = arith.constant 1 : i32
        %ge3A_261 = arith.cmpi sge, %add3A_259, %ge3A_260 : i32
        %convert_element_type3A_262 = arith.extui %ge3A_261 : i1 to i32
        %cond3A_263 = arith.constant 0 : i32
        %cond3A_264 = arith.cmpi ne, %convert_element_type3A_262, %cond3A_263 : i32
        scf.if %cond3A_264 {
          %sub3A = arith.constant 1 : i32
          %sub3A_305 = arith.subi %add3A_259, %sub3A : i32
          %dma_wait3A_306 = arith.constant 0 : i32
          %dma_wait3A_307 = arith.constant 2 : i32
          %dma_wait3A_308 = arith.constant 1 : i32
          %dma_wait3A_309 = arith.constant 0 : i32
          %dma_wait3A_310 = arith.constant 0 : i32
          %dma_wait3A_311 = tpu.memref_slice %arg9[%dma_wait3A_306, %dma_wait3A_309, %dma_wait3A_310] : memref<2x128x128xf32, #tpu.memory_space<vmem>> -> memref<1x128x128xf32, #tpu.memory_space<vmem>>
          %dma_wait3A_312 = tpu.memref_squeeze %dma_wait3A_311 : memref<1x128x128xf32, #tpu.memory_space<vmem>> -> memref<128x128xf32, #tpu.memory_space<vmem>>
          %dma_wait3A_313 = arith.constant 0 : i32
          %dma_wait3A_314 = tpu.memref_slice %arg8[%dma_wait3A_307, %dma_wait3A_308, %dma_wait3A_313] : memref<4x2x128xi32, #tpu.memory_space<vmem>> -> memref<1x1x128xi32, #tpu.memory_space<vmem>>
          %dma_wait3A_315 = tpu.memref_squeeze %dma_wait3A_314 : memref<1x1x128xi32, #tpu.memory_space<vmem>> -> memref<128xi32, #tpu.memory_space<vmem>>
          %dma_wait3A_316 = arith.constant 0 : i32
          %dma_wait3A_317 = arith.constant 0 : i32
          %dma_wait3A_318 = tpu.memref_slice %arg7[%dma_wait3A_316, %dma_wait3A_317] : memref<10112x128xf32, #tpu.memory_space<vmem_shared>> -> memref<10112x128xf32, #tpu.memory_space<vmem_shared>>
          tpu.wait_indirect_dma semaphore(%arg16 : memref<!tpu.dma_semaphore, #tpu.memory_space<semaphore_mem>>) src(%dma_wait3A_312 : memref<128x128xf32, #tpu.memory_space<vmem>>) dst(%dma_wait3A_318 : memref<10112x128xf32, #tpu.memory_space<vmem_shared>>)
        } else {
        }
        %add3A_265 = arith.constant 1 : i32
        %add3A_266 = arith.addi %add3A_259, %add3A_265 : i32
        %lt3A_267 = arith.constant 80 : i32
        %lt3A_268 = arith.cmpi slt, %add3A_266, %lt3A_267 : i32
        %convert_element_type3A_269 = arith.extui %lt3A_268 : i1 to i32
        %cond3A_270 = arith.constant 0 : i32
        %cond3A_271 = arith.cmpi ne, %convert_element_type3A_269, %cond3A_270 : i32
        scf.if %cond3A_271 {
          %add3A_305 = arith.constant 1 : i32
          %add3A_306 = arith.addi %add3A_259, %add3A_305 : i32
          %dma_wait3A_307 = arith.constant 0 : i32
          %dma_wait3A_308 = arith.constant 0 : i32
          %dma_wait3A_309 = arith.constant 0 : i32
          %dma_wait3A_310 = tpu.memref_slice %arg8[%dma_wait3A_307, %dma_wait3A_308, %dma_wait3A_309] : memref<4x2x128xi32, #tpu.memory_space<vmem>> -> memref<1x2x128xi32, #tpu.memory_space<vmem>>
          %dma_wait3A_311 = tpu.memref_squeeze %dma_wait3A_310 : memref<1x2x128xi32, #tpu.memory_space<vmem>> -> memref<2x128xi32, #tpu.memory_space<vmem>>
          %dma_wait3A_312 = arith.constant 0 : i32
          %dma_wait3A_313 = arith.constant 0 : i32
          %dma_wait3A_314 = tpu.memref_slice %arg4[%arg1, %add3A_306, %dma_wait3A_312, %dma_wait3A_313] : memref<16x80x2x128xi32, #tpu.memory_space<hbm>> -> memref<1x1x2x128xi32, #tpu.memory_space<hbm>>
          %dma_wait3A_315 = tpu.memref_squeeze %dma_wait3A_314 : memref<1x1x2x128xi32, #tpu.memory_space<hbm>> -> memref<2x128xi32, #tpu.memory_space<hbm>>
          %dma_wait3A_316 = arith.constant 0 : i32
          %dma_wait3A_317 = arith.constant 0 : i32
          %dma_wait3A_318 = tpu.memref_slice %arg8[%dma_wait3A_307, %dma_wait3A_316, %dma_wait3A_317] : memref<4x2x128xi32, #tpu.memory_space<vmem>> -> memref<1x2x128xi32, #tpu.memory_space<vmem>>
          %dma_wait3A_319 = tpu.memref_squeeze %dma_wait3A_318 : memref<1x2x128xi32, #tpu.memory_space<vmem>> -> memref<2x128xi32, #tpu.memory_space<vmem>>
          %dma_wait3A_320 = arith.constant 0 : i32
          %dma_wait3A_321 = arith.constant 0 : i32
          %dma_wait3A_322 = tpu.memref_slice %arg4[%arg1, %add3A_306, %dma_wait3A_320, %dma_wait3A_321] : memref<16x80x2x128xi32, #tpu.memory_space<hbm>> -> memref<1x1x2x128xi32, #tpu.memory_space<hbm>>
          %dma_wait3A_323 = tpu.memref_squeeze %dma_wait3A_322 : memref<1x1x2x128xi32, #tpu.memory_space<hbm>> -> memref<2x128xi32, #tpu.memory_space<hbm>>
          tpu.wait_dma2 semaphore(%arg10 : memref<!tpu.dma_semaphore, #tpu.memory_space<semaphore_mem>>) src(%dma_wait3A_323 : memref<2x128xi32, #tpu.memory_space<hbm>>) dst(%dma_wait3A_319 : memref<2x128xi32, #tpu.memory_space<vmem>>)
          %add3A_324 = arith.constant 1 : i32
          %add3A_325 = arith.addi %add3A_259, %add3A_324 : i32
          %dma_start3A_326 = arith.constant 0 : i32
          %dma_start3A_327 = arith.constant 0 : i32
          %dma_start3A_328 = arith.constant 0 : i32
          %dma_start3A_329 = arith.constant 0 : i32
          %dma_start3A_330 = arith.constant 0 : i32
          %dma_start3A_331 = tpu.memref_slice %arg9[%dma_start3A_328, %dma_start3A_329, %dma_start3A_330] : memref<2x128x128xf32, #tpu.memory_space<vmem>> -> memref<1x128x128xf32, #tpu.memory_space<vmem>>
          %dma_start3A_332 = tpu.memref_squeeze %dma_start3A_331 : memref<1x128x128xf32, #tpu.memory_space<vmem>> -> memref<128x128xf32, #tpu.memory_space<vmem>>
          %dma_start3A_333 = arith.constant 0 : i32
          %dma_start3A_334 = tpu.memref_slice %arg8[%dma_start3A_326, %dma_start3A_327, %dma_start3A_333] : memref<4x2x128xi32, #tpu.memory_space<vmem>> -> memref<1x1x128xi32, #tpu.memory_space<vmem>>
          %dma_start3A_335 = tpu.memref_squeeze %dma_start3A_334 : memref<1x1x128xi32, #tpu.memory_space<vmem>> -> memref<128xi32, #tpu.memory_space<vmem>>
          %dma_start3A_336 = arith.constant 0 : i32
          %dma_start3A_337 = arith.constant 0 : i32
          %dma_start3A_338 = tpu.memref_slice %arg3[%dma_start3A_336, %dma_start3A_337] : memref<10000x128xf32, #tpu.memory_space<hbm>> -> memref<10000x128xf32, #tpu.memory_space<hbm>>
          tpu.enqueue_indirect_dma source(%dma_start3A_338 : memref<10000x128xf32, #tpu.memory_space<hbm>>) target(%dma_start3A_332 : memref<128x128xf32, #tpu.memory_space<vmem>>) offsets(%dma_start3A_335 : memref<128xi32, #tpu.memory_space<vmem>>) semaphore(%arg14 : memref<!tpu.dma_semaphore, #tpu.memory_space<semaphore_mem>>)
        } else {
        }
        %dma_wait3A_272 = arith.constant 3 : i32
        %dma_wait3A_273 = arith.constant 0 : i32
        %dma_wait3A_274 = arith.constant 1 : i32
        %dma_wait3A_275 = arith.constant 0 : i32
        %dma_wait3A_276 = arith.constant 0 : i32
        %dma_wait3A_277 = tpu.memref_slice %arg9[%dma_wait3A_274, %dma_wait3A_275, %dma_wait3A_276] : memref<2x128x128xf32, #tpu.memory_space<vmem>> -> memref<1x128x128xf32, #tpu.memory_space<vmem>>
        %dma_wait3A_278 = tpu.memref_squeeze %dma_wait3A_277 : memref<1x128x128xf32, #tpu.memory_space<vmem>> -> memref<128x128xf32, #tpu.memory_space<vmem>>
        %dma_wait3A_279 = arith.constant 0 : i32
        %dma_wait3A_280 = tpu.memref_slice %arg8[%dma_wait3A_272, %dma_wait3A_273, %dma_wait3A_279] : memref<4x2x128xi32, #tpu.memory_space<vmem>> -> memref<1x1x128xi32, #tpu.memory_space<vmem>>
        %dma_wait3A_281 = tpu.memref_squeeze %dma_wait3A_280 : memref<1x1x128xi32, #tpu.memory_space<vmem>> -> memref<128xi32, #tpu.memory_space<vmem>>
        %dma_wait3A_282 = arith.constant 0 : i32
        %dma_wait3A_283 = arith.constant 0 : i32
        %dma_wait3A_284 = tpu.memref_slice %arg3[%dma_wait3A_282, %dma_wait3A_283] : memref<10000x128xf32, #tpu.memory_space<hbm>> -> memref<10000x128xf32, #tpu.memory_space<hbm>>
        tpu.wait_indirect_dma semaphore(%arg15 : memref<!tpu.dma_semaphore, #tpu.memory_space<semaphore_mem>>) src(%dma_wait3A_284 : memref<10000x128xf32, #tpu.memory_space<hbm>>) dst(%dma_wait3A_278 : memref<128x128xf32, #tpu.memory_space<vmem>>)
        %dma_start3A_285 = arith.constant 1 : i32
        %dma_start3A_286 = arith.constant 3 : i32
        %dma_start3A_287 = arith.constant 1 : i32
        %dma_start3A_288 = arith.constant 0 : i32
        %dma_start3A_289 = arith.constant 0 : i32
        %dma_start3A_290 = tpu.memref_slice %arg9[%dma_start3A_285, %dma_start3A_288, %dma_start3A_289] : memref<2x128x128xf32, #tpu.memory_space<vmem>> -> memref<1x128x128xf32, #tpu.memory_space<vmem>>
        %dma_start3A_291 = tpu.memref_squeeze %dma_start3A_290 : memref<1x128x128xf32, #tpu.memory_space<vmem>> -> memref<128x128xf32, #tpu.memory_space<vmem>>
        %dma_start3A_292 = arith.constant 0 : i32
        %dma_start3A_293 = tpu.memref_slice %arg8[%dma_start3A_286, %dma_start3A_287, %dma_start3A_292] : memref<4x2x128xi32, #tpu.memory_space<vmem>> -> memref<1x1x128xi32, #tpu.memory_space<vmem>>
        %dma_start3A_294 = tpu.memref_squeeze %dma_start3A_293 : memref<1x1x128xi32, #tpu.memory_space<vmem>> -> memref<128xi32, #tpu.memory_space<vmem>>
        %dma_start3A_295 = arith.constant 0 : i32
        %dma_start3A_296 = arith.constant 0 : i32
        %dma_start3A_297 = tpu.memref_slice %arg7[%dma_start3A_295, %dma_start3A_296] : memref<10112x128xf32, #tpu.memory_space<vmem_shared>> -> memref<10112x128xf32, #tpu.memory_space<vmem_shared>>
        tpu.enqueue_indirect_dma source(%dma_start3A_291 : memref<128x128xf32, #tpu.memory_space<vmem>>) target(%dma_start3A_297 : memref<10112x128xf32, #tpu.memory_space<vmem_shared>>) offsets(%dma_start3A_294 : memref<128xi32, #tpu.memory_space<vmem>>) semaphore(%arg17 : memref<!tpu.dma_semaphore, #tpu.memory_space<semaphore_mem>>) {add = true}
        %add3A_298 = arith.constant 3 : i32
        %add3A_299 = arith.addi %add3A_259, %add3A_298 : i32
        %lt3A_300 = arith.constant 80 : i32
        %lt3A_301 = arith.cmpi slt, %add3A_299, %lt3A_300 : i32
        %convert_element_type3A_302 = arith.extui %lt3A_301 : i1 to i32
        %cond3A_303 = arith.constant 0 : i32
        %cond3A_304 = arith.cmpi ne, %convert_element_type3A_302, %cond3A_303 : i32
        scf.if %cond3A_304 {
          %add3A_305 = arith.constant 3 : i32
          %add3A_306 = arith.addi %add3A_259, %add3A_305 : i32
          %dma_start3A_307 = arith.constant 2 : i32
          %dma_start3A_308 = arith.constant 0 : i32
          %dma_start3A_309 = arith.constant 0 : i32
          %dma_start3A_310 = tpu.memref_slice %arg8[%dma_start3A_307, %dma_start3A_308, %dma_start3A_309] : memref<4x2x128xi32, #tpu.memory_space<vmem>> -> memref<1x2x128xi32, #tpu.memory_space<vmem>>
          %dma_start3A_311 = tpu.memref_squeeze %dma_start3A_310 : memref<1x2x128xi32, #tpu.memory_space<vmem>> -> memref<2x128xi32, #tpu.memory_space<vmem>>
          %dma_start3A_312 = arith.constant 0 : i32
          %dma_start3A_313 = arith.constant 0 : i32
          %dma_start3A_314 = tpu.memref_slice %arg4[%arg1, %add3A_306, %dma_start3A_312, %dma_start3A_313] : memref<16x80x2x128xi32, #tpu.memory_space<hbm>> -> memref<1x1x2x128xi32, #tpu.memory_space<hbm>>
          %dma_start3A_315 = tpu.memref_squeeze %dma_start3A_314 : memref<1x1x2x128xi32, #tpu.memory_space<hbm>> -> memref<2x128xi32, #tpu.memory_space<hbm>>
          %dma_start3A_316 = arith.constant 0 : i32
          %dma_start3A_317 = arith.constant 0 : i32
          %dma_start3A_318 = tpu.memref_slice %arg8[%dma_start3A_307, %dma_start3A_316, %dma_start3A_317] : memref<4x2x128xi32, #tpu.memory_space<vmem>> -> memref<1x2x128xi32, #tpu.memory_space<vmem>>
          %dma_start3A_319 = tpu.memref_squeeze %dma_start3A_318 : memref<1x2x128xi32, #tpu.memory_space<vmem>> -> memref<2x128xi32, #tpu.memory_space<vmem>>
          %dma_start3A_320 = arith.constant 0 : i32
          %dma_start3A_321 = arith.constant 0 : i32
          %dma_start3A_322 = tpu.memref_slice %arg4[%arg1, %add3A_306, %dma_start3A_320, %dma_start3A_321] : memref<16x80x2x128xi32, #tpu.memory_space<hbm>> -> memref<1x1x2x128xi32, #tpu.memory_space<hbm>>
          %dma_start3A_323 = tpu.memref_squeeze %dma_start3A_322 : memref<1x1x2x128xi32, #tpu.memory_space<hbm>> -> memref<2x128xi32, #tpu.memory_space<hbm>>
          tpu.enqueue_dma source(%dma_start3A_323 : memref<2x128xi32, #tpu.memory_space<hbm>>) target(%dma_start3A_319 : memref<2x128xi32, #tpu.memory_space<vmem>>) target_semaphore(%arg12 : memref<!tpu.dma_semaphore, #tpu.memory_space<semaphore_mem>>)
        } else {
        }
      }
      %scan3A_101 = arith.constant 20 : i32
      %dma_wait3A_102 = arith.constant 1 : i32
      %dma_wait3A_103 = arith.constant 3 : i32
      %dma_wait3A_104 = arith.constant 1 : i32
      %dma_wait3A_105 = arith.constant 0 : i32
      %dma_wait3A_106 = arith.constant 0 : i32
      %dma_wait3A_107 = tpu.memref_slice %arg9[%dma_wait3A_102, %dma_wait3A_105, %dma_wait3A_106] : memref<2x128x128xf32, #tpu.memory_space<vmem>> -> memref<1x128x128xf32, #tpu.memory_space<vmem>>
      %dma_wait3A_108 = tpu.memref_squeeze %dma_wait3A_107 : memref<1x128x128xf32, #tpu.memory_space<vmem>> -> memref<128x128xf32, #tpu.memory_space<vmem>>
      %dma_wait3A_109 = arith.constant 0 : i32
      %dma_wait3A_110 = tpu.memref_slice %arg8[%dma_wait3A_103, %dma_wait3A_104, %dma_wait3A_109] : memref<4x2x128xi32, #tpu.memory_space<vmem>> -> memref<1x1x128xi32, #tpu.memory_space<vmem>>
      %dma_wait3A_111 = tpu.memref_squeeze %dma_wait3A_110 : memref<1x1x128xi32, #tpu.memory_space<vmem>> -> memref<128xi32, #tpu.memory_space<vmem>>
      %dma_wait3A_112 = arith.constant 0 : i32
      %dma_wait3A_113 = arith.constant 0 : i32
      %dma_wait3A_114 = tpu.memref_slice %arg7[%dma_wait3A_112, %dma_wait3A_113] : memref<10112x128xf32, #tpu.memory_space<vmem_shared>> -> memref<10112x128xf32, #tpu.memory_space<vmem_shared>>
      tpu.wait_indirect_dma semaphore(%arg17 : memref<!tpu.dma_semaphore, #tpu.memory_space<semaphore_mem>>) src(%dma_wait3A_108 : memref<128x128xf32, #tpu.memory_space<vmem>>) dst(%dma_wait3A_114 : memref<10112x128xf32, #tpu.memory_space<vmem_shared>>)
    } else {
    }
    %barrier3A_10 = arith.constant 0 : index
    tpu.barrier barrier_id(%barrier3A_10)
    %mul3A_11 = arith.constant 632 : i32
    %mul3A_12 = arith.muli %arg1, %mul3A_11 : i32
    %mul3A_13 = arith.constant 632 : i32
    %mul3A_14 = arith.muli %arg1, %mul3A_13 : i32
    "tpu.region"() ({
      %run_scoped3A = tpu.sem_alloc : memref<!tpu.dma_semaphore, #tpu.memory_space<semaphore_mem>>
      %dma_start3A = arith.constant 0 : i32
      %dma_start3A_15 = tpu.memref_slice %arg6[%arg0, %mul3A_14, %dma_start3A] : memref<2x10112x128xf32, #tpu.memory_space<hbm>> -> memref<1x632x128xf32, #tpu.memory_space<hbm>>
      %dma_start3A_16 = tpu.memref_squeeze %dma_start3A_15 : memref<1x632x128xf32, #tpu.memory_space<hbm>> -> memref<632x128xf32, #tpu.memory_space<hbm>>
      %dma_start3A_17 = arith.constant 0 : i32
      %dma_start3A_18 = tpu.memref_slice %arg7[%mul3A_12, %dma_start3A_17] : memref<10112x128xf32, #tpu.memory_space<vmem_shared>> -> memref<632x128xf32, #tpu.memory_space<vmem_shared>>
      tpu.enqueue_dma source(%dma_start3A_18 : memref<632x128xf32, #tpu.memory_space<vmem_shared>>) target(%dma_start3A_16 : memref<632x128xf32, #tpu.memory_space<hbm>>) target_semaphore(%run_scoped3A : memref<!tpu.dma_semaphore, #tpu.memory_space<semaphore_mem>>)
      %dma_wait3A = arith.constant 0 : i32
      %dma_wait3A_19 = tpu.memref_slice %arg6[%arg0, %mul3A_14, %dma_wait3A] : memref<2x10112x128xf32, #tpu.memory_space<hbm>> -> memref<1x632x128xf32, #tpu.memory_space<hbm>>
      %dma_wait3A_20 = tpu.memref_squeeze %dma_wait3A_19 : memref<1x632x128xf32, #tpu.memory_space<hbm>> -> memref<632x128xf32, #tpu.memory_space<hbm>>
      %dma_wait3A_21 = arith.constant 0 : i32
      %dma_wait3A_22 = tpu.memref_slice %arg7[%mul3A_12, %dma_wait3A_21] : memref<10112x128xf32, #tpu.memory_space<vmem_shared>> -> memref<632x128xf32, #tpu.memory_space<vmem_shared>>
      tpu.wait_dma2 semaphore(%run_scoped3A : memref<!tpu.dma_semaphore, #tpu.memory_space<semaphore_mem>>) src(%dma_wait3A_22 : memref<632x128xf32, #tpu.memory_space<vmem_shared>>) dst(%dma_wait3A_20 : memref<632x128xf32, #tpu.memory_space<hbm>>)
      tpu.yield
    }) : () -> ()
    return
  }
}

module attributes {stable_mosaic.version = 14 : i64} {
  func.func @body(%arg0: i32, %arg1: memref<1000x256xf32, #tpu.memory_space<vmem>>, %arg2: memref<256x256xf32, #tpu.memory_space<vmem>>, %arg3: memref<1000x256xf32, #tpu.memory_space<vmem>>) attributes {dimension_semantics = [#tpu.dimension_semantics<arbitrary>], iteration_bounds = array<i64: 10>, scalar_prefetch = 0 : i64, scratch_operands = 0 : i64, tpu.core_type = #tpu.core_type<tc>, window_params = [{transform_indices = @transform_0, window_bounds = array<i64: 1000, 256>}, {pipeline_mode = #tpu.pipeline_mode<synchronous>, transform_indices = @transform_1, window_bounds = array<i64: 256, 256>}, {transform_indices = @transform_2, window_bounds = array<i64: 1000, 256>}]} {
    %get3A = arith.constant 0 : index
    %get3A_0 = arith.constant 0 : index
    %get3A_1 = vector.load %arg1[%get3A, %get3A_0] : memref<1000x256xf32, #tpu.memory_space<vmem>>, vector<1000x256xf32>
    %get3A_2 = arith.constant 0 : index
    %get3A_3 = arith.constant 0 : index
    %get3A_4 = vector.load %arg2[%get3A_2, %get3A_3] : memref<256x256xf32, #tpu.memory_space<vmem>>, vector<256x256xf32>
    %dot_general3A = arith.constant dense<0.000000e+00> : vector<1000x256xf32>
    %dot_general3A_5 = tpu.matmul %get3A_1, %get3A_4, %dot_general3A {dimension_numbers = #tpu.dot_dimension_numbers<[1], [0], [0], [1], [0, 0, 1, 1], [], []>, transpose_lhs_hint = false} : vector<1000x256xf32>, vector<256x256xf32>, vector<1000x256xf32> -> vector<1000x256xf32>
    %swap3A = arith.constant 0 : index
    %swap3A_6 = arith.constant 0 : index
    %swap3A_7 = vector.load %arg3[%swap3A, %swap3A_6] : memref<1000x256xf32, #tpu.memory_space<vmem>>, vector<1000x256xf32>
    tpu.vector_store %arg3[%swap3A, %swap3A_6], %dot_general3A_5 {strides = array<i32>} : memref<1000x256xf32, #tpu.memory_space<vmem>>, vector<1000x256xf32>,
    return
  }
  func.func @transform_0(%arg0: i32) -> (i32, i32) {
    %c0_i32 = arith.constant 0 : i32
    %c0_i32_0 = arith.constant 0 : i32
    return %arg0, %c0_i32 : i32, i32
  }
  func.func @transform_1(%arg0: i32) -> (i32, i32) {
    %c0_i32 = arith.constant 0 : i32
    %c0_i32_0 = arith.constant 0 : i32
    %c0_i32_1 = arith.constant 0 : i32
    return %c0_i32, %c0_i32_0 : i32, i32
  }
  func.func @transform_2(%arg0: i32) -> (i32, i32) {
    %c0_i32 = arith.constant 0 : i32
    %c0_i32_0 = arith.constant 0 : i32
    return %arg0, %c0_i32 : i32, i32
  }
}

module attributes {stable_mosaic.version = 14 : i64} {
  func.func @body(%arg0: i32, %arg1: memref<1000x256xf32, #tpu.memory_space<vmem>>, %arg2: memref<2x1000x128xf32, #tpu.memory_space<vmem>>, %arg3: memref<1000x1xf32, #tpu.memory_space<vmem>>, %arg4: memref<1000x128xf32, #tpu.memory_space<vmem>>, %arg5: memref<1000x128xf32, #tpu.memory_space<vmem>>) attributes {dimension_semantics = [#tpu.dimension_semantics<arbitrary>], iteration_bounds = array<i64: 10>, scalar_prefetch = 0 : i64, scratch_operands = 0 : i64, tpu.core_type = #tpu.core_type<tc>, window_params = [{transform_indices = @transform_0, window_bounds = array<i64: 1000, 256>}, {transform_indices = @transform_1, window_bounds = array<i64: 2, 1000, 128>}, {transform_indices = @transform_2, window_bounds = array<i64: 1000, 1>}, {transform_indices = @transform_3, window_bounds = array<i64: 1000, 128>}, {transform_indices = @transform_4, window_bounds = array<i64: 1000, 128>}]} {
    %get3A = arith.constant 0 : index
    %get3A_0 = arith.constant 0 : index
    %get3A_1 = arith.constant 0 : index
    %get3A_2 = vector.load %arg2[%get3A, %get3A_0, %get3A_1] : memref<2x1000x128xf32, #tpu.memory_space<vmem>>, vector<1x1000x1xf32>
    %get3A_3 = vector.shape_cast %get3A_2 : vector<1x1000x1xf32> to vector<1000x1xf32>
    %add3A = arith.constant 1.000000e+00 : f32
    %add3A_4 = vector.broadcast %add3A : f32 to vector<1000x1xf32>
    %add3A_5 = arith.addf %add3A_4, %get3A_3 : vector<1000x1xf32>
    %get3A_6 = arith.constant 1 : index
    %get3A_7 = arith.constant 0 : index
    %get3A_8 = arith.constant 0 : index
    %get3A_9 = vector.load %arg2[%get3A_6, %get3A_7, %get3A_8] : memref<2x1000x128xf32, #tpu.memory_space<vmem>>, vector<1x1000x1xf32>
    %get3A_10 = vector.shape_cast %get3A_9 : vector<1x1000x1xf32> to vector<1000x1xf32>
    %add3A_11 = arith.addf %add3A_5, %get3A_10 : vector<1000x1xf32>
    %rsqrt3A = math.rsqrt %add3A_11 : vector<1000x1xf32>
    %swap3A = arith.constant 0 : index
    %swap3A_12 = arith.constant 0 : index
    %swap3A_13 = vector.load %arg3[%swap3A, %swap3A_12] : memref<1000x1xf32, #tpu.memory_space<vmem>>, vector<1000x1xf32>
    tpu.vector_store %arg3[%swap3A, %swap3A_12], %rsqrt3A {strides = array<i32>} : memref<1000x1xf32, #tpu.memory_space<vmem>>, vector<1000x1xf32>,
    %get3A_14 = arith.constant 0 : index
    %get3A_15 = arith.constant 0 : index
    %get3A_16 = vector.load %arg1[%get3A_14, %get3A_15] : memref<1000x256xf32, #tpu.memory_space<vmem>>, vector<1000x256xf32>
    %mul3A = vector.broadcast %rsqrt3A : vector<1000x1xf32> to vector<1000x256xf32>
    %mul3A_17 = arith.mulf %get3A_16, %mul3A : vector<1000x256xf32>
    %slice3A = vector.extract_strided_slice %mul3A_17 {offsets = [0, 0], sizes = [1000, 128], strides = [1, 1]} : vector<1000x256xf32> to vector<1000x128xf32>
    %swap3A_18 = arith.constant 0 : index
    %swap3A_19 = arith.constant 0 : index
    %swap3A_20 = vector.load %arg4[%swap3A_18, %swap3A_19] : memref<1000x128xf32, #tpu.memory_space<vmem>>, vector<1000x128xf32>
    tpu.vector_store %arg4[%swap3A_18, %swap3A_19], %slice3A {strides = array<i32>} : memref<1000x128xf32, #tpu.memory_space<vmem>>, vector<1000x128xf32>,
    %slice3A_21 = vector.extract_strided_slice %mul3A_17 {offsets = [0, 128], sizes = [1000, 128], strides = [1, 1]} : vector<1000x256xf32> to vector<1000x128xf32>
    %swap3A_22 = arith.constant 0 : index
    %swap3A_23 = arith.constant 0 : index
    %swap3A_24 = vector.load %arg5[%swap3A_22, %swap3A_23] : memref<1000x128xf32, #tpu.memory_space<vmem>>, vector<1000x128xf32>
    tpu.vector_store %arg5[%swap3A_22, %swap3A_23], %slice3A_21 {strides = array<i32>} : memref<1000x128xf32, #tpu.memory_space<vmem>>, vector<1000x128xf32>,
    return
  }
  func.func @transform_0(%arg0: i32) -> (i32, i32) {
    %c0_i32 = arith.constant 0 : i32
    %c0_i32_0 = arith.constant 0 : i32
    return %arg0, %c0_i32 : i32, i32
  }
  func.func @transform_1(%arg0: i32) -> (i32, i32, i32) {
    %c0_i32 = arith.constant 0 : i32
    %c0_i32_0 = arith.constant 0 : i32
    %c0_i32_1 = arith.constant 0 : i32
    return %c0_i32, %arg0, %c0_i32_0 : i32, i32, i32
  }
  func.func @transform_2(%arg0: i32) -> (i32, i32) {
    %c0_i32 = arith.constant 0 : i32
    %c0_i32_0 = arith.constant 0 : i32
    return %arg0, %c0_i32 : i32, i32
  }
  func.func @transform_3(%arg0: i32) -> (i32, i32) {
    %c0_i32 = arith.constant 0 : i32
    %c0_i32_0 = arith.constant 0 : i32
    return %arg0, %c0_i32 : i32, i32
  }
  func.func @transform_4(%arg0: i32) -> (i32, i32) {
    %c0_i32 = arith.constant 0 : i32
    %c0_i32_0 = arith.constant 0 : i32
    return %arg0, %c0_i32 : i32, i32
  }
}

module attributes {stable_mosaic.version = 14 : i64} {
  func.func @body(%arg0: i32, %arg1: memref<2x1000x128xf32, #tpu.memory_space<vmem>>, %arg2: memref<1000x128xf32, #tpu.memory_space<vmem>>, %arg3: memref<1000x128xf32, #tpu.memory_space<vmem>>, %arg4: memref<1000x1xf32, #tpu.memory_space<vmem>>, %arg5: memref<1x256xf32, #tpu.memory_space<vmem>>, %arg6: memref<256x256xf32, #tpu.memory_space<vmem>>, %arg7: memref<1x1x1000xi32, #tpu.memory_space<vmem>>, %arg8: memref<128x256xf32, #tpu.memory_space<vmem>>, %arg9: memref<1000x128xf32, #tpu.memory_space<vmem>>, %arg10: memref<1000x128xf32, #tpu.memory_space<vmem>>, %arg11: memref<128x256xf32, #tpu.memory_space<vmem>>) attributes {dimension_semantics = [#tpu.dimension_semantics<arbitrary>], iteration_bounds = array<i64: 10>, scalar_prefetch = 0 : i64, scratch_operands = 1 : i64, tpu.core_type = #tpu.core_type<tc>, window_params = [{transform_indices = @transform_0, window_bounds = array<i64: 2, 1000, 128>}, {transform_indices = @transform_1, window_bounds = array<i64: 1000, 128>}, {transform_indices = @transform_2, window_bounds = array<i64: 1000, 128>}, {transform_indices = @transform_3, window_bounds = array<i64: 1000, 1>}, {pipeline_mode = #tpu.pipeline_mode<synchronous>, transform_indices = @transform_4, window_bounds = array<i64: 1, 256>}, {pipeline_mode = #tpu.pipeline_mode<synchronous>, transform_indices = @transform_5, window_bounds = array<i64: 256, 256>}, {transform_indices = @transform_6, window_bounds = array<i64: 1, 1, 1000>}, {pipeline_mode = #tpu.pipeline_mode<synchronous>, transform_indices = @transform_7, window_bounds = array<i64: 128, 256>}, {transform_indices = @transform_8, window_bounds = array<i64: 1000, 128>}, {transform_indices = @transform_9, window_bounds = array<i64: 1000, 128>}]} {
    %eq3A = arith.constant 0 : i32
    %eq3A_0 = arith.cmpi eq, %arg0, %eq3A : i32
    %convert_element_type3A = arith.extui %eq3A_0 : i1 to i32
    %cond3A = arith.constant 0 : i32
    %cond3A_1 = arith.cmpi ne, %convert_element_type3A, %cond3A : i32
    scf.if %cond3A_1 {
      %broadcast_in_dim3A = arith.constant 0.000000e+00 : f32
      %broadcast_in_dim3A_71 = vector.broadcast %broadcast_in_dim3A : f32 to vector<128x256xf32>
      %swap3A_72 = arith.constant 0 : index
      %swap3A_73 = arith.constant 0 : index
      %swap3A_74 = vector.load %arg11[%swap3A_72, %swap3A_73] : memref<128x256xf32, #tpu.memory_space<vmem>>, vector<128x256xf32>
      tpu.vector_store %arg11[%swap3A_72, %swap3A_73], %broadcast_in_dim3A_71 {strides = array<i32>} : memref<128x256xf32, #tpu.memory_space<vmem>>, vector<128x256xf32>,
    } else {
    }
    %get3A = arith.constant 0 : index
    %get3A_2 = arith.constant 0 : index
    %get3A_3 = vector.load %arg4[%get3A, %get3A_2] : memref<1000x1xf32, #tpu.memory_space<vmem>>, vector<1000x1xf32>
    %get3A_4 = arith.constant 0 : index
    %get3A_5 = arith.constant 0 : index
    %get3A_6 = arith.constant 0 : index
    %get3A_7 = vector.load %arg1[%get3A_4, %get3A_5, %get3A_6] : memref<2x1000x128xf32, #tpu.memory_space<vmem>>, vector<1x1000x128xf32>
    %get3A_8 = vector.shape_cast %get3A_7 : vector<1x1000x128xf32> to vector<1000x128xf32>
    %get3A_9 = arith.constant 0 : index
    %get3A_10 = arith.constant 0 : index
    %get3A_11 = vector.load %arg2[%get3A_9, %get3A_10] : memref<1000x128xf32, #tpu.memory_space<vmem>>, vector<1000x128xf32>
    %add3A = arith.addf %get3A_8, %get3A_11 : vector<1000x128xf32>
    %mul3A = vector.broadcast %get3A_3 : vector<1000x1xf32> to vector<1000x128xf32>
    %mul3A_12 = arith.mulf %mul3A, %add3A : vector<1000x128xf32>
    %get3A_13 = arith.constant 0 : index
    %get3A_14 = arith.constant 0 : index
    %get3A_15 = vector.load %arg5[%get3A_13, %get3A_14] : memref<1x256xf32, #tpu.memory_space<vmem>>, vector<1x128xf32>
    %add3A_16 = vector.broadcast %get3A_15 : vector<1x128xf32> to vector<1000x128xf32>
    %add3A_17 = arith.addf %mul3A_12, %add3A_16 : vector<1000x128xf32>
    %get3A_18 = arith.constant 1 : index
    %get3A_19 = arith.constant 0 : index
    %get3A_20 = arith.constant 0 : index
    %get3A_21 = vector.load %arg1[%get3A_18, %get3A_19, %get3A_20] : memref<2x1000x128xf32, #tpu.memory_space<vmem>>, vector<1x1000x128xf32>
    %get3A_22 = vector.shape_cast %get3A_21 : vector<1x1000x128xf32> to vector<1000x128xf32>
    %get3A_23 = arith.constant 0 : index
    %get3A_24 = arith.constant 0 : index
    %get3A_25 = vector.load %arg3[%get3A_23, %get3A_24] : memref<1000x128xf32, #tpu.memory_space<vmem>>, vector<1000x128xf32>
    %add3A_26 = arith.addf %get3A_22, %get3A_25 : vector<1000x128xf32>
    %mul3A_27 = vector.broadcast %get3A_3 : vector<1000x1xf32> to vector<1000x128xf32>
    %mul3A_28 = arith.mulf %mul3A_27, %add3A_26 : vector<1000x128xf32>
    %get3A_29 = arith.constant 0 : index
    %get3A_30 = arith.constant 128 : index
    %get3A_31 = vector.load %arg5[%get3A_29, %get3A_30] : memref<1x256xf32, #tpu.memory_space<vmem>>, vector<1x128xf32>
    %add3A_32 = vector.broadcast %get3A_31 : vector<1x128xf32> to vector<1000x128xf32>
    %add3A_33 = arith.addf %mul3A_28, %add3A_32 : vector<1000x128xf32>
    %concatenate3A = tpu.concatenate %add3A_17, %add3A_33 in 1 : vector<1000x128xf32>, vector<1000x128xf32> -> vector<1000x256xf32>
    %max3A = arith.constant 0.000000e+00 : f32
    %max3A_34 = vector.broadcast %max3A : f32 to vector<1000x256xf32>
    %max3A_35 = arith.maximumf %concatenate3A, %max3A_34 : vector<1000x256xf32>
    %iota3A = tpu.iota {dimensions = array<i32: 0>} : vector<128x1000xi32>
    %get3A_36 = arith.constant 0 : index
    %get3A_37 = arith.constant 0 : index
    %get3A_38 = arith.constant 0 : index
    %get3A_39 = vector.load %arg7[%get3A_36, %get3A_37, %get3A_38] : memref<1x1x1000xi32, #tpu.memory_space<vmem>>, vector<1x1x1000xi32>
    %get3A_40 = vector.shape_cast %get3A_39 : vector<1x1x1000xi32> to vector<1x1000xi32>
    %eq3A_41 = vector.broadcast %get3A_40 : vector<1x1000xi32> to vector<128x1000xi32>
    %eq3A_42 = arith.cmpi eq, %iota3A, %eq3A_41 : vector<128x1000xi32>
    %convert_element_type3A_43 = arith.extui %eq3A_42 : vector<128x1000xi1> to vector<128x1000xi32>
    %convert_element_type3A_44 = arith.sitofp %convert_element_type3A_43 : vector<128x1000xi32> to vector<128x1000xf32>
    %get3A_45 = arith.constant 0 : index
    %get3A_46 = arith.constant 0 : index
    %get3A_47 = vector.load %arg11[%get3A_45, %get3A_46] : memref<128x256xf32, #tpu.memory_space<vmem>>, vector<128x256xf32>
    %dot_general3A = arith.constant dense<0.000000e+00> : vector<128x256xf32>
    %dot_general3A_48 = tpu.matmul %convert_element_type3A_44, %max3A_35, %dot_general3A {dimension_numbers = #tpu.dot_dimension_numbers<[1], [0], [0], [1], [0, 0, 1, 1], [], []>, transpose_lhs_hint = false} : vector<128x1000xf32>, vector<1000x256xf32>, vector<128x256xf32> -> vector<128x256xf32>
    %add3A_49 = arith.addf %get3A_47, %dot_general3A_48 : vector<128x256xf32>
    %swap3A = arith.constant 0 : index
    %swap3A_50 = arith.constant 0 : index
    %swap3A_51 = vector.load %arg11[%swap3A, %swap3A_50] : memref<128x256xf32, #tpu.memory_space<vmem>>, vector<128x256xf32>
    tpu.vector_store %arg11[%swap3A, %swap3A_50], %add3A_49 {strides = array<i32>} : memref<128x256xf32, #tpu.memory_space<vmem>>, vector<128x256xf32>,
    %get3A_52 = arith.constant 0 : index
    %get3A_53 = arith.constant 0 : index
    %get3A_54 = vector.load %arg6[%get3A_52, %get3A_53] : memref<256x256xf32, #tpu.memory_space<vmem>>, vector<256x256xf32>
    %dot_general3A_55 = arith.constant dense<0.000000e+00> : vector<1000x256xf32>
    %dot_general3A_56 = tpu.matmul %max3A_35, %get3A_54, %dot_general3A_55 {dimension_numbers = #tpu.dot_dimension_numbers<[1], [0], [0], [1], [0, 0, 1, 1], [], []>, transpose_lhs_hint = false} : vector<1000x256xf32>, vector<256x256xf32>, vector<1000x256xf32> -> vector<1000x256xf32>
    %mul3A_57 = vector.broadcast %get3A_3 : vector<1000x1xf32> to vector<1000x256xf32>
    %mul3A_58 = arith.mulf %mul3A_57, %dot_general3A_56 : vector<1000x256xf32>
    %slice3A = vector.extract_strided_slice %mul3A_58 {offsets = [0, 0], sizes = [1000, 128], strides = [1, 1]} : vector<1000x256xf32> to vector<1000x128xf32>
    %swap3A_59 = arith.constant 0 : index
    %swap3A_60 = arith.constant 0 : index
    %swap3A_61 = vector.load %arg9[%swap3A_59, %swap3A_60] : memref<1000x128xf32, #tpu.memory_space<vmem>>, vector<1000x128xf32>
    tpu.vector_store %arg9[%swap3A_59, %swap3A_60], %slice3A {strides = array<i32>} : memref<1000x128xf32, #tpu.memory_space<vmem>>, vector<1000x128xf32>,
    %slice3A_62 = vector.extract_strided_slice %mul3A_58 {offsets = [0, 128], sizes = [1000, 128], strides = [1, 1]} : vector<1000x256xf32> to vector<1000x128xf32>
    %swap3A_63 = arith.constant 0 : index
    %swap3A_64 = arith.constant 0 : index
    %swap3A_65 = vector.load %arg10[%swap3A_63, %swap3A_64] : memref<1000x128xf32, #tpu.memory_space<vmem>>, vector<1000x128xf32>
    tpu.vector_store %arg10[%swap3A_63, %swap3A_64], %slice3A_62 {strides = array<i32>} : memref<1000x128xf32, #tpu.memory_space<vmem>>, vector<1000x128xf32>,
    %eq3A_66 = arith.constant 9 : i32
    %eq3A_67 = arith.cmpi eq, %arg0, %eq3A_66 : i32
    %convert_element_type3A_68 = arith.extui %eq3A_67 : i1 to i32
    %cond3A_69 = arith.constant 0 : i32
    %cond3A_70 = arith.cmpi ne, %convert_element_type3A_68, %cond3A_69 : i32
    scf.if %cond3A_70 {
      %get3A_71 = arith.constant 0 : index
      %get3A_72 = arith.constant 0 : index
      %get3A_73 = vector.load %arg11[%get3A_71, %get3A_72] : memref<128x256xf32, #tpu.memory_space<vmem>>, vector<128x256xf32>
      %swap3A_74 = arith.constant 0 : index
      %swap3A_75 = arith.constant 0 : index
      %swap3A_76 = vector.load %arg8[%swap3A_74, %swap3A_75] : memref<128x256xf32, #tpu.memory_space<vmem>>, vector<128x256xf32>
      tpu.vector_store %arg8[%swap3A_74, %swap3A_75], %get3A_73 {strides = array<i32>} : memref<128x256xf32, #tpu.memory_space<vmem>>, vector<128x256xf32>,
    } else {
    }
    return
  }
  func.func @transform_0(%arg0: i32) -> (i32, i32, i32) {
    %c0_i32 = arith.constant 0 : i32
    %c0_i32_0 = arith.constant 0 : i32
    %c0_i32_1 = arith.constant 0 : i32
    return %c0_i32, %arg0, %c0_i32_0 : i32, i32, i32
  }
  func.func @transform_1(%arg0: i32) -> (i32, i32) {
    %c0_i32 = arith.constant 0 : i32
    %c0_i32_0 = arith.constant 0 : i32
    return %arg0, %c0_i32 : i32, i32
  }
  func.func @transform_2(%arg0: i32) -> (i32, i32) {
    %c0_i32 = arith.constant 0 : i32
    %c0_i32_0 = arith.constant 0 : i32
    return %arg0, %c0_i32 : i32, i32
  }
  func.func @transform_3(%arg0: i32) -> (i32, i32) {
    %c0_i32 = arith.constant 0 : i32
    %c0_i32_0 = arith.constant 0 : i32
    return %arg0, %c0_i32 : i32, i32
  }
  func.func @transform_4(%arg0: i32) -> (i32, i32) {
    %c0_i32 = arith.constant 0 : i32
    %c0_i32_0 = arith.constant 0 : i32
    %c0_i32_1 = arith.constant 0 : i32
    return %c0_i32, %c0_i32_0 : i32, i32
  }
  func.func @transform_5(%arg0: i32) -> (i32, i32) {
    %c0_i32 = arith.constant 0 : i32
    %c0_i32_0 = arith.constant 0 : i32
    %c0_i32_1 = arith.constant 0 : i32
    return %c0_i32, %c0_i32_0 : i32, i32
  }
  func.func @transform_6(%arg0: i32) -> (i32, i32, i32) {
    %c0_i32 = arith.constant 0 : i32
    %c0_i32_0 = arith.constant 0 : i32
    %c0_i32_1 = arith.constant 0 : i32
    return %arg0, %c0_i32, %c0_i32_0 : i32, i32, i32
  }
  func.func @transform_7(%arg0: i32) -> (i32, i32) {
    %c0_i32 = arith.constant 0 : i32
    %c0_i32_0 = arith.constant 0 : i32
    %c0_i32_1 = arith.constant 0 : i32
    return %c0_i32, %c0_i32_0 : i32, i32
  }
  func.func @transform_8(%arg0: i32) -> (i32, i32) {
    %c0_i32 = arith.constant 0 : i32
    %c0_i32_0 = arith.constant 0 : i32
    return %arg0, %c0_i32 : i32, i32
  }
  func.func @transform_9(%arg0: i32) -> (i32, i32) {
    %c0_i32 = arith.constant 0 : i32
    %c0_i32_0 = arith.constant 0 : i32
    return %arg0, %c0_i32 : i32, i32
  }
}

module attributes {stable_mosaic.version = 14 : i64} {
  func.func @body(%arg0: i32, %arg1: memref<2x1000x128xf32, #tpu.memory_space<vmem>>, %arg2: memref<1000x128xf32, #tpu.memory_space<vmem>>, %arg3: memref<1000x128xf32, #tpu.memory_space<vmem>>, %arg4: memref<1000x1xf32, #tpu.memory_space<vmem>>, %arg5: memref<1x256xf32, #tpu.memory_space<vmem>>, %arg6: memref<1x1x1000xi32, #tpu.memory_space<vmem>>, %arg7: memref<128x256xf32, #tpu.memory_space<vmem>>, %arg8: memref<512x128xf32, #tpu.memory_space<vmem>>, %arg9: memref<1x128xf32, #tpu.memory_space<vmem>>, %arg10: memref<128x128xf32, #tpu.memory_space<vmem>>, %arg11: memref<1x128xf32, #tpu.memory_space<vmem>>, %arg12: memref<128x128xf32, #tpu.memory_space<vmem>>, %arg13: memref<128x256xf32, #tpu.memory_space<vmem>>) attributes {dimension_semantics = [#tpu.dimension_semantics<arbitrary>], iteration_bounds = array<i64: 10>, scalar_prefetch = 0 : i64, scratch_operands = 1 : i64, tpu.core_type = #tpu.core_type<tc>, window_params = [{transform_indices = @transform_0, window_bounds = array<i64: 2, 1000, 128>}, {transform_indices = @transform_1, window_bounds = array<i64: 1000, 128>}, {transform_indices = @transform_2, window_bounds = array<i64: 1000, 128>}, {transform_indices = @transform_3, window_bounds = array<i64: 1000, 1>}, {pipeline_mode = #tpu.pipeline_mode<synchronous>, transform_indices = @transform_4, window_bounds = array<i64: 1, 256>}, {transform_indices = @transform_5, window_bounds = array<i64: 1, 1, 1000>}, {pipeline_mode = #tpu.pipeline_mode<synchronous>, transform_indices = @transform_6, window_bounds = array<i64: 128, 256>}, {pipeline_mode = #tpu.pipeline_mode<synchronous>, transform_indices = @transform_7, window_bounds = array<i64: 512, 128>}, {pipeline_mode = #tpu.pipeline_mode<synchronous>, transform_indices = @transform_8, window_bounds = array<i64: 1, 128>}, {pipeline_mode = #tpu.pipeline_mode<synchronous>, transform_indices = @transform_9, window_bounds = array<i64: 128, 128>}, {pipeline_mode = #tpu.pipeline_mode<synchronous>, transform_indices = @transform_10, window_bounds = array<i64: 1, 128>}, {pipeline_mode = #tpu.pipeline_mode<synchronous>, transform_indices = @transform_11, window_bounds = array<i64: 128, 128>}]} {
    %eq3A = arith.constant 0 : i32
    %eq3A_0 = arith.cmpi eq, %arg0, %eq3A : i32
    %convert_element_type3A = arith.extui %eq3A_0 : i1 to i32
    %cond3A = arith.constant 0 : i32
    %cond3A_1 = arith.cmpi ne, %convert_element_type3A, %cond3A : i32
    scf.if %cond3A_1 {
      %broadcast_in_dim3A = arith.constant 0.000000e+00 : f32
      %broadcast_in_dim3A_57 = vector.broadcast %broadcast_in_dim3A : f32 to vector<128x256xf32>
      %swap3A_58 = arith.constant 0 : index
      %swap3A_59 = arith.constant 0 : index
      %swap3A_60 = vector.load %arg13[%swap3A_58, %swap3A_59] : memref<128x256xf32, #tpu.memory_space<vmem>>, vector<128x256xf32>
      tpu.vector_store %arg13[%swap3A_58, %swap3A_59], %broadcast_in_dim3A_57 {strides = array<i32>} : memref<128x256xf32, #tpu.memory_space<vmem>>, vector<128x256xf32>,
    } else {
    }
    %get3A = arith.constant 0 : index
    %get3A_2 = arith.constant 0 : index
    %get3A_3 = vector.load %arg4[%get3A, %get3A_2] : memref<1000x1xf32, #tpu.memory_space<vmem>>, vector<1000x1xf32>
    %get3A_4 = arith.constant 0 : index
    %get3A_5 = arith.constant 0 : index
    %get3A_6 = arith.constant 0 : index
    %get3A_7 = vector.load %arg1[%get3A_4, %get3A_5, %get3A_6] : memref<2x1000x128xf32, #tpu.memory_space<vmem>>, vector<1x1000x128xf32>
    %get3A_8 = vector.shape_cast %get3A_7 : vector<1x1000x128xf32> to vector<1000x128xf32>
    %get3A_9 = arith.constant 0 : index
    %get3A_10 = arith.constant 0 : index
    %get3A_11 = vector.load %arg2[%get3A_9, %get3A_10] : memref<1000x128xf32, #tpu.memory_space<vmem>>, vector<1000x128xf32>
    %add3A = arith.addf %get3A_8, %get3A_11 : vector<1000x128xf32>
    %mul3A = vector.broadcast %get3A_3 : vector<1000x1xf32> to vector<1000x128xf32>
    %mul3A_12 = arith.mulf %mul3A, %add3A : vector<1000x128xf32>
    %get3A_13 = arith.constant 0 : index
    %get3A_14 = arith.constant 0 : index
    %get3A_15 = vector.load %arg5[%get3A_13, %get3A_14] : memref<1x256xf32, #tpu.memory_space<vmem>>, vector<1x128xf32>
    %add3A_16 = vector.broadcast %get3A_15 : vector<1x128xf32> to vector<1000x128xf32>
    %add3A_17 = arith.addf %mul3A_12, %add3A_16 : vector<1000x128xf32>
    %get3A_18 = arith.constant 1 : index
    %get3A_19 = arith.constant 0 : index
    %get3A_20 = arith.constant 0 : index
    %get3A_21 = vector.load %arg1[%get3A_18, %get3A_19, %get3A_20] : memref<2x1000x128xf32, #tpu.memory_space<vmem>>, vector<1x1000x128xf32>
    %get3A_22 = vector.shape_cast %get3A_21 : vector<1x1000x128xf32> to vector<1000x128xf32>
    %get3A_23 = arith.constant 0 : index
    %get3A_24 = arith.constant 0 : index
    %get3A_25 = vector.load %arg3[%get3A_23, %get3A_24] : memref<1000x128xf32, #tpu.memory_space<vmem>>, vector<1000x128xf32>
    %add3A_26 = arith.addf %get3A_22, %get3A_25 : vector<1000x128xf32>
    %mul3A_27 = vector.broadcast %get3A_3 : vector<1000x1xf32> to vector<1000x128xf32>
    %mul3A_28 = arith.mulf %mul3A_27, %add3A_26 : vector<1000x128xf32>
    %get3A_29 = arith.constant 0 : index
    %get3A_30 = arith.constant 128 : index
    %get3A_31 = vector.load %arg5[%get3A_29, %get3A_30] : memref<1x256xf32, #tpu.memory_space<vmem>>, vector<1x128xf32>
    %add3A_32 = vector.broadcast %get3A_31 : vector<1x128xf32> to vector<1000x128xf32>
    %add3A_33 = arith.addf %mul3A_28, %add3A_32 : vector<1000x128xf32>
    %concatenate3A = tpu.concatenate %add3A_17, %add3A_33 in 1 : vector<1000x128xf32>, vector<1000x128xf32> -> vector<1000x256xf32>
    %max3A = arith.constant 0.000000e+00 : f32
    %max3A_34 = vector.broadcast %max3A : f32 to vector<1000x256xf32>
    %max3A_35 = arith.maximumf %concatenate3A, %max3A_34 : vector<1000x256xf32>
    %iota3A = tpu.iota {dimensions = array<i32: 0>} : vector<128x1000xi32>
    %get3A_36 = arith.constant 0 : index
    %get3A_37 = arith.constant 0 : index
    %get3A_38 = arith.constant 0 : index
    %get3A_39 = vector.load %arg6[%get3A_36, %get3A_37, %get3A_38] : memref<1x1x1000xi32, #tpu.memory_space<vmem>>, vector<1x1x1000xi32>
    %get3A_40 = vector.shape_cast %get3A_39 : vector<1x1x1000xi32> to vector<1x1000xi32>
    %eq3A_41 = vector.broadcast %get3A_40 : vector<1x1000xi32> to vector<128x1000xi32>
    %eq3A_42 = arith.cmpi eq, %iota3A, %eq3A_41 : vector<128x1000xi32>
    %convert_element_type3A_43 = arith.extui %eq3A_42 : vector<128x1000xi1> to vector<128x1000xi32>
    %convert_element_type3A_44 = arith.sitofp %convert_element_type3A_43 : vector<128x1000xi32> to vector<128x1000xf32>
    %get3A_45 = arith.constant 0 : index
    %get3A_46 = arith.constant 0 : index
    %get3A_47 = vector.load %arg13[%get3A_45, %get3A_46] : memref<128x256xf32, #tpu.memory_space<vmem>>, vector<128x256xf32>
    %dot_general3A = arith.constant dense<0.000000e+00> : vector<128x256xf32>
    %dot_general3A_48 = tpu.matmul %convert_element_type3A_44, %max3A_35, %dot_general3A {dimension_numbers = #tpu.dot_dimension_numbers<[1], [0], [0], [1], [0, 0, 1, 1], [], []>, transpose_lhs_hint = false} : vector<128x1000xf32>, vector<1000x256xf32>, vector<128x256xf32> -> vector<128x256xf32>
    %add3A_49 = arith.addf %get3A_47, %dot_general3A_48 : vector<128x256xf32>
    %swap3A = arith.constant 0 : index
    %swap3A_50 = arith.constant 0 : index
    %swap3A_51 = vector.load %arg13[%swap3A, %swap3A_50] : memref<128x256xf32, #tpu.memory_space<vmem>>, vector<128x256xf32>
    tpu.vector_store %arg13[%swap3A, %swap3A_50], %add3A_49 {strides = array<i32>} : memref<128x256xf32, #tpu.memory_space<vmem>>, vector<128x256xf32>,
    %eq3A_52 = arith.constant 9 : i32
    %eq3A_53 = arith.cmpi eq, %arg0, %eq3A_52 : i32
    %convert_element_type3A_54 = arith.extui %eq3A_53 : i1 to i32
    %cond3A_55 = arith.constant 0 : i32
    %cond3A_56 = arith.cmpi ne, %convert_element_type3A_54, %cond3A_55 : i32
    scf.if %cond3A_56 {
      %get3A_57 = arith.constant 0 : index
      %get3A_58 = arith.constant 0 : index
      %get3A_59 = vector.load %arg7[%get3A_57, %get3A_58] : memref<128x256xf32, #tpu.memory_space<vmem>>, vector<128x256xf32>
      %get3A_60 = arith.constant 0 : index
      %get3A_61 = arith.constant 0 : index
      %get3A_62 = vector.load %arg13[%get3A_60, %get3A_61] : memref<128x256xf32, #tpu.memory_space<vmem>>, vector<128x256xf32>
      %concatenate3A_63 = tpu.concatenate %get3A_59, %get3A_62 in 1 : vector<128x256xf32>, vector<128x256xf32> -> vector<128x512xf32>
      %get3A_64 = arith.constant 0 : index
      %get3A_65 = arith.constant 0 : index
      %get3A_66 = vector.load %arg8[%get3A_64, %get3A_65] : memref<512x128xf32, #tpu.memory_space<vmem>>, vector<512x128xf32>
      %dot_general3A_67 = arith.constant dense<0.000000e+00> : vector<128x128xf32>
      %dot_general3A_68 = tpu.matmul %concatenate3A_63, %get3A_66, %dot_general3A_67 {dimension_numbers = #tpu.dot_dimension_numbers<[1], [0], [0], [1], [0, 0, 1, 1], [], []>, transpose_lhs_hint = false} : vector<128x512xf32>, vector<512x128xf32>, vector<128x128xf32> -> vector<128x128xf32>
      %get3A_69 = arith.constant 0 : index
      %get3A_70 = arith.constant 0 : index
      %get3A_71 = vector.load %arg9[%get3A_69, %get3A_70] : memref<1x128xf32, #tpu.memory_space<vmem>>, vector<1x128xf32>
      %add3A_72 = vector.broadcast %get3A_71 : vector<1x128xf32> to vector<128x128xf32>
      %add3A_73 = arith.addf %dot_general3A_68, %add3A_72 : vector<128x128xf32>
      %get3A_74 = arith.constant 0 : index
      %get3A_75 = arith.constant 0 : index
      %get3A_76 = vector.load %arg10[%get3A_74, %get3A_75] : memref<128x128xf32, #tpu.memory_space<vmem>>, vector<128x128xf32>
      %dot_general3A_77 = arith.constant dense<0.000000e+00> : vector<128x128xf32>
      %dot_general3A_78 = tpu.matmul %add3A_73, %get3A_76, %dot_general3A_77 {dimension_numbers = #tpu.dot_dimension_numbers<[1], [0], [0], [1], [0, 0, 1, 1], [], []>, transpose_lhs_hint = false} : vector<128x128xf32>, vector<128x128xf32>, vector<128x128xf32> -> vector<128x128xf32>
      %get3A_79 = arith.constant 0 : index
      %get3A_80 = arith.constant 0 : index
      %get3A_81 = vector.load %arg11[%get3A_79, %get3A_80] : memref<1x128xf32, #tpu.memory_space<vmem>>, vector<1x128xf32>
      %add3A_82 = vector.broadcast %get3A_81 : vector<1x128xf32> to vector<128x128xf32>
      %add3A_83 = arith.addf %dot_general3A_78, %add3A_82 : vector<128x128xf32>
      %swap3A_84 = arith.constant 0 : index
      %swap3A_85 = arith.constant 0 : index
      %swap3A_86 = vector.load %arg12[%swap3A_84, %swap3A_85] : memref<128x128xf32, #tpu.memory_space<vmem>>, vector<128x128xf32>
      tpu.vector_store %arg12[%swap3A_84, %swap3A_85], %add3A_83 {strides = array<i32>} : memref<128x128xf32, #tpu.memory_space<vmem>>, vector<128x128xf32>,
    } else {
    }
    return
  }
  func.func @transform_0(%arg0: i32) -> (i32, i32, i32) {
    %c0_i32 = arith.constant 0 : i32
    %c0_i32_0 = arith.constant 0 : i32
    %c0_i32_1 = arith.constant 0 : i32
    return %c0_i32, %arg0, %c0_i32_0 : i32, i32, i32
  }
  func.func @transform_1(%arg0: i32) -> (i32, i32) {
    %c0_i32 = arith.constant 0 : i32
    %c0_i32_0 = arith.constant 0 : i32
    return %arg0, %c0_i32 : i32, i32
  }
  func.func @transform_2(%arg0: i32) -> (i32, i32) {
    %c0_i32 = arith.constant 0 : i32
    %c0_i32_0 = arith.constant 0 : i32
    return %arg0, %c0_i32 : i32, i32
  }
  func.func @transform_3(%arg0: i32) -> (i32, i32) {
    %c0_i32 = arith.constant 0 : i32
    %c0_i32_0 = arith.constant 0 : i32
    return %arg0, %c0_i32 : i32, i32
  }
  func.func @transform_4(%arg0: i32) -> (i32, i32) {
    %c0_i32 = arith.constant 0 : i32
    %c0_i32_0 = arith.constant 0 : i32
    %c0_i32_1 = arith.constant 0 : i32
    return %c0_i32, %c0_i32_0 : i32, i32
  }
  func.func @transform_5(%arg0: i32) -> (i32, i32, i32) {
    %c0_i32 = arith.constant 0 : i32
    %c0_i32_0 = arith.constant 0 : i32
    %c0_i32_1 = arith.constant 0 : i32
    return %arg0, %c0_i32, %c0_i32_0 : i32, i32, i32
  }
  func.func @transform_6(%arg0: i32) -> (i32, i32) {
    %c0_i32 = arith.constant 0 : i32
    %c0_i32_0 = arith.constant 0 : i32
    %c0_i32_1 = arith.constant 0 : i32
    return %c0_i32, %c0_i32_0 : i32, i32
  }
  func.func @transform_7(%arg0: i32) -> (i32, i32) {
    %c0_i32 = arith.constant 0 : i32
    %c0_i32_0 = arith.constant 0 : i32
    %c0_i32_1 = arith.constant 0 : i32
    return %c0_i32, %c0_i32_0 : i32, i32
  }
  func.func @transform_8(%arg0: i32) -> (i32, i32) {
    %c0_i32 = arith.constant 0 : i32
    %c0_i32_0 = arith.constant 0 : i32
    %c0_i32_1 = arith.constant 0 : i32
    return %c0_i32, %c0_i32_0 : i32, i32
  }
  func.func @transform_9(%arg0: i32) -> (i32, i32) {
    %c0_i32 = arith.constant 0 : i32
    %c0_i32_0 = arith.constant 0 : i32
    %c0_i32_1 = arith.constant 0 : i32
    return %c0_i32, %c0_i32_0 : i32, i32
  }
  func.func @transform_10(%arg0: i32) -> (i32, i32) {
    %c0_i32 = arith.constant 0 : i32
    %c0_i32_0 = arith.constant 0 : i32
    %c0_i32_1 = arith.constant 0 : i32
    return %c0_i32, %c0_i32_0 : i32, i32
  }
  func.func @transform_11(%arg0: i32) -> (i32, i32) {
    %c0_i32 = arith.constant 0 : i32
    %c0_i32_0 = arith.constant 0 : i32
    %c0_i32_1 = arith.constant 0 : i32
    return %c0_i32, %c0_i32_0 : i32, i32
  }
}

</mosaic_0001>

<sc_bundles>
// kernel: kernel.12.cloned.1.call-start
scs
__scs_entry_jumppad:
0x0: {  	(pc) =	sbr.rel $0x88, $3  }
0x1: {  	(tag) =	ssettag $0x0;
	lr =	simm.s32 $0x1  }
0x2: {  	[smem:$0x3F96] =	sst lr;
	_ =	strace $0xD0000000  }
0x3: {  	_ = 	snop  }
0x4: {  	_ = 	snop  }
0x5: {  	_ = 	snop  }
0x6: {  	_ = 	snop  }
0x7: {  	_ = 	snop  }
__scs_overlays_trampoline_lowered:
0x8: {  	[smem:$0x3FA5] =	sst s0  }
0x9: {  	[smem:$0x3FA6] =	sst s1  }
0xa: {  	[smem:$0x3FA7] =	sst s2  }
0xb: {  	[smem:$0x3FA8] =	sst s3  }
0xc: {  	[smem:$0x3FA9] =	sst s4  }
0xd: {  	[smem:$0x3FAA] =	sst s5  }
0xe: {  	[smem:$0x3FAB] =	sst s6  }
0xf: {  	[smem:$0x3FAC] =	sst s7  }
0x10: {  	[smem:$0x3FAD] =	sst s8  }
0x11: {  	[smem:$0x3FAE] =	sst s9;
	s0 =	simm.s32 @!p0 $0x0  }
0x12: {  	s1 =	sld [smem:$0x3F94];
	s0 =	simm.s32 @p0 $0x1  }
0x13: {  	[smem:$0x3FAF] =	sst s0;
	s0 =	simm.s32 @!p1 $0x0  }
0x14: {  	s2 =	sld [smem:$0x3F93];
	s0 =	simm.s32 @p1 $0x1  }
0x15: {  	[smem:$0x3FB0] =	sst s0;
	s0 =	simm.s32 @!p2 $0x0  }
0x16: {  	s3 =	sld [smem:$0x3FDB];
	s0 =	simm.s32 @p2 $0x1  }
0x17: {  	s4 =	simm.s32 $0x1BF5;
	[smem:$0x3FB2] =	sst s0  }
0x18: {  	s0 =	sld [smem:$0x3F95];
	_ =	swait.ge [sflag:s4], $0x0  }
0x19: {  	s7 =	sld [smem:$0x3F96]  }
0x1a: {  	s8 =	sadd.s32 $0xFFFFE003, lr  }
0x1b: {  	s9 =	sadd.s32 $0xFFFFFEF7, lr;
	s5 =	simm.s32 $0xFFFFFFFF;
	p2 =	slt.u32 s8, $0xFFFFF086  }
0x1c: {  	p1 =	slt.u32 s9, $0xF7A;
	s5 =	simm.s32 @!p2 $0x0  }
0x1d: {  	s5 =	simm.s32 @p1 $0x1;
	p0 =	seq.s32 s7, s2  }
0x1e: {  	s7 =	smul.u32 @!p0 $0xF7A, s2;
	p2 =	seq.s32 @!p0 s5, $0x0  }
0x1f: {  	s9 =	smul.u32 $0xF7A, s1;
	s8 =	simm.s32 @!p0 $0x1BF5;
	p2 =	por !p2, p0  }
0x20: {  	[sflag:s8] =	ssyncset.s32 @!p0 $0xFFFFF086;
	s6 =	sadd.s32 @!p0 s3, s7;
	s7 =	simm.s32 @!p0 $0x108  }
0x21: {  	s3 =	sadd.s32 s3, s9;
	s6 =	sadd.s32 @!p0 $0x88, s6;
	s7 =	simm.s32 @p2 $0x1082  }
0x22: {  	[simem:s7], [sflag:s8] =	dma.local @!p0 [hbm:s6], $0xF7A  }
0x23: {  	s9 =	sor.u32 $0xD0000000, s2;
	s6 =	simm.s32 $0x108;
	_ =	swait.ge @!p0 [sflag:s8], $0x0  }
0x24: {  	s3 =	sadd.s32 $0x88, s3;
	s6 =	simm.s32 @!p1 $0x1082;
	[sflag:s4] =	ssyncset.s32 $0xFFFFF086  }
0x25: {  	[simem:s6], [sflag:s4] =	dma.local [hbm:s3], $0xF7A  }
0x26: {  	[smem:$0x3F96] =	sst s1;
	(tag) =	ssettag s2;
	_ =	strace s9  }
0x27: {  	s1 =	sld [smem:$0x3FA6]  }
0x28: {  	s2 =	sld [smem:$0x3FA7]  }
0x29: {  	s4 =	sld [smem:$0x3FA9]  }
0x2a: {  	p0 =	seq.s32 s5, $0x0;
	s5 =	sld [smem:$0x3FAA]  }
0x2b: {  	s6 =	sld [smem:$0x3FAB]  }
0x2c: {  	s7 =	sld [smem:$0x3FAC]  }
0x2d: {  	s3 =	simm.s32 $0x108;
	s8 =	sld [smem:$0x3FAD]  }
0x2e: {  	s3 =	simm.s32 @!p0 $0x1082;
	s9 =	sld [smem:$0x3FAE]  }
0x2f: {  	lr =	sadd.s32 s0, s3;
	s0 =	sld [smem:$0x3FA5]  }
0x30: {  	s3 =	sld [smem:$0x3FA8]  }
0x31: {  	[smem:$0x3FB1] =	sst s10  }
0x32: {  	s10 =	sld [smem:$0x3FAF];
	_ =	sdelay $0x3  }
0x33: {  	p0 =	seq.s32 s10, $0x1;
	s10 =	sld [smem:$0x3FB1];
	_ =	sdelay $0x3  }
0x34: {  	[smem:$0x3FB1] =	sst s10  }
0x35: {  	s10 =	sld [smem:$0x3FB0];
	_ =	sdelay $0x3  }
0x36: {  	p1 =	seq.s32 s10, $0x1;
	s10 =	sld [smem:$0x3FB1];
	_ =	sdelay $0x3  }
0x37: {  	[smem:$0x3FB1] =	sst s10  }
0x38: {  	s10 =	sld [smem:$0x3FB2]  }
0x39: {  	_ = 	snop;
	(pc) =	sbr.ind lr, $3  }
0x3a: {  	_ = 	snop  }
0x3b: {  	_ = 	snop  }
0x3c: {  	p2 =	seq.s32 s10, $0x1;
	s10 =	sld [smem:$0x3FB1]  }
0x3d: {  	_ =	shalt  }
0x3e: {  	_ =	shalt  }
0x3f: {  	_ =	shalt  }
0x40: {  	_ =	shalt  }
0x41: {  	_ =	shalt  }
0x42: {  	_ =	shalt  }
0x43: {  	_ =	shalt  }
0x44: {  	_ =	shalt  }
0x45: {  	_ =	shalt  }
0x46: {  	_ =	shalt  }
0x47: {  	_ =	shalt  }
0x48: {  	_ =	shalt  }
0x49: {  	_ =	shalt  }
0x4a: {  	_ =	shalt  }
0x4b: {  	_ =	shalt  }
0x4c: {  	_ =	shalt  }
0x4d: {  	_ =	shalt  }
0x4e: {  	_ =	shalt  }
0x4f: {  	_ =	shalt  }
0x50: {  	_ =	shalt  }
0x51: {  	_ =	shalt  }
0x52: {  	_ =	shalt  }
0x53: {  	_ =	shalt  }
0x54: {  	_ =	shalt  }
0x55: {  	_ =	shalt  }
0x56: {  	_ =	shalt  }
0x57: {  	_ =	shalt  }
0x58: {  	_ =	shalt  }
0x59: {  	_ =	shalt  }
0x5a: {  	_ =	shalt  }
0x5b: {  	_ =	shalt  }
0x5c: {  	_ =	shalt  }
0x5d: {  	_ =	shalt  }
0x5e: {  	_ =	shalt  }
0x5f: {  	_ =	shalt  }
0x60: {  	_ =	shalt  }
0x61: {  	_ =	shalt  }
0x62: {  	_ =	shalt  }
0x63: {  	_ =	shalt  }
0x64: {  	_ =	shalt  }
0x65: {  	_ =	shalt  }
0x66: {  	_ =	shalt  }
0x67: {  	_ =	shalt  }
0x68: {  	_ =	shalt  }
0x69: {  	_ =	shalt  }
0x6a: {  	_ =	shalt  }
0x6b: {  	_ =	shalt  }
0x6c: {  	_ =	shalt  }
0x6d: {  	_ =	shalt  }
0x6e: {  	_ =	shalt  }
0x6f: {  	_ =	shalt  }
0x70: {  	_ =	shalt  }
0x71: {  	_ =	shalt  }
0x72: {  	_ =	shalt  }
0x73: {  	_ =	shalt  }
0x74: {  	_ =	shalt  }
0x75: {  	_ =	shalt  }
0x76: {  	_ =	shalt  }
0x77: {  	_ =	shalt  }
0x78: {  	_ =	shalt  }
0x79: {  	_ =	shalt  }
0x7a: {  	_ =	shalt  }
0x7b: {  	_ =	shalt  }
0x7c: {  	_ =	shalt  }
0x7d: {  	_ =	shalt  }
0x7e: {  	_ =	shalt  }
0x7f: {  	_ =	shalt  }
0x80: {  	_ =	shalt  }
0x81: {  	_ =	shalt  }
0x82: {  	_ =	shalt  }
0x83: {  	_ =	shalt  }
0x84: {  	_ =	shalt  }
0x85: {  	_ =	shalt  }
0x86: {  	_ =	shalt  }
0x87: {  	_ =	shalt  }
.Lfunc_end0:
.L_simem_size_0:
called_computation.1_lowered:
.L_overlay_start_0:
0x88: {  	s2 =	sld [smem:$0x3FD9]  }
0x89: {  	s3 =	sld [smem:$0x3FFE];
	_ =	sdelay $0x1  }
0x8a: {  	s1 =	srdreg.scid  }
0x8b: {  	s0 =	sand.u32 $0x1, s1  }
0x8c: {  	s16 =	sshll.u32 s0, $0xA;
	s2 =	sadd.s32 s3, s2  }
0x8d: {  	s2 =	sadd.s32 s2, s16  }
0x8e: {  	[smem:$0x3FBD] =	sst s2  }
0x8f: {  	_ = 	snop  }
0x90: {  	(tm) =	ssettm $0x1  }
0x91: {  	s17 =	sld [smem:$0x3FFB];
	_ =	sdelay $0x3  }
0x92: {  	_ =	strace s17  }
0x93: {  	s2 =	sld [smem:$0x3FFC];
	_ =	sdelay $0x3  }
0x94: {  	_ =	strace s2  }
0x95: {  	s2 =	sld [smem:$0x3FFD];
	_ =	sdelay $0x3  }
0x96: {  	_ =	strace s2  }
0x97: {  	_ =	strace $0x8FFFFFFF  }
0x98: {  	s18 =	sld [smem:$0x3FDB];
	_ =	sdelay $0x1  }
0x99: {  	s19 =	simm.s32 $_scs_section_size  }
0x9a: {  	s4 =	simm.s32 $_size__tile_overlayer_lowered;
	s5 =	simm.s32 $_tile_overlayer_lowered  }
0x9b: {  	s22 =	simm.s32 $0x1BFF;
	s21 =	sshll.u32 s5, $0x1;
	s2 =	sadd.s32 s19, s18  }
0x9c: {  	s6 =	simm.s32 $0x0;
	s20 =	sshll.u32 s4, $0x1;
	s4 =	sadd.s32 s21, s2  }
0x9d: {  	[timem:s6], [sflag:s22] =	dma.local [hbm:s4], s20  }
0x9e: {  	_ =	swait.ge [sflag:s22], s20  }
0x9f: {  	s3 =	ssub.s32 $0x0, s20;
	[sflag:s22] =	ssyncset.done $0x0  }
0xa0: {  	[sflag:s22] =	ssyncadd.s32 s3;
	_ =	sdelay $0x1  }
0xa1: {  	s23 =	simm.s32 $0x1B8B  }
0xa2: {  	_ =	swait.ge [sflag:s23], $0x1  }
0xa3: {  	[sflag:s23] =	ssyncset.done $0x0  }
0xa4: {  	s25 =	simm.s32 $0x1B8E;
	s24 =	sld [smem:$0x3FFE];
	[sflag:s23] =	ssyncadd.s32 $0xFFFFFFFF  }
0xa5: {  	s26 =	simm.s32 $execute0_lowered;
	[smem:$0x3FD2] =	sst s25  }
0xa6: {  	s4 =	sshll.u32 s26, $0x1;
	_ =	strace $0x80000049;
	[dreg:$0x1] =	wrdreg $0xFFFFFFFF  }
0xa7: {  	s28 =	simm.s32 $_size_execute0_lowered;
	s2 =	sadd.s32 s2, s4;
	[dreg:$0x0] =	wrdreg $0x0  }
0xa8: {  	s4 =	sshll.u32 s28, $0x1;
	[dreg:$0x2] =	wrdreg s2  }
0xa9: {  	[dreg:$0x3] =	wrdreg s4  }
0xaa: {  	[dreg:$0x4] =	wrdreg $0xC0  }
0xab: {  	_ =	task [dreg:s6], $0x5FFFF  }
0xac: {  	[dreg:$0x1] =	wrdreg $0xFFFFFFFF  }
0xad: {  	[dreg:$0x0] =	wrdreg $0x60  }
0xae: {  	[dreg:$0x2] =	wrdreg s24  }
0xaf: {  	[dreg:$0x3] =	wrdreg $0x0  }
0xb0: {  	[dreg:$0x4] =	wrdreg $0x9  }
0xb1: {  	_ =	task.clear_ibuf [dreg:s6], $0x5FFFF;
	_ =	strace $0x90000049  }
0xb2: {  	s29 =	simm.s32 $0x9;
	_ =	strace $0x8000004B  }
0xb3: {  	_ =	swait.ge [sflag:s29], $0x1  }
0xb4: {  	[sflag:s29] =	ssyncadd.s32 $0xFFFFFFFF  }
0xb5: {  	_ =	strace $0x9000004B  }
0xb6: {  	_ =	sfence  }
0xb7: {  	s30 =	sld [smem:$0x0];
	_ =	sdelay $0x2  }
0xb8: {  	s31 =	sshll.u32 s1, $0xD;
	s1 =	sshrl.u32 s1, $0x2  }
0xb9: {  	s3 =	sand.u32 $0x4000, s31;
	s1 =	sadd.s32 s1, s30  }
0xba: {  	s0 =	sor.u32 s3, s0;
	s1 =	sshll.u32 s1, $0x11  }
0xbb: {  	s0 =	sor.u32 s1, s0  }
0xbc: {  	s0 =	sadd.s32 $0x8F2B, s0  }
0xbd: {  	[sflag:s0] =	ssyncadd.remote.s32 $0x1  }
0xbe: {  	_ =	sfence.sel $0xFFFF  }
0xbf: {  	[dreg:$0x0] =	wrdreg $0xFFFFFFFF;
	(pc) =	sbr.abs _section_cstart, $3  }
0xc0: {  	[dreg:$0x1] =	wrdreg $0xFFFFFFFF  }
0xc1: {  	_ =	task.clear_ibuf [dreg:s6], $0x2FFFF;
	_ =	strace $0x9FFFFFFF  }
0xc2: {  	(tm) =	ssettm $0x7FFFFFFF  }
0xc3: {  	_ =	shalt  }
tec
execute0_lowered:
.L_overlay_start_1:
0x0: {  	(tag) =	ssettag $0x1  }
0x1: {  	s0 =	rddreg [dreg:$0x0]  }
0x2: {  	s2 =	rddreg [dreg:$0x1]  }
0x3: {  	s13 =	stileid.u32;
	s1 =	srdreg.scid;
	s3 =	simm.s32 $0x0  }
0x4: {  	s15 =	simm.s32 $0x9;
	s17 =	simm.s32 $0x13D00;
	s18 =	simm.s32 $0x13E00  }
0x5: {  	s20 =	simm.s32 $0x80;
	s28 =	simm.s32 $0x7;
	s29 =	simm.s32 $0x3  }
0x6: {  	s30 =	simm.s32 $0x6;
	s31 =	simm.s32 $0x13D80;
	s6 =	smul.u32 $0x13C00, s13  }
0x7: {  	s1 =	sand.u32 $0x1, s1;
	[smem:$0x7FF] =	sst s3;
	s8 =	smul.u32 $0x4F000, s13  }
0x8: {  	s4 =	sadd.s32 $0x30C00, s0;
	s5 =	sadd.s32 $0x57E00, s0;
	s11 =	smul.u32 $0x5000, s13  }
0x9: {  	s9 =	sadd.s32 $0xCDE00, s0;
	s22 =	sshll.u32 s13, $0x6;
	s24 =	smul.u32 $0xA00, s13  }
0xa: {  	s7 =	smul.u32 $0x13C000, s1;
	_ =	strace $0x8000004A;
	s21 =	ssub.s32 $0x2, s1  }
0xb: {  	p0 =	seq.s32 s1, $0x1;
	s1 =	simm.s32 $0x4;
	s10 =	sshrl.u32 s21, $0x1  }
0xc: {  	s8 =	sshrl.u32 s8, $0x2;
	s23 =	sshrl.u32 s11, $0x3;
	s13 =	sadd.s32 s24, s9  }
0xd: {  	s11 =	simm.s32 $0x13C00;
	s24 =	simm.s32 $0x5;
	s7 =	sadd.s32 s6, s7  }
0xe: {  	s6 =	sshrl.u32 s6, $0x3;
	s10 =	ssub.s32 s21, s10;
	s12 =	sadd.s32 s8, s2  }
0xf: {  	s21 =	simm.s32 $0x14000;
	s7 =	sshrl.u32 s7, $0x3;
	s6 =	sadd.s32 s6, s0  }
0x10: {  	s26 =	smax.u32 s10, $0x1;
	s14 =	sshrl.u32 s12, $0x3;
	s10 =	simm.s32 $0x0  }
0x11: {  	s0 =	sadd.s32 s7, s0;
	s6 =	sadd.s32 $0x9400, s6;
	s7 =	sor.u32 $0x1C09, s22  }
0x12: {  	[dreg:$0x8] =	wrdreg s26;
	s22 =	simm.s32 $0x2;
	s26 =	simm.s32 $0x13F00  }
.Ltmp0:
0x13: {  	[dreg:$0x3] =	wrdreg s6;
	s6 =	sadd.s32 s9, s23;
	(pc) =	sbr.rel .LBB2_1-.Ltmp0, $4  }
0x14: {  	s0 =	sadd.s32 $0xD7E00, s0;
	s23 =	simm.s32 $0x18000;
	[dreg:$0x4] =	wrdreg s6  }
0x15: {  	s9 =	simm.s32 $0x13F80;
	s25 =	sadd.s32 $0x20, s6;
	[dreg:$0x7] =	wrdreg s0  }
0x16: {  	s6 =	sadd.s32 $0x40, s6;
	s0 =	simm.s32 $0x8;
	[dreg:$0x5] =	wrdreg s25  }
0x17: {  	[dreg:$0x6] =	wrdreg s6;
	s25 =	simm.s32 $0x13C80;
	s6 =	simm.s32 $0x13E80  }
.LBB2_8:
0x18: {  	_ =	swait.ge [sflag:s0], $0x4000  }
0x19: {  	[sflag:s0] =	ssyncset.done $0x0  }
0x1a: {  	[sflag:s0] =	ssyncadd.s32 $0xFFFFC000  }
0x1b: {  	[bflag:$0x0] =	sbarrier.arrive $0xFFFF  }
0x1c: {  	s8 =	rddreg [dreg:$0x7]  }
0x1d: {  	[hbm:s8], [sflag:s7] =	dma.local [spmem:s14], $0x2780  }
0x1e: {  	_ =	swait.ge [sflag:s15], $0x2780  }
0x1f: {  	s10 =	sadd.s32 $0x1, s10;
	s19 =	rddreg [dreg:$0x8]  }
0x20: {  	p1 =	sne.s32 s10, s19  }
.Ltmp1:
0x21: {  	_ = 	snop;
	(pc) =	sbr.rel @!p1 .LBB2_9-.Ltmp1, $3  }
0x22: {  	_ =	sdelay $0x1  }
0x23: {  	[sflag:s15] =	ssyncset.done $0x0  }
0x24: {  	s11 =	simm.s32 $0x13C00;
	[sflag:s15] =	ssyncadd.s32 $0xFFFFD880  }
.LBB2_1:
0x25: {  	s8 =	rddreg [dreg:$0x3]  }
0x26: {  	[spmem:s14], [sflag:s7] =	dma.local [hbm:s8], $0x2780  }
0x27: {  	_ =	swait.ge [sflag:s15], $0x2780  }
0x28: {  	[sflag:s15] =	ssyncset.done $0x0  }
0x29: {  	[sflag:s15] =	ssyncadd.s32 $0xFFFFD880  }
0x2a: {  	[bflag:$0x0] =	sbarrier.arrive $0xFFFF  }
0x2b: {  	s19 =	rddreg [dreg:$0x4]  }
0x2c: {  	[tilespmem:s11], [sflag:$0x1] =	stream.linear.gather [hbm4b:s19+s3], $0x100, $0x38;
	[tilespmem:$0x1C000] =	vst v63  }
0x2d: {  	s12 =	rddreg [dreg:$0x5]  }
0x2e: {  	[tilespmem:s17], [sflag:$0x2] =	stream.linear.gather [hbm4b:s12+s3], $0x100, $0x38;
	[tilespmem:$0x1C000] =	vst v63  }
.Ltmp2:
0x2f: {  	s16 =	rddreg [dreg:$0x6];
	s19 =	simm.s32 $0x1;
	(pc) =	sbr.rel @!p0 .LBB2_2-.Ltmp2, $4  }
0x30: {  	[tilespmem:s18], [sflag:$0x3] =	stream.linear.gather [hbm4b:s16+s3], $0x100, $0x38;
	[tilespmem:$0x1C000] =	vst v63  }
0x31: {  	_ =	swait.ge [sflag:s19], $0x100  }
0x32: {  	[sflag:s19] =	ssyncset.done $0x0  }
0x33: {  	[sflag:s19] =	ssyncadd.s32 $0xFFFFFF00  }
0x34: {  	[tilespmem:s21], [sflag:$0x5] =	stream.indirect.gather [hbm4b:s5+s20], $0x80, s11, s20, $0xb8;
	[tilespmem:$0x1C000] =	vst v63  }
0x35: {  	s11 =	simm.s32 $0x0  }
.LBB2_6:
0x36: {  	p1 =	seq.s32 s11, $0x0  }
0x37: {  	s8 =	simm.s32 @!p1 $0x8  }
0x38: {  	_ =	swait.ge @!p1 [sflag:s8], $0x4000  }
0x39: {  	[sflag:s8] =	ssyncset.done @!p1 $0x0  }
0x3a: {  	[sflag:s8] =	ssyncadd.s32 @!p1 $0xFFFFC000  }
0x3b: {  	_ =	swait.ge [sflag:s22], $0x100  }
0x3c: {  	[sflag:s22] =	ssyncset.done $0x0  }
0x3d: {  	[sflag:s22] =	ssyncadd.s32 $0xFFFFFF00  }
0x3e: {  	[tilespmem:s23], [sflag:$0x6] =	stream.indirect.gather [hbm4b:s5+s20], $0x80, s17, s20, $0xb8;
	[tilespmem:$0x1C000] =	vst v63  }
0x3f: {  	_ =	swait.ge [sflag:s24], $0x4000  }
0x40: {  	[sflag:s24] =	ssyncset.done $0x0  }
0x41: {  	s12 =	sadd.s32 s11, s13;
	[sflag:s24] =	ssyncadd.s32 $0xFFFFC000  }
0x42: {  	[spmem:s2] =	stream.indirect.scatter.add.f32 [tilespmem:s21], [sflag:$0x7], $0x80, s25, s20, $0xb8;
	[tilespmem:$0x1C000] =	vst v63  }
0x43: {  	s19 =	sadd.s32 $0x60, s12  }
0x44: {  	[tilespmem:s26], [sflag:$0x4] =	stream.linear.gather [hbm4b:s19+s3], $0x100, $0x38;
	[tilespmem:$0x1C000] =	vst v63  }
0x45: {  	_ =	swait.ge [sflag:s28], $0x4000  }
0x46: {  	[sflag:s28] =	ssyncset.done $0x0  }
0x47: {  	[sflag:s28] =	ssyncadd.s32 $0xFFFFC000  }
0x48: {  	_ =	swait.ge [sflag:s29], $0x100  }
0x49: {  	[sflag:s29] =	ssyncset.done $0x0  }
0x4a: {  	[sflag:s29] =	ssyncadd.s32 $0xFFFFFF00  }
0x4b: {  	[tilespmem:s21], [sflag:$0x5] =	stream.indirect.gather [hbm4b:s5+s20], $0x80, s18, s20, $0xb8;
	[tilespmem:$0x1C000] =	vst v63  }
0x4c: {  	_ =	swait.ge [sflag:s30], $0x4000  }
0x4d: {  	p1 =	seq.s32 s11, $0x980;
	[sflag:s30] =	ssyncset.done $0x0  }
0x4e: {  	s8 =	sadd.s32 @!p1 s11, s13;
	[sflag:s30] =	ssyncadd.s32 $0xFFFFC000  }
0x4f: {  	[spmem:s2] =	stream.indirect.scatter.add.f32 [tilespmem:s23], [sflag:$0x8], $0x80, s31, s20, $0xb8;
	[tilespmem:$0x1C000] =	vst v63  }
0x50: {  	s16 =	simm.s32 @!p1 $0x0;
	s8 =	sadd.s32 @!p1 $0x80, s8;
	s19 =	simm.s32 @!p1 $0x13C00  }
0x51: {  	[tilespmem:s19], [sflag:$0x1] =	stream.linear.gather @!p1 [hbm4b:s8+s16], $0x100, $0x38;
	[tilespmem:$0x1C000] =	vst v63  }
0x52: {  	_ =	swait.ge [sflag:s0], $0x4000  }
0x53: {  	[sflag:s0] =	ssyncset.done $0x0  }
0x54: {  	[sflag:s0] =	ssyncadd.s32 $0xFFFFC000  }
0x55: {  	_ =	swait.ge [sflag:s1], $0x100  }
0x56: {  	[sflag:s1] =	ssyncset.done $0x0  }
0x57: {  	[sflag:s1] =	ssyncadd.s32 $0xFFFFFF00  }
0x58: {  	[tilespmem:s23], [sflag:$0x6] =	stream.indirect.gather [hbm4b:s5+s20], $0x80, s26, s20, $0xb8;
	[tilespmem:$0x1C000] =	vst v63  }
0x59: {  	_ =	swait.ge [sflag:s24], $0x4000  }
0x5a: {  	p2 =	sne.s32 s11, $0x980;
	[sflag:s24] =	ssyncset.done $0x0  }
0x5b: {  	s8 =	sadd.s32 @p2 s11, s13;
	[sflag:s24] =	ssyncadd.s32 $0xFFFFC000  }
0x5c: {  	[spmem:s2] =	stream.indirect.scatter.add.f32 [tilespmem:s21], [sflag:$0x7], $0x80, s6, s20, $0xb8;
	[tilespmem:$0x1C000] =	vst v63  }
0x5d: {  	s16 =	simm.s32 @p2 $0x0;
	s19 =	simm.s32 @p2 $0x13D00;
	s8 =	sadd.s32 @p2 $0xA0, s8  }
0x5e: {  	[tilespmem:s19], [sflag:$0x2] =	stream.linear.gather @p2 [hbm4b:s8+s16], $0x100, $0x38;
	[tilespmem:$0x1C000] =	vst v63  }
0x5f: {  	s8 =	simm.s32 @p2 $0x7  }
0x60: {  	_ =	swait.ge @p2 [sflag:s8], $0x4000  }
0x61: {  	[sflag:s8] =	ssyncset.done @p2 $0x0  }
0x62: {  	[sflag:s8] =	ssyncadd.s32 @p2 $0xFFFFC000;
	s8 =	simm.s32 @p2 $0x1  }
0x63: {  	_ =	swait.ge @p2 [sflag:s8], $0x100  }
0x64: {  	s16 =	simm.s32 @p2 $0x13C00;
	[sflag:s8] =	ssyncset.done @p2 $0x0  }
0x65: {  	s19 =	simm.s32 @p2 $0x14000;
	[sflag:s8] =	ssyncadd.s32 @p2 $0xFFFFFF00;
	s8 =	simm.s32 @p2 $0x80  }
0x66: {  	[tilespmem:s19], [sflag:$0x5] =	stream.indirect.gather @p2 [hbm4b:s5+s8], $0x80, s16, s8, $0xb8;
	[tilespmem:$0x1C000] =	vst v63  }
0x67: {  	s8 =	simm.s32 @!p2 $0x7  }
0x68: {  	_ =	swait.ge @!p2 [sflag:s8], $0x4000  }
0x69: {  	[sflag:s8] =	ssyncset.done @!p2 $0x0  }
.Ltmp3:
0x6a: {  	[sflag:s8] =	ssyncadd.s32 @!p2 $0xFFFFC000;
	(pc) =	sbr.rel @p1 .LBB2_8-.Ltmp3, $4  }
0x6b: {  	_ =	swait.ge [sflag:s30], $0x4000  }
0x6c: {  	[sflag:s30] =	ssyncset.done $0x0  }
0x6d: {  	[sflag:s30] =	ssyncadd.s32 $0xFFFFC000  }
0x6e: {  	[spmem:s2] =	stream.indirect.scatter.add.f32 [tilespmem:s23], [sflag:$0x8], $0x80, s9, s20, $0xb8;
	[tilespmem:$0x1C000] =	vst v63  }
.Ltmp4:
0x6f: {  	(pc) =	sbr.rel .LBB2_6-.Ltmp4, $3  }
0x70: {  	_ =	sdelay $0x1  }
0x71: {  	s8 =	sadd.s32 $0xC0, s12;
	s11 =	sadd.s32 $0x80, s11  }
0x72: {  	[tilespmem:s18], [sflag:$0x3] =	stream.linear.gather [hbm4b:s8+s3], $0x100, $0x38;
	[tilespmem:$0x1C000] =	vst v63  }
.LBB2_2:
0x73: {  	[tilespmem:s21], [sflag:$0x5] =	stream.indirect.gather [hbm4b:s4+s20], $0x80, s11, s20, $0xb8;
	[tilespmem:$0x1C000] =	vst v63  }
0x74: {  	s11 =	simm.s32 $0x0  }
.LBB2_3:
0x75: {  	p1 =	seq.s32 s11, $0x0  }
0x76: {  	s12 =	simm.s32 @!p1 $0x8  }
0x77: {  	_ =	swait.ge @!p1 [sflag:s12], $0x4000  }
0x78: {  	[sflag:s12] =	ssyncset.done @!p1 $0x0  }
0x79: {  	[sflag:s12] =	ssyncadd.s32 @!p1 $0xFFFFC000  }
0x7a: {  	_ =	swait.ge [sflag:s22], $0x100  }
0x7b: {  	[sflag:s22] =	ssyncset.done $0x0  }
0x7c: {  	[sflag:s22] =	ssyncadd.s32 $0xFFFFFF00  }
0x7d: {  	[tilespmem:s23], [sflag:$0x6] =	stream.indirect.gather [hbm4b:s4+s20], $0x80, s17, s20, $0xb8;
	[tilespmem:$0x1C000] =	vst v63  }
0x7e: {  	_ =	swait.ge [sflag:s24], $0x4000  }
0x7f: {  	[sflag:s24] =	ssyncset.done $0x0  }
0x80: {  	s12 =	sadd.s32 s11, s13;
	[sflag:s24] =	ssyncadd.s32 $0xFFFFC000  }
0x81: {  	[spmem:s2] =	stream.indirect.scatter.add.f32 [tilespmem:s21], [sflag:$0x7], $0x80, s25, s20, $0xb8;
	[tilespmem:$0x1C000] =	vst v63  }
0x82: {  	s16 =	sadd.s32 $0x60, s12  }
0x83: {  	[tilespmem:s26], [sflag:$0x4] =	stream.linear.gather [hbm4b:s16+s3], $0x100, $0x38;
	[tilespmem:$0x1C000] =	vst v63  }
0x84: {  	_ =	swait.ge [sflag:s28], $0x4000  }
0x85: {  	[sflag:s28] =	ssyncset.done $0x0  }
0x86: {  	[sflag:s28] =	ssyncadd.s32 $0xFFFFC000  }
0x87: {  	_ =	swait.ge [sflag:s29], $0x100  }
0x88: {  	[sflag:s29] =	ssyncset.done $0x0  }
0x89: {  	[sflag:s29] =	ssyncadd.s32 $0xFFFFFF00  }
0x8a: {  	[tilespmem:s21], [sflag:$0x5] =	stream.indirect.gather [hbm4b:s4+s20], $0x80, s18, s20, $0xb8;
	[tilespmem:$0x1C000] =	vst v63  }
0x8b: {  	_ =	swait.ge [sflag:s30], $0x4000  }
0x8c: {  	p1 =	seq.s32 s11, $0x980;
	[sflag:s30] =	ssyncset.done $0x0  }
0x8d: {  	s16 =	sadd.s32 @!p1 s11, s13;
	[sflag:s30] =	ssyncadd.s32 $0xFFFFC000  }
0x8e: {  	[spmem:s2] =	stream.indirect.scatter.add.f32 [tilespmem:s23], [sflag:$0x8], $0x80, s31, s20, $0xb8;
	[tilespmem:$0x1C000] =	vst v63  }
0x8f: {  	s8 =	simm.s32 @!p1 $0x0;
	s19 =	simm.s32 @!p1 $0x13C00;
	s16 =	sadd.s32 @!p1 $0x80, s16  }
0x90: {  	[tilespmem:s19], [sflag:$0x1] =	stream.linear.gather @!p1 [hbm4b:s16+s8], $0x100, $0x38;
	[tilespmem:$0x1C000] =	vst v63  }
0x91: {  	_ =	swait.ge [sflag:s0], $0x4000  }
0x92: {  	[sflag:s0] =	ssyncset.done $0x0  }
0x93: {  	[sflag:s0] =	ssyncadd.s32 $0xFFFFC000  }
0x94: {  	_ =	swait.ge [sflag:s1], $0x100  }
0x95: {  	[sflag:s1] =	ssyncset.done $0x0  }
0x96: {  	[sflag:s1] =	ssyncadd.s32 $0xFFFFFF00  }
0x97: {  	[tilespmem:s23], [sflag:$0x6] =	stream.indirect.gather [hbm4b:s4+s20], $0x80, s26, s20, $0xb8;
	[tilespmem:$0x1C000] =	vst v63  }
0x98: {  	_ =	swait.ge [sflag:s24], $0x4000  }
0x99: {  	p2 =	sne.s32 s11, $0x980;
	[sflag:s24] =	ssyncset.done $0x0  }
0x9a: {  	s8 =	sadd.s32 @p2 s11, s13;
	[sflag:s24] =	ssyncadd.s32 $0xFFFFC000  }
0x9b: {  	[spmem:s2] =	stream.indirect.scatter.add.f32 [tilespmem:s21], [sflag:$0x7], $0x80, s6, s20, $0xb8;
	[tilespmem:$0x1C000] =	vst v63  }
0x9c: {  	s16 =	simm.s32 @p2 $0x0;
	s19 =	simm.s32 @p2 $0x13D00;
	s8 =	sadd.s32 @p2 $0xA0, s8  }
0x9d: {  	[tilespmem:s19], [sflag:$0x2] =	stream.linear.gather @p2 [hbm4b:s8+s16], $0x100, $0x38;
	[tilespmem:$0x1C000] =	vst v63  }
0x9e: {  	s8 =	simm.s32 @p2 $0x7  }
0x9f: {  	_ =	swait.ge @p2 [sflag:s8], $0x4000  }
0xa0: {  	[sflag:s8] =	ssyncset.done @p2 $0x0  }
0xa1: {  	[sflag:s8] =	ssyncadd.s32 @p2 $0xFFFFC000;
	s8 =	simm.s32 @p2 $0x1  }
0xa2: {  	_ =	swait.ge @p2 [sflag:s8], $0x100  }
0xa3: {  	s16 =	simm.s32 @p2 $0x13C00;
	[sflag:s8] =	ssyncset.done @p2 $0x0  }
0xa4: {  	s19 =	simm.s32 @p2 $0x14000;
	[sflag:s8] =	ssyncadd.s32 @p2 $0xFFFFFF00;
	s8 =	simm.s32 @p2 $0x80  }
0xa5: {  	[tilespmem:s19], [sflag:$0x5] =	stream.indirect.gather @p2 [hbm4b:s4+s8], $0x80, s16, s8, $0xb8;
	[tilespmem:$0x1C000] =	vst v63  }
0xa6: {  	s8 =	simm.s32 @!p2 $0x7  }
0xa7: {  	_ =	swait.ge @!p2 [sflag:s8], $0x4000  }
0xa8: {  	[sflag:s8] =	ssyncset.done @!p2 $0x0  }
.Ltmp5:
0xa9: {  	[sflag:s8] =	ssyncadd.s32 @!p2 $0xFFFFC000;
	(pc) =	sbr.rel @p1 .LBB2_8-.Ltmp5, $4  }
0xaa: {  	_ =	swait.ge [sflag:s30], $0x4000  }
0xab: {  	[sflag:s30] =	ssyncset.done $0x0  }
0xac: {  	[sflag:s30] =	ssyncadd.s32 $0xFFFFC000  }
0xad: {  	[spmem:s2] =	stream.indirect.scatter.add.f32 [tilespmem:s23], [sflag:$0x8], $0x80, s9, s20, $0xb8;
	[tilespmem:$0x1C000] =	vst v63  }
.Ltmp6:
0xae: {  	(pc) =	sbr.rel .LBB2_3-.Ltmp6, $3  }
0xaf: {  	_ =	sdelay $0x1  }
0xb0: {  	s8 =	sadd.s32 $0xC0, s12;
	s11 =	sadd.s32 $0x80, s11  }
0xb1: {  	[tilespmem:s18], [sflag:$0x3] =	stream.linear.gather [hbm4b:s8+s3], $0x100, $0x38;
	[tilespmem:$0x1C000] =	vst v63  }
.LBB2_9:
0xb2: {  	_ =	sfence.sel $0x180000  }
0xb3: {  	[bflag:$0x0] =	sbarrier.arrive $0xFFFF  }
0xb4: {  	_ =	strace $0x9000004A  }
0xb5: {  	s0 =	stileid.u32;
	[bflag:$0x2] =	sbarrier.arrive $0xFFFF  }
0xb6: {  	p0 =	sne.s32 s0, $0x0;
	s0 =	rddreg [dreg:$0x2]  }
0xb7: {  	s0 =	sadd.s32 @!p0 $0x100000, s0  }
0xb8: {  	[sflag:s0] =	ssyncadd.tile.s32 @!p0 $0x1;
	_ =	shalt  }
.Lfunc_end2:
_tile_overlayer_lowered:
.L_overlay_start_2:
0xb9: {  	(tag) =	ssettag $0x2  }
0xba: {  	s0 =	rddreg [dreg:$0x0];
	s2 =	stileid.u32  }
0xbb: {  	s1 =	rddreg [dreg:$0x1];
	p0 =	sne.s32 s2, $0x0  }
0xbc: {  	s3 =	rddreg [dreg:$0x2];
	[bflag:$0x3] =	sbarrier.arrive $0xFFFF;
	s2 =	simm.s32 @!p0 $0x1C09  }
0xbd: {  	[timem:s3], [sflag:s2] =	dma.local @!p0 [hbm:s0], s1  }
0xbe: {  	s0 =	simm.s32 @!p0 $0x9  }
0xbf: {  	_ =	swait.ge @!p0 [sflag:s0], s1  }
0xc0: {  	s1 =	ssub.s32 @!p0 $0x0, s1;
	[sflag:s0] =	ssyncset.done @!p0 $0x0  }
0xc1: {  	[sflag:s0] =	ssyncadd.s32 @!p0 s1  }
0xc2: {  	[bflag:$0x3] =	sbarrier.arrive $0xFFFF  }
0xc3: {  	_ =	shalt  }

// kernel: kernel.15.cloned.1.call-start
scs
__scs_entry_jumppad:
0x0: {  	(pc) =	sbr.rel $0x88, $3  }
0x1: {  	(tag) =	ssettag $0x0;
	lr =	simm.s32 $0x1  }
0x2: {  	[smem:$0x3F96] =	sst lr;
	_ =	strace $0xD0000000  }
0x3: {  	_ = 	snop  }
0x4: {  	_ = 	snop  }
0x5: {  	_ = 	snop  }
0x6: {  	_ = 	snop  }
0x7: {  	_ = 	snop  }
__scs_overlays_trampoline_lowered:
0x8: {  	[smem:$0x3FA5] =	sst s0  }
0x9: {  	[smem:$0x3FA6] =	sst s1  }
0xa: {  	[smem:$0x3FA7] =	sst s2  }
0xb: {  	[smem:$0x3FA8] =	sst s3  }
0xc: {  	[smem:$0x3FA9] =	sst s4  }
0xd: {  	[smem:$0x3FAA] =	sst s5  }
0xe: {  	[smem:$0x3FAB] =	sst s6  }
0xf: {  	[smem:$0x3FAC] =	sst s7  }
0x10: {  	[smem:$0x3FAD] =	sst s8  }
0x11: {  	[smem:$0x3FAE] =	sst s9;
	s0 =	simm.s32 @!p0 $0x0  }
0x12: {  	s1 =	sld [smem:$0x3F94];
	s0 =	simm.s32 @p0 $0x1  }
0x13: {  	[smem:$0x3FAF] =	sst s0;
	s0 =	simm.s32 @!p1 $0x0  }
0x14: {  	s2 =	sld [smem:$0x3F93];
	s0 =	simm.s32 @p1 $0x1  }
0x15: {  	[smem:$0x3FB0] =	sst s0;
	s0 =	simm.s32 @!p2 $0x0  }
0x16: {  	s3 =	sld [smem:$0x3FDB];
	s0 =	simm.s32 @p2 $0x1  }
0x17: {  	s4 =	simm.s32 $0x1BF5;
	[smem:$0x3FB2] =	sst s0  }
0x18: {  	s0 =	sld [smem:$0x3F95];
	_ =	swait.ge [sflag:s4], $0x0  }
0x19: {  	s7 =	sld [smem:$0x3F96]  }
0x1a: {  	s8 =	sadd.s32 $0xFFFFE003, lr  }
0x1b: {  	s9 =	sadd.s32 $0xFFFFFEF7, lr;
	s5 =	simm.s32 $0xFFFFFFFF;
	p2 =	slt.u32 s8, $0xFFFFF086  }
0x1c: {  	p1 =	slt.u32 s9, $0xF7A;
	s5 =	simm.s32 @!p2 $0x0  }
0x1d: {  	s5 =	simm.s32 @p1 $0x1;
	p0 =	seq.s32 s7, s2  }
0x1e: {  	s7 =	smul.u32 @!p0 $0xF7A, s2;
	p2 =	seq.s32 @!p0 s5, $0x0  }
0x1f: {  	s9 =	smul.u32 $0xF7A, s1;
	s8 =	simm.s32 @!p0 $0x1BF5;
	p2 =	por !p2, p0  }
0x20: {  	[sflag:s8] =	ssyncset.s32 @!p0 $0xFFFFF086;
	s6 =	sadd.s32 @!p0 s3, s7;
	s7 =	simm.s32 @!p0 $0x108  }
0x21: {  	s3 =	sadd.s32 s3, s9;
	s6 =	sadd.s32 @!p0 $0x88, s6;
	s7 =	simm.s32 @p2 $0x1082  }
0x22: {  	[simem:s7], [sflag:s8] =	dma.local @!p0 [hbm:s6], $0xF7A  }
0x23: {  	s9 =	sor.u32 $0xD0000000, s2;
	s6 =	simm.s32 $0x108;
	_ =	swait.ge @!p0 [sflag:s8], $0x0  }
0x24: {  	s3 =	sadd.s32 $0x88, s3;
	s6 =	simm.s32 @!p1 $0x1082;
	[sflag:s4] =	ssyncset.s32 $0xFFFFF086  }
0x25: {  	[simem:s6], [sflag:s4] =	dma.local [hbm:s3], $0xF7A  }
0x26: {  	[smem:$0x3F96] =	sst s1;
	(tag) =	ssettag s2;
	_ =	strace s9  }
0x27: {  	s1 =	sld [smem:$0x3FA6]  }
0x28: {  	s2 =	sld [smem:$0x3FA7]  }
0x29: {  	s4 =	sld [smem:$0x3FA9]  }
0x2a: {  	p0 =	seq.s32 s5, $0x0;
	s5 =	sld [smem:$0x3FAA]  }
0x2b: {  	s6 =	sld [smem:$0x3FAB]  }
0x2c: {  	s7 =	sld [smem:$0x3FAC]  }
0x2d: {  	s3 =	simm.s32 $0x108;
	s8 =	sld [smem:$0x3FAD]  }
0x2e: {  	s3 =	simm.s32 @!p0 $0x1082;
	s9 =	sld [smem:$0x3FAE]  }
0x2f: {  	lr =	sadd.s32 s0, s3;
	s0 =	sld [smem:$0x3FA5]  }
0x30: {  	s3 =	sld [smem:$0x3FA8]  }
0x31: {  	[smem:$0x3FB1] =	sst s10  }
0x32: {  	s10 =	sld [smem:$0x3FAF];
	_ =	sdelay $0x3  }
0x33: {  	p0 =	seq.s32 s10, $0x1;
	s10 =	sld [smem:$0x3FB1];
	_ =	sdelay $0x3  }
0x34: {  	[smem:$0x3FB1] =	sst s10  }
0x35: {  	s10 =	sld [smem:$0x3FB0];
	_ =	sdelay $0x3  }
0x36: {  	p1 =	seq.s32 s10, $0x1;
	s10 =	sld [smem:$0x3FB1];
	_ =	sdelay $0x3  }
0x37: {  	[smem:$0x3FB1] =	sst s10  }
0x38: {  	s10 =	sld [smem:$0x3FB2]  }
0x39: {  	_ = 	snop;
	(pc) =	sbr.ind lr, $3  }
0x3a: {  	_ = 	snop  }
0x3b: {  	_ = 	snop  }
0x3c: {  	p2 =	seq.s32 s10, $0x1;
	s10 =	sld [smem:$0x3FB1]  }
0x3d: {  	_ =	shalt  }
0x3e: {  	_ =	shalt  }
0x3f: {  	_ =	shalt  }
0x40: {  	_ =	shalt  }
0x41: {  	_ =	shalt  }
0x42: {  	_ =	shalt  }
0x43: {  	_ =	shalt  }
0x44: {  	_ =	shalt  }
0x45: {  	_ =	shalt  }
0x46: {  	_ =	shalt  }
0x47: {  	_ =	shalt  }
0x48: {  	_ =	shalt  }
0x49: {  	_ =	shalt  }
0x4a: {  	_ =	shalt  }
0x4b: {  	_ =	shalt  }
0x4c: {  	_ =	shalt  }
0x4d: {  	_ =	shalt  }
0x4e: {  	_ =	shalt  }
0x4f: {  	_ =	shalt  }
0x50: {  	_ =	shalt  }
0x51: {  	_ =	shalt  }
0x52: {  	_ =	shalt  }
0x53: {  	_ =	shalt  }
0x54: {  	_ =	shalt  }
0x55: {  	_ =	shalt  }
0x56: {  	_ =	shalt  }
0x57: {  	_ =	shalt  }
0x58: {  	_ =	shalt  }
0x59: {  	_ =	shalt  }
0x5a: {  	_ =	shalt  }
0x5b: {  	_ =	shalt  }
0x5c: {  	_ =	shalt  }
0x5d: {  	_ =	shalt  }
0x5e: {  	_ =	shalt  }
0x5f: {  	_ =	shalt  }
0x60: {  	_ =	shalt  }
0x61: {  	_ =	shalt  }
0x62: {  	_ =	shalt  }
0x63: {  	_ =	shalt  }
0x64: {  	_ =	shalt  }
0x65: {  	_ =	shalt  }
0x66: {  	_ =	shalt  }
0x67: {  	_ =	shalt  }
0x68: {  	_ =	shalt  }
0x69: {  	_ =	shalt  }
0x6a: {  	_ =	shalt  }
0x6b: {  	_ =	shalt  }
0x6c: {  	_ =	shalt  }
0x6d: {  	_ =	shalt  }
0x6e: {  	_ =	shalt  }
0x6f: {  	_ =	shalt  }
0x70: {  	_ =	shalt  }
0x71: {  	_ =	shalt  }
0x72: {  	_ =	shalt  }
0x73: {  	_ =	shalt  }
0x74: {  	_ =	shalt  }
0x75: {  	_ =	shalt  }
0x76: {  	_ =	shalt  }
0x77: {  	_ =	shalt  }
0x78: {  	_ =	shalt  }
0x79: {  	_ =	shalt  }
0x7a: {  	_ =	shalt  }
0x7b: {  	_ =	shalt  }
0x7c: {  	_ =	shalt  }
0x7d: {  	_ =	shalt  }
0x7e: {  	_ =	shalt  }
0x7f: {  	_ =	shalt  }
0x80: {  	_ =	shalt  }
0x81: {  	_ =	shalt  }
0x82: {  	_ =	shalt  }
0x83: {  	_ =	shalt  }
0x84: {  	_ =	shalt  }
0x85: {  	_ =	shalt  }
0x86: {  	_ =	shalt  }
0x87: {  	_ =	shalt  }
.Lfunc_end0:
.L_simem_size_0:
called_computation.2_lowered:
.L_overlay_start_0:
0x88: {  	s2 =	sld [smem:$0x3FD9]  }
0x89: {  	s3 =	sld [smem:$0x3FFE];
	_ =	sdelay $0x1  }
0x8a: {  	s1 =	srdreg.scid  }
0x8b: {  	s0 =	sand.u32 $0x1, s1  }
0x8c: {  	s16 =	sshll.u32 s0, $0xA;
	s2 =	sadd.s32 s3, s2  }
0x8d: {  	s2 =	sadd.s32 s2, s16  }
0x8e: {  	[smem:$0x3FBD] =	sst s2  }
0x8f: {  	_ = 	snop  }
0x90: {  	(tm) =	ssettm $0x1  }
0x91: {  	s17 =	sld [smem:$0x3FFB];
	_ =	sdelay $0x3  }
0x92: {  	_ =	strace s17  }
0x93: {  	s2 =	sld [smem:$0x3FFC];
	_ =	sdelay $0x3  }
0x94: {  	_ =	strace s2  }
0x95: {  	s2 =	sld [smem:$0x3FFD];
	_ =	sdelay $0x3  }
0x96: {  	_ =	strace s2  }
0x97: {  	_ =	strace $0x8FFFFFFF  }
0x98: {  	s18 =	sld [smem:$0x3FDB];
	_ =	sdelay $0x1  }
0x99: {  	s19 =	simm.s32 $_scs_section_size  }
0x9a: {  	s4 =	simm.s32 $_size__tile_overlayer_lowered;
	s5 =	simm.s32 $_tile_overlayer_lowered  }
0x9b: {  	s22 =	simm.s32 $0x1BFF;
	s21 =	sshll.u32 s5, $0x1;
	s2 =	sadd.s32 s19, s18  }
0x9c: {  	s6 =	simm.s32 $0x0;
	s20 =	sshll.u32 s4, $0x1;
	s4 =	sadd.s32 s21, s2  }
0x9d: {  	[timem:s6], [sflag:s22] =	dma.local [hbm:s4], s20  }
0x9e: {  	_ =	swait.ge [sflag:s22], s20  }
0x9f: {  	s3 =	ssub.s32 $0x0, s20;
	[sflag:s22] =	ssyncset.done $0x0  }
0xa0: {  	[sflag:s22] =	ssyncadd.s32 s3;
	_ =	sdelay $0x1  }
0xa1: {  	s23 =	simm.s32 $0x1B8B  }
0xa2: {  	_ =	swait.ge [sflag:s23], $0x1  }
0xa3: {  	[sflag:s23] =	ssyncset.done $0x0  }
0xa4: {  	s25 =	simm.s32 $0x1B8E;
	s24 =	sld [smem:$0x3FFE];
	[sflag:s23] =	ssyncadd.s32 $0xFFFFFFFF  }
0xa5: {  	s26 =	simm.s32 $execute0_lowered;
	[smem:$0x3FD2] =	sst s25  }
0xa6: {  	s4 =	sshll.u32 s26, $0x1;
	_ =	strace $0x8000004C;
	[dreg:$0x1] =	wrdreg $0xFFFFFFFF  }
0xa7: {  	s28 =	simm.s32 $_size_execute0_lowered;
	s2 =	sadd.s32 s2, s4;
	[dreg:$0x0] =	wrdreg $0x0  }
0xa8: {  	s4 =	sshll.u32 s28, $0x1;
	[dreg:$0x2] =	wrdreg s2  }
0xa9: {  	[dreg:$0x3] =	wrdreg s4  }
0xaa: {  	[dreg:$0x4] =	wrdreg $0xC0  }
0xab: {  	_ =	task [dreg:s6], $0x5FFFF  }
0xac: {  	[dreg:$0x1] =	wrdreg $0xFFFFFFFF  }
0xad: {  	[dreg:$0x0] =	wrdreg $0x60  }
0xae: {  	[dreg:$0x2] =	wrdreg s24  }
0xaf: {  	[dreg:$0x3] =	wrdreg $0x0  }
0xb0: {  	[dreg:$0x4] =	wrdreg $0x9  }
0xb1: {  	_ =	task.clear_ibuf [dreg:s6], $0x5FFFF;
	_ =	strace $0x9000004C  }
0xb2: {  	s29 =	simm.s32 $0x9;
	_ =	strace $0x8000004E  }
0xb3: {  	_ =	swait.ge [sflag:s29], $0x1  }
0xb4: {  	[sflag:s29] =	ssyncadd.s32 $0xFFFFFFFF  }
0xb5: {  	_ =	strace $0x9000004E  }
0xb6: {  	_ =	sfence  }
0xb7: {  	s30 =	sld [smem:$0x0];
	_ =	sdelay $0x2  }
0xb8: {  	s31 =	sshll.u32 s1, $0xD;
	s1 =	sshrl.u32 s1, $0x2  }
0xb9: {  	s3 =	sand.u32 $0x4000, s31;
	s1 =	sadd.s32 s1, s30  }
0xba: {  	s0 =	sor.u32 s3, s0;
	s1 =	sshll.u32 s1, $0x11  }
0xbb: {  	s0 =	sor.u32 s1, s0  }
0xbc: {  	s0 =	sadd.s32 $0x8F2B, s0  }
0xbd: {  	[sflag:s0] =	ssyncadd.remote.s32 $0x1  }
0xbe: {  	_ =	sfence.sel $0xFFFF  }
0xbf: {  	[dreg:$0x0] =	wrdreg $0xFFFFFFFF;
	(pc) =	sbr.abs _section_cstart, $3  }
0xc0: {  	[dreg:$0x1] =	wrdreg $0xFFFFFFFF  }
0xc1: {  	_ =	task.clear_ibuf [dreg:s6], $0x2FFFF;
	_ =	strace $0x9FFFFFFF  }
0xc2: {  	(tm) =	ssettm $0x7FFFFFFF  }
0xc3: {  	_ =	shalt  }
tec
execute0_lowered:
.L_overlay_start_1:
0x0: {  	(tag) =	ssettag $0x1  }
0x1: {  	s0 =	rddreg [dreg:$0x0]  }
0x2: {  	s2 =	rddreg [dreg:$0x1]  }
0x3: {  	s13 =	stileid.u32;
	s1 =	srdreg.scid;
	s3 =	simm.s32 $0x0  }
0x4: {  	s15 =	simm.s32 $0x9;
	s17 =	simm.s32 $0x13D00;
	s18 =	simm.s32 $0x13E00  }
0x5: {  	s20 =	simm.s32 $0x80;
	s28 =	simm.s32 $0x7;
	s29 =	simm.s32 $0x3  }
0x6: {  	s30 =	simm.s32 $0x6;
	s31 =	simm.s32 $0x13D80;
	s6 =	smul.u32 $0x13C00, s13  }
0x7: {  	s1 =	sand.u32 $0x1, s1;
	[smem:$0x7FF] =	sst s3;
	s8 =	smul.u32 $0x4F000, s13  }
0x8: {  	s4 =	sadd.s32 $0xA6200, s0;
	s5 =	sadd.s32 $0x30C00, s0;
	s11 =	smul.u32 $0x5000, s13  }
0x9: {  	s9 =	sadd.s32 $0xCDE00, s0;
	s22 =	sshll.u32 s13, $0x6;
	s24 =	smul.u32 $0xA00, s13  }
0xa: {  	s7 =	smul.u32 $0x13C000, s1;
	_ =	strace $0x8000004D;
	s21 =	ssub.s32 $0x2, s1  }
0xb: {  	p0 =	seq.s32 s1, $0x1;
	s1 =	simm.s32 $0x4;
	s10 =	sshrl.u32 s21, $0x1  }
0xc: {  	s8 =	sshrl.u32 s8, $0x2;
	s23 =	sshrl.u32 s11, $0x3;
	s13 =	sadd.s32 s24, s9  }
0xd: {  	s11 =	simm.s32 $0x13C00;
	s24 =	simm.s32 $0x5;
	s7 =	sadd.s32 s6, s7  }
0xe: {  	s6 =	sshrl.u32 s6, $0x3;
	s10 =	ssub.s32 s21, s10;
	s12 =	sadd.s32 s8, s2  }
0xf: {  	s21 =	simm.s32 $0x14000;
	s7 =	sshrl.u32 s7, $0x3;
	s6 =	sadd.s32 s6, s0  }
0x10: {  	s26 =	smax.u32 s10, $0x1;
	s14 =	sshrl.u32 s12, $0x3;
	s10 =	simm.s32 $0x0  }
0x11: {  	s0 =	sadd.s32 s7, s0;
	s6 =	sadd.s32 $0x9400, s6;
	s7 =	sor.u32 $0x1C09, s22  }
0x12: {  	[dreg:$0x8] =	wrdreg s26;
	s22 =	simm.s32 $0x2;
	s26 =	simm.s32 $0x13F00  }
.Ltmp0:
0x13: {  	[dreg:$0x3] =	wrdreg s6;
	s6 =	sadd.s32 s9, s23;
	(pc) =	sbr.rel .LBB2_1-.Ltmp0, $4  }
0x14: {  	s0 =	sadd.s32 $0xD7E00, s0;
	s23 =	simm.s32 $0x18000;
	[dreg:$0x4] =	wrdreg s6  }
0x15: {  	s9 =	simm.s32 $0x13F80;
	s25 =	sadd.s32 $0x20, s6;
	[dreg:$0x7] =	wrdreg s0  }
0x16: {  	s6 =	sadd.s32 $0x40, s6;
	s0 =	simm.s32 $0x8;
	[dreg:$0x5] =	wrdreg s25  }
0x17: {  	[dreg:$0x6] =	wrdreg s6;
	s25 =	simm.s32 $0x13C80;
	s6 =	simm.s32 $0x13E80  }
.LBB2_8:
0x18: {  	_ =	swait.ge [sflag:s0], $0x4000  }
0x19: {  	[sflag:s0] =	ssyncset.done $0x0  }
0x1a: {  	[sflag:s0] =	ssyncadd.s32 $0xFFFFC000  }
0x1b: {  	[bflag:$0x0] =	sbarrier.arrive $0xFFFF  }
0x1c: {  	s8 =	rddreg [dreg:$0x7]  }
0x1d: {  	[hbm:s8], [sflag:s7] =	dma.local [spmem:s14], $0x2780  }
0x1e: {  	_ =	swait.ge [sflag:s15], $0x2780  }
0x1f: {  	s10 =	sadd.s32 $0x1, s10;
	s19 =	rddreg [dreg:$0x8]  }
0x20: {  	p1 =	sne.s32 s10, s19  }
.Ltmp1:
0x21: {  	_ = 	snop;
	(pc) =	sbr.rel @!p1 .LBB2_9-.Ltmp1, $3  }
0x22: {  	_ =	sdelay $0x1  }
0x23: {  	[sflag:s15] =	ssyncset.done $0x0  }
0x24: {  	s11 =	simm.s32 $0x13C00;
	[sflag:s15] =	ssyncadd.s32 $0xFFFFD880  }
.LBB2_1:
0x25: {  	s8 =	rddreg [dreg:$0x3]  }
0x26: {  	[spmem:s14], [sflag:s7] =	dma.local [hbm:s8], $0x2780  }
0x27: {  	_ =	swait.ge [sflag:s15], $0x2780  }
0x28: {  	[sflag:s15] =	ssyncset.done $0x0  }
0x29: {  	[sflag:s15] =	ssyncadd.s32 $0xFFFFD880  }
0x2a: {  	[bflag:$0x0] =	sbarrier.arrive $0xFFFF  }
0x2b: {  	s19 =	rddreg [dreg:$0x4]  }
0x2c: {  	[tilespmem:s11], [sflag:$0x1] =	stream.linear.gather [hbm4b:s19+s3], $0x100, $0x38;
	[tilespmem:$0x1C000] =	vst v63  }
0x2d: {  	s12 =	rddreg [dreg:$0x5]  }
0x2e: {  	[tilespmem:s17], [sflag:$0x2] =	stream.linear.gather [hbm4b:s12+s3], $0x100, $0x38;
	[tilespmem:$0x1C000] =	vst v63  }
.Ltmp2:
0x2f: {  	s16 =	rddreg [dreg:$0x6];
	s19 =	simm.s32 $0x1;
	(pc) =	sbr.rel @!p0 .LBB2_2-.Ltmp2, $4  }
0x30: {  	[tilespmem:s18], [sflag:$0x3] =	stream.linear.gather [hbm4b:s16+s3], $0x100, $0x38;
	[tilespmem:$0x1C000] =	vst v63  }
0x31: {  	_ =	swait.ge [sflag:s19], $0x100  }
0x32: {  	[sflag:s19] =	ssyncset.done $0x0  }
0x33: {  	[sflag:s19] =	ssyncadd.s32 $0xFFFFFF00  }
0x34: {  	[tilespmem:s21], [sflag:$0x5] =	stream.indirect.gather [hbm4b:s5+s20], $0x80, s11, s20, $0xb8;
	[tilespmem:$0x1C000] =	vst v63  }
0x35: {  	s11 =	simm.s32 $0x0  }
.LBB2_6:
0x36: {  	p1 =	seq.s32 s11, $0x0  }
0x37: {  	s8 =	simm.s32 @!p1 $0x8  }
0x38: {  	_ =	swait.ge @!p1 [sflag:s8], $0x4000  }
0x39: {  	[sflag:s8] =	ssyncset.done @!p1 $0x0  }
0x3a: {  	[sflag:s8] =	ssyncadd.s32 @!p1 $0xFFFFC000  }
0x3b: {  	_ =	swait.ge [sflag:s22], $0x100  }
0x3c: {  	[sflag:s22] =	ssyncset.done $0x0  }
0x3d: {  	[sflag:s22] =	ssyncadd.s32 $0xFFFFFF00  }
0x3e: {  	[tilespmem:s23], [sflag:$0x6] =	stream.indirect.gather [hbm4b:s5+s20], $0x80, s17, s20, $0xb8;
	[tilespmem:$0x1C000] =	vst v63  }
0x3f: {  	_ =	swait.ge [sflag:s24], $0x4000  }
0x40: {  	[sflag:s24] =	ssyncset.done $0x0  }
0x41: {  	s12 =	sadd.s32 s11, s13;
	[sflag:s24] =	ssyncadd.s32 $0xFFFFC000  }
0x42: {  	[spmem:s2] =	stream.indirect.scatter.add.f32 [tilespmem:s21], [sflag:$0x7], $0x80, s25, s20, $0xb8;
	[tilespmem:$0x1C000] =	vst v63  }
0x43: {  	s19 =	sadd.s32 $0x60, s12  }
0x44: {  	[tilespmem:s26], [sflag:$0x4] =	stream.linear.gather [hbm4b:s19+s3], $0x100, $0x38;
	[tilespmem:$0x1C000] =	vst v63  }
0x45: {  	_ =	swait.ge [sflag:s28], $0x4000  }
0x46: {  	[sflag:s28] =	ssyncset.done $0x0  }
0x47: {  	[sflag:s28] =	ssyncadd.s32 $0xFFFFC000  }
0x48: {  	_ =	swait.ge [sflag:s29], $0x100  }
0x49: {  	[sflag:s29] =	ssyncset.done $0x0  }
0x4a: {  	[sflag:s29] =	ssyncadd.s32 $0xFFFFFF00  }
0x4b: {  	[tilespmem:s21], [sflag:$0x5] =	stream.indirect.gather [hbm4b:s5+s20], $0x80, s18, s20, $0xb8;
	[tilespmem:$0x1C000] =	vst v63  }
0x4c: {  	_ =	swait.ge [sflag:s30], $0x4000  }
0x4d: {  	p1 =	seq.s32 s11, $0x980;
	[sflag:s30] =	ssyncset.done $0x0  }
0x4e: {  	s8 =	sadd.s32 @!p1 s11, s13;
	[sflag:s30] =	ssyncadd.s32 $0xFFFFC000  }
0x4f: {  	[spmem:s2] =	stream.indirect.scatter.add.f32 [tilespmem:s23], [sflag:$0x8], $0x80, s31, s20, $0xb8;
	[tilespmem:$0x1C000] =	vst v63  }
0x50: {  	s16 =	simm.s32 @!p1 $0x0;
	s8 =	sadd.s32 @!p1 $0x80, s8;
	s19 =	simm.s32 @!p1 $0x13C00  }
0x51: {  	[tilespmem:s19], [sflag:$0x1] =	stream.linear.gather @!p1 [hbm4b:s8+s16], $0x100, $0x38;
	[tilespmem:$0x1C000] =	vst v63  }
0x52: {  	_ =	swait.ge [sflag:s0], $0x4000  }
0x53: {  	[sflag:s0] =	ssyncset.done $0x0  }
0x54: {  	[sflag:s0] =	ssyncadd.s32 $0xFFFFC000  }
0x55: {  	_ =	swait.ge [sflag:s1], $0x100  }
0x56: {  	[sflag:s1] =	ssyncset.done $0x0  }
0x57: {  	[sflag:s1] =	ssyncadd.s32 $0xFFFFFF00  }
0x58: {  	[tilespmem:s23], [sflag:$0x6] =	stream.indirect.gather [hbm4b:s5+s20], $0x80, s26, s20, $0xb8;
	[tilespmem:$0x1C000] =	vst v63  }
0x59: {  	_ =	swait.ge [sflag:s24], $0x4000  }
0x5a: {  	p2 =	sne.s32 s11, $0x980;
	[sflag:s24] =	ssyncset.done $0x0  }
0x5b: {  	s8 =	sadd.s32 @p2 s11, s13;
	[sflag:s24] =	ssyncadd.s32 $0xFFFFC000  }
0x5c: {  	[spmem:s2] =	stream.indirect.scatter.add.f32 [tilespmem:s21], [sflag:$0x7], $0x80, s6, s20, $0xb8;
	[tilespmem:$0x1C000] =	vst v63  }
0x5d: {  	s16 =	simm.s32 @p2 $0x0;
	s19 =	simm.s32 @p2 $0x13D00;
	s8 =	sadd.s32 @p2 $0xA0, s8  }
0x5e: {  	[tilespmem:s19], [sflag:$0x2] =	stream.linear.gather @p2 [hbm4b:s8+s16], $0x100, $0x38;
	[tilespmem:$0x1C000] =	vst v63  }
0x5f: {  	s8 =	simm.s32 @p2 $0x7  }
0x60: {  	_ =	swait.ge @p2 [sflag:s8], $0x4000  }
0x61: {  	[sflag:s8] =	ssyncset.done @p2 $0x0  }
0x62: {  	[sflag:s8] =	ssyncadd.s32 @p2 $0xFFFFC000;
	s8 =	simm.s32 @p2 $0x1  }
0x63: {  	_ =	swait.ge @p2 [sflag:s8], $0x100  }
0x64: {  	s16 =	simm.s32 @p2 $0x13C00;
	[sflag:s8] =	ssyncset.done @p2 $0x0  }
0x65: {  	s19 =	simm.s32 @p2 $0x14000;
	[sflag:s8] =	ssyncadd.s32 @p2 $0xFFFFFF00;
	s8 =	simm.s32 @p2 $0x80  }
0x66: {  	[tilespmem:s19], [sflag:$0x5] =	stream.indirect.gather @p2 [hbm4b:s5+s8], $0x80, s16, s8, $0xb8;
	[tilespmem:$0x1C000] =	vst v63  }
0x67: {  	s8 =	simm.s32 @!p2 $0x7  }
0x68: {  	_ =	swait.ge @!p2 [sflag:s8], $0x4000  }
0x69: {  	[sflag:s8] =	ssyncset.done @!p2 $0x0  }
.Ltmp3:
0x6a: {  	[sflag:s8] =	ssyncadd.s32 @!p2 $0xFFFFC000;
	(pc) =	sbr.rel @p1 .LBB2_8-.Ltmp3, $4  }
0x6b: {  	_ =	swait.ge [sflag:s30], $0x4000  }
0x6c: {  	[sflag:s30] =	ssyncset.done $0x0  }
0x6d: {  	[sflag:s30] =	ssyncadd.s32 $0xFFFFC000  }
0x6e: {  	[spmem:s2] =	stream.indirect.scatter.add.f32 [tilespmem:s23], [sflag:$0x8], $0x80, s9, s20, $0xb8;
	[tilespmem:$0x1C000] =	vst v63  }
.Ltmp4:
0x6f: {  	(pc) =	sbr.rel .LBB2_6-.Ltmp4, $3  }
0x70: {  	_ =	sdelay $0x1  }
0x71: {  	s8 =	sadd.s32 $0xC0, s12;
	s11 =	sadd.s32 $0x80, s11  }
0x72: {  	[tilespmem:s18], [sflag:$0x3] =	stream.linear.gather [hbm4b:s8+s3], $0x100, $0x38;
	[tilespmem:$0x1C000] =	vst v63  }
.LBB2_2:
0x73: {  	[tilespmem:s21], [sflag:$0x5] =	stream.indirect.gather [hbm4b:s4+s20], $0x80, s11, s20, $0xb8;
	[tilespmem:$0x1C000] =	vst v63  }
0x74: {  	s11 =	simm.s32 $0x0  }
.LBB2_3:
0x75: {  	p1 =	seq.s32 s11, $0x0  }
0x76: {  	s12 =	simm.s32 @!p1 $0x8  }
0x77: {  	_ =	swait.ge @!p1 [sflag:s12], $0x4000  }
0x78: {  	[sflag:s12] =	ssyncset.done @!p1 $0x0  }
0x79: {  	[sflag:s12] =	ssyncadd.s32 @!p1 $0xFFFFC000  }
0x7a: {  	_ =	swait.ge [sflag:s22], $0x100  }
0x7b: {  	[sflag:s22] =	ssyncset.done $0x0  }
0x7c: {  	[sflag:s22] =	ssyncadd.s32 $0xFFFFFF00  }
0x7d: {  	[tilespmem:s23], [sflag:$0x6] =	stream.indirect.gather [hbm4b:s4+s20], $0x80, s17, s20, $0xb8;
	[tilespmem:$0x1C000] =	vst v63  }
0x7e: {  	_ =	swait.ge [sflag:s24], $0x4000  }
0x7f: {  	[sflag:s24] =	ssyncset.done $0x0  }
0x80: {  	s12 =	sadd.s32 s11, s13;
	[sflag:s24] =	ssyncadd.s32 $0xFFFFC000  }
0x81: {  	[spmem:s2] =	stream.indirect.scatter.add.f32 [tilespmem:s21], [sflag:$0x7], $0x80, s25, s20, $0xb8;
	[tilespmem:$0x1C000] =	vst v63  }
0x82: {  	s16 =	sadd.s32 $0x60, s12  }
0x83: {  	[tilespmem:s26], [sflag:$0x4] =	stream.linear.gather [hbm4b:s16+s3], $0x100, $0x38;
	[tilespmem:$0x1C000] =	vst v63  }
0x84: {  	_ =	swait.ge [sflag:s28], $0x4000  }
0x85: {  	[sflag:s28] =	ssyncset.done $0x0  }
0x86: {  	[sflag:s28] =	ssyncadd.s32 $0xFFFFC000  }
0x87: {  	_ =	swait.ge [sflag:s29], $0x100  }
0x88: {  	[sflag:s29] =	ssyncset.done $0x0  }
0x89: {  	[sflag:s29] =	ssyncadd.s32 $0xFFFFFF00  }
0x8a: {  	[tilespmem:s21], [sflag:$0x5] =	stream.indirect.gather [hbm4b:s4+s20], $0x80, s18, s20, $0xb8;
	[tilespmem:$0x1C000] =	vst v63  }
0x8b: {  	_ =	swait.ge [sflag:s30], $0x4000  }
0x8c: {  	p1 =	seq.s32 s11, $0x980;
	[sflag:s30] =	ssyncset.done $0x0  }
0x8d: {  	s16 =	sadd.s32 @!p1 s11, s13;
	[sflag:s30] =	ssyncadd.s32 $0xFFFFC000  }
0x8e: {  	[spmem:s2] =	stream.indirect.scatter.add.f32 [tilespmem:s23], [sflag:$0x8], $0x80, s31, s20, $0xb8;
	[tilespmem:$0x1C000] =	vst v63  }
0x8f: {  	s8 =	simm.s32 @!p1 $0x0;
	s19 =	simm.s32 @!p1 $0x13C00;
	s16 =	sadd.s32 @!p1 $0x80, s16  }
0x90: {  	[tilespmem:s19], [sflag:$0x1] =	stream.linear.gather @!p1 [hbm4b:s16+s8], $0x100, $0x38;
	[tilespmem:$0x1C000] =	vst v63  }
0x91: {  	_ =	swait.ge [sflag:s0], $0x4000  }
0x92: {  	[sflag:s0] =	ssyncset.done $0x0  }
0x93: {  	[sflag:s0] =	ssyncadd.s32 $0xFFFFC000  }
0x94: {  	_ =	swait.ge [sflag:s1], $0x100  }
0x95: {  	[sflag:s1] =	ssyncset.done $0x0  }
0x96: {  	[sflag:s1] =	ssyncadd.s32 $0xFFFFFF00  }
0x97: {  	[tilespmem:s23], [sflag:$0x6] =	stream.indirect.gather [hbm4b:s4+s20], $0x80, s26, s20, $0xb8;
	[tilespmem:$0x1C000] =	vst v63  }
0x98: {  	_ =	swait.ge [sflag:s24], $0x4000  }
0x99: {  	p2 =	sne.s32 s11, $0x980;
	[sflag:s24] =	ssyncset.done $0x0  }
0x9a: {  	s8 =	sadd.s32 @p2 s11, s13;
	[sflag:s24] =	ssyncadd.s32 $0xFFFFC000  }
0x9b: {  	[spmem:s2] =	stream.indirect.scatter.add.f32 [tilespmem:s21], [sflag:$0x7], $0x80, s6, s20, $0xb8;
	[tilespmem:$0x1C000] =	vst v63  }
0x9c: {  	s16 =	simm.s32 @p2 $0x0;
	s19 =	simm.s32 @p2 $0x13D00;
	s8 =	sadd.s32 @p2 $0xA0, s8  }
0x9d: {  	[tilespmem:s19], [sflag:$0x2] =	stream.linear.gather @p2 [hbm4b:s8+s16], $0x100, $0x38;
	[tilespmem:$0x1C000] =	vst v63  }
0x9e: {  	s8 =	simm.s32 @p2 $0x7  }
0x9f: {  	_ =	swait.ge @p2 [sflag:s8], $0x4000  }
0xa0: {  	[sflag:s8] =	ssyncset.done @p2 $0x0  }
0xa1: {  	[sflag:s8] =	ssyncadd.s32 @p2 $0xFFFFC000;
	s8 =	simm.s32 @p2 $0x1  }
0xa2: {  	_ =	swait.ge @p2 [sflag:s8], $0x100  }
0xa3: {  	s16 =	simm.s32 @p2 $0x13C00;
	[sflag:s8] =	ssyncset.done @p2 $0x0  }
0xa4: {  	s19 =	simm.s32 @p2 $0x14000;
	[sflag:s8] =	ssyncadd.s32 @p2 $0xFFFFFF00;
	s8 =	simm.s32 @p2 $0x80  }
0xa5: {  	[tilespmem:s19], [sflag:$0x5] =	stream.indirect.gather @p2 [hbm4b:s4+s8], $0x80, s16, s8, $0xb8;
	[tilespmem:$0x1C000] =	vst v63  }
0xa6: {  	s8 =	simm.s32 @!p2 $0x7  }
0xa7: {  	_ =	swait.ge @!p2 [sflag:s8], $0x4000  }
0xa8: {  	[sflag:s8] =	ssyncset.done @!p2 $0x0  }
.Ltmp5:
0xa9: {  	[sflag:s8] =	ssyncadd.s32 @!p2 $0xFFFFC000;
	(pc) =	sbr.rel @p1 .LBB2_8-.Ltmp5, $4  }
0xaa: {  	_ =	swait.ge [sflag:s30], $0x4000  }
0xab: {  	[sflag:s30] =	ssyncset.done $0x0  }
0xac: {  	[sflag:s30] =	ssyncadd.s32 $0xFFFFC000  }
0xad: {  	[spmem:s2] =	stream.indirect.scatter.add.f32 [tilespmem:s23], [sflag:$0x8], $0x80, s9, s20, $0xb8;
	[tilespmem:$0x1C000] =	vst v63  }
.Ltmp6:
0xae: {  	(pc) =	sbr.rel .LBB2_3-.Ltmp6, $3  }
0xaf: {  	_ =	sdelay $0x1  }
0xb0: {  	s8 =	sadd.s32 $0xC0, s12;
	s11 =	sadd.s32 $0x80, s11  }
0xb1: {  	[tilespmem:s18], [sflag:$0x3] =	stream.linear.gather [hbm4b:s8+s3], $0x100, $0x38;
	[tilespmem:$0x1C000] =	vst v63  }
.LBB2_9:
0xb2: {  	_ =	sfence.sel $0x180000  }
0xb3: {  	[bflag:$0x0] =	sbarrier.arrive $0xFFFF  }
0xb4: {  	_ =	strace $0x9000004D  }
0xb5: {  	s0 =	stileid.u32;
	[bflag:$0x2] =	sbarrier.arrive $0xFFFF  }
0xb6: {  	p0 =	sne.s32 s0, $0x0;
	s0 =	rddreg [dreg:$0x2]  }
0xb7: {  	s0 =	sadd.s32 @!p0 $0x100000, s0  }
0xb8: {  	[sflag:s0] =	ssyncadd.tile.s32 @!p0 $0x1;
	_ =	shalt  }
.Lfunc_end2:
_tile_overlayer_lowered:
.L_overlay_start_2:
0xb9: {  	(tag) =	ssettag $0x2  }
0xba: {  	s0 =	rddreg [dreg:$0x0];
	s2 =	stileid.u32  }
0xbb: {  	s1 =	rddreg [dreg:$0x1];
	p0 =	sne.s32 s2, $0x0  }
0xbc: {  	s3 =	rddreg [dreg:$0x2];
	[bflag:$0x3] =	sbarrier.arrive $0xFFFF;
	s2 =	simm.s32 @!p0 $0x1C09  }
0xbd: {  	[timem:s3], [sflag:s2] =	dma.local @!p0 [hbm:s0], s1  }
0xbe: {  	s0 =	simm.s32 @!p0 $0x9  }
0xbf: {  	_ =	swait.ge @!p0 [sflag:s0], s1  }
0xc0: {  	s1 =	ssub.s32 @!p0 $0x0, s1;
	[sflag:s0] =	ssyncset.done @!p0 $0x0  }
0xc1: {  	[sflag:s0] =	ssyncadd.s32 @!p0 s1  }
0xc2: {  	[bflag:$0x3] =	sbarrier.arrive $0xFFFF  }
0xc3: {  	_ =	shalt  }

// kernel: kernel.9.cloned.1.call-start
scs
__scs_entry_jumppad:
0x0: {  	(pc) =	sbr.rel $0x88, $3  }
0x1: {  	(tag) =	ssettag $0x0;
	lr =	simm.s32 $0x1  }
0x2: {  	[smem:$0x3F96] =	sst lr;
	_ =	strace $0xD0000000  }
0x3: {  	_ = 	snop  }
0x4: {  	_ = 	snop  }
0x5: {  	_ = 	snop  }
0x6: {  	_ = 	snop  }
0x7: {  	_ = 	snop  }
__scs_overlays_trampoline_lowered:
0x8: {  	[smem:$0x3FA5] =	sst s0  }
0x9: {  	[smem:$0x3FA6] =	sst s1  }
0xa: {  	[smem:$0x3FA7] =	sst s2  }
0xb: {  	[smem:$0x3FA8] =	sst s3  }
0xc: {  	[smem:$0x3FA9] =	sst s4  }
0xd: {  	[smem:$0x3FAA] =	sst s5  }
0xe: {  	[smem:$0x3FAB] =	sst s6  }
0xf: {  	[smem:$0x3FAC] =	sst s7  }
0x10: {  	[smem:$0x3FAD] =	sst s8  }
0x11: {  	[smem:$0x3FAE] =	sst s9;
	s0 =	simm.s32 @!p0 $0x0  }
0x12: {  	s1 =	sld [smem:$0x3F94];
	s0 =	simm.s32 @p0 $0x1  }
0x13: {  	[smem:$0x3FAF] =	sst s0;
	s0 =	simm.s32 @!p1 $0x0  }
0x14: {  	s2 =	sld [smem:$0x3F93];
	s0 =	simm.s32 @p1 $0x1  }
0x15: {  	[smem:$0x3FB0] =	sst s0;
	s0 =	simm.s32 @!p2 $0x0  }
0x16: {  	s3 =	sld [smem:$0x3FDB];
	s0 =	simm.s32 @p2 $0x1  }
0x17: {  	s4 =	simm.s32 $0x1BF5;
	[smem:$0x3FB2] =	sst s0  }
0x18: {  	s0 =	sld [smem:$0x3F95];
	_ =	swait.ge [sflag:s4], $0x0  }
0x19: {  	s7 =	sld [smem:$0x3F96]  }
0x1a: {  	s8 =	sadd.s32 $0xFFFFE003, lr  }
0x1b: {  	s9 =	sadd.s32 $0xFFFFFEF7, lr;
	s5 =	simm.s32 $0xFFFFFFFF;
	p2 =	slt.u32 s8, $0xFFFFF086  }
0x1c: {  	p1 =	slt.u32 s9, $0xF7A;
	s5 =	simm.s32 @!p2 $0x0  }
0x1d: {  	s5 =	simm.s32 @p1 $0x1;
	p0 =	seq.s32 s7, s2  }
0x1e: {  	s7 =	smul.u32 @!p0 $0xF7A, s2;
	p2 =	seq.s32 @!p0 s5, $0x0  }
0x1f: {  	s9 =	smul.u32 $0xF7A, s1;
	s8 =	simm.s32 @!p0 $0x1BF5;
	p2 =	por !p2, p0  }
0x20: {  	[sflag:s8] =	ssyncset.s32 @!p0 $0xFFFFF086;
	s6 =	sadd.s32 @!p0 s3, s7;
	s7 =	simm.s32 @!p0 $0x108  }
0x21: {  	s3 =	sadd.s32 s3, s9;
	s6 =	sadd.s32 @!p0 $0x88, s6;
	s7 =	simm.s32 @p2 $0x1082  }
0x22: {  	[simem:s7], [sflag:s8] =	dma.local @!p0 [hbm:s6], $0xF7A  }
0x23: {  	s9 =	sor.u32 $0xD0000000, s2;
	s6 =	simm.s32 $0x108;
	_ =	swait.ge @!p0 [sflag:s8], $0x0  }
0x24: {  	s3 =	sadd.s32 $0x88, s3;
	s6 =	simm.s32 @!p1 $0x1082;
	[sflag:s4] =	ssyncset.s32 $0xFFFFF086  }
0x25: {  	[simem:s6], [sflag:s4] =	dma.local [hbm:s3], $0xF7A  }
0x26: {  	[smem:$0x3F96] =	sst s1;
	(tag) =	ssettag s2;
	_ =	strace s9  }
0x27: {  	s1 =	sld [smem:$0x3FA6]  }
0x28: {  	s2 =	sld [smem:$0x3FA7]  }
0x29: {  	s4 =	sld [smem:$0x3FA9]  }
0x2a: {  	p0 =	seq.s32 s5, $0x0;
	s5 =	sld [smem:$0x3FAA]  }
0x2b: {  	s6 =	sld [smem:$0x3FAB]  }
0x2c: {  	s7 =	sld [smem:$0x3FAC]  }
0x2d: {  	s3 =	simm.s32 $0x108;
	s8 =	sld [smem:$0x3FAD]  }
0x2e: {  	s3 =	simm.s32 @!p0 $0x1082;
	s9 =	sld [smem:$0x3FAE]  }
0x2f: {  	lr =	sadd.s32 s0, s3;
	s0 =	sld [smem:$0x3FA5]  }
0x30: {  	s3 =	sld [smem:$0x3FA8]  }
0x31: {  	[smem:$0x3FB1] =	sst s10  }
0x32: {  	s10 =	sld [smem:$0x3FAF];
	_ =	sdelay $0x3  }
0x33: {  	p0 =	seq.s32 s10, $0x1;
	s10 =	sld [smem:$0x3FB1];
	_ =	sdelay $0x3  }
0x34: {  	[smem:$0x3FB1] =	sst s10  }
0x35: {  	s10 =	sld [smem:$0x3FB0];
	_ =	sdelay $0x3  }
0x36: {  	p1 =	seq.s32 s10, $0x1;
	s10 =	sld [smem:$0x3FB1];
	_ =	sdelay $0x3  }
0x37: {  	[smem:$0x3FB1] =	sst s10  }
0x38: {  	s10 =	sld [smem:$0x3FB2]  }
0x39: {  	_ = 	snop;
	(pc) =	sbr.ind lr, $3  }
0x3a: {  	_ = 	snop  }
0x3b: {  	_ = 	snop  }
0x3c: {  	p2 =	seq.s32 s10, $0x1;
	s10 =	sld [smem:$0x3FB1]  }
0x3d: {  	_ =	shalt  }
0x3e: {  	_ =	shalt  }
0x3f: {  	_ =	shalt  }
0x40: {  	_ =	shalt  }
0x41: {  	_ =	shalt  }
0x42: {  	_ =	shalt  }
0x43: {  	_ =	shalt  }
0x44: {  	_ =	shalt  }
0x45: {  	_ =	shalt  }
0x46: {  	_ =	shalt  }
0x47: {  	_ =	shalt  }
0x48: {  	_ =	shalt  }
0x49: {  	_ =	shalt  }
0x4a: {  	_ =	shalt  }
0x4b: {  	_ =	shalt  }
0x4c: {  	_ =	shalt  }
0x4d: {  	_ =	shalt  }
0x4e: {  	_ =	shalt  }
0x4f: {  	_ =	shalt  }
0x50: {  	_ =	shalt  }
0x51: {  	_ =	shalt  }
0x52: {  	_ =	shalt  }
0x53: {  	_ =	shalt  }
0x54: {  	_ =	shalt  }
0x55: {  	_ =	shalt  }
0x56: {  	_ =	shalt  }
0x57: {  	_ =	shalt  }
0x58: {  	_ =	shalt  }
0x59: {  	_ =	shalt  }
0x5a: {  	_ =	shalt  }
0x5b: {  	_ =	shalt  }
0x5c: {  	_ =	shalt  }
0x5d: {  	_ =	shalt  }
0x5e: {  	_ =	shalt  }
0x5f: {  	_ =	shalt  }
0x60: {  	_ =	shalt  }
0x61: {  	_ =	shalt  }
0x62: {  	_ =	shalt  }
0x63: {  	_ =	shalt  }
0x64: {  	_ =	shalt  }
0x65: {  	_ =	shalt  }
0x66: {  	_ =	shalt  }
0x67: {  	_ =	shalt  }
0x68: {  	_ =	shalt  }
0x69: {  	_ =	shalt  }
0x6a: {  	_ =	shalt  }
0x6b: {  	_ =	shalt  }
0x6c: {  	_ =	shalt  }
0x6d: {  	_ =	shalt  }
0x6e: {  	_ =	shalt  }
0x6f: {  	_ =	shalt  }
0x70: {  	_ =	shalt  }
0x71: {  	_ =	shalt  }
0x72: {  	_ =	shalt  }
0x73: {  	_ =	shalt  }
0x74: {  	_ =	shalt  }
0x75: {  	_ =	shalt  }
0x76: {  	_ =	shalt  }
0x77: {  	_ =	shalt  }
0x78: {  	_ =	shalt  }
0x79: {  	_ =	shalt  }
0x7a: {  	_ =	shalt  }
0x7b: {  	_ =	shalt  }
0x7c: {  	_ =	shalt  }
0x7d: {  	_ =	shalt  }
0x7e: {  	_ =	shalt  }
0x7f: {  	_ =	shalt  }
0x80: {  	_ =	shalt  }
0x81: {  	_ =	shalt  }
0x82: {  	_ =	shalt  }
0x83: {  	_ =	shalt  }
0x84: {  	_ =	shalt  }
0x85: {  	_ =	shalt  }
0x86: {  	_ =	shalt  }
0x87: {  	_ =	shalt  }
.Lfunc_end0:
.L_simem_size_0:
called_computation_lowered:
.L_overlay_start_0:
0x88: {  	s2 =	sld [smem:$0x3FD9]  }
0x89: {  	s3 =	sld [smem:$0x3FFE];
	_ =	sdelay $0x1  }
0x8a: {  	s1 =	srdreg.scid  }
0x8b: {  	s0 =	sand.u32 $0x1, s1  }
0x8c: {  	s17 =	sshll.u32 s0, $0xA;
	s2 =	sadd.s32 s3, s2  }
0x8d: {  	s2 =	sadd.s32 s2, s17  }
0x8e: {  	[smem:$0x3FBD] =	sst s2  }
0x8f: {  	_ = 	snop  }
0x90: {  	s2 =	sld [smem:$0x3FD0];
	(tm) =	ssettm $0x1  }
0x91: {  	s18 =	sld [smem:$0x3FFB];
	_ =	sdelay $0x3  }
0x92: {  	_ =	strace s18  }
0x93: {  	s3 =	sld [smem:$0x3FFC];
	_ =	sdelay $0x3  }
0x94: {  	_ =	strace s3  }
0x95: {  	s3 =	sld [smem:$0x3FFD];
	_ =	sdelay $0x3  }
0x96: {  	_ =	strace s3  }
0x97: {  	_ =	strace $0x8FFFFFFF  }
0x98: {  	s19 =	sld [smem:$0x3FDB];
	_ =	sdelay $0x1  }
0x99: {  	s4 =	simm.s32 $_scs_section_size  }
0x9a: {  	s5 =	simm.s32 $_size__tile_overlayer_lowered;
	s6 =	simm.s32 $_tile_overlayer_lowered  }
0x9b: {  	s22 =	simm.s32 $0x1BFF;
	s21 =	sshll.u32 s6, $0x1;
	s3 =	sadd.s32 s4, s19  }
0x9c: {  	s7 =	simm.s32 $0x0;
	s20 =	sshll.u32 s5, $0x1;
	s5 =	sadd.s32 s21, s3  }
0x9d: {  	[timem:s7], [sflag:s22] =	dma.local [hbm:s5], s20  }
0x9e: {  	_ =	swait.ge [sflag:s22], s20  }
0x9f: {  	s4 =	ssub.s32 $0x0, s20;
	[sflag:s22] =	ssyncset.done $0x0  }
0xa0: {  	[sflag:s22] =	ssyncadd.s32 s4;
	_ =	sdelay $0x1  }
0xa1: {  	s23 =	simm.s32 $0x1B8B  }
0xa2: {  	_ =	swait.ge [sflag:s23], $0x1  }
0xa3: {  	[sflag:s23] =	ssyncset.done $0x0  }
0xa4: {  	s25 =	simm.s32 $0x1B8E;
	s24 =	sld [smem:$0x3FFE];
	[sflag:s23] =	ssyncadd.s32 $0xFFFFFFFF  }
0xa5: {  	s26 =	simm.s32 $execute0_lowered;
	[smem:$0x3FD2] =	sst s25  }
0xa6: {  	s5 =	sshll.u32 s26, $0x1;
	_ =	strace $0x80000046;
	[dreg:$0x1] =	wrdreg $0xFFFFFFFF  }
0xa7: {  	s28 =	simm.s32 $_size_execute0_lowered;
	s3 =	sadd.s32 s3, s5;
	[dreg:$0x0] =	wrdreg $0x0  }
0xa8: {  	s5 =	sshll.u32 s28, $0x1;
	[dreg:$0x2] =	wrdreg s3  }
0xa9: {  	[dreg:$0x3] =	wrdreg s5  }
0xaa: {  	[dreg:$0x4] =	wrdreg $0xC0  }
0xab: {  	_ =	task [dreg:s7], $0x5FFFF  }
0xac: {  	[dreg:$0x1] =	wrdreg $0xFFFFFFFF  }
0xad: {  	[dreg:$0x0] =	wrdreg $0x60  }
0xae: {  	[dreg:$0x2] =	wrdreg s24  }
0xaf: {  	[dreg:$0x3] =	wrdreg s2  }
0xb0: {  	[dreg:$0x4] =	wrdreg $0x0  }
0xb1: {  	[dreg:$0x5] =	wrdreg $0x9  }
0xb2: {  	_ =	task.clear_ibuf [dreg:s7], $0x6FFFF;
	_ =	strace $0x90000046  }
0xb3: {  	s29 =	simm.s32 $0x9;
	_ =	strace $0x80000048  }
0xb4: {  	_ =	swait.ge [sflag:s29], $0x1  }
0xb5: {  	[sflag:s29] =	ssyncadd.s32 $0xFFFFFFFF  }
0xb6: {  	_ =	strace $0x90000048  }
0xb7: {  	_ =	sfence  }
0xb8: {  	s30 =	sld [smem:$0x0];
	_ =	sdelay $0x2  }
0xb9: {  	s31 =	sshll.u32 s1, $0xD;
	s1 =	sshrl.u32 s1, $0x2  }
0xba: {  	s3 =	sand.u32 $0x4000, s31;
	s1 =	sadd.s32 s1, s30  }
0xbb: {  	s0 =	sor.u32 s3, s0;
	s1 =	sshll.u32 s1, $0x11  }
0xbc: {  	s0 =	sor.u32 s1, s0  }
0xbd: {  	s0 =	sadd.s32 $0x8F2B, s0  }
0xbe: {  	[sflag:s0] =	ssyncadd.remote.s32 $0x1  }
0xbf: {  	_ =	sfence.sel $0xFFFF  }
0xc0: {  	[dreg:$0x0] =	wrdreg $0xFFFFFFFF;
	(pc) =	sbr.abs _section_cstart, $3  }
0xc1: {  	[dreg:$0x1] =	wrdreg $0xFFFFFFFF  }
0xc2: {  	_ =	task.clear_ibuf [dreg:s7], $0x2FFFF;
	_ =	strace $0x9FFFFFFF  }
0xc3: {  	(tm) =	ssettm $0x7FFFFFFF  }
tec
execute0_lowered:
.L_overlay_start_1:
0x0: {  	(tag) =	ssettag $0x1  }
0x1: {  	s1 =	rddreg [dreg:$0x0]  }
0x2: {  	s0 =	srdreg.scid;
	s2 =	rddreg [dreg:$0x1]  }
0x3: {  	s10 =	stileid.u32;
	s6 =	rddreg [dreg:$0x2]  }
0x4: {  	s9 =	simm.s32 $0x0;
	s25 =	simm.s32 $0x13C80;
	[dreg:$0x4] =	wrdreg s2  }
0x5: {  	s26 =	simm.s32 $0x13D00;
	s7 =	simm.s32 $0x13F80;
	[smem:$0x7FF] =	sst s9  }
0x6: {  	s11 =	simm.s32 $0x14000;
	_ =	strace $0x80000047;
	[dreg:$0x8] =	wrdreg s25  }
0x7: {  	s13 =	simm.s32 $0x14080;
	s14 =	simm.s32 $0x14100;
	[dreg:$0x9] =	wrdreg s26  }
0x8: {  	s16 =	simm.s32 $0x14180;
	s18 =	simm.s32 $0x14200;
	[dreg:$0xe] =	wrdreg s7  }
0x9: {  	s19 =	simm.s32 $0x14280;
	s31 =	simm.s32 $0x13C00;
	[dreg:$0xf] =	wrdreg s11  }
0xa: {  	s20 =	simm.s32 $0x14300;
	p0 =	por $0x0, $0x0;
	[dreg:$0x10] =	wrdreg s13  }
0xb: {  	s28 =	simm.s32 $0x14E00;
	s29 =	simm.s32 $0x14E80;
	[dreg:$0x11] =	wrdreg s14  }
0xc: {  	s30 =	simm.s32 $0x14F00;
	s22 =	smul.u32 $0x13C00, s10;
	[dreg:$0x12] =	wrdreg s16  }
0xd: {  	s0 =	sand.u32 $0x1, s0;
	s12 =	smul.u32 $0x4F000, s10;
	[dreg:$0x13] =	wrdreg s18  }
0xe: {  	s3 =	sshll.u32 s0, $0x4;
	s4 =	smul.u32 $0x13C000, s0;
	[dreg:$0x14] =	wrdreg s19  }
0xf: {  	s0 =	ssub.s32 $0x2, s0;
	[dreg:$0x15] =	wrdreg s20;
	s7 =	simm.s32 $0x15000  }
0x10: {  	s25 =	simm.s32 $0x14500;
	s26 =	simm.s32 $0x14580;
	s13 =	simm.s32 $0x14700  }
0x11: {  	s14 =	simm.s32 $0x14780;
	s16 =	simm.s32 $0x14880;
	s18 =	simm.s32 $0x14980  }
0x12: {  	s19 =	simm.s32 $0x14A00;
	s20 =	simm.s32 $0x14A80;
	s11 =	simm.s32 $0x14F80  }
0x13: {  	s21 =	sor.u32 s10, s3;
	s5 =	sshrl.u32 s22, $0x3;
	[dreg:$0x19] =	wrdreg s25  }
0x14: {  	s8 =	sshrl.u32 s0, $0x1;
	s15 =	sshrl.u32 s12, $0x2;
	[dreg:$0x1a] =	wrdreg s26  }
0x15: {  	s12 =	simm.s32 $0x14680;
	s25 =	simm.s32 $0x14D00;
	s26 =	simm.s32 $0x14D80  }
0x16: {  	s2 =	smul.u32 $0x280, s21;
	s3 =	sadd.s32 s22, s4;
	s23 =	sadd.s32 s5, s1  }
0x17: {  	s4 =	simm.s32 $0x13E80;
	s5 =	simm.s32 $0x13F00;
	s0 =	ssub.s32 s0, s8  }
0x18: {  	s17 =	sadd.s32 s15, s6;
	s21 =	simm.s32 $0x14380;
	s22 =	simm.s32 $0x14400  }
0x19: {  	s8 =	simm.s32 $0x80;
	s15 =	simm.s32 $0x14800;
	[dreg:$0xc] =	wrdreg s4  }
0x1a: {  	s3 =	sshrl.u32 s3, $0x3;
	s24 =	sadd.s32 $0x9400, s23;
	[dreg:$0xd] =	wrdreg s5  }
0x1b: {  	s0 =	smax.u32 s0, $0x1;
	[dreg:$0x16] =	wrdreg s21;
	s23 =	sshll.u32 s10, $0x6  }
0x1c: {  	[dreg:$0x17] =	wrdreg s22;
	s4 =	sshrl.u32 s17, $0x3;
	s17 =	simm.s32 $0x14900  }
0x1d: {  	s21 =	simm.s32 $0x14B00;
	s22 =	simm.s32 $0x14B80;
	s2 =	sadd.s32 s2, s1  }
0x1e: {  	s1 =	sadd.s32 s3, s1;
	[dreg:$0x6] =	wrdreg s24;
	s3 =	simm.s32 $0x13E00  }
0x1f: {  	s24 =	simm.s32 $0x14480;
	p1 =	sne.s32 s0, $0x1;
	[dreg:$0xb] =	wrdreg s3  }
.Ltmp0:
0x20: {  	s2 =	sadd.s32 $0x4400, s2;
	[dreg:$0x18] =	wrdreg s24;
	(pc) =	sbr.rel @!p1 .LBB2_1-.Ltmp0, $4  }
0x21: {  	s5 =	simm.s32 $0x1;
	s1 =	sadd.s32 $0x30C00, s1;
	[dreg:$0x5] =	wrdreg s2  }
0x22: {  	s3 =	sor.u32 $0x1C02, s23;
	[dreg:$0x7] =	wrdreg s1;
	s2 =	simm.s32 $0x13D80  }
0x23: {  	s23 =	simm.s32 $0x14C00;
	s24 =	simm.s32 $0x14C80;
	[dreg:$0xa] =	wrdreg s2  }
0x24: {  	s1 =	sadd.s32 $0xFFFFFFFF, s0;
	s2 =	simm.s32 $0x2;
	s0 =	rddreg [dreg:$0x5]  }
0x25: {  	[tilespmem:s31], [sflag:$0x2] =	stream.linear.gather [hbm4b:s0+s9], $0x1400, $0x38;
	[tilespmem:$0x19000] =	vst v63  }
0x26: {  	_ =	swait.ge [sflag:s2], $0x1400  }
0x27: {  	[sflag:s2] =	ssyncset.done $0x0  }
0x28: {  	s10 =	rddreg [dreg:$0x4];
	[sflag:s2] =	ssyncadd.s32 $0xFFFFEC00  }
0x29: {  	[tilespmem:s7], [sflag:$0x2] =	stream.linear.gather [hbm4b:s10+s9], $0x4000, $0x38;
	[tilespmem:$0x19000] =	vst v63  }
0x2a: {  	_ =	swait.ge [sflag:s2], $0x4000  }
0x2b: {  	[sflag:s2] =	ssyncset.done $0x0  }
0x2c: {  	s10 =	rddreg [dreg:$0x6];
	[sflag:s2] =	ssyncadd.s32 $0xFFFFC000  }
0x2d: {  	[spmem:s4], [sflag:s3] =	dma.local [hbm:s10], $0x2780  }
0x2e: {  	_ =	swait.ge [sflag:s2], $0x2780  }
0x2f: {  	[sflag:s2] =	ssyncset.done $0x0  }
0x30: {  	[sflag:s2] =	ssyncadd.s32 $0xFFFFD880  }
0x31: {  	[bflag:$0x0] =	sbarrier.arrive $0xFFFF  }
0x32: {  	[spmem:s6] =	stream.indirect.scatter.add.f32 [tilespmem:s7], [sflag:$0x1], $0x80, s31, s8, $0xb8;
	[tilespmem:$0x19000] =	vst v63  }
0x33: {  	s0 =	rddreg [dreg:$0x8]  }
0x34: {  	[spmem:s6] =	stream.indirect.scatter.add.f32 [tilespmem:s7], [sflag:$0x1], $0x80, s0, s8, $0xb8;
	[tilespmem:$0x19000] =	vst v63  }
0x35: {  	s10 =	smov.u32 s1;
	s1 =	rddreg [dreg:$0x9]  }
0x36: {  	[spmem:s6] =	stream.indirect.scatter.add.f32 [tilespmem:s7], [sflag:$0x1], $0x80, s1, s8, $0xb8;
	[tilespmem:$0x19000] =	vst v63  }
0x37: {  	s0 =	rddreg [dreg:$0xa]  }
0x38: {  	[spmem:s6] =	stream.indirect.scatter.add.f32 [tilespmem:s7], [sflag:$0x1], $0x80, s0, s8, $0xb8;
	[tilespmem:$0x19000] =	vst v63  }
0x39: {  	s1 =	rddreg [dreg:$0xb]  }
0x3a: {  	[spmem:s6] =	stream.indirect.scatter.add.f32 [tilespmem:s7], [sflag:$0x1], $0x80, s1, s8, $0xb8;
	[tilespmem:$0x19000] =	vst v63  }
0x3b: {  	s0 =	rddreg [dreg:$0xc]  }
0x3c: {  	[spmem:s6] =	stream.indirect.scatter.add.f32 [tilespmem:s7], [sflag:$0x1], $0x80, s0, s8, $0xb8;
	[tilespmem:$0x19000] =	vst v63  }
0x3d: {  	s1 =	rddreg [dreg:$0xd]  }
0x3e: {  	[spmem:s6] =	stream.indirect.scatter.add.f32 [tilespmem:s7], [sflag:$0x1], $0x80, s1, s8, $0xb8;
	[tilespmem:$0x19000] =	vst v63  }
0x3f: {  	s0 =	rddreg [dreg:$0xe]  }
0x40: {  	[spmem:s6] =	stream.indirect.scatter.add.f32 [tilespmem:s7], [sflag:$0x1], $0x80, s0, s8, $0xb8;
	[tilespmem:$0x19000] =	vst v63  }
0x41: {  	s1 =	rddreg [dreg:$0xf]  }
0x42: {  	[spmem:s6] =	stream.indirect.scatter.add.f32 [tilespmem:s7], [sflag:$0x1], $0x80, s1, s8, $0xb8;
	[tilespmem:$0x19000] =	vst v63  }
0x43: {  	s0 =	rddreg [dreg:$0x10]  }
0x44: {  	[spmem:s6] =	stream.indirect.scatter.add.f32 [tilespmem:s7], [sflag:$0x1], $0x80, s0, s8, $0xb8;
	[tilespmem:$0x19000] =	vst v63  }
0x45: {  	s1 =	rddreg [dreg:$0x11]  }
0x46: {  	[spmem:s6] =	stream.indirect.scatter.add.f32 [tilespmem:s7], [sflag:$0x1], $0x80, s1, s8, $0xb8;
	[tilespmem:$0x19000] =	vst v63  }
0x47: {  	s0 =	rddreg [dreg:$0x12]  }
0x48: {  	[spmem:s6] =	stream.indirect.scatter.add.f32 [tilespmem:s7], [sflag:$0x1], $0x80, s0, s8, $0xb8;
	[tilespmem:$0x19000] =	vst v63  }
0x49: {  	s1 =	rddreg [dreg:$0x13]  }
0x4a: {  	[spmem:s6] =	stream.indirect.scatter.add.f32 [tilespmem:s7], [sflag:$0x1], $0x80, s1, s8, $0xb8;
	[tilespmem:$0x19000] =	vst v63  }
0x4b: {  	s0 =	rddreg [dreg:$0x14]  }
0x4c: {  	[spmem:s6] =	stream.indirect.scatter.add.f32 [tilespmem:s7], [sflag:$0x1], $0x80, s0, s8, $0xb8;
	[tilespmem:$0x19000] =	vst v63  }
0x4d: {  	s1 =	rddreg [dreg:$0x15]  }
0x4e: {  	[spmem:s6] =	stream.indirect.scatter.add.f32 [tilespmem:s7], [sflag:$0x1], $0x80, s1, s8, $0xb8;
	[tilespmem:$0x19000] =	vst v63  }
0x4f: {  	s0 =	rddreg [dreg:$0x16]  }
0x50: {  	[spmem:s6] =	stream.indirect.scatter.add.f32 [tilespmem:s7], [sflag:$0x1], $0x80, s0, s8, $0xb8;
	[tilespmem:$0x19000] =	vst v63  }
0x51: {  	s1 =	rddreg [dreg:$0x17]  }
0x52: {  	[spmem:s6] =	stream.indirect.scatter.add.f32 [tilespmem:s7], [sflag:$0x1], $0x80, s1, s8, $0xb8;
	[tilespmem:$0x19000] =	vst v63  }
0x53: {  	s0 =	rddreg [dreg:$0x18]  }
0x54: {  	[spmem:s6] =	stream.indirect.scatter.add.f32 [tilespmem:s7], [sflag:$0x1], $0x80, s0, s8, $0xb8;
	[tilespmem:$0x19000] =	vst v63  }
0x55: {  	s1 =	rddreg [dreg:$0x19]  }
0x56: {  	[spmem:s6] =	stream.indirect.scatter.add.f32 [tilespmem:s7], [sflag:$0x1], $0x80, s1, s8, $0xb8;
	[tilespmem:$0x19000] =	vst v63  }
0x57: {  	s0 =	rddreg [dreg:$0x1a]  }
0x58: {  	[spmem:s6] =	stream.indirect.scatter.add.f32 [tilespmem:s7], [sflag:$0x1], $0x80, s0, s8, $0xb8;
	[tilespmem:$0x19000] =	vst v63  }
0x59: {  	s1 =	simm.s32 $0x14600  }
0x5a: {  	[spmem:s6] =	stream.indirect.scatter.add.f32 [tilespmem:s7], [sflag:$0x1], $0x80, s1, s8, $0xb8;
	[tilespmem:$0x19000] =	vst v63  }
0x5b: {  	_ = 	snop  }
0x5c: {  	[spmem:s6] =	stream.indirect.scatter.add.f32 [tilespmem:s7], [sflag:$0x1], $0x80, s12, s8, $0xb8;
	[tilespmem:$0x19000] =	vst v63  }
0x5d: {  	_ = 	snop  }
0x5e: {  	[spmem:s6] =	stream.indirect.scatter.add.f32 [tilespmem:s7], [sflag:$0x1], $0x80, s13, s8, $0xb8;
	[tilespmem:$0x19000] =	vst v63  }
0x5f: {  	_ = 	snop  }
0x60: {  	[spmem:s6] =	stream.indirect.scatter.add.f32 [tilespmem:s7], [sflag:$0x1], $0x80, s14, s8, $0xb8;
	[tilespmem:$0x19000] =	vst v63  }
0x61: {  	_ = 	snop  }
0x62: {  	[spmem:s6] =	stream.indirect.scatter.add.f32 [tilespmem:s7], [sflag:$0x1], $0x80, s15, s8, $0xb8;
	[tilespmem:$0x19000] =	vst v63  }
0x63: {  	_ = 	snop  }
0x64: {  	[spmem:s6] =	stream.indirect.scatter.add.f32 [tilespmem:s7], [sflag:$0x1], $0x80, s16, s8, $0xb8;
	[tilespmem:$0x19000] =	vst v63  }
0x65: {  	_ = 	snop  }
0x66: {  	[spmem:s6] =	stream.indirect.scatter.add.f32 [tilespmem:s7], [sflag:$0x1], $0x80, s17, s8, $0xb8;
	[tilespmem:$0x19000] =	vst v63  }
0x67: {  	_ = 	snop  }
0x68: {  	[spmem:s6] =	stream.indirect.scatter.add.f32 [tilespmem:s7], [sflag:$0x1], $0x80, s18, s8, $0xb8;
	[tilespmem:$0x19000] =	vst v63  }
0x69: {  	_ = 	snop  }
0x6a: {  	[spmem:s6] =	stream.indirect.scatter.add.f32 [tilespmem:s7], [sflag:$0x1], $0x80, s19, s8, $0xb8;
	[tilespmem:$0x19000] =	vst v63  }
0x6b: {  	_ = 	snop  }
0x6c: {  	[spmem:s6] =	stream.indirect.scatter.add.f32 [tilespmem:s7], [sflag:$0x1], $0x80, s20, s8, $0xb8;
	[tilespmem:$0x19000] =	vst v63  }
0x6d: {  	_ = 	snop  }
0x6e: {  	[spmem:s6] =	stream.indirect.scatter.add.f32 [tilespmem:s7], [sflag:$0x1], $0x80, s21, s8, $0xb8;
	[tilespmem:$0x19000] =	vst v63  }
0x6f: {  	_ = 	snop  }
0x70: {  	[spmem:s6] =	stream.indirect.scatter.add.f32 [tilespmem:s7], [sflag:$0x1], $0x80, s22, s8, $0xb8;
	[tilespmem:$0x19000] =	vst v63  }
0x71: {  	_ = 	snop  }
0x72: {  	[spmem:s6] =	stream.indirect.scatter.add.f32 [tilespmem:s7], [sflag:$0x1], $0x80, s23, s8, $0xb8;
	[tilespmem:$0x19000] =	vst v63  }
0x73: {  	_ = 	snop  }
0x74: {  	[spmem:s6] =	stream.indirect.scatter.add.f32 [tilespmem:s7], [sflag:$0x1], $0x80, s24, s8, $0xb8;
	[tilespmem:$0x19000] =	vst v63  }
0x75: {  	_ = 	snop  }
0x76: {  	[spmem:s6] =	stream.indirect.scatter.add.f32 [tilespmem:s7], [sflag:$0x1], $0x80, s25, s8, $0xb8;
	[tilespmem:$0x19000] =	vst v63  }
0x77: {  	_ = 	snop  }
0x78: {  	[spmem:s6] =	stream.indirect.scatter.add.f32 [tilespmem:s7], [sflag:$0x1], $0x80, s26, s8, $0xb8;
	[tilespmem:$0x19000] =	vst v63  }
0x79: {  	_ = 	snop  }
0x7a: {  	[spmem:s6] =	stream.indirect.scatter.add.f32 [tilespmem:s7], [sflag:$0x1], $0x80, s28, s8, $0xb8;
	[tilespmem:$0x19000] =	vst v63  }
0x7b: {  	_ = 	snop  }
0x7c: {  	[spmem:s6] =	stream.indirect.scatter.add.f32 [tilespmem:s7], [sflag:$0x1], $0x80, s29, s8, $0xb8;
	[tilespmem:$0x19000] =	vst v63  }
0x7d: {  	_ = 	snop  }
0x7e: {  	[spmem:s6] =	stream.indirect.scatter.add.f32 [tilespmem:s7], [sflag:$0x1], $0x80, s30, s8, $0xb8;
	[tilespmem:$0x19000] =	vst v63  }
0x7f: {  	_ = 	snop  }
0x80: {  	[spmem:s6] =	stream.indirect.scatter.add.f32 [tilespmem:s7], [sflag:$0x1], $0x80, s11, s8, $0xb8;
	[tilespmem:$0x19000] =	vst v63  }
0x81: {  	_ =	swait.ge [sflag:s5], $0x4000  }
0x82: {  	[sflag:s5] =	ssyncset.done $0x0  }
0x83: {  	[sflag:s5] =	ssyncadd.s32 $0xFFFFC000  }
0x84: {  	_ =	swait.ge [sflag:s5], $0x4000  }
0x85: {  	[sflag:s5] =	ssyncset.done $0x0  }
0x86: {  	[sflag:s5] =	ssyncadd.s32 $0xFFFFC000  }
0x87: {  	_ =	swait.ge [sflag:s5], $0x4000  }
0x88: {  	[sflag:s5] =	ssyncset.done $0x0  }
0x89: {  	[sflag:s5] =	ssyncadd.s32 $0xFFFFC000  }
0x8a: {  	_ =	swait.ge [sflag:s5], $0x4000  }
0x8b: {  	[sflag:s5] =	ssyncset.done $0x0  }
0x8c: {  	[sflag:s5] =	ssyncadd.s32 $0xFFFFC000  }
0x8d: {  	_ =	swait.ge [sflag:s5], $0x4000  }
0x8e: {  	[sflag:s5] =	ssyncset.done $0x0  }
0x8f: {  	[sflag:s5] =	ssyncadd.s32 $0xFFFFC000  }
0x90: {  	_ =	swait.ge [sflag:s5], $0x4000  }
0x91: {  	[sflag:s5] =	ssyncset.done $0x0  }
0x92: {  	[sflag:s5] =	ssyncadd.s32 $0xFFFFC000  }
0x93: {  	_ =	swait.ge [sflag:s5], $0x4000  }
0x94: {  	[sflag:s5] =	ssyncset.done $0x0  }
0x95: {  	[sflag:s5] =	ssyncadd.s32 $0xFFFFC000  }
0x96: {  	_ =	swait.ge [sflag:s5], $0x4000  }
0x97: {  	[sflag:s5] =	ssyncset.done $0x0  }
0x98: {  	[sflag:s5] =	ssyncadd.s32 $0xFFFFC000  }
0x99: {  	_ =	swait.ge [sflag:s5], $0x4000  }
0x9a: {  	[sflag:s5] =	ssyncset.done $0x0  }
0x9b: {  	[sflag:s5] =	ssyncadd.s32 $0xFFFFC000  }
0x9c: {  	_ =	swait.ge [sflag:s5], $0x4000  }
0x9d: {  	[sflag:s5] =	ssyncset.done $0x0  }
0x9e: {  	[sflag:s5] =	ssyncadd.s32 $0xFFFFC000  }
0x9f: {  	_ =	swait.ge [sflag:s5], $0x4000  }
0xa0: {  	[sflag:s5] =	ssyncset.done $0x0  }
0xa1: {  	[sflag:s5] =	ssyncadd.s32 $0xFFFFC000  }
0xa2: {  	_ =	swait.ge [sflag:s5], $0x4000  }
0xa3: {  	[sflag:s5] =	ssyncset.done $0x0  }
0xa4: {  	[sflag:s5] =	ssyncadd.s32 $0xFFFFC000  }
0xa5: {  	_ =	swait.ge [sflag:s5], $0x4000  }
0xa6: {  	[sflag:s5] =	ssyncset.done $0x0  }
0xa7: {  	[sflag:s5] =	ssyncadd.s32 $0xFFFFC000  }
0xa8: {  	_ =	swait.ge [sflag:s5], $0x4000  }
0xa9: {  	[sflag:s5] =	ssyncset.done $0x0  }
0xaa: {  	[sflag:s5] =	ssyncadd.s32 $0xFFFFC000  }
0xab: {  	_ =	swait.ge [sflag:s5], $0x4000  }
0xac: {  	[sflag:s5] =	ssyncset.done $0x0  }
0xad: {  	[sflag:s5] =	ssyncadd.s32 $0xFFFFC000  }
0xae: {  	_ =	swait.ge [sflag:s5], $0x4000  }
0xaf: {  	[sflag:s5] =	ssyncset.done $0x0  }
0xb0: {  	[sflag:s5] =	ssyncadd.s32 $0xFFFFC000  }
0xb1: {  	_ =	swait.ge [sflag:s5], $0x4000  }
0xb2: {  	[sflag:s5] =	ssyncset.done $0x0  }
0xb3: {  	[sflag:s5] =	ssyncadd.s32 $0xFFFFC000  }
0xb4: {  	_ =	swait.ge [sflag:s5], $0x4000  }
0xb5: {  	[sflag:s5] =	ssyncset.done $0x0  }
0xb6: {  	[sflag:s5] =	ssyncadd.s32 $0xFFFFC000  }
0xb7: {  	_ =	swait.ge [sflag:s5], $0x4000  }
0xb8: {  	[sflag:s5] =	ssyncset.done $0x0  }
0xb9: {  	[sflag:s5] =	ssyncadd.s32 $0xFFFFC000  }
0xba: {  	_ =	swait.ge [sflag:s5], $0x4000  }
0xbb: {  	[sflag:s5] =	ssyncset.done $0x0  }
0xbc: {  	[sflag:s5] =	ssyncadd.s32 $0xFFFFC000  }
0xbd: {  	_ =	swait.ge [sflag:s5], $0x4000  }
0xbe: {  	[sflag:s5] =	ssyncset.done $0x0  }
0xbf: {  	[sflag:s5] =	ssyncadd.s32 $0xFFFFC000  }
0xc0: {  	_ =	swait.ge [sflag:s5], $0x4000  }
0xc1: {  	[sflag:s5] =	ssyncset.done $0x0  }
0xc2: {  	[sflag:s5] =	ssyncadd.s32 $0xFFFFC000  }
0xc3: {  	_ =	swait.ge [sflag:s5], $0x4000  }
0xc4: {  	[sflag:s5] =	ssyncset.done $0x0  }
0xc5: {  	[sflag:s5] =	ssyncadd.s32 $0xFFFFC000  }
0xc6: {  	_ =	swait.ge [sflag:s5], $0x4000  }
0xc7: {  	[sflag:s5] =	ssyncset.done $0x0  }
0xc8: {  	[sflag:s5] =	ssyncadd.s32 $0xFFFFC000  }
0xc9: {  	_ =	swait.ge [sflag:s5], $0x4000  }
0xca: {  	[sflag:s5] =	ssyncset.done $0x0  }
0xcb: {  	[sflag:s5] =	ssyncadd.s32 $0xFFFFC000  }
0xcc: {  	_ =	swait.ge [sflag:s5], $0x4000  }
0xcd: {  	[sflag:s5] =	ssyncset.done $0x0  }
0xce: {  	[sflag:s5] =	ssyncadd.s32 $0xFFFFC000  }
0xcf: {  	_ =	swait.ge [sflag:s5], $0x4000  }
0xd0: {  	[sflag:s5] =	ssyncset.done $0x0  }
0xd1: {  	[sflag:s5] =	ssyncadd.s32 $0xFFFFC000  }
0xd2: {  	_ =	swait.ge [sflag:s5], $0x4000  }
0xd3: {  	[sflag:s5] =	ssyncset.done $0x0  }
0xd4: {  	[sflag:s5] =	ssyncadd.s32 $0xFFFFC000  }
0xd5: {  	_ =	swait.ge [sflag:s5], $0x4000  }
0xd6: {  	[sflag:s5] =	ssyncset.done $0x0  }
0xd7: {  	[sflag:s5] =	ssyncadd.s32 $0xFFFFC000  }
0xd8: {  	_ =	swait.ge [sflag:s5], $0x4000  }
0xd9: {  	[sflag:s5] =	ssyncset.done $0x0  }
0xda: {  	[sflag:s5] =	ssyncadd.s32 $0xFFFFC000  }
0xdb: {  	_ =	swait.ge [sflag:s5], $0x4000  }
0xdc: {  	[sflag:s5] =	ssyncset.done $0x0  }
0xdd: {  	[sflag:s5] =	ssyncadd.s32 $0xFFFFC000  }
0xde: {  	_ =	swait.ge [sflag:s5], $0x4000  }
0xdf: {  	[sflag:s5] =	ssyncset.done $0x0  }
0xe0: {  	[sflag:s5] =	ssyncadd.s32 $0xFFFFC000  }
0xe1: {  	_ =	swait.ge [sflag:s5], $0x4000  }
0xe2: {  	[sflag:s5] =	ssyncset.done $0x0  }
0xe3: {  	[sflag:s5] =	ssyncadd.s32 $0xFFFFC000  }
0xe4: {  	_ =	swait.ge [sflag:s5], $0x4000  }
0xe5: {  	[sflag:s5] =	ssyncset.done $0x0  }
0xe6: {  	[sflag:s5] =	ssyncadd.s32 $0xFFFFC000  }
0xe7: {  	_ =	swait.ge [sflag:s5], $0x4000  }
0xe8: {  	[sflag:s5] =	ssyncset.done $0x0  }
0xe9: {  	[sflag:s5] =	ssyncadd.s32 $0xFFFFC000  }
0xea: {  	_ =	swait.ge [sflag:s5], $0x4000  }
0xeb: {  	[sflag:s5] =	ssyncset.done $0x0  }
0xec: {  	[sflag:s5] =	ssyncadd.s32 $0xFFFFC000  }
0xed: {  	_ =	swait.ge [sflag:s5], $0x4000  }
0xee: {  	[sflag:s5] =	ssyncset.done $0x0  }
0xef: {  	[sflag:s5] =	ssyncadd.s32 $0xFFFFC000  }
0xf0: {  	_ =	swait.ge [sflag:s5], $0x4000  }
0xf1: {  	[sflag:s5] =	ssyncset.done $0x0  }
0xf2: {  	[sflag:s5] =	ssyncadd.s32 $0xFFFFC000  }
0xf3: {  	_ =	swait.ge [sflag:s5], $0x4000  }
0xf4: {  	[sflag:s5] =	ssyncset.done $0x0  }
0xf5: {  	[sflag:s5] =	ssyncadd.s32 $0xFFFFC000  }
0xf6: {  	_ =	swait.ge [sflag:s5], $0x4000  }
0xf7: {  	[sflag:s5] =	ssyncset.done $0x0  }
0xf8: {  	p1 =	sne.s32 s10, $0x1;
	[sflag:s5] =	ssyncadd.s32 $0xFFFFC000  }
.Ltmp1:
0xf9: {  	[bflag:$0x0] =	sbarrier.arrive $0xFFFF;
	(pc) =	sbr.rel @!p1 .LBB2_3-.Ltmp1, $4  }
0xfa: {  	s1 =	rddreg [dreg:$0x7]  }
0xfb: {  	[hbm:s1], [sflag:s3] =	dma.local [spmem:s4], $0x2780  }
0xfc: {  	p0 =	por $0x1, $0x1;
	_ =	swait.ge [sflag:s2], $0x2780  }
0xfd: {  	s1 =	sadd.s32 $0xFFFFFFFF, s10;
	s0 =	rddreg [dreg:$0x5];
	[sflag:s2] =	ssyncset.done $0x0  }
.LBB2_4:
0xfe: {  	[sflag:s2] =	ssyncadd.s32 $0xFFFFD880  }
0xff: {  	[tilespmem:s31], [sflag:$0x2] =	stream.linear.gather [hbm4b:s0+s9], $0x1400, $0x38;
	[tilespmem:$0x19000] =	vst v63  }
0x100: {  	_ =	swait.ge [sflag:s2], $0x1400  }
0x101: {  	[sflag:s2] =	ssyncset.done $0x0  }
0x102: {  	s10 =	rddreg [dreg:$0x4];
	[sflag:s2] =	ssyncadd.s32 $0xFFFFEC00  }
0x103: {  	[tilespmem:s7], [sflag:$0x2] =	stream.linear.gather [hbm4b:s10+s9], $0x4000, $0x38;
	[tilespmem:$0x19000] =	vst v63  }
0x104: {  	_ =	swait.ge [sflag:s2], $0x4000  }
0x105: {  	[sflag:s2] =	ssyncset.done $0x0  }
0x106: {  	s10 =	rddreg [dreg:$0x6];
	[sflag:s2] =	ssyncadd.s32 $0xFFFFC000  }
0x107: {  	[spmem:s4], [sflag:s3] =	dma.local [hbm:s10], $0x2780  }
0x108: {  	_ =	swait.ge [sflag:s2], $0x2780  }
0x109: {  	[sflag:s2] =	ssyncset.done $0x0  }
0x10a: {  	[sflag:s2] =	ssyncadd.s32 $0xFFFFD880  }
0x10b: {  	[bflag:$0x0] =	sbarrier.arrive $0xFFFF  }
0x10c: {  	[spmem:s6] =	stream.indirect.scatter.add.f32 [tilespmem:s7], [sflag:$0x1], $0x80, s31, s8, $0xb8;
	[tilespmem:$0x19000] =	vst v63  }
0x10d: {  	s0 =	rddreg [dreg:$0x8]  }
0x10e: {  	[spmem:s6] =	stream.indirect.scatter.add.f32 [tilespmem:s7], [sflag:$0x1], $0x80, s0, s8, $0xb8;
	[tilespmem:$0x19000] =	vst v63  }
0x10f: {  	s10 =	rddreg [dreg:$0x9]  }
0x110: {  	[spmem:s6] =	stream.indirect.scatter.add.f32 [tilespmem:s7], [sflag:$0x1], $0x80, s10, s8, $0xb8;
	[tilespmem:$0x19000] =	vst v63  }
0x111: {  	s0 =	rddreg [dreg:$0xa]  }
0x112: {  	[spmem:s6] =	stream.indirect.scatter.add.f32 [tilespmem:s7], [sflag:$0x1], $0x80, s0, s8, $0xb8;
	[tilespmem:$0x19000] =	vst v63  }
0x113: {  	s10 =	rddreg [dreg:$0xb]  }
0x114: {  	[spmem:s6] =	stream.indirect.scatter.add.f32 [tilespmem:s7], [sflag:$0x1], $0x80, s10, s8, $0xb8;
	[tilespmem:$0x19000] =	vst v63  }
0x115: {  	s0 =	rddreg [dreg:$0xc]  }
0x116: {  	[spmem:s6] =	stream.indirect.scatter.add.f32 [tilespmem:s7], [sflag:$0x1], $0x80, s0, s8, $0xb8;
	[tilespmem:$0x19000] =	vst v63  }
0x117: {  	s10 =	rddreg [dreg:$0xd]  }
0x118: {  	[spmem:s6] =	stream.indirect.scatter.add.f32 [tilespmem:s7], [sflag:$0x1], $0x80, s10, s8, $0xb8;
	[tilespmem:$0x19000] =	vst v63  }
0x119: {  	s0 =	rddreg [dreg:$0xe]  }
0x11a: {  	[spmem:s6] =	stream.indirect.scatter.add.f32 [tilespmem:s7], [sflag:$0x1], $0x80, s0, s8, $0xb8;
	[tilespmem:$0x19000] =	vst v63  }
0x11b: {  	s10 =	rddreg [dreg:$0xf]  }
0x11c: {  	[spmem:s6] =	stream.indirect.scatter.add.f32 [tilespmem:s7], [sflag:$0x1], $0x80, s10, s8, $0xb8;
	[tilespmem:$0x19000] =	vst v63  }
0x11d: {  	s0 =	rddreg [dreg:$0x10]  }
0x11e: {  	[spmem:s6] =	stream.indirect.scatter.add.f32 [tilespmem:s7], [sflag:$0x1], $0x80, s0, s8, $0xb8;
	[tilespmem:$0x19000] =	vst v63  }
0x11f: {  	s10 =	rddreg [dreg:$0x11]  }
0x120: {  	[spmem:s6] =	stream.indirect.scatter.add.f32 [tilespmem:s7], [sflag:$0x1], $0x80, s10, s8, $0xb8;
	[tilespmem:$0x19000] =	vst v63  }
0x121: {  	s0 =	rddreg [dreg:$0x12]  }
0x122: {  	[spmem:s6] =	stream.indirect.scatter.add.f32 [tilespmem:s7], [sflag:$0x1], $0x80, s0, s8, $0xb8;
	[tilespmem:$0x19000] =	vst v63  }
0x123: {  	s10 =	rddreg [dreg:$0x13]  }
0x124: {  	[spmem:s6] =	stream.indirect.scatter.add.f32 [tilespmem:s7], [sflag:$0x1], $0x80, s10, s8, $0xb8;
	[tilespmem:$0x19000] =	vst v63  }
0x125: {  	s0 =	rddreg [dreg:$0x14]  }
0x126: {  	[spmem:s6] =	stream.indirect.scatter.add.f32 [tilespmem:s7], [sflag:$0x1], $0x80, s0, s8, $0xb8;
	[tilespmem:$0x19000] =	vst v63  }
0x127: {  	s10 =	rddreg [dreg:$0x15]  }
0x128: {  	[spmem:s6] =	stream.indirect.scatter.add.f32 [tilespmem:s7], [sflag:$0x1], $0x80, s10, s8, $0xb8;
	[tilespmem:$0x19000] =	vst v63  }
0x129: {  	s0 =	rddreg [dreg:$0x16]  }
0x12a: {  	[spmem:s6] =	stream.indirect.scatter.add.f32 [tilespmem:s7], [sflag:$0x1], $0x80, s0, s8, $0xb8;
	[tilespmem:$0x19000] =	vst v63  }
0x12b: {  	s10 =	rddreg [dreg:$0x17]  }
0x12c: {  	[spmem:s6] =	stream.indirect.scatter.add.f32 [tilespmem:s7], [sflag:$0x1], $0x80, s10, s8, $0xb8;
	[tilespmem:$0x19000] =	vst v63  }
0x12d: {  	s0 =	rddreg [dreg:$0x18]  }
0x12e: {  	[spmem:s6] =	stream.indirect.scatter.add.f32 [tilespmem:s7], [sflag:$0x1], $0x80, s0, s8, $0xb8;
	[tilespmem:$0x19000] =	vst v63  }
0x12f: {  	s10 =	rddreg [dreg:$0x19]  }
0x130: {  	[spmem:s6] =	stream.indirect.scatter.add.f32 [tilespmem:s7], [sflag:$0x1], $0x80, s10, s8, $0xb8;
	[tilespmem:$0x19000] =	vst v63  }
0x131: {  	s0 =	rddreg [dreg:$0x1a]  }
0x132: {  	[spmem:s6] =	stream.indirect.scatter.add.f32 [tilespmem:s7], [sflag:$0x1], $0x80, s0, s8, $0xb8;
	[tilespmem:$0x19000] =	vst v63  }
0x133: {  	s10 =	simm.s32 $0x14600  }
0x134: {  	[spmem:s6] =	stream.indirect.scatter.add.f32 [tilespmem:s7], [sflag:$0x1], $0x80, s10, s8, $0xb8;
	[tilespmem:$0x19000] =	vst v63  }
0x135: {  	_ = 	snop  }
0x136: {  	[spmem:s6] =	stream.indirect.scatter.add.f32 [tilespmem:s7], [sflag:$0x1], $0x80, s12, s8, $0xb8;
	[tilespmem:$0x19000] =	vst v63  }
0x137: {  	_ = 	snop  }
0x138: {  	[spmem:s6] =	stream.indirect.scatter.add.f32 [tilespmem:s7], [sflag:$0x1], $0x80, s13, s8, $0xb8;
	[tilespmem:$0x19000] =	vst v63  }
0x139: {  	_ = 	snop  }
0x13a: {  	[spmem:s6] =	stream.indirect.scatter.add.f32 [tilespmem:s7], [sflag:$0x1], $0x80, s14, s8, $0xb8;
	[tilespmem:$0x19000] =	vst v63  }
0x13b: {  	_ = 	snop  }
0x13c: {  	[spmem:s6] =	stream.indirect.scatter.add.f32 [tilespmem:s7], [sflag:$0x1], $0x80, s15, s8, $0xb8;
	[tilespmem:$0x19000] =	vst v63  }
0x13d: {  	_ = 	snop  }
0x13e: {  	[spmem:s6] =	stream.indirect.scatter.add.f32 [tilespmem:s7], [sflag:$0x1], $0x80, s16, s8, $0xb8;
	[tilespmem:$0x19000] =	vst v63  }
0x13f: {  	_ = 	snop  }
0x140: {  	[spmem:s6] =	stream.indirect.scatter.add.f32 [tilespmem:s7], [sflag:$0x1], $0x80, s17, s8, $0xb8;
	[tilespmem:$0x19000] =	vst v63  }
0x141: {  	_ = 	snop  }
0x142: {  	[spmem:s6] =	stream.indirect.scatter.add.f32 [tilespmem:s7], [sflag:$0x1], $0x80, s18, s8, $0xb8;
	[tilespmem:$0x19000] =	vst v63  }
0x143: {  	_ = 	snop  }
0x144: {  	[spmem:s6] =	stream.indirect.scatter.add.f32 [tilespmem:s7], [sflag:$0x1], $0x80, s19, s8, $0xb8;
	[tilespmem:$0x19000] =	vst v63  }
0x145: {  	_ = 	snop  }
0x146: {  	[spmem:s6] =	stream.indirect.scatter.add.f32 [tilespmem:s7], [sflag:$0x1], $0x80, s20, s8, $0xb8;
	[tilespmem:$0x19000] =	vst v63  }
0x147: {  	_ = 	snop  }
0x148: {  	[spmem:s6] =	stream.indirect.scatter.add.f32 [tilespmem:s7], [sflag:$0x1], $0x80, s21, s8, $0xb8;
	[tilespmem:$0x19000] =	vst v63  }
0x149: {  	_ = 	snop  }
0x14a: {  	[spmem:s6] =	stream.indirect.scatter.add.f32 [tilespmem:s7], [sflag:$0x1], $0x80, s22, s8, $0xb8;
	[tilespmem:$0x19000] =	vst v63  }
0x14b: {  	_ = 	snop  }
0x14c: {  	[spmem:s6] =	stream.indirect.scatter.add.f32 [tilespmem:s7], [sflag:$0x1], $0x80, s23, s8, $0xb8;
	[tilespmem:$0x19000] =	vst v63  }
0x14d: {  	_ = 	snop  }
0x14e: {  	[spmem:s6] =	stream.indirect.scatter.add.f32 [tilespmem:s7], [sflag:$0x1], $0x80, s24, s8, $0xb8;
	[tilespmem:$0x19000] =	vst v63  }
0x14f: {  	_ = 	snop  }
0x150: {  	[spmem:s6] =	stream.indirect.scatter.add.f32 [tilespmem:s7], [sflag:$0x1], $0x80, s25, s8, $0xb8;
	[tilespmem:$0x19000] =	vst v63  }
0x151: {  	_ = 	snop  }
0x152: {  	[spmem:s6] =	stream.indirect.scatter.add.f32 [tilespmem:s7], [sflag:$0x1], $0x80, s26, s8, $0xb8;
	[tilespmem:$0x19000] =	vst v63  }
0x153: {  	_ = 	snop  }
0x154: {  	[spmem:s6] =	stream.indirect.scatter.add.f32 [tilespmem:s7], [sflag:$0x1], $0x80, s28, s8, $0xb8;
	[tilespmem:$0x19000] =	vst v63  }
0x155: {  	_ = 	snop  }
0x156: {  	[spmem:s6] =	stream.indirect.scatter.add.f32 [tilespmem:s7], [sflag:$0x1], $0x80, s29, s8, $0xb8;
	[tilespmem:$0x19000] =	vst v63  }
0x157: {  	_ = 	snop  }
0x158: {  	[spmem:s6] =	stream.indirect.scatter.add.f32 [tilespmem:s7], [sflag:$0x1], $0x80, s30, s8, $0xb8;
	[tilespmem:$0x19000] =	vst v63  }
0x159: {  	_ = 	snop  }
0x15a: {  	[spmem:s6] =	stream.indirect.scatter.add.f32 [tilespmem:s7], [sflag:$0x1], $0x80, s11, s8, $0xb8;
	[tilespmem:$0x19000] =	vst v63  }
0x15b: {  	_ =	swait.ge [sflag:s5], $0x4000  }
0x15c: {  	[sflag:s5] =	ssyncset.done $0x0  }
0x15d: {  	[sflag:s5] =	ssyncadd.s32 $0xFFFFC000  }
0x15e: {  	_ =	swait.ge [sflag:s5], $0x4000  }
0x15f: {  	[sflag:s5] =	ssyncset.done $0x0  }
0x160: {  	[sflag:s5] =	ssyncadd.s32 $0xFFFFC000  }
0x161: {  	_ =	swait.ge [sflag:s5], $0x4000  }
0x162: {  	[sflag:s5] =	ssyncset.done $0x0  }
0x163: {  	[sflag:s5] =	ssyncadd.s32 $0xFFFFC000  }
0x164: {  	_ =	swait.ge [sflag:s5], $0x4000  }
0x165: {  	[sflag:s5] =	ssyncset.done $0x0  }
0x166: {  	[sflag:s5] =	ssyncadd.s32 $0xFFFFC000  }
0x167: {  	_ =	swait.ge [sflag:s5], $0x4000  }
0x168: {  	[sflag:s5] =	ssyncset.done $0x0  }
0x169: {  	[sflag:s5] =	ssyncadd.s32 $0xFFFFC000  }
0x16a: {  	_ =	swait.ge [sflag:s5], $0x4000  }
0x16b: {  	[sflag:s5] =	ssyncset.done $0x0  }
0x16c: {  	[sflag:s5] =	ssyncadd.s32 $0xFFFFC000  }
0x16d: {  	_ =	swait.ge [sflag:s5], $0x4000  }
0x16e: {  	[sflag:s5] =	ssyncset.done $0x0  }
0x16f: {  	[sflag:s5] =	ssyncadd.s32 $0xFFFFC000  }
0x170: {  	_ =	swait.ge [sflag:s5], $0x4000  }
0x171: {  	[sflag:s5] =	ssyncset.done $0x0  }
0x172: {  	[sflag:s5] =	ssyncadd.s32 $0xFFFFC000  }
0x173: {  	_ =	swait.ge [sflag:s5], $0x4000  }
0x174: {  	[sflag:s5] =	ssyncset.done $0x0  }
0x175: {  	[sflag:s5] =	ssyncadd.s32 $0xFFFFC000  }
0x176: {  	_ =	swait.ge [sflag:s5], $0x4000  }
0x177: {  	[sflag:s5] =	ssyncset.done $0x0  }
0x178: {  	[sflag:s5] =	ssyncadd.s32 $0xFFFFC000  }
0x179: {  	_ =	swait.ge [sflag:s5], $0x4000  }
0x17a: {  	[sflag:s5] =	ssyncset.done $0x0  }
0x17b: {  	[sflag:s5] =	ssyncadd.s32 $0xFFFFC000  }
0x17c: {  	_ =	swait.ge [sflag:s5], $0x4000  }
0x17d: {  	[sflag:s5] =	ssyncset.done $0x0  }
0x17e: {  	[sflag:s5] =	ssyncadd.s32 $0xFFFFC000  }
0x17f: {  	_ =	swait.ge [sflag:s5], $0x4000  }
0x180: {  	[sflag:s5] =	ssyncset.done $0x0  }
0x181: {  	[sflag:s5] =	ssyncadd.s32 $0xFFFFC000  }
0x182: {  	_ =	swait.ge [sflag:s5], $0x4000  }
0x183: {  	[sflag:s5] =	ssyncset.done $0x0  }
0x184: {  	[sflag:s5] =	ssyncadd.s32 $0xFFFFC000  }
0x185: {  	_ =	swait.ge [sflag:s5], $0x4000  }
0x186: {  	[sflag:s5] =	ssyncset.done $0x0  }
0x187: {  	[sflag:s5] =	ssyncadd.s32 $0xFFFFC000  }
0x188: {  	_ =	swait.ge [sflag:s5], $0x4000  }
0x189: {  	[sflag:s5] =	ssyncset.done $0x0  }
0x18a: {  	[sflag:s5] =	ssyncadd.s32 $0xFFFFC000  }
0x18b: {  	_ =	swait.ge [sflag:s5], $0x4000  }
0x18c: {  	[sflag:s5] =	ssyncset.done $0x0  }
0x18d: {  	[sflag:s5] =	ssyncadd.s32 $0xFFFFC000  }
0x18e: {  	_ =	swait.ge [sflag:s5], $0x4000  }
0x18f: {  	[sflag:s5] =	ssyncset.done $0x0  }
0x190: {  	[sflag:s5] =	ssyncadd.s32 $0xFFFFC000  }
0x191: {  	_ =	swait.ge [sflag:s5], $0x4000  }
0x192: {  	[sflag:s5] =	ssyncset.done $0x0  }
0x193: {  	[sflag:s5] =	ssyncadd.s32 $0xFFFFC000  }
0x194: {  	_ =	swait.ge [sflag:s5], $0x4000  }
0x195: {  	[sflag:s5] =	ssyncset.done $0x0  }
0x196: {  	[sflag:s5] =	ssyncadd.s32 $0xFFFFC000  }
0x197: {  	_ =	swait.ge [sflag:s5], $0x4000  }
0x198: {  	[sflag:s5] =	ssyncset.done $0x0  }
0x199: {  	[sflag:s5] =	ssyncadd.s32 $0xFFFFC000  }
0x19a: {  	_ =	swait.ge [sflag:s5], $0x4000  }
0x19b: {  	[sflag:s5] =	ssyncset.done $0x0  }
0x19c: {  	[sflag:s5] =	ssyncadd.s32 $0xFFFFC000  }
0x19d: {  	_ =	swait.ge [sflag:s5], $0x4000  }
0x19e: {  	[sflag:s5] =	ssyncset.done $0x0  }
0x19f: {  	[sflag:s5] =	ssyncadd.s32 $0xFFFFC000  }
0x1a0: {  	_ =	swait.ge [sflag:s5], $0x4000  }
0x1a1: {  	[sflag:s5] =	ssyncset.done $0x0  }
0x1a2: {  	[sflag:s5] =	ssyncadd.s32 $0xFFFFC000  }
0x1a3: {  	_ =	swait.ge [sflag:s5], $0x4000  }
0x1a4: {  	[sflag:s5] =	ssyncset.done $0x0  }
0x1a5: {  	[sflag:s5] =	ssyncadd.s32 $0xFFFFC000  }
0x1a6: {  	_ =	swait.ge [sflag:s5], $0x4000  }
0x1a7: {  	[sflag:s5] =	ssyncset.done $0x0  }
0x1a8: {  	[sflag:s5] =	ssyncadd.s32 $0xFFFFC000  }
0x1a9: {  	_ =	swait.ge [sflag:s5], $0x4000  }
0x1aa: {  	[sflag:s5] =	ssyncset.done $0x0  }
0x1ab: {  	[sflag:s5] =	ssyncadd.s32 $0xFFFFC000  }
0x1ac: {  	_ =	swait.ge [sflag:s5], $0x4000  }
0x1ad: {  	[sflag:s5] =	ssyncset.done $0x0  }
0x1ae: {  	[sflag:s5] =	ssyncadd.s32 $0xFFFFC000  }
0x1af: {  	_ =	swait.ge [sflag:s5], $0x4000  }
0x1b0: {  	[sflag:s5] =	ssyncset.done $0x0  }
0x1b1: {  	[sflag:s5] =	ssyncadd.s32 $0xFFFFC000  }
0x1b2: {  	_ =	swait.ge [sflag:s5], $0x4000  }
0x1b3: {  	[sflag:s5] =	ssyncset.done $0x0  }
0x1b4: {  	[sflag:s5] =	ssyncadd.s32 $0xFFFFC000  }
0x1b5: {  	_ =	swait.ge [sflag:s5], $0x4000  }
0x1b6: {  	[sflag:s5] =	ssyncset.done $0x0  }
0x1b7: {  	[sflag:s5] =	ssyncadd.s32 $0xFFFFC000  }
0x1b8: {  	_ =	swait.ge [sflag:s5], $0x4000  }
0x1b9: {  	[sflag:s5] =	ssyncset.done $0x0  }
0x1ba: {  	[sflag:s5] =	ssyncadd.s32 $0xFFFFC000  }
0x1bb: {  	_ =	swait.ge [sflag:s5], $0x4000  }
0x1bc: {  	[sflag:s5] =	ssyncset.done $0x0  }
0x1bd: {  	[sflag:s5] =	ssyncadd.s32 $0xFFFFC000  }
0x1be: {  	_ =	swait.ge [sflag:s5], $0x4000  }
0x1bf: {  	[sflag:s5] =	ssyncset.done $0x0  }
0x1c0: {  	[sflag:s5] =	ssyncadd.s32 $0xFFFFC000  }
0x1c1: {  	_ =	swait.ge [sflag:s5], $0x4000  }
0x1c2: {  	[sflag:s5] =	ssyncset.done $0x0  }
0x1c3: {  	[sflag:s5] =	ssyncadd.s32 $0xFFFFC000  }
0x1c4: {  	_ =	swait.ge [sflag:s5], $0x4000  }
0x1c5: {  	[sflag:s5] =	ssyncset.done $0x0  }
0x1c6: {  	[sflag:s5] =	ssyncadd.s32 $0xFFFFC000  }
0x1c7: {  	_ =	swait.ge [sflag:s5], $0x4000  }
0x1c8: {  	[sflag:s5] =	ssyncset.done $0x0  }
0x1c9: {  	[sflag:s5] =	ssyncadd.s32 $0xFFFFC000  }
0x1ca: {  	_ =	swait.ge [sflag:s5], $0x4000  }
0x1cb: {  	[sflag:s5] =	ssyncset.done $0x0  }
0x1cc: {  	[sflag:s5] =	ssyncadd.s32 $0xFFFFC000  }
0x1cd: {  	_ =	swait.ge [sflag:s5], $0x4000  }
0x1ce: {  	[sflag:s5] =	ssyncset.done $0x0  }
0x1cf: {  	[sflag:s5] =	ssyncadd.s32 $0xFFFFC000  }
0x1d0: {  	_ =	swait.ge [sflag:s5], $0x4000  }
0x1d1: {  	[sflag:s5] =	ssyncset.done $0x0  }
0x1d2: {  	p1 =	sne.s32 s1, $0x1;
	[sflag:s5] =	ssyncadd.s32 $0xFFFFC000  }
.Ltmp2:
0x1d3: {  	[bflag:$0x0] =	sbarrier.arrive $0xFFFF;
	(pc) =	sbr.rel @p1 .LBB2_4-.Ltmp2, $4  }
0x1d4: {  	s10 =	rddreg [dreg:$0x7]  }
0x1d5: {  	[hbm:s10], [sflag:s3] =	dma.local [spmem:s4], $0x2780  }
0x1d6: {  	_ =	swait.ge [sflag:s2], $0x2780  }
0x1d7: {  	s1 =	sadd.s32 $0xFFFFFFFF, s1;
	s0 =	rddreg [dreg:$0x5];
	[sflag:s2] =	ssyncset.done $0x0  }
0x1d8: {  	s30 =	simm.s32 $0x14F00;
	s29 =	simm.s32 $0x14E80  }
0x1d9: {  	s28 =	simm.s32 $0x14E00;
	s26 =	simm.s32 $0x14D80;
	s25 =	simm.s32 $0x14D00  }
0x1da: {  	s24 =	simm.s32 $0x14C80;
	s23 =	simm.s32 $0x14C00;
	s22 =	simm.s32 $0x14B80  }
0x1db: {  	s21 =	simm.s32 $0x14B00;
	s20 =	simm.s32 $0x14A80;
	s19 =	simm.s32 $0x14A00  }
0x1dc: {  	s18 =	simm.s32 $0x14980;
	s17 =	simm.s32 $0x14900;
	s16 =	simm.s32 $0x14880  }
0x1dd: {  	s15 =	simm.s32 $0x14800;
	s14 =	simm.s32 $0x14780;
	s13 =	simm.s32 $0x14700  }
0x1de: {  	s12 =	simm.s32 $0x14680;
	s11 =	simm.s32 $0x14600;
	s10 =	stileid.u32  }
.LBB2_6:
0x1df: {  	[sflag:s2] =	ssyncadd.s32 @p0 $0xFFFFD880  }
0x1e0: {  	[tilespmem:s31], [sflag:$0x2] =	stream.linear.gather [hbm4b:s0+s9], $0x1400, $0x38;
	[tilespmem:$0x19000] =	vst v63  }
0x1e1: {  	_ =	swait.ge [sflag:s2], $0x1400  }
0x1e2: {  	[sflag:s2] =	ssyncset.done $0x0  }
0x1e3: {  	s1 =	rddreg [dreg:$0x4];
	[sflag:s2] =	ssyncadd.s32 $0xFFFFEC00  }
0x1e4: {  	[tilespmem:s7], [sflag:$0x2] =	stream.linear.gather [hbm4b:s1+s9], $0x4000, $0x38;
	[tilespmem:$0x19000] =	vst v63  }
0x1e5: {  	_ =	swait.ge [sflag:s2], $0x4000  }
0x1e6: {  	[sflag:s2] =	ssyncset.done $0x0  }
0x1e7: {  	s1 =	rddreg [dreg:$0x6];
	[sflag:s2] =	ssyncadd.s32 $0xFFFFC000  }
0x1e8: {  	[spmem:s4], [sflag:s3] =	dma.local [hbm:s1], $0x2780  }
0x1e9: {  	_ =	swait.ge [sflag:s2], $0x2780  }
0x1ea: {  	[sflag:s2] =	ssyncset.done $0x0  }
0x1eb: {  	[sflag:s2] =	ssyncadd.s32 $0xFFFFD880  }
0x1ec: {  	[bflag:$0x0] =	sbarrier.arrive $0xFFFF  }
0x1ed: {  	[spmem:s6] =	stream.indirect.scatter.add.f32 [tilespmem:s7], [sflag:$0x1], $0x80, s31, s8, $0xb8;
	[tilespmem:$0x19000] =	vst v63  }
0x1ee: {  	s9 =	rddreg [dreg:$0x8]  }
0x1ef: {  	[spmem:s6] =	stream.indirect.scatter.add.f32 [tilespmem:s7], [sflag:$0x1], $0x80, s9, s8, $0xb8;
	[tilespmem:$0x19000] =	vst v63  }
0x1f0: {  	s1 =	rddreg [dreg:$0x9]  }
0x1f1: {  	[spmem:s6] =	stream.indirect.scatter.add.f32 [tilespmem:s7], [sflag:$0x1], $0x80, s1, s8, $0xb8;
	[tilespmem:$0x19000] =	vst v63  }
0x1f2: {  	s9 =	rddreg [dreg:$0xa]  }
0x1f3: {  	[spmem:s6] =	stream.indirect.scatter.add.f32 [tilespmem:s7], [sflag:$0x1], $0x80, s9, s8, $0xb8;
	[tilespmem:$0x19000] =	vst v63  }
0x1f4: {  	s31 =	rddreg [dreg:$0xb]  }
0x1f5: {  	[spmem:s6] =	stream.indirect.scatter.add.f32 [tilespmem:s7], [sflag:$0x1], $0x80, s31, s8, $0xb8;
	[tilespmem:$0x19000] =	vst v63  }
0x1f6: {  	s9 =	rddreg [dreg:$0xc]  }
0x1f7: {  	[spmem:s6] =	stream.indirect.scatter.add.f32 [tilespmem:s7], [sflag:$0x1], $0x80, s9, s8, $0xb8;
	[tilespmem:$0x19000] =	vst v63  }
0x1f8: {  	s31 =	rddreg [dreg:$0xd]  }
0x1f9: {  	[spmem:s6] =	stream.indirect.scatter.add.f32 [tilespmem:s7], [sflag:$0x1], $0x80, s31, s8, $0xb8;
	[tilespmem:$0x19000] =	vst v63  }
0x1fa: {  	s9 =	rddreg [dreg:$0xe]  }
0x1fb: {  	[spmem:s6] =	stream.indirect.scatter.add.f32 [tilespmem:s7], [sflag:$0x1], $0x80, s9, s8, $0xb8;
	[tilespmem:$0x19000] =	vst v63  }
0x1fc: {  	s31 =	rddreg [dreg:$0xf]  }
0x1fd: {  	[spmem:s6] =	stream.indirect.scatter.add.f32 [tilespmem:s7], [sflag:$0x1], $0x80, s31, s8, $0xb8;
	[tilespmem:$0x19000] =	vst v63  }
0x1fe: {  	s9 =	rddreg [dreg:$0x10]  }
0x1ff: {  	[spmem:s6] =	stream.indirect.scatter.add.f32 [tilespmem:s7], [sflag:$0x1], $0x80, s9, s8, $0xb8;
	[tilespmem:$0x19000] =	vst v63  }
0x200: {  	s31 =	rddreg [dreg:$0x11]  }
0x201: {  	[spmem:s6] =	stream.indirect.scatter.add.f32 [tilespmem:s7], [sflag:$0x1], $0x80, s31, s8, $0xb8;
	[tilespmem:$0x19000] =	vst v63  }
0x202: {  	s9 =	rddreg [dreg:$0x12]  }
0x203: {  	[spmem:s6] =	stream.indirect.scatter.add.f32 [tilespmem:s7], [sflag:$0x1], $0x80, s9, s8, $0xb8;
	[tilespmem:$0x19000] =	vst v63  }
0x204: {  	s31 =	rddreg [dreg:$0x13]  }
0x205: {  	[spmem:s6] =	stream.indirect.scatter.add.f32 [tilespmem:s7], [sflag:$0x1], $0x80, s31, s8, $0xb8;
	[tilespmem:$0x19000] =	vst v63  }
0x206: {  	s9 =	rddreg [dreg:$0x14]  }
0x207: {  	[spmem:s6] =	stream.indirect.scatter.add.f32 [tilespmem:s7], [sflag:$0x1], $0x80, s9, s8, $0xb8;
	[tilespmem:$0x19000] =	vst v63  }
0x208: {  	s31 =	rddreg [dreg:$0x15]  }
0x209: {  	[spmem:s6] =	stream.indirect.scatter.add.f32 [tilespmem:s7], [sflag:$0x1], $0x80, s31, s8, $0xb8;
	[tilespmem:$0x19000] =	vst v63  }
0x20a: {  	s9 =	rddreg [dreg:$0x16]  }
0x20b: {  	[spmem:s6] =	stream.indirect.scatter.add.f32 [tilespmem:s7], [sflag:$0x1], $0x80, s9, s8, $0xb8;
	[tilespmem:$0x19000] =	vst v63  }
0x20c: {  	s31 =	rddreg [dreg:$0x17]  }
0x20d: {  	[spmem:s6] =	stream.indirect.scatter.add.f32 [tilespmem:s7], [sflag:$0x1], $0x80, s31, s8, $0xb8;
	[tilespmem:$0x19000] =	vst v63  }
0x20e: {  	s9 =	rddreg [dreg:$0x18]  }
0x20f: {  	[spmem:s6] =	stream.indirect.scatter.add.f32 [tilespmem:s7], [sflag:$0x1], $0x80, s9, s8, $0xb8;
	[tilespmem:$0x19000] =	vst v63  }
0x210: {  	s31 =	rddreg [dreg:$0x19]  }
0x211: {  	[spmem:s6] =	stream.indirect.scatter.add.f32 [tilespmem:s7], [sflag:$0x1], $0x80, s31, s8, $0xb8;
	[tilespmem:$0x19000] =	vst v63  }
0x212: {  	s9 =	rddreg [dreg:$0x1a]  }
0x213: {  	[spmem:s6] =	stream.indirect.scatter.add.f32 [tilespmem:s7], [sflag:$0x1], $0x80, s9, s8, $0xb8;
	[tilespmem:$0x19000] =	vst v63  }
0x214: {  	_ = 	snop  }
0x215: {  	[spmem:s6] =	stream.indirect.scatter.add.f32 [tilespmem:s7], [sflag:$0x1], $0x80, s11, s8, $0xb8;
	[tilespmem:$0x19000] =	vst v63  }
0x216: {  	_ = 	snop  }
0x217: {  	[spmem:s6] =	stream.indirect.scatter.add.f32 [tilespmem:s7], [sflag:$0x1], $0x80, s12, s8, $0xb8;
	[tilespmem:$0x19000] =	vst v63  }
0x218: {  	_ = 	snop  }
0x219: {  	[spmem:s6] =	stream.indirect.scatter.add.f32 [tilespmem:s7], [sflag:$0x1], $0x80, s13, s8, $0xb8;
	[tilespmem:$0x19000] =	vst v63  }
0x21a: {  	_ = 	snop  }
0x21b: {  	[spmem:s6] =	stream.indirect.scatter.add.f32 [tilespmem:s7], [sflag:$0x1], $0x80, s14, s8, $0xb8;
	[tilespmem:$0x19000] =	vst v63  }
0x21c: {  	_ = 	snop  }
0x21d: {  	[spmem:s6] =	stream.indirect.scatter.add.f32 [tilespmem:s7], [sflag:$0x1], $0x80, s15, s8, $0xb8;
	[tilespmem:$0x19000] =	vst v63  }
0x21e: {  	_ = 	snop  }
0x21f: {  	[spmem:s6] =	stream.indirect.scatter.add.f32 [tilespmem:s7], [sflag:$0x1], $0x80, s16, s8, $0xb8;
	[tilespmem:$0x19000] =	vst v63  }
0x220: {  	_ = 	snop  }
0x221: {  	[spmem:s6] =	stream.indirect.scatter.add.f32 [tilespmem:s7], [sflag:$0x1], $0x80, s17, s8, $0xb8;
	[tilespmem:$0x19000] =	vst v63  }
0x222: {  	_ = 	snop  }
0x223: {  	[spmem:s6] =	stream.indirect.scatter.add.f32 [tilespmem:s7], [sflag:$0x1], $0x80, s18, s8, $0xb8;
	[tilespmem:$0x19000] =	vst v63  }
0x224: {  	_ = 	snop  }
0x225: {  	[spmem:s6] =	stream.indirect.scatter.add.f32 [tilespmem:s7], [sflag:$0x1], $0x80, s19, s8, $0xb8;
	[tilespmem:$0x19000] =	vst v63  }
0x226: {  	_ = 	snop  }
0x227: {  	[spmem:s6] =	stream.indirect.scatter.add.f32 [tilespmem:s7], [sflag:$0x1], $0x80, s20, s8, $0xb8;
	[tilespmem:$0x19000] =	vst v63  }
0x228: {  	_ = 	snop  }
0x229: {  	[spmem:s6] =	stream.indirect.scatter.add.f32 [tilespmem:s7], [sflag:$0x1], $0x80, s21, s8, $0xb8;
	[tilespmem:$0x19000] =	vst v63  }
0x22a: {  	_ = 	snop  }
0x22b: {  	[spmem:s6] =	stream.indirect.scatter.add.f32 [tilespmem:s7], [sflag:$0x1], $0x80, s22, s8, $0xb8;
	[tilespmem:$0x19000] =	vst v63  }
0x22c: {  	_ = 	snop  }
0x22d: {  	[spmem:s6] =	stream.indirect.scatter.add.f32 [tilespmem:s7], [sflag:$0x1], $0x80, s23, s8, $0xb8;
	[tilespmem:$0x19000] =	vst v63  }
0x22e: {  	_ = 	snop  }
0x22f: {  	[spmem:s6] =	stream.indirect.scatter.add.f32 [tilespmem:s7], [sflag:$0x1], $0x80, s24, s8, $0xb8;
	[tilespmem:$0x19000] =	vst v63  }
0x230: {  	_ = 	snop  }
0x231: {  	[spmem:s6] =	stream.indirect.scatter.add.f32 [tilespmem:s7], [sflag:$0x1], $0x80, s25, s8, $0xb8;
	[tilespmem:$0x19000] =	vst v63  }
0x232: {  	_ = 	snop  }
0x233: {  	[spmem:s6] =	stream.indirect.scatter.add.f32 [tilespmem:s7], [sflag:$0x1], $0x80, s26, s8, $0xb8;
	[tilespmem:$0x19000] =	vst v63  }
0x234: {  	_ = 	snop  }
0x235: {  	[spmem:s6] =	stream.indirect.scatter.add.f32 [tilespmem:s7], [sflag:$0x1], $0x80, s28, s8, $0xb8;
	[tilespmem:$0x19000] =	vst v63  }
0x236: {  	_ = 	snop  }
0x237: {  	[spmem:s6] =	stream.indirect.scatter.add.f32 [tilespmem:s7], [sflag:$0x1], $0x80, s29, s8, $0xb8;
	[tilespmem:$0x19000] =	vst v63  }
0x238: {  	_ = 	snop  }
0x239: {  	[spmem:s6] =	stream.indirect.scatter.add.f32 [tilespmem:s7], [sflag:$0x1], $0x80, s30, s8, $0xb8;
	[tilespmem:$0x19000] =	vst v63  }
0x23a: {  	s30 =	simm.s32 $0x14F80  }
0x23b: {  	[spmem:s6] =	stream.indirect.scatter.add.f32 [tilespmem:s7], [sflag:$0x1], $0x80, s30, s8, $0xb8;
	[tilespmem:$0x19000] =	vst v63  }
0x23c: {  	_ =	swait.ge [sflag:s5], $0x4000  }
0x23d: {  	[sflag:s5] =	ssyncset.done $0x0  }
0x23e: {  	[sflag:s5] =	ssyncadd.s32 $0xFFFFC000  }
0x23f: {  	_ =	swait.ge [sflag:s5], $0x4000  }
0x240: {  	[sflag:s5] =	ssyncset.done $0x0  }
0x241: {  	[sflag:s5] =	ssyncadd.s32 $0xFFFFC000  }
0x242: {  	_ =	swait.ge [sflag:s5], $0x4000  }
0x243: {  	[sflag:s5] =	ssyncset.done $0x0  }
0x244: {  	[sflag:s5] =	ssyncadd.s32 $0xFFFFC000  }
0x245: {  	_ =	swait.ge [sflag:s5], $0x4000  }
0x246: {  	[sflag:s5] =	ssyncset.done $0x0  }
0x247: {  	[sflag:s5] =	ssyncadd.s32 $0xFFFFC000  }
0x248: {  	_ =	swait.ge [sflag:s5], $0x4000  }
0x249: {  	[sflag:s5] =	ssyncset.done $0x0  }
0x24a: {  	[sflag:s5] =	ssyncadd.s32 $0xFFFFC000  }
0x24b: {  	_ =	swait.ge [sflag:s5], $0x4000  }
0x24c: {  	[sflag:s5] =	ssyncset.done $0x0  }
0x24d: {  	[sflag:s5] =	ssyncadd.s32 $0xFFFFC000  }
0x24e: {  	_ =	swait.ge [sflag:s5], $0x4000  }
0x24f: {  	[sflag:s5] =	ssyncset.done $0x0  }
0x250: {  	[sflag:s5] =	ssyncadd.s32 $0xFFFFC000  }
0x251: {  	_ =	swait.ge [sflag:s5], $0x4000  }
0x252: {  	[sflag:s5] =	ssyncset.done $0x0  }
0x253: {  	[sflag:s5] =	ssyncadd.s32 $0xFFFFC000  }
0x254: {  	_ =	swait.ge [sflag:s5], $0x4000  }
0x255: {  	[sflag:s5] =	ssyncset.done $0x0  }
0x256: {  	[sflag:s5] =	ssyncadd.s32 $0xFFFFC000  }
0x257: {  	_ =	swait.ge [sflag:s5], $0x4000  }
0x258: {  	[sflag:s5] =	ssyncset.done $0x0  }
0x259: {  	[sflag:s5] =	ssyncadd.s32 $0xFFFFC000  }
0x25a: {  	_ =	swait.ge [sflag:s5], $0x4000  }
0x25b: {  	[sflag:s5] =	ssyncset.done $0x0  }
0x25c: {  	[sflag:s5] =	ssyncadd.s32 $0xFFFFC000  }
0x25d: {  	_ =	swait.ge [sflag:s5], $0x4000  }
0x25e: {  	[sflag:s5] =	ssyncset.done $0x0  }
0x25f: {  	[sflag:s5] =	ssyncadd.s32 $0xFFFFC000  }
0x260: {  	_ =	swait.ge [sflag:s5], $0x4000  }
0x261: {  	[sflag:s5] =	ssyncset.done $0x0  }
0x262: {  	[sflag:s5] =	ssyncadd.s32 $0xFFFFC000  }
0x263: {  	_ =	swait.ge [sflag:s5], $0x4000  }
0x264: {  	[sflag:s5] =	ssyncset.done $0x0  }
0x265: {  	[sflag:s5] =	ssyncadd.s32 $0xFFFFC000  }
0x266: {  	_ =	swait.ge [sflag:s5], $0x4000  }
0x267: {  	[sflag:s5] =	ssyncset.done $0x0  }
0x268: {  	[sflag:s5] =	ssyncadd.s32 $0xFFFFC000  }
0x269: {  	_ =	swait.ge [sflag:s5], $0x4000  }
0x26a: {  	[sflag:s5] =	ssyncset.done $0x0  }
0x26b: {  	[sflag:s5] =	ssyncadd.s32 $0xFFFFC000  }
0x26c: {  	_ =	swait.ge [sflag:s5], $0x4000  }
0x26d: {  	[sflag:s5] =	ssyncset.done $0x0  }
0x26e: {  	[sflag:s5] =	ssyncadd.s32 $0xFFFFC000  }
0x26f: {  	_ =	swait.ge [sflag:s5], $0x4000  }
0x270: {  	[sflag:s5] =	ssyncset.done $0x0  }
0x271: {  	[sflag:s5] =	ssyncadd.s32 $0xFFFFC000  }
0x272: {  	_ =	swait.ge [sflag:s5], $0x4000  }
0x273: {  	[sflag:s5] =	ssyncset.done $0x0  }
0x274: {  	[sflag:s5] =	ssyncadd.s32 $0xFFFFC000  }
0x275: {  	_ =	swait.ge [sflag:s5], $0x4000  }
0x276: {  	[sflag:s5] =	ssyncset.done $0x0  }
0x277: {  	[sflag:s5] =	ssyncadd.s32 $0xFFFFC000  }
0x278: {  	_ =	swait.ge [sflag:s5], $0x4000  }
0x279: {  	[sflag:s5] =	ssyncset.done $0x0  }
0x27a: {  	[sflag:s5] =	ssyncadd.s32 $0xFFFFC000  }
0x27b: {  	_ =	swait.ge [sflag:s5], $0x4000  }
0x27c: {  	[sflag:s5] =	ssyncset.done $0x0  }
0x27d: {  	[sflag:s5] =	ssyncadd.s32 $0xFFFFC000  }
0x27e: {  	_ =	swait.ge [sflag:s5], $0x4000  }
0x27f: {  	[sflag:s5] =	ssyncset.done $0x0  }
0x280: {  	[sflag:s5] =	ssyncadd.s32 $0xFFFFC000  }
0x281: {  	_ =	swait.ge [sflag:s5], $0x4000  }
0x282: {  	[sflag:s5] =	ssyncset.done $0x0  }
0x283: {  	[sflag:s5] =	ssyncadd.s32 $0xFFFFC000  }
0x284: {  	_ =	swait.ge [sflag:s5], $0x4000  }
0x285: {  	[sflag:s5] =	ssyncset.done $0x0  }
0x286: {  	[sflag:s5] =	ssyncadd.s32 $0xFFFFC000  }
0x287: {  	_ =	swait.ge [sflag:s5], $0x4000  }
0x288: {  	[sflag:s5] =	ssyncset.done $0x0  }
0x289: {  	[sflag:s5] =	ssyncadd.s32 $0xFFFFC000  }
0x28a: {  	_ =	swait.ge [sflag:s5], $0x4000  }
0x28b: {  	[sflag:s5] =	ssyncset.done $0x0  }
0x28c: {  	[sflag:s5] =	ssyncadd.s32 $0xFFFFC000  }
0x28d: {  	_ =	swait.ge [sflag:s5], $0x4000  }
0x28e: {  	[sflag:s5] =	ssyncset.done $0x0  }
0x28f: {  	[sflag:s5] =	ssyncadd.s32 $0xFFFFC000  }
0x290: {  	_ =	swait.ge [sflag:s5], $0x4000  }
0x291: {  	[sflag:s5] =	ssyncset.done $0x0  }
0x292: {  	[sflag:s5] =	ssyncadd.s32 $0xFFFFC000  }
0x293: {  	_ =	swait.ge [sflag:s5], $0x4000  }
0x294: {  	[sflag:s5] =	ssyncset.done $0x0  }
0x295: {  	[sflag:s5] =	ssyncadd.s32 $0xFFFFC000  }
0x296: {  	_ =	swait.ge [sflag:s5], $0x4000  }
0x297: {  	[sflag:s5] =	ssyncset.done $0x0  }
0x298: {  	[sflag:s5] =	ssyncadd.s32 $0xFFFFC000  }
0x299: {  	_ =	swait.ge [sflag:s5], $0x4000  }
0x29a: {  	[sflag:s5] =	ssyncset.done $0x0  }
0x29b: {  	[sflag:s5] =	ssyncadd.s32 $0xFFFFC000  }
0x29c: {  	_ =	swait.ge [sflag:s5], $0x4000  }
0x29d: {  	[sflag:s5] =	ssyncset.done $0x0  }
0x29e: {  	[sflag:s5] =	ssyncadd.s32 $0xFFFFC000  }
0x29f: {  	_ =	swait.ge [sflag:s5], $0x4000  }
0x2a0: {  	[sflag:s5] =	ssyncset.done $0x0  }
0x2a1: {  	[sflag:s5] =	ssyncadd.s32 $0xFFFFC000  }
0x2a2: {  	_ =	swait.ge [sflag:s5], $0x4000  }
0x2a3: {  	[sflag:s5] =	ssyncset.done $0x0  }
0x2a4: {  	[sflag:s5] =	ssyncadd.s32 $0xFFFFC000  }
0x2a5: {  	_ =	swait.ge [sflag:s5], $0x4000  }
0x2a6: {  	[sflag:s5] =	ssyncset.done $0x0  }
0x2a7: {  	[sflag:s5] =	ssyncadd.s32 $0xFFFFC000  }
0x2a8: {  	_ =	swait.ge [sflag:s5], $0x4000  }
0x2a9: {  	[sflag:s5] =	ssyncset.done $0x0  }
0x2aa: {  	[sflag:s5] =	ssyncadd.s32 $0xFFFFC000  }
0x2ab: {  	_ =	swait.ge [sflag:s5], $0x4000  }
0x2ac: {  	[sflag:s5] =	ssyncset.done $0x0  }
0x2ad: {  	[sflag:s5] =	ssyncadd.s32 $0xFFFFC000  }
0x2ae: {  	_ =	swait.ge [sflag:s5], $0x4000  }
0x2af: {  	[sflag:s5] =	ssyncset.done $0x0  }
0x2b0: {  	[sflag:s5] =	ssyncadd.s32 $0xFFFFC000  }
0x2b1: {  	_ =	swait.ge [sflag:s5], $0x4000  }
0x2b2: {  	[sflag:s5] =	ssyncset.done $0x0  }
0x2b3: {  	[sflag:s5] =	ssyncadd.s32 $0xFFFFC000  }
0x2b4: {  	[bflag:$0x0] =	sbarrier.arrive $0xFFFF  }
0x2b5: {  	s31 =	rddreg [dreg:$0x7]  }
0x2b6: {  	[hbm:s31], [sflag:s3] =	dma.local [spmem:s4], $0x2780  }
0x2b7: {  	_ =	swait.ge [sflag:s2], $0x2780  }
0x2b8: {  	[sflag:s2] =	ssyncset.done $0x0  }
0x2b9: {  	[sflag:s2] =	ssyncadd.s32 $0xFFFFD880  }
0x2ba: {  	_ =	sfence.sel $0x180000  }
0x2bb: {  	[bflag:$0x0] =	sbarrier.arrive $0xFFFF  }
0x2bc: {  	_ =	strace $0x90000047  }
0x2bd: {  	[bflag:$0x2] =	sbarrier.arrive $0xFFFF  }
0x2be: {  	p0 =	sne.s32 s10, $0x0;
	s0 =	rddreg [dreg:$0x3]  }
0x2bf: {  	s0 =	sadd.s32 @!p0 $0x100000, s0  }
0x2c0: {  	[sflag:s0] =	ssyncadd.tile.s32 @!p0 $0x1;
	_ =	shalt  }
.LBB2_1:
0x2c1: {  	s30 =	simm.s32 $0x14F00;
	s29 =	simm.s32 $0x14E80  }
0x2c2: {  	s28 =	simm.s32 $0x14E00;
	s26 =	simm.s32 $0x14D80;
	s25 =	simm.s32 $0x14D00  }
.Ltmp3:
0x2c3: {  	s24 =	simm.s32 $0x14C80;
	s23 =	simm.s32 $0x14C00;
	(pc) =	sbr.rel .LBB2_6-.Ltmp3, $4  }
0x2c4: {  	s22 =	simm.s32 $0x14B80;
	s21 =	simm.s32 $0x14B00;
	s20 =	simm.s32 $0x14A80  }
0x2c5: {  	s19 =	simm.s32 $0x14A00;
	s18 =	simm.s32 $0x14980;
	s17 =	simm.s32 $0x14900  }
0x2c6: {  	s16 =	simm.s32 $0x14880;
	s15 =	simm.s32 $0x14800;
	s14 =	simm.s32 $0x14780  }
0x2c7: {  	s13 =	simm.s32 $0x14700;
	s12 =	simm.s32 $0x14680;
	s11 =	simm.s32 $0x14600  }
.LBB2_3:
0x2c8: {  	s30 =	simm.s32 $0x14F00;
	s29 =	simm.s32 $0x14E80;
	s28 =	simm.s32 $0x14E00  }
0x2c9: {  	s26 =	simm.s32 $0x14D80;
	s25 =	simm.s32 $0x14D00;
	s24 =	simm.s32 $0x14C80  }
.Ltmp4:
0x2ca: {  	s23 =	simm.s32 $0x14C00;
	s22 =	simm.s32 $0x14B80;
	(pc) =	sbr.rel .LBB2_6-.Ltmp4, $4  }
0x2cb: {  	s21 =	simm.s32 $0x14B00;
	s20 =	simm.s32 $0x14A80;
	s19 =	simm.s32 $0x14A00  }
0x2cc: {  	s18 =	simm.s32 $0x14980;
	s17 =	simm.s32 $0x14900;
	s16 =	simm.s32 $0x14880  }
0x2cd: {  	s15 =	simm.s32 $0x14800;
	s14 =	simm.s32 $0x14780;
	s13 =	simm.s32 $0x14700  }
0x2ce: {  	s12 =	simm.s32 $0x14680;
	s11 =	simm.s32 $0x14600;
	s10 =	stileid.u32  }
.Lfunc_end2:
_tile_overlayer_lowered:
.L_overlay_start_2:
0x2cf: {  	(tag) =	ssettag $0x2  }
0x2d0: {  	s0 =	rddreg [dreg:$0x0];
	s2 =	stileid.u32  }
0x2d1: {  	s1 =	rddreg [dreg:$0x1];
	p0 =	sne.s32 s2, $0x0  }
0x2d2: {  	s3 =	rddreg [dreg:$0x2];
	[bflag:$0x3] =	sbarrier.arrive $0xFFFF;
	s2 =	simm.s32 @!p0 $0x1C02  }
0x2d3: {  	[timem:s3], [sflag:s2] =	dma.local @!p0 [hbm:s0], s1  }
0x2d4: {  	s0 =	simm.s32 @!p0 $0x2  }
0x2d5: {  	_ =	swait.ge @!p0 [sflag:s0], s1  }
0x2d6: {  	s1 =	ssub.s32 @!p0 $0x0, s1;
	[sflag:s0] =	ssyncset.done @!p0 $0x0  }
0x2d7: {  	[sflag:s0] =	ssyncadd.s32 @!p0 s1  }
0x2d8: {  	[bflag:$0x3] =	sbarrier.arrive $0xFFFF  }
0x2d9: {  	_ =	shalt  }

</sc_bundles>
